<compile_context>
chip_gen: v7x
topology: tpu7x:2x2x1
jax: 0.10.2.dev20260603
libtpu: 0.0.44.dev20260713+nightly
codegen_flags: <defaults>
</compile_context>

<pallas_src>
import functools

import jax
import jax.numpy as jnp
from jax import lax
from jax.experimental import pallas as pl
from jax.experimental.pallas import tpu as pltpu
from jax.experimental.pallas import tpu_sc as plsc

B, D, N = 8, 256, 40962
P = (N + 6) // 4
K = 7
L = 16
NUM_CORES = 2
NUM_SUBCORES = 16
NW = NUM_CORES * NUM_SUBCORES
G = 4
NCHUNK = (P + G - 1) // G
T_ITERS = (NCHUNK + NW - 1) // NW
CPAD = T_ITERS * NW
IDXW = 32


def _pool_body(xt_hbm, idxt_hbm, out_hbm, idx_v, planes, outb, gsem, osem):
    wid = lax.axis_index("s") * NUM_CORES + lax.axis_index("c")
    inv_k = jnp.float32(1.0 / K)

    pltpu.sync_copy(idxt_hbm.at[wid], idx_v)

    def issue_gathers(t, st):
        off = pl.multiple_of(t * IDXW, 8)
        pltpu.async_copy(
            xt_hbm.at[idx_v.at[pl.ds(off, K * G)]], planes.at[st], gsem)

    issue_gathers(0, 0)

    def halfstep(t, st):
        c = wid + NW * t

        @pl.when(c < NCHUNK)
        def _():
            @pl.when(wid + NW * (t + 1) < NCHUNK)
            def _():
                issue_gathers(t + 1, 1 - st)

            pltpu.make_async_copy(
                xt_hbm.at[pl.ds(0, K * G)], planes.at[0], gsem).wait()

            @pl.when(t > 0)
            def _():
                pltpu.make_async_copy(
                    outb, out_hbm.at[pl.ds(0, G)], osem).wait()

            def fuse(i, cc):
                g = i // B
                b_ = i % B
                for t16 in range(D // L):
                    sl = pl.ds(t16 * L, L)
                    acc = planes[st, g, b_, sl]
                    for j in range(1, K):
                        acc = acc + planes[st, j * G + g, b_, sl]
                    outb[g, b_, sl] = acc * inv_k
                return cc

            lax.fori_loop(0, G * B, fuse, 0)

            s = jnp.minimum(c * G, P - G)
            pltpu.async_copy(outb, out_hbm.at[pl.ds(s, G)], osem)

    def loop_body(u, carry):
        halfstep(2 * u, 0)
        halfstep(2 * u + 1, 1)
        return carry

    lax.fori_loop(0, T_ITERS // 2, loop_body, 0)
    halfstep(T_ITERS - 1, 0)
    pltpu.make_async_copy(outb, out_hbm.at[pl.ds(0, G)], osem).wait()


@functools.partial(jax.jit, static_argnames=())
def kernel(x, neigh_orders):
    idx = neigh_orders[:P, :].astype(jnp.int32)
    starts = jnp.minimum(jnp.arange(CPAD) * G, P - G)
    pos = starts[:, None] + jnp.arange(G)[None, :]
    blk = idx[pos].transpose(0, 2, 1)
    blk = jnp.pad(blk.reshape(CPAD, K * G), ((0, 0), (0, IDXW - K * G)))
    idx_tiles = (blk.reshape(T_ITERS, NW, IDXW)
                 .transpose(1, 0, 2).reshape(NW, T_ITERS * IDXW))

    xt = x.transpose(2, 0, 1)

    pool = pl.kernel(
        _pool_body,
        out_type=jax.ShapeDtypeStruct((P, B, D), jnp.float32),
        mesh=plsc.VectorSubcoreMesh(
            core_axis_name="c", subcore_axis_name="s",
            num_cores=NUM_CORES, num_subcores=NUM_SUBCORES),
        scratch_types=[
            pltpu.VMEM((T_ITERS * IDXW,), jnp.int32),
            pltpu.VMEM((2, K * G, B, D), jnp.float32),
            pltpu.VMEM((G, B, D), jnp.float32),
            pltpu.SemaphoreType.DMA,
            pltpu.SemaphoreType.DMA,
        ],
        compiler_params=pltpu.CompilerParams(needs_layout_passes=False),
    )
    out_t = pool(xt, idx_tiles)
    return out_t.transpose(1, 2, 0)

# --- scband reference (transcript-rebuilt; emitter-appended) ---
"""Pipeline reference for scband-ico-pool-layer-52012053954622 (READ-ONLY COPY).

The authoritative reference and input builder live on the scoring server;
editing this copy changes nothing except your own understanding.
"""

import jax, jax.numpy as jnp
import numpy as np

B, D, N = 8, 256, 40962
NUM_POOLED = (N + 6) // 4  # 10242

def setup_inputs(seed: int = 0) -> dict:
    key = jax.random.key(seed)
    kx, kn = jax.random.split(key)
    x = jax.random.normal(kx, (B, D, N), dtype=jnp.float32)
    # neigh_orders: for each coarse node, indices of its 7-node 1-ring on the fine mesh
    neigh_orders = jax.random.randint(kn, (NUM_POOLED, 7), 0, N, dtype=jnp.int64)
    return {"x": x, "neigh_orders": neigh_orders}

def reference(x, neigh_orders):
    batch_num, feat_num, n = x.shape
    num_nodes = (n + 6) // 4
    # gather 1-ring neighborhoods: B x D x num_nodes x 7
    idx = neigh_orders[:num_nodes, :]
    gathered = jnp.take(x, idx.reshape(-1), axis=2).reshape(batch_num, feat_num, num_nodes, 7)
    # pooling_type == 'mean'
    out = jnp.mean(gathered, axis=3)
    return out

if __name__ == "__main__":
    import jax
    _d = setup_inputs()
    print(jax.jit(kernel)(*tuple(_d.values())))

</pallas_src>

<mosaic_0001>
#map = affine_map<(d0, d1) -> (0, 0, 0)>
#map1 = affine_map<(d0, d1) -> (0, 0)>
module attributes {stable_mosaic.version = 14 : i64} {
  func.func @_pool_body(%arg0: i32, %arg1: i32, %arg2: memref<40962x8x256xf32, #tpu.memory_space<hbm>>, %arg3: memref<32x2592xi32, #tpu.memory_space<hbm>>, %arg4: memref<10242x8x256xf32, #tpu.memory_space<hbm>>, %arg5: memref<2592xi32, #tpu.memory_space<vmem>>, %arg6: memref<2x28x8x256xf32, #tpu.memory_space<vmem>>, %arg7: memref<4x8x256xf32, #tpu.memory_space<vmem>>, %arg8: memref<!tpu.dma_semaphore, #tpu.memory_space<semaphore_mem>>, %arg9: memref<!tpu.dma_semaphore, #tpu.memory_space<semaphore_mem>>) attributes {dimension_semantics = [#tpu.dimension_semantics<core_parallel>, #tpu.dimension_semantics<subcore_parallel>], iteration_bounds = array<i64: 2, 16>, scalar_prefetch = 0 : i64, scratch_operands = 5 : i64, tpu.core_type = #tpu.core_type<sc_vector_subcore>, window_params = [{transform_indices = #map}, {transform_indices = #map1}, {transform_indices = #map}]} {
    %mul3A = arith.constant 2 : i32
    %mul3A_0 = arith.muli %arg1, %mul3A : i32
    %add3A = arith.addi %mul3A_0, %arg0 : i32
    "tpu.region"() ({
      %run_scoped3A = tpu.sem_alloc : memref<!tpu.dma_semaphore, #tpu.memory_space<semaphore_mem>>
      %dma_start3A_30 = arith.constant 0 : i32
      %dma_start3A_31 = tpu.memref_slice %arg3[%add3A, %dma_start3A_30] : memref<32x2592xi32, #tpu.memory_space<hbm>> -> memref<1x2592xi32, #tpu.memory_space<hbm>>
      %dma_start3A_32 = tpu.memref_squeeze %dma_start3A_31 : memref<1x2592xi32, #tpu.memory_space<hbm>> -> memref<2592xi32, #tpu.memory_space<hbm>>
      %dma_start3A_33 = arith.constant 0 : i32
      %dma_start3A_34 = tpu.memref_slice %arg3[%add3A, %dma_start3A_33] : memref<32x2592xi32, #tpu.memory_space<hbm>> -> memref<1x2592xi32, #tpu.memory_space<hbm>>
      %dma_start3A_35 = tpu.memref_squeeze %dma_start3A_34 : memref<1x2592xi32, #tpu.memory_space<hbm>> -> memref<2592xi32, #tpu.memory_space<hbm>>
      tpu.enqueue_dma source(%dma_start3A_35 : memref<2592xi32, #tpu.memory_space<hbm>>) target(%arg5 : memref<2592xi32, #tpu.memory_space<vmem>>) target_semaphore(%run_scoped3A : memref<!tpu.dma_semaphore, #tpu.memory_space<semaphore_mem>>)
      %dma_wait3A_36 = arith.constant 0 : i32
      %dma_wait3A_37 = tpu.memref_slice %arg3[%add3A, %dma_wait3A_36] : memref<32x2592xi32, #tpu.memory_space<hbm>> -> memref<1x2592xi32, #tpu.memory_space<hbm>>
      %dma_wait3A_38 = tpu.memref_squeeze %dma_wait3A_37 : memref<1x2592xi32, #tpu.memory_space<hbm>> -> memref<2592xi32, #tpu.memory_space<hbm>>
      %dma_wait3A_39 = arith.constant 0 : i32
      %dma_wait3A_40 = tpu.memref_slice %arg3[%add3A, %dma_wait3A_39] : memref<32x2592xi32, #tpu.memory_space<hbm>> -> memref<1x2592xi32, #tpu.memory_space<hbm>>
      %dma_wait3A_41 = tpu.memref_squeeze %dma_wait3A_40 : memref<1x2592xi32, #tpu.memory_space<hbm>> -> memref<2592xi32, #tpu.memory_space<hbm>>
      tpu.wait_dma2 semaphore(%run_scoped3A : memref<!tpu.dma_semaphore, #tpu.memory_space<semaphore_mem>>) src(%dma_wait3A_41 : memref<2592xi32, #tpu.memory_space<hbm>>) dst(%arg5 : memref<2592xi32, #tpu.memory_space<vmem>>)
      tpu.yield
    }) : () -> ()
    %multiple_of3A = arith.constant 0 : i32
    %multiple_of3A_1 = tpu.assume_multiple %multiple_of3A, 8 : i32
    %dma_start3A = arith.constant 0 : i32
    %dma_start3A_2 = arith.constant 0 : i32
    %dma_start3A_3 = arith.constant 0 : i32
    %dma_start3A_4 = arith.constant 0 : i32
    %dma_start3A_5 = tpu.memref_slice %arg6[%dma_start3A, %dma_start3A_2, %dma_start3A_3, %dma_start3A_4] : memref<2x28x8x256xf32, #tpu.memory_space<vmem>> -> memref<1x28x8x256xf32, #tpu.memory_space<vmem>>
    %dma_start3A_6 = tpu.memref_squeeze %dma_start3A_5 : memref<1x28x8x256xf32, #tpu.memory_space<vmem>> -> memref<28x8x256xf32, #tpu.memory_space<vmem>>
    %dma_start3A_7 = tpu.memref_slice %arg5[%multiple_of3A_1] : memref<2592xi32, #tpu.memory_space<vmem>> -> memref<28xi32, #tpu.memory_space<vmem>>
    %dma_start3A_8 = arith.constant 0 : i32
    %dma_start3A_9 = arith.constant 0 : i32
    %dma_start3A_10 = arith.constant 0 : i32
    %dma_start3A_11 = tpu.memref_slice %arg2[%dma_start3A_8, %dma_start3A_9, %dma_start3A_10] : memref<40962x8x256xf32, #tpu.memory_space<hbm>> -> memref<40962x8x256xf32, #tpu.memory_space<hbm>>
    tpu.enqueue_indirect_dma source(%dma_start3A_11 : memref<40962x8x256xf32, #tpu.memory_space<hbm>>) target(%dma_start3A_6 : memref<28x8x256xf32, #tpu.memory_space<vmem>>) offsets(%dma_start3A_7 : memref<28xi32, #tpu.memory_space<vmem>>) semaphore(%arg8 : memref<!tpu.dma_semaphore, #tpu.memory_space<semaphore_mem>>)
    %scan3A = arith.constant 0 : i32
    %scan3A_12 = arith.constant 0.142857149 : f32
    %scan3A_13 = arith.constant 0 : i32
    %scan3A_14 = arith.constant 40 : i32
    %scan3A_15 = arith.addi %scan3A_13, %scan3A_14 : i32
    %scan3A_16 = arith.constant 1 : i32
    scf.for %scan3A_30 = %scan3A_13 to %scan3A_15 step %scan3A_16  : i32 {
      %mul3A_31 = arith.constant 2 : i32
      %mul3A_32 = arith.muli %mul3A_31, %scan3A_30 : i32
      %mul3A_33 = arith.constant 32 : i32
      %mul3A_34 = arith.muli %mul3A_33, %mul3A_32 : i32
      %add3A_35 = arith.addi %add3A, %mul3A_34 : i32
      %lt3A_36 = arith.constant 2561 : i32
      %lt3A_37 = arith.cmpi slt, %add3A_35, %lt3A_36 : i32
      %convert_element_type3A_38 = arith.extui %lt3A_37 : i1 to i32
      %cond3A_39 = arith.constant 0 : i32
      %cond3A_40 = arith.cmpi ne, %convert_element_type3A_38, %cond3A_39 : i32
      scf.if %cond3A_40 {
        %add3A_53 = arith.constant 1 : i32
        %add3A_54 = arith.addi %mul3A_32, %add3A_53 : i32
        %mul3A_55 = arith.constant 32 : i32
        %mul3A_56 = arith.muli %mul3A_55, %add3A_54 : i32
        %add3A_57 = arith.addi %add3A, %mul3A_56 : i32
        %lt3A_58 = arith.constant 2561 : i32
        %lt3A_59 = arith.cmpi slt, %add3A_57, %lt3A_58 : i32
        %convert_element_type3A_60 = arith.extui %lt3A_59 : i1 to i32
        %cond3A_61 = arith.constant 0 : i32
        %cond3A_62 = arith.cmpi ne, %convert_element_type3A_60, %cond3A_61 : i32
        scf.if %cond3A_62 {
          %add3A_101 = arith.constant 1 : i32
          %add3A_102 = arith.addi %mul3A_32, %add3A_101 : i32
          %mul3A_103 = arith.constant 32 : i32
          %mul3A_104 = arith.muli %add3A_102, %mul3A_103 : i32
          %multiple_of3A_105 = tpu.assume_multiple %mul3A_104, 8 : i32
          %dma_start3A_106 = arith.constant 1 : i32
          %dma_start3A_107 = arith.constant 0 : i32
          %dma_start3A_108 = arith.constant 0 : i32
          %dma_start3A_109 = arith.constant 0 : i32
          %dma_start3A_110 = tpu.memref_slice %arg6[%dma_start3A_106, %dma_start3A_107, %dma_start3A_108, %dma_start3A_109] : memref<2x28x8x256xf32, #tpu.memory_space<vmem>> -> memref<1x28x8x256xf32, #tpu.memory_space<vmem>>
          %dma_start3A_111 = tpu.memref_squeeze %dma_start3A_110 : memref<1x28x8x256xf32, #tpu.memory_space<vmem>> -> memref<28x8x256xf32, #tpu.memory_space<vmem>>
          %dma_start3A_112 = tpu.memref_slice %arg5[%multiple_of3A_105] : memref<2592xi32, #tpu.memory_space<vmem>> -> memref<28xi32, #tpu.memory_space<vmem>>
          %dma_start3A_113 = arith.constant 0 : i32
          %dma_start3A_114 = arith.constant 0 : i32
          %dma_start3A_115 = arith.constant 0 : i32
          %dma_start3A_116 = tpu.memref_slice %arg2[%dma_start3A_113, %dma_start3A_114, %dma_start3A_115] : memref<40962x8x256xf32, #tpu.memory_space<hbm>> -> memref<40962x8x256xf32, #tpu.memory_space<hbm>>
          tpu.enqueue_indirect_dma source(%dma_start3A_116 : memref<40962x8x256xf32, #tpu.memory_space<hbm>>) target(%dma_start3A_111 : memref<28x8x256xf32, #tpu.memory_space<vmem>>) offsets(%dma_start3A_112 : memref<28xi32, #tpu.memory_space<vmem>>) semaphore(%arg8 : memref<!tpu.dma_semaphore, #tpu.memory_space<semaphore_mem>>)
        } else {
        }
        %dma_wait3A_63 = arith.constant 0 : i32
        %dma_wait3A_64 = arith.constant 0 : i32
        %dma_wait3A_65 = arith.constant 0 : i32
        %dma_wait3A_66 = arith.constant 0 : i32
        %dma_wait3A_67 = tpu.memref_slice %arg6[%dma_wait3A_63, %dma_wait3A_64, %dma_wait3A_65, %dma_wait3A_66] : memref<2x28x8x256xf32, #tpu.memory_space<vmem>> -> memref<1x28x8x256xf32, #tpu.memory_space<vmem>>
        %dma_wait3A_68 = tpu.memref_squeeze %dma_wait3A_67 : memref<1x28x8x256xf32, #tpu.memory_space<vmem>> -> memref<28x8x256xf32, #tpu.memory_space<vmem>>
        %dma_wait3A_69 = arith.constant 0 : i32
        %dma_wait3A_70 = arith.constant 0 : i32
        %dma_wait3A_71 = arith.constant 0 : i32
        %dma_wait3A_72 = tpu.memref_slice %arg2[%dma_wait3A_69, %dma_wait3A_70, %dma_wait3A_71] : memref<40962x8x256xf32, #tpu.memory_space<hbm>> -> memref<28x8x256xf32, #tpu.memory_space<hbm>>
        %dma_wait3A_73 = arith.constant 0 : i32
        %dma_wait3A_74 = arith.constant 0 : i32
        %dma_wait3A_75 = arith.constant 0 : i32
        %dma_wait3A_76 = tpu.memref_slice %arg6[%dma_wait3A_63, %dma_wait3A_73, %dma_wait3A_74, %dma_wait3A_75] : memref<2x28x8x256xf32, #tpu.memory_space<vmem>> -> memref<1x28x8x256xf32, #tpu.memory_space<vmem>>
        %dma_wait3A_77 = tpu.memref_squeeze %dma_wait3A_76 : memref<1x28x8x256xf32, #tpu.memory_space<vmem>> -> memref<28x8x256xf32, #tpu.memory_space<vmem>>
        %dma_wait3A_78 = arith.constant 0 : i32
        %dma_wait3A_79 = arith.constant 0 : i32
        %dma_wait3A_80 = arith.constant 0 : i32
        %dma_wait3A_81 = tpu.memref_slice %arg2[%dma_wait3A_78, %dma_wait3A_79, %dma_wait3A_80] : memref<40962x8x256xf32, #tpu.memory_space<hbm>> -> memref<28x8x256xf32, #tpu.memory_space<hbm>>
        tpu.wait_dma2 semaphore(%arg8 : memref<!tpu.dma_semaphore, #tpu.memory_space<semaphore_mem>>) src(%dma_wait3A_81 : memref<28x8x256xf32, #tpu.memory_space<hbm>>) dst(%dma_wait3A_77 : memref<28x8x256xf32, #tpu.memory_space<vmem>>)
        %gt3A = arith.constant 0 : i32
        %gt3A_82 = arith.cmpi sgt, %mul3A_32, %gt3A : i32
        %convert_element_type3A_83 = arith.extui %gt3A_82 : i1 to i32
        %cond3A_84 = arith.constant 0 : i32
        %cond3A_85 = arith.cmpi ne, %convert_element_type3A_83, %cond3A_84 : i32
        scf.if %cond3A_85 {
          %dma_wait3A_101 = arith.constant 0 : i32
          %dma_wait3A_102 = arith.constant 0 : i32
          %dma_wait3A_103 = arith.constant 0 : i32
          %dma_wait3A_104 = tpu.memref_slice %arg4[%dma_wait3A_101, %dma_wait3A_102, %dma_wait3A_103] : memref<10242x8x256xf32, #tpu.memory_space<hbm>> -> memref<4x8x256xf32, #tpu.memory_space<hbm>>
          %dma_wait3A_105 = arith.constant 0 : i32
          %dma_wait3A_106 = arith.constant 0 : i32
          %dma_wait3A_107 = arith.constant 0 : i32
          %dma_wait3A_108 = tpu.memref_slice %arg4[%dma_wait3A_105, %dma_wait3A_106, %dma_wait3A_107] : memref<10242x8x256xf32, #tpu.memory_space<hbm>> -> memref<4x8x256xf32, #tpu.memory_space<hbm>>
          tpu.wait_dma2 semaphore(%arg9 : memref<!tpu.dma_semaphore, #tpu.memory_space<semaphore_mem>>) src(%arg7 : memref<4x8x256xf32, #tpu.memory_space<vmem>>) dst(%dma_wait3A_108 : memref<4x8x256xf32, #tpu.memory_space<hbm>>)
        } else {
        }
        %scan3A_86 = arith.constant 0 : i32
        %scan3A_87 = arith.constant 0 : i32
        %scan3A_88 = arith.constant 32 : i32
        %scan3A_89 = arith.addi %scan3A_87, %scan3A_88 : i32
        %scan3A_90 = arith.constant 1 : i32
        scf.for %scan3A_101 = %scan3A_87 to %scan3A_89 step %scan3A_90  : i32 {
          %jit3A = arith.constant 8 : i32
          %div3A = arith.divsi %scan3A_101, %jit3A : i32
          %sign3A = arith.constant 0 : i32
          %sign3A_102 = arith.cmpi sgt, %scan3A_101, %sign3A : i32
          %sign3A_103 = arith.extui %sign3A_102 : i1 to i32
          %sign3A_104 = arith.constant 0 : i32
          %sign3A_105 = arith.cmpi slt, %scan3A_101, %sign3A_104 : i32
          %sign3A_106 = arith.extui %sign3A_105 : i1 to i32
          %sign3A_107 = arith.subi %sign3A_103, %sign3A_106 : i32
          %sign3A_108 = arith.constant 0 : i32
          %sign3A_109 = arith.cmpi sgt, %jit3A, %sign3A_108 : i32
          %sign3A_110 = arith.extui %sign3A_109 : i1 to i32
          %sign3A_111 = arith.constant 0 : i32
          %sign3A_112 = arith.cmpi slt, %jit3A, %sign3A_111 : i32
          %sign3A_113 = arith.extui %sign3A_112 : i1 to i32
          %sign3A_114 = arith.subi %sign3A_110, %sign3A_113 : i32
          %ne3A = arith.cmpi ne, %sign3A_107, %sign3A_114 : i32
          %rem3A = arith.remsi %scan3A_101, %jit3A : i32
          %ne3A_115 = arith.constant 0 : i32
          %ne3A_116 = arith.cmpi ne, %rem3A, %ne3A_115 : i32
          %and3A = arith.andi %ne3A, %ne3A_116 : i1
          %sub3A = arith.constant 1 : i32
          %sub3A_117 = arith.subi %div3A, %sub3A : i32
          %select_n3A = arith.select %and3A, %sub3A_117, %div3A : i32
          %jit3A_118 = arith.constant 8 : i32
          %eq3A = arith.constant 0 : i32
          %eq3A_119 = arith.cmpi eq, %jit3A_118, %eq3A : i32
          %jit3A_120 = arith.constant 1 : i32
          %select_n3A_121 = arith.select %eq3A_119, %jit3A_120, %jit3A_118 : i32
          %rem3A_122 = arith.remsi %scan3A_101, %select_n3A_121 : i32
          %ne3A_123 = arith.constant 0 : i32
          %ne3A_124 = arith.cmpi ne, %rem3A_122, %ne3A_123 : i32
          %lt3A_125 = arith.constant 0 : i32
          %lt3A_126 = arith.cmpi slt, %rem3A_122, %lt3A_125 : i32
          %lt3A_127 = arith.constant 0 : i32
          %lt3A_128 = arith.cmpi slt, %select_n3A_121, %lt3A_127 : i32
          %ne3A_129 = arith.xori %lt3A_126, %lt3A_128 : i1
          %and3A_130 = arith.andi %ne3A_129, %ne3A_124 : i1
          %add3A_131 = arith.addi %rem3A_122, %select_n3A_121 : i32
          %select_n3A_132 = arith.select %and3A_130, %add3A_131, %rem3A_122 : i32
          %get3A = arith.constant 0 : i32
          %get3A_133 = arith.index_cast %get3A : i32 to index
          %get3A_134 = arith.index_cast %select_n3A : i32 to index
          %get3A_135 = arith.index_cast %select_n3A_132 : i32 to index
          %get3A_136 = arith.constant 0 : index
          %get3A_137 = tpu.vector_load %arg6[%get3A_133, %get3A_134, %get3A_135, %get3A_136] {strides = array<i32>} : memref<2x28x8x256xf32, #tpu.memory_space<vmem>>, vector<16xf32>,
          %add3A_138 = arith.constant 4 : i32
          %add3A_139 = arith.addi %add3A_138, %select_n3A : i32
          %get3A_140 = arith.constant 0 : i32
          %get3A_141 = arith.index_cast %get3A_140 : i32 to index
          %get3A_142 = arith.index_cast %add3A_139 : i32 to index
          %get3A_143 = arith.index_cast %select_n3A_132 : i32 to index
          %get3A_144 = arith.constant 0 : index
          %get3A_145 = tpu.vector_load %arg6[%get3A_141, %get3A_142, %get3A_143, %get3A_144] {strides = array<i32>} : memref<2x28x8x256xf32, #tpu.memory_space<vmem>>, vector<16xf32>,
          %add3A_146 = arith.addf %get3A_137, %get3A_145 : vector<16xf32>
          %add3A_147 = arith.constant 8 : i32
          %add3A_148 = arith.addi %add3A_147, %select_n3A : i32
          %get3A_149 = arith.constant 0 : i32
          %get3A_150 = arith.index_cast %get3A_149 : i32 to index
          %get3A_151 = arith.index_cast %add3A_148 : i32 to index
          %get3A_152 = arith.index_cast %select_n3A_132 : i32 to index
          %get3A_153 = arith.constant 0 : index
          %get3A_154 = tpu.vector_load %arg6[%get3A_150, %get3A_151, %get3A_152, %get3A_153] {strides = array<i32>} : memref<2x28x8x256xf32, #tpu.memory_space<vmem>>, vector<16xf32>,
          %add3A_155 = arith.addf %add3A_146, %get3A_154 : vector<16xf32>
          %add3A_156 = arith.constant 12 : i32
          %add3A_157 = arith.addi %add3A_156, %select_n3A : i32
          %get3A_158 = arith.constant 0 : i32
          %get3A_159 = arith.index_cast %get3A_158 : i32 to index
          %get3A_160 = arith.index_cast %add3A_157 : i32 to index
          %get3A_161 = arith.index_cast %select_n3A_132 : i32 to index
          %get3A_162 = arith.constant 0 : index
          %get3A_163 = tpu.vector_load %arg6[%get3A_159, %get3A_160, %get3A_161, %get3A_162] {strides = array<i32>} : memref<2x28x8x256xf32, #tpu.memory_space<vmem>>, vector<16xf32>,
          %add3A_164 = arith.addf %add3A_155, %get3A_163 : vector<16xf32>
          %add3A_165 = arith.constant 16 : i32
          %add3A_166 = arith.addi %add3A_165, %select_n3A : i32
          %get3A_167 = arith.constant 0 : i32
          %get3A_168 = arith.index_cast %get3A_167 : i32 to index
          %get3A_169 = arith.index_cast %add3A_166 : i32 to index
          %get3A_170 = arith.index_cast %select_n3A_132 : i32 to index
          %get3A_171 = arith.constant 0 : index
          %get3A_172 = tpu.vector_load %arg6[%get3A_168, %get3A_169, %get3A_170, %get3A_171] {strides = array<i32>} : memref<2x28x8x256xf32, #tpu.memory_space<vmem>>, vector<16xf32>,
          %add3A_173 = arith.addf %add3A_164, %get3A_172 : vector<16xf32>
          %add3A_174 = arith.constant 20 : i32
          %add3A_175 = arith.addi %add3A_174, %select_n3A : i32
          %get3A_176 = arith.constant 0 : i32
          %get3A_177 = arith.index_cast %get3A_176 : i32 to index
          %get3A_178 = arith.index_cast %add3A_175 : i32 to index
          %get3A_179 = arith.index_cast %select_n3A_132 : i32 to index
          %get3A_180 = arith.constant 0 : index
          %get3A_181 = tpu.vector_load %arg6[%get3A_177, %get3A_178, %get3A_179, %get3A_180] {strides = array<i32>} : memref<2x28x8x256xf32, #tpu.memory_space<vmem>>, vector<16xf32>,
          %add3A_182 = arith.addf %add3A_173, %get3A_181 : vector<16xf32>
          %add3A_183 = arith.constant 24 : i32
          %add3A_184 = arith.addi %add3A_183, %select_n3A : i32
          %get3A_185 = arith.constant 0 : i32
          %get3A_186 = arith.index_cast %get3A_185 : i32 to index
          %get3A_187 = arith.index_cast %add3A_184 : i32 to index
          %get3A_188 = arith.index_cast %select_n3A_132 : i32 to index
          %get3A_189 = arith.constant 0 : index
          %get3A_190 = tpu.vector_load %arg6[%get3A_186, %get3A_187, %get3A_188, %get3A_189] {strides = array<i32>} : memref<2x28x8x256xf32, #tpu.memory_space<vmem>>, vector<16xf32>,
          %add3A_191 = arith.addf %add3A_182, %get3A_190 : vector<16xf32>
          %mul3A_192 = vector.broadcast %scan3A_12 : f32 to vector<16xf32>
          %mul3A_193 = arith.mulf %add3A_191, %mul3A_192 : vector<16xf32>
          %swap3A = arith.index_cast %select_n3A : i32 to index
          %swap3A_194 = arith.index_cast %select_n3A_132 : i32 to index
          %swap3A_195 = arith.constant 0 : index
          %swap3A_196 = tpu.vector_load %arg7[%swap3A, %swap3A_194, %swap3A_195] {strides = array<i32>} : memref<4x8x256xf32, #tpu.memory_space<vmem>>, vector<16xf32>,
          tpu.vector_store %arg7[%swap3A, %swap3A_194, %swap3A_195], %mul3A_193 {strides = array<i32>} : memref<4x8x256xf32, #tpu.memory_space<vmem>>, vector<16xf32>,
          %get3A_197 = arith.constant 0 : i32
          %get3A_198 = arith.index_cast %get3A_197 : i32 to index
          %get3A_199 = arith.index_cast %select_n3A : i32 to index
          %get3A_200 = arith.index_cast %select_n3A_132 : i32 to index
          %get3A_201 = arith.constant 16 : index
          %get3A_202 = tpu.vector_load %arg6[%get3A_198, %get3A_199, %get3A_200, %get3A_201] {strides = array<i32>} : memref<2x28x8x256xf32, #tpu.memory_space<vmem>>, vector<16xf32>,
          %add3A_203 = arith.constant 4 : i32
          %add3A_204 = arith.addi %add3A_203, %select_n3A : i32
          %get3A_205 = arith.constant 0 : i32
          %get3A_206 = arith.index_cast %get3A_205 : i32 to index
          %get3A_207 = arith.index_cast %add3A_204 : i32 to index
          %get3A_208 = arith.index_cast %select_n3A_132 : i32 to index
          %get3A_209 = arith.constant 16 : index
          %get3A_210 = tpu.vector_load %arg6[%get3A_206, %get3A_207, %get3A_208, %get3A_209] {strides = array<i32>} : memref<2x28x8x256xf32, #tpu.memory_space<vmem>>, vector<16xf32>,
          %add3A_211 = arith.addf %get3A_202, %get3A_210 : vector<16xf32>
          %add3A_212 = arith.constant 8 : i32
          %add3A_213 = arith.addi %add3A_212, %select_n3A : i32
          %get3A_214 = arith.constant 0 : i32
          %get3A_215 = arith.index_cast %get3A_214 : i32 to index
          %get3A_216 = arith.index_cast %add3A_213 : i32 to index
          %get3A_217 = arith.index_cast %select_n3A_132 : i32 to index
          %get3A_218 = arith.constant 16 : index
          %get3A_219 = tpu.vector_load %arg6[%get3A_215, %get3A_216, %get3A_217, %get3A_218] {strides = array<i32>} : memref<2x28x8x256xf32, #tpu.memory_space<vmem>>, vector<16xf32>,
          %add3A_220 = arith.addf %add3A_211, %get3A_219 : vector<16xf32>
          %add3A_221 = arith.constant 12 : i32
          %add3A_222 = arith.addi %add3A_221, %select_n3A : i32
          %get3A_223 = arith.constant 0 : i32
          %get3A_224 = arith.index_cast %get3A_223 : i32 to index
          %get3A_225 = arith.index_cast %add3A_222 : i32 to index
          %get3A_226 = arith.index_cast %select_n3A_132 : i32 to index
          %get3A_227 = arith.constant 16 : index
          %get3A_228 = tpu.vector_load %arg6[%get3A_224, %get3A_225, %get3A_226, %get3A_227] {strides = array<i32>} : memref<2x28x8x256xf32, #tpu.memory_space<vmem>>, vector<16xf32>,
          %add3A_229 = arith.addf %add3A_220, %get3A_228 : vector<16xf32>
          %add3A_230 = arith.constant 16 : i32
          %add3A_231 = arith.addi %add3A_230, %select_n3A : i32
          %get3A_232 = arith.constant 0 : i32
          %get3A_233 = arith.index_cast %get3A_232 : i32 to index
          %get3A_234 = arith.index_cast %add3A_231 : i32 to index
          %get3A_235 = arith.index_cast %select_n3A_132 : i32 to index
          %get3A_236 = arith.constant 16 : index
          %get3A_237 = tpu.vector_load %arg6[%get3A_233, %get3A_234, %get3A_235, %get3A_236] {strides = array<i32>} : memref<2x28x8x256xf32, #tpu.memory_space<vmem>>, vector<16xf32>,
          %add3A_238 = arith.addf %add3A_229, %get3A_237 : vector<16xf32>
          %add3A_239 = arith.constant 20 : i32
          %add3A_240 = arith.addi %add3A_239, %select_n3A : i32
          %get3A_241 = arith.constant 0 : i32
          %get3A_242 = arith.index_cast %get3A_241 : i32 to index
          %get3A_243 = arith.index_cast %add3A_240 : i32 to index
          %get3A_244 = arith.index_cast %select_n3A_132 : i32 to index
          %get3A_245 = arith.constant 16 : index
          %get3A_246 = tpu.vector_load %arg6[%get3A_242, %get3A_243, %get3A_244, %get3A_245] {strides = array<i32>} : memref<2x28x8x256xf32, #tpu.memory_space<vmem>>, vector<16xf32>,
          %add3A_247 = arith.addf %add3A_238, %get3A_246 : vector<16xf32>
          %add3A_248 = arith.constant 24 : i32
          %add3A_249 = arith.addi %add3A_248, %select_n3A : i32
          %get3A_250 = arith.constant 0 : i32
          %get3A_251 = arith.index_cast %get3A_250 : i32 to index
          %get3A_252 = arith.index_cast %add3A_249 : i32 to index
          %get3A_253 = arith.index_cast %select_n3A_132 : i32 to index
          %get3A_254 = arith.constant 16 : index
          %get3A_255 = tpu.vector_load %arg6[%get3A_251, %get3A_252, %get3A_253, %get3A_254] {strides = array<i32>} : memref<2x28x8x256xf32, #tpu.memory_space<vmem>>, vector<16xf32>,
          %add3A_256 = arith.addf %add3A_247, %get3A_255 : vector<16xf32>
          %mul3A_257 = vector.broadcast %scan3A_12 : f32 to vector<16xf32>
          %mul3A_258 = arith.mulf %add3A_256, %mul3A_257 : vector<16xf32>
          %swap3A_259 = arith.index_cast %select_n3A : i32 to index
          %swap3A_260 = arith.index_cast %select_n3A_132 : i32 to index
          %swap3A_261 = arith.constant 16 : index
          %swap3A_262 = tpu.vector_load %arg7[%swap3A_259, %swap3A_260, %swap3A_261] {strides = array<i32>} : memref<4x8x256xf32, #tpu.memory_space<vmem>>, vector<16xf32>,
          tpu.vector_store %arg7[%swap3A_259, %swap3A_260, %swap3A_261], %mul3A_258 {strides = array<i32>} : memref<4x8x256xf32, #tpu.memory_space<vmem>>, vector<16xf32>,
          %get3A_263 = arith.constant 0 : i32
          %get3A_264 = arith.index_cast %get3A_263 : i32 to index
          %get3A_265 = arith.index_cast %select_n3A : i32 to index
          %get3A_266 = arith.index_cast %select_n3A_132 : i32 to index
          %get3A_267 = arith.constant 32 : index
          %get3A_268 = tpu.vector_load %arg6[%get3A_264, %get3A_265, %get3A_266, %get3A_267] {strides = array<i32>} : memref<2x28x8x256xf32, #tpu.memory_space<vmem>>, vector<16xf32>,
          %add3A_269 = arith.constant 4 : i32
          %add3A_270 = arith.addi %add3A_269, %select_n3A : i32
          %get3A_271 = arith.constant 0 : i32
          %get3A_272 = arith.index_cast %get3A_271 : i32 to index
          %get3A_273 = arith.index_cast %add3A_270 : i32 to index
          %get3A_274 = arith.index_cast %select_n3A_132 : i32 to index
          %get3A_275 = arith.constant 32 : index
          %get3A_276 = tpu.vector_load %arg6[%get3A_272, %get3A_273, %get3A_274, %get3A_275] {strides = array<i32>} : memref<2x28x8x256xf32, #tpu.memory_space<vmem>>, vector<16xf32>,
          %add3A_277 = arith.addf %get3A_268, %get3A_276 : vector<16xf32>
          %add3A_278 = arith.constant 8 : i32
          %add3A_279 = arith.addi %add3A_278, %select_n3A : i32
          %get3A_280 = arith.constant 0 : i32
          %get3A_281 = arith.index_cast %get3A_280 : i32 to index
          %get3A_282 = arith.index_cast %add3A_279 : i32 to index
          %get3A_283 = arith.index_cast %select_n3A_132 : i32 to index
          %get3A_284 = arith.constant 32 : index
          %get3A_285 = tpu.vector_load %arg6[%get3A_281, %get3A_282, %get3A_283, %get3A_284] {strides = array<i32>} : memref<2x28x8x256xf32, #tpu.memory_space<vmem>>, vector<16xf32>,
          %add3A_286 = arith.addf %add3A_277, %get3A_285 : vector<16xf32>
          %add3A_287 = arith.constant 12 : i32
          %add3A_288 = arith.addi %add3A_287, %select_n3A : i32
          %get3A_289 = arith.constant 0 : i32
          %get3A_290 = arith.index_cast %get3A_289 : i32 to index
          %get3A_291 = arith.index_cast %add3A_288 : i32 to index
          %get3A_292 = arith.index_cast %select_n3A_132 : i32 to index
          %get3A_293 = arith.constant 32 : index
          %get3A_294 = tpu.vector_load %arg6[%get3A_290, %get3A_291, %get3A_292, %get3A_293] {strides = array<i32>} : memref<2x28x8x256xf32, #tpu.memory_space<vmem>>, vector<16xf32>,
          %add3A_295 = arith.addf %add3A_286, %get3A_294 : vector<16xf32>
          %add3A_296 = arith.constant 16 : i32
          %add3A_297 = arith.addi %add3A_296, %select_n3A : i32
          %get3A_298 = arith.constant 0 : i32
          %get3A_299 = arith.index_cast %get3A_298 : i32 to index
          %get3A_300 = arith.index_cast %add3A_297 : i32 to index
          %get3A_301 = arith.index_cast %select_n3A_132 : i32 to index
          %get3A_302 = arith.constant 32 : index
          %get3A_303 = tpu.vector_load %arg6[%get3A_299, %get3A_300, %get3A_301, %get3A_302] {strides = array<i32>} : memref<2x28x8x256xf32, #tpu.memory_space<vmem>>, vector<16xf32>,
          %add3A_304 = arith.addf %add3A_295, %get3A_303 : vector<16xf32>
          %add3A_305 = arith.constant 20 : i32
          %add3A_306 = arith.addi %add3A_305, %select_n3A : i32
          %get3A_307 = arith.constant 0 : i32
          %get3A_308 = arith.index_cast %get3A_307 : i32 to index
          %get3A_309 = arith.index_cast %add3A_306 : i32 to index
          %get3A_310 = arith.index_cast %select_n3A_132 : i32 to index
          %get3A_311 = arith.constant 32 : index
          %get3A_312 = tpu.vector_load %arg6[%get3A_308, %get3A_309, %get3A_310, %get3A_311] {strides = array<i32>} : memref<2x28x8x256xf32, #tpu.memory_space<vmem>>, vector<16xf32>,
          %add3A_313 = arith.addf %add3A_304, %get3A_312 : vector<16xf32>
          %add3A_314 = arith.constant 24 : i32
          %add3A_315 = arith.addi %add3A_314, %select_n3A : i32
          %get3A_316 = arith.constant 0 : i32
          %get3A_317 = arith.index_cast %get3A_316 : i32 to index
          %get3A_318 = arith.index_cast %add3A_315 : i32 to index
          %get3A_319 = arith.index_cast %select_n3A_132 : i32 to index
          %get3A_320 = arith.constant 32 : index
          %get3A_321 = tpu.vector_load %arg6[%get3A_317, %get3A_318, %get3A_319, %get3A_320] {strides = array<i32>} : memref<2x28x8x256xf32, #tpu.memory_space<vmem>>, vector<16xf32>,
          %add3A_322 = arith.addf %add3A_313, %get3A_321 : vector<16xf32>
          %mul3A_323 = vector.broadcast %scan3A_12 : f32 to vector<16xf32>
          %mul3A_324 = arith.mulf %add3A_322, %mul3A_323 : vector<16xf32>
          %swap3A_325 = arith.index_cast %select_n3A : i32 to index
          %swap3A_326 = arith.index_cast %select_n3A_132 : i32 to index
          %swap3A_327 = arith.constant 32 : index
          %swap3A_328 = tpu.vector_load %arg7[%swap3A_325, %swap3A_326, %swap3A_327] {strides = array<i32>} : memref<4x8x256xf32, #tpu.memory_space<vmem>>, vector<16xf32>,
          tpu.vector_store %arg7[%swap3A_325, %swap3A_326, %swap3A_327], %mul3A_324 {strides = array<i32>} : memref<4x8x256xf32, #tpu.memory_space<vmem>>, vector<16xf32>,
          %get3A_329 = arith.constant 0 : i32
          %get3A_330 = arith.index_cast %get3A_329 : i32 to index
          %get3A_331 = arith.index_cast %select_n3A : i32 to index
          %get3A_332 = arith.index_cast %select_n3A_132 : i32 to index
          %get3A_333 = arith.constant 48 : index
          %get3A_334 = tpu.vector_load %arg6[%get3A_330, %get3A_331, %get3A_332, %get3A_333] {strides = array<i32>} : memref<2x28x8x256xf32, #tpu.memory_space<vmem>>, vector<16xf32>,
          %add3A_335 = arith.constant 4 : i32
          %add3A_336 = arith.addi %add3A_335, %select_n3A : i32
          %get3A_337 = arith.constant 0 : i32
          %get3A_338 = arith.index_cast %get3A_337 : i32 to index
          %get3A_339 = arith.index_cast %add3A_336 : i32 to index
          %get3A_340 = arith.index_cast %select_n3A_132 : i32 to index
          %get3A_341 = arith.constant 48 : index
          %get3A_342 = tpu.vector_load %arg6[%get3A_338, %get3A_339, %get3A_340, %get3A_341] {strides = array<i32>} : memref<2x28x8x256xf32, #tpu.memory_space<vmem>>, vector<16xf32>,
          %add3A_343 = arith.addf %get3A_334, %get3A_342 : vector<16xf32>
          %add3A_344 = arith.constant 8 : i32
          %add3A_345 = arith.addi %add3A_344, %select_n3A : i32
          %get3A_346 = arith.constant 0 : i32
          %get3A_347 = arith.index_cast %get3A_346 : i32 to index
          %get3A_348 = arith.index_cast %add3A_345 : i32 to index
          %get3A_349 = arith.index_cast %select_n3A_132 : i32 to index
          %get3A_350 = arith.constant 48 : index
          %get3A_351 = tpu.vector_load %arg6[%get3A_347, %get3A_348, %get3A_349, %get3A_350] {strides = array<i32>} : memref<2x28x8x256xf32, #tpu.memory_space<vmem>>, vector<16xf32>,
          %add3A_352 = arith.addf %add3A_343, %get3A_351 : vector<16xf32>
          %add3A_353 = arith.constant 12 : i32
          %add3A_354 = arith.addi %add3A_353, %select_n3A : i32
          %get3A_355 = arith.constant 0 : i32
          %get3A_356 = arith.index_cast %get3A_355 : i32 to index
          %get3A_357 = arith.index_cast %add3A_354 : i32 to index
          %get3A_358 = arith.index_cast %select_n3A_132 : i32 to index
          %get3A_359 = arith.constant 48 : index
          %get3A_360 = tpu.vector_load %arg6[%get3A_356, %get3A_357, %get3A_358, %get3A_359] {strides = array<i32>} : memref<2x28x8x256xf32, #tpu.memory_space<vmem>>, vector<16xf32>,
          %add3A_361 = arith.addf %add3A_352, %get3A_360 : vector<16xf32>
          %add3A_362 = arith.constant 16 : i32
          %add3A_363 = arith.addi %add3A_362, %select_n3A : i32
          %get3A_364 = arith.constant 0 : i32
          %get3A_365 = arith.index_cast %get3A_364 : i32 to index
          %get3A_366 = arith.index_cast %add3A_363 : i32 to index
          %get3A_367 = arith.index_cast %select_n3A_132 : i32 to index
          %get3A_368 = arith.constant 48 : index
          %get3A_369 = tpu.vector_load %arg6[%get3A_365, %get3A_366, %get3A_367, %get3A_368] {strides = array<i32>} : memref<2x28x8x256xf32, #tpu.memory_space<vmem>>, vector<16xf32>,
          %add3A_370 = arith.addf %add3A_361, %get3A_369 : vector<16xf32>
          %add3A_371 = arith.constant 20 : i32
          %add3A_372 = arith.addi %add3A_371, %select_n3A : i32
          %get3A_373 = arith.constant 0 : i32
          %get3A_374 = arith.index_cast %get3A_373 : i32 to index
          %get3A_375 = arith.index_cast %add3A_372 : i32 to index
          %get3A_376 = arith.index_cast %select_n3A_132 : i32 to index
          %get3A_377 = arith.constant 48 : index
          %get3A_378 = tpu.vector_load %arg6[%get3A_374, %get3A_375, %get3A_376, %get3A_377] {strides = array<i32>} : memref<2x28x8x256xf32, #tpu.memory_space<vmem>>, vector<16xf32>,
          %add3A_379 = arith.addf %add3A_370, %get3A_378 : vector<16xf32>
          %add3A_380 = arith.constant 24 : i32
          %add3A_381 = arith.addi %add3A_380, %select_n3A : i32
          %get3A_382 = arith.constant 0 : i32
          %get3A_383 = arith.index_cast %get3A_382 : i32 to index
          %get3A_384 = arith.index_cast %add3A_381 : i32 to index
          %get3A_385 = arith.index_cast %select_n3A_132 : i32 to index
          %get3A_386 = arith.constant 48 : index
          %get3A_387 = tpu.vector_load %arg6[%get3A_383, %get3A_384, %get3A_385, %get3A_386] {strides = array<i32>} : memref<2x28x8x256xf32, #tpu.memory_space<vmem>>, vector<16xf32>,
          %add3A_388 = arith.addf %add3A_379, %get3A_387 : vector<16xf32>
          %mul3A_389 = vector.broadcast %scan3A_12 : f32 to vector<16xf32>
          %mul3A_390 = arith.mulf %add3A_388, %mul3A_389 : vector<16xf32>
          %swap3A_391 = arith.index_cast %select_n3A : i32 to index
          %swap3A_392 = arith.index_cast %select_n3A_132 : i32 to index
          %swap3A_393 = arith.constant 48 : index
          %swap3A_394 = tpu.vector_load %arg7[%swap3A_391, %swap3A_392, %swap3A_393] {strides = array<i32>} : memref<4x8x256xf32, #tpu.memory_space<vmem>>, vector<16xf32>,
          tpu.vector_store %arg7[%swap3A_391, %swap3A_392, %swap3A_393], %mul3A_390 {strides = array<i32>} : memref<4x8x256xf32, #tpu.memory_space<vmem>>, vector<16xf32>,
          %get3A_395 = arith.constant 0 : i32
          %get3A_396 = arith.index_cast %get3A_395 : i32 to index
          %get3A_397 = arith.index_cast %select_n3A : i32 to index
          %get3A_398 = arith.index_cast %select_n3A_132 : i32 to index
          %get3A_399 = arith.constant 64 : index
          %get3A_400 = tpu.vector_load %arg6[%get3A_396, %get3A_397, %get3A_398, %get3A_399] {strides = array<i32>} : memref<2x28x8x256xf32, #tpu.memory_space<vmem>>, vector<16xf32>,
          %add3A_401 = arith.constant 4 : i32
          %add3A_402 = arith.addi %add3A_401, %select_n3A : i32
          %get3A_403 = arith.constant 0 : i32
          %get3A_404 = arith.index_cast %get3A_403 : i32 to index
          %get3A_405 = arith.index_cast %add3A_402 : i32 to index
          %get3A_406 = arith.index_cast %select_n3A_132 : i32 to index
          %get3A_407 = arith.constant 64 : index
          %get3A_408 = tpu.vector_load %arg6[%get3A_404, %get3A_405, %get3A_406, %get3A_407] {strides = array<i32>} : memref<2x28x8x256xf32, #tpu.memory_space<vmem>>, vector<16xf32>,
          %add3A_409 = arith.addf %get3A_400, %get3A_408 : vector<16xf32>
          %add3A_410 = arith.constant 8 : i32
          %add3A_411 = arith.addi %add3A_410, %select_n3A : i32
          %get3A_412 = arith.constant 0 : i32
          %get3A_413 = arith.index_cast %get3A_412 : i32 to index
          %get3A_414 = arith.index_cast %add3A_411 : i32 to index
          %get3A_415 = arith.index_cast %select_n3A_132 : i32 to index
          %get3A_416 = arith.constant 64 : index
          %get3A_417 = tpu.vector_load %arg6[%get3A_413, %get3A_414, %get3A_415, %get3A_416] {strides = array<i32>} : memref<2x28x8x256xf32, #tpu.memory_space<vmem>>, vector<16xf32>,
          %add3A_418 = arith.addf %add3A_409, %get3A_417 : vector<16xf32>
          %add3A_419 = arith.constant 12 : i32
          %add3A_420 = arith.addi %add3A_419, %select_n3A : i32
          %get3A_421 = arith.constant 0 : i32
          %get3A_422 = arith.index_cast %get3A_421 : i32 to index
          %get3A_423 = arith.index_cast %add3A_420 : i32 to index
          %get3A_424 = arith.index_cast %select_n3A_132 : i32 to index
          %get3A_425 = arith.constant 64 : index
          %get3A_426 = tpu.vector_load %arg6[%get3A_422, %get3A_423, %get3A_424, %get3A_425] {strides = array<i32>} : memref<2x28x8x256xf32, #tpu.memory_space<vmem>>, vector<16xf32>,
          %add3A_427 = arith.addf %add3A_418, %get3A_426 : vector<16xf32>
          %add3A_428 = arith.constant 16 : i32
          %add3A_429 = arith.addi %add3A_428, %select_n3A : i32
          %get3A_430 = arith.constant 0 : i32
          %get3A_431 = arith.index_cast %get3A_430 : i32 to index
          %get3A_432 = arith.index_cast %add3A_429 : i32 to index
          %get3A_433 = arith.index_cast %select_n3A_132 : i32 to index
          %get3A_434 = arith.constant 64 : index
          %get3A_435 = tpu.vector_load %arg6[%get3A_431, %get3A_432, %get3A_433, %get3A_434] {strides = array<i32>} : memref<2x28x8x256xf32, #tpu.memory_space<vmem>>, vector<16xf32>,
          %add3A_436 = arith.addf %add3A_427, %get3A_435 : vector<16xf32>
          %add3A_437 = arith.constant 20 : i32
          %add3A_438 = arith.addi %add3A_437, %select_n3A : i32
          %get3A_439 = arith.constant 0 : i32
          %get3A_440 = arith.index_cast %get3A_439 : i32 to index
          %get3A_441 = arith.index_cast %add3A_438 : i32 to index
          %get3A_442 = arith.index_cast %select_n3A_132 : i32 to index
          %get3A_443 = arith.constant 64 : index
          %get3A_444 = tpu.vector_load %arg6[%get3A_440, %get3A_441, %get3A_442, %get3A_443] {strides = array<i32>} : memref<2x28x8x256xf32, #tpu.memory_space<vmem>>, vector<16xf32>,
          %add3A_445 = arith.addf %add3A_436, %get3A_444 : vector<16xf32>
          %add3A_446 = arith.constant 24 : i32
          %add3A_447 = arith.addi %add3A_446, %select_n3A : i32
          %get3A_448 = arith.constant 0 : i32
          %get3A_449 = arith.index_cast %get3A_448 : i32 to index
          %get3A_450 = arith.index_cast %add3A_447 : i32 to index
          %get3A_451 = arith.index_cast %select_n3A_132 : i32 to index
          %get3A_452 = arith.constant 64 : index
          %get3A_453 = tpu.vector_load %arg6[%get3A_449, %get3A_450, %get3A_451, %get3A_452] {strides = array<i32>} : memref<2x28x8x256xf32, #tpu.memory_space<vmem>>, vector<16xf32>,
          %add3A_454 = arith.addf %add3A_445, %get3A_453 : vector<16xf32>
          %mul3A_455 = vector.broadcast %scan3A_12 : f32 to vector<16xf32>
          %mul3A_456 = arith.mulf %add3A_454, %mul3A_455 : vector<16xf32>
          %swap3A_457 = arith.index_cast %select_n3A : i32 to index
          %swap3A_458 = arith.index_cast %select_n3A_132 : i32 to index
          %swap3A_459 = arith.constant 64 : index
          %swap3A_460 = tpu.vector_load %arg7[%swap3A_457, %swap3A_458, %swap3A_459] {strides = array<i32>} : memref<4x8x256xf32, #tpu.memory_space<vmem>>, vector<16xf32>,
          tpu.vector_store %arg7[%swap3A_457, %swap3A_458, %swap3A_459], %mul3A_456 {strides = array<i32>} : memref<4x8x256xf32, #tpu.memory_space<vmem>>, vector<16xf32>,
          %get3A_461 = arith.constant 0 : i32
          %get3A_462 = arith.index_cast %get3A_461 : i32 to index
          %get3A_463 = arith.index_cast %select_n3A : i32 to index
          %get3A_464 = arith.index_cast %select_n3A_132 : i32 to index
          %get3A_465 = arith.constant 80 : index
          %get3A_466 = tpu.vector_load %arg6[%get3A_462, %get3A_463, %get3A_464, %get3A_465] {strides = array<i32>} : memref<2x28x8x256xf32, #tpu.memory_space<vmem>>, vector<16xf32>,
          %add3A_467 = arith.constant 4 : i32
          %add3A_468 = arith.addi %add3A_467, %select_n3A : i32
          %get3A_469 = arith.constant 0 : i32
          %get3A_470 = arith.index_cast %get3A_469 : i32 to index
          %get3A_471 = arith.index_cast %add3A_468 : i32 to index
          %get3A_472 = arith.index_cast %select_n3A_132 : i32 to index
          %get3A_473 = arith.constant 80 : index
          %get3A_474 = tpu.vector_load %arg6[%get3A_470, %get3A_471, %get3A_472, %get3A_473] {strides = array<i32>} : memref<2x28x8x256xf32, #tpu.memory_space<vmem>>, vector<16xf32>,
          %add3A_475 = arith.addf %get3A_466, %get3A_474 : vector<16xf32>
          %add3A_476 = arith.constant 8 : i32
          %add3A_477 = arith.addi %add3A_476, %select_n3A : i32
          %get3A_478 = arith.constant 0 : i32
          %get3A_479 = arith.index_cast %get3A_478 : i32 to index
          %get3A_480 = arith.index_cast %add3A_477 : i32 to index
          %get3A_481 = arith.index_cast %select_n3A_132 : i32 to index
          %get3A_482 = arith.constant 80 : index
          %get3A_483 = tpu.vector_load %arg6[%get3A_479, %get3A_480, %get3A_481, %get3A_482] {strides = array<i32>} : memref<2x28x8x256xf32, #tpu.memory_space<vmem>>, vector<16xf32>,
          %add3A_484 = arith.addf %add3A_475, %get3A_483 : vector<16xf32>
          %add3A_485 = arith.constant 12 : i32
          %add3A_486 = arith.addi %add3A_485, %select_n3A : i32
          %get3A_487 = arith.constant 0 : i32
          %get3A_488 = arith.index_cast %get3A_487 : i32 to index
          %get3A_489 = arith.index_cast %add3A_486 : i32 to index
          %get3A_490 = arith.index_cast %select_n3A_132 : i32 to index
          %get3A_491 = arith.constant 80 : index
          %get3A_492 = tpu.vector_load %arg6[%get3A_488, %get3A_489, %get3A_490, %get3A_491] {strides = array<i32>} : memref<2x28x8x256xf32, #tpu.memory_space<vmem>>, vector<16xf32>,
          %add3A_493 = arith.addf %add3A_484, %get3A_492 : vector<16xf32>
          %add3A_494 = arith.constant 16 : i32
          %add3A_495 = arith.addi %add3A_494, %select_n3A : i32
          %get3A_496 = arith.constant 0 : i32
          %get3A_497 = arith.index_cast %get3A_496 : i32 to index
          %get3A_498 = arith.index_cast %add3A_495 : i32 to index
          %get3A_499 = arith.index_cast %select_n3A_132 : i32 to index
          %get3A_500 = arith.constant 80 : index
          %get3A_501 = tpu.vector_load %arg6[%get3A_497, %get3A_498, %get3A_499, %get3A_500] {strides = array<i32>} : memref<2x28x8x256xf32, #tpu.memory_space<vmem>>, vector<16xf32>,
          %add3A_502 = arith.addf %add3A_493, %get3A_501 : vector<16xf32>
          %add3A_503 = arith.constant 20 : i32
          %add3A_504 = arith.addi %add3A_503, %select_n3A : i32
          %get3A_505 = arith.constant 0 : i32
          %get3A_506 = arith.index_cast %get3A_505 : i32 to index
          %get3A_507 = arith.index_cast %add3A_504 : i32 to index
          %get3A_508 = arith.index_cast %select_n3A_132 : i32 to index
          %get3A_509 = arith.constant 80 : index
          %get3A_510 = tpu.vector_load %arg6[%get3A_506, %get3A_507, %get3A_508, %get3A_509] {strides = array<i32>} : memref<2x28x8x256xf32, #tpu.memory_space<vmem>>, vector<16xf32>,
          %add3A_511 = arith.addf %add3A_502, %get3A_510 : vector<16xf32>
          %add3A_512 = arith.constant 24 : i32
          %add3A_513 = arith.addi %add3A_512, %select_n3A : i32
          %get3A_514 = arith.constant 0 : i32
          %get3A_515 = arith.index_cast %get3A_514 : i32 to index
          %get3A_516 = arith.index_cast %add3A_513 : i32 to index
          %get3A_517 = arith.index_cast %select_n3A_132 : i32 to index
          %get3A_518 = arith.constant 80 : index
          %get3A_519 = tpu.vector_load %arg6[%get3A_515, %get3A_516, %get3A_517, %get3A_518] {strides = array<i32>} : memref<2x28x8x256xf32, #tpu.memory_space<vmem>>, vector<16xf32>,
          %add3A_520 = arith.addf %add3A_511, %get3A_519 : vector<16xf32>
          %mul3A_521 = vector.broadcast %scan3A_12 : f32 to vector<16xf32>
          %mul3A_522 = arith.mulf %add3A_520, %mul3A_521 : vector<16xf32>
          %swap3A_523 = arith.index_cast %select_n3A : i32 to index
          %swap3A_524 = arith.index_cast %select_n3A_132 : i32 to index
          %swap3A_525 = arith.constant 80 : index
          %swap3A_526 = tpu.vector_load %arg7[%swap3A_523, %swap3A_524, %swap3A_525] {strides = array<i32>} : memref<4x8x256xf32, #tpu.memory_space<vmem>>, vector<16xf32>,
          tpu.vector_store %arg7[%swap3A_523, %swap3A_524, %swap3A_525], %mul3A_522 {strides = array<i32>} : memref<4x8x256xf32, #tpu.memory_space<vmem>>, vector<16xf32>,
          %get3A_527 = arith.constant 0 : i32
          %get3A_528 = arith.index_cast %get3A_527 : i32 to index
          %get3A_529 = arith.index_cast %select_n3A : i32 to index
          %get3A_530 = arith.index_cast %select_n3A_132 : i32 to index
          %get3A_531 = arith.constant 96 : index
          %get3A_532 = tpu.vector_load %arg6[%get3A_528, %get3A_529, %get3A_530, %get3A_531] {strides = array<i32>} : memref<2x28x8x256xf32, #tpu.memory_space<vmem>>, vector<16xf32>,
          %add3A_533 = arith.constant 4 : i32
          %add3A_534 = arith.addi %add3A_533, %select_n3A : i32
          %get3A_535 = arith.constant 0 : i32
          %get3A_536 = arith.index_cast %get3A_535 : i32 to index
          %get3A_537 = arith.index_cast %add3A_534 : i32 to index
          %get3A_538 = arith.index_cast %select_n3A_132 : i32 to index
          %get3A_539 = arith.constant 96 : index
          %get3A_540 = tpu.vector_load %arg6[%get3A_536, %get3A_537, %get3A_538, %get3A_539] {strides = array<i32>} : memref<2x28x8x256xf32, #tpu.memory_space<vmem>>, vector<16xf32>,
          %add3A_541 = arith.addf %get3A_532, %get3A_540 : vector<16xf32>
          %add3A_542 = arith.constant 8 : i32
          %add3A_543 = arith.addi %add3A_542, %select_n3A : i32
          %get3A_544 = arith.constant 0 : i32
          %get3A_545 = arith.index_cast %get3A_544 : i32 to index
          %get3A_546 = arith.index_cast %add3A_543 : i32 to index
          %get3A_547 = arith.index_cast %select_n3A_132 : i32 to index
          %get3A_548 = arith.constant 96 : index
          %get3A_549 = tpu.vector_load %arg6[%get3A_545, %get3A_546, %get3A_547, %get3A_548] {strides = array<i32>} : memref<2x28x8x256xf32, #tpu.memory_space<vmem>>, vector<16xf32>,
          %add3A_550 = arith.addf %add3A_541, %get3A_549 : vector<16xf32>
          %add3A_551 = arith.constant 12 : i32
          %add3A_552 = arith.addi %add3A_551, %select_n3A : i32
          %get3A_553 = arith.constant 0 : i32
          %get3A_554 = arith.index_cast %get3A_553 : i32 to index
          %get3A_555 = arith.index_cast %add3A_552 : i32 to index
          %get3A_556 = arith.index_cast %select_n3A_132 : i32 to index
          %get3A_557 = arith.constant 96 : index
          %get3A_558 = tpu.vector_load %arg6[%get3A_554, %get3A_555, %get3A_556, %get3A_557] {strides = array<i32>} : memref<2x28x8x256xf32, #tpu.memory_space<vmem>>, vector<16xf32>,
          %add3A_559 = arith.addf %add3A_550, %get3A_558 : vector<16xf32>
          %add3A_560 = arith.constant 16 : i32
          %add3A_561 = arith.addi %add3A_560, %select_n3A : i32
          %get3A_562 = arith.constant 0 : i32
          %get3A_563 = arith.index_cast %get3A_562 : i32 to index
          %get3A_564 = arith.index_cast %add3A_561 : i32 to index
          %get3A_565 = arith.index_cast %select_n3A_132 : i32 to index
          %get3A_566 = arith.constant 96 : index
          %get3A_567 = tpu.vector_load %arg6[%get3A_563, %get3A_564, %get3A_565, %get3A_566] {strides = array<i32>} : memref<2x28x8x256xf32, #tpu.memory_space<vmem>>, vector<16xf32>,
          %add3A_568 = arith.addf %add3A_559, %get3A_567 : vector<16xf32>
          %add3A_569 = arith.constant 20 : i32
          %add3A_570 = arith.addi %add3A_569, %select_n3A : i32
          %get3A_571 = arith.constant 0 : i32
          %get3A_572 = arith.index_cast %get3A_571 : i32 to index
          %get3A_573 = arith.index_cast %add3A_570 : i32 to index
          %get3A_574 = arith.index_cast %select_n3A_132 : i32 to index
          %get3A_575 = arith.constant 96 : index
          %get3A_576 = tpu.vector_load %arg6[%get3A_572, %get3A_573, %get3A_574, %get3A_575] {strides = array<i32>} : memref<2x28x8x256xf32, #tpu.memory_space<vmem>>, vector<16xf32>,
          %add3A_577 = arith.addf %add3A_568, %get3A_576 : vector<16xf32>
          %add3A_578 = arith.constant 24 : i32
          %add3A_579 = arith.addi %add3A_578, %select_n3A : i32
          %get3A_580 = arith.constant 0 : i32
          %get3A_581 = arith.index_cast %get3A_580 : i32 to index
          %get3A_582 = arith.index_cast %add3A_579 : i32 to index
          %get3A_583 = arith.index_cast %select_n3A_132 : i32 to index
          %get3A_584 = arith.constant 96 : index
          %get3A_585 = tpu.vector_load %arg6[%get3A_581, %get3A_582, %get3A_583, %get3A_584] {strides = array<i32>} : memref<2x28x8x256xf32, #tpu.memory_space<vmem>>, vector<16xf32>,
          %add3A_586 = arith.addf %add3A_577, %get3A_585 : vector<16xf32>
          %mul3A_587 = vector.broadcast %scan3A_12 : f32 to vector<16xf32>
          %mul3A_588 = arith.mulf %add3A_586, %mul3A_587 : vector<16xf32>
          %swap3A_589 = arith.index_cast %select_n3A : i32 to index
          %swap3A_590 = arith.index_cast %select_n3A_132 : i32 to index
          %swap3A_591 = arith.constant 96 : index
          %swap3A_592 = tpu.vector_load %arg7[%swap3A_589, %swap3A_590, %swap3A_591] {strides = array<i32>} : memref<4x8x256xf32, #tpu.memory_space<vmem>>, vector<16xf32>,
          tpu.vector_store %arg7[%swap3A_589, %swap3A_590, %swap3A_591], %mul3A_588 {strides = array<i32>} : memref<4x8x256xf32, #tpu.memory_space<vmem>>, vector<16xf32>,
          %get3A_593 = arith.constant 0 : i32
          %get3A_594 = arith.index_cast %get3A_593 : i32 to index
          %get3A_595 = arith.index_cast %select_n3A : i32 to index
          %get3A_596 = arith.index_cast %select_n3A_132 : i32 to index
          %get3A_597 = arith.constant 112 : index
          %get3A_598 = tpu.vector_load %arg6[%get3A_594, %get3A_595, %get3A_596, %get3A_597] {strides = array<i32>} : memref<2x28x8x256xf32, #tpu.memory_space<vmem>>, vector<16xf32>,
          %add3A_599 = arith.constant 4 : i32
          %add3A_600 = arith.addi %add3A_599, %select_n3A : i32
          %get3A_601 = arith.constant 0 : i32
          %get3A_602 = arith.index_cast %get3A_601 : i32 to index
          %get3A_603 = arith.index_cast %add3A_600 : i32 to index
          %get3A_604 = arith.index_cast %select_n3A_132 : i32 to index
          %get3A_605 = arith.constant 112 : index
          %get3A_606 = tpu.vector_load %arg6[%get3A_602, %get3A_603, %get3A_604, %get3A_605] {strides = array<i32>} : memref<2x28x8x256xf32, #tpu.memory_space<vmem>>, vector<16xf32>,
          %add3A_607 = arith.addf %get3A_598, %get3A_606 : vector<16xf32>
          %add3A_608 = arith.constant 8 : i32
          %add3A_609 = arith.addi %add3A_608, %select_n3A : i32
          %get3A_610 = arith.constant 0 : i32
          %get3A_611 = arith.index_cast %get3A_610 : i32 to index
          %get3A_612 = arith.index_cast %add3A_609 : i32 to index
          %get3A_613 = arith.index_cast %select_n3A_132 : i32 to index
          %get3A_614 = arith.constant 112 : index
          %get3A_615 = tpu.vector_load %arg6[%get3A_611, %get3A_612, %get3A_613, %get3A_614] {strides = array<i32>} : memref<2x28x8x256xf32, #tpu.memory_space<vmem>>, vector<16xf32>,
          %add3A_616 = arith.addf %add3A_607, %get3A_615 : vector<16xf32>
          %add3A_617 = arith.constant 12 : i32
          %add3A_618 = arith.addi %add3A_617, %select_n3A : i32
          %get3A_619 = arith.constant 0 : i32
          %get3A_620 = arith.index_cast %get3A_619 : i32 to index
          %get3A_621 = arith.index_cast %add3A_618 : i32 to index
          %get3A_622 = arith.index_cast %select_n3A_132 : i32 to index
          %get3A_623 = arith.constant 112 : index
          %get3A_624 = tpu.vector_load %arg6[%get3A_620, %get3A_621, %get3A_622, %get3A_623] {strides = array<i32>} : memref<2x28x8x256xf32, #tpu.memory_space<vmem>>, vector<16xf32>,
          %add3A_625 = arith.addf %add3A_616, %get3A_624 : vector<16xf32>
          %add3A_626 = arith.constant 16 : i32
          %add3A_627 = arith.addi %add3A_626, %select_n3A : i32
          %get3A_628 = arith.constant 0 : i32
          %get3A_629 = arith.index_cast %get3A_628 : i32 to index
          %get3A_630 = arith.index_cast %add3A_627 : i32 to index
          %get3A_631 = arith.index_cast %select_n3A_132 : i32 to index
          %get3A_632 = arith.constant 112 : index
          %get3A_633 = tpu.vector_load %arg6[%get3A_629, %get3A_630, %get3A_631, %get3A_632] {strides = array<i32>} : memref<2x28x8x256xf32, #tpu.memory_space<vmem>>, vector<16xf32>,
          %add3A_634 = arith.addf %add3A_625, %get3A_633 : vector<16xf32>
          %add3A_635 = arith.constant 20 : i32
          %add3A_636 = arith.addi %add3A_635, %select_n3A : i32
          %get3A_637 = arith.constant 0 : i32
          %get3A_638 = arith.index_cast %get3A_637 : i32 to index
          %get3A_639 = arith.index_cast %add3A_636 : i32 to index
          %get3A_640 = arith.index_cast %select_n3A_132 : i32 to index
          %get3A_641 = arith.constant 112 : index
          %get3A_642 = tpu.vector_load %arg6[%get3A_638, %get3A_639, %get3A_640, %get3A_641] {strides = array<i32>} : memref<2x28x8x256xf32, #tpu.memory_space<vmem>>, vector<16xf32>,
          %add3A_643 = arith.addf %add3A_634, %get3A_642 : vector<16xf32>
          %add3A_644 = arith.constant 24 : i32
          %add3A_645 = arith.addi %add3A_644, %select_n3A : i32
          %get3A_646 = arith.constant 0 : i32
          %get3A_647 = arith.index_cast %get3A_646 : i32 to index
          %get3A_648 = arith.index_cast %add3A_645 : i32 to index
          %get3A_649 = arith.index_cast %select_n3A_132 : i32 to index
          %get3A_650 = arith.constant 112 : index
          %get3A_651 = tpu.vector_load %arg6[%get3A_647, %get3A_648, %get3A_649, %get3A_650] {strides = array<i32>} : memref<2x28x8x256xf32, #tpu.memory_space<vmem>>, vector<16xf32>,
          %add3A_652 = arith.addf %add3A_643, %get3A_651 : vector<16xf32>
          %mul3A_653 = vector.broadcast %scan3A_12 : f32 to vector<16xf32>
          %mul3A_654 = arith.mulf %add3A_652, %mul3A_653 : vector<16xf32>
          %swap3A_655 = arith.index_cast %select_n3A : i32 to index
          %swap3A_656 = arith.index_cast %select_n3A_132 : i32 to index
          %swap3A_657 = arith.constant 112 : index
          %swap3A_658 = tpu.vector_load %arg7[%swap3A_655, %swap3A_656, %swap3A_657] {strides = array<i32>} : memref<4x8x256xf32, #tpu.memory_space<vmem>>, vector<16xf32>,
          tpu.vector_store %arg7[%swap3A_655, %swap3A_656, %swap3A_657], %mul3A_654 {strides = array<i32>} : memref<4x8x256xf32, #tpu.memory_space<vmem>>, vector<16xf32>,
          %get3A_659 = arith.constant 0 : i32
          %get3A_660 = arith.index_cast %get3A_659 : i32 to index
          %get3A_661 = arith.index_cast %select_n3A : i32 to index
          %get3A_662 = arith.index_cast %select_n3A_132 : i32 to index
          %get3A_663 = arith.constant 128 : index
          %get3A_664 = tpu.vector_load %arg6[%get3A_660, %get3A_661, %get3A_662, %get3A_663] {strides = array<i32>} : memref<2x28x8x256xf32, #tpu.memory_space<vmem>>, vector<16xf32>,
          %add3A_665 = arith.constant 4 : i32
          %add3A_666 = arith.addi %add3A_665, %select_n3A : i32
          %get3A_667 = arith.constant 0 : i32
          %get3A_668 = arith.index_cast %get3A_667 : i32 to index
          %get3A_669 = arith.index_cast %add3A_666 : i32 to index
          %get3A_670 = arith.index_cast %select_n3A_132 : i32 to index
          %get3A_671 = arith.constant 128 : index
          %get3A_672 = tpu.vector_load %arg6[%get3A_668, %get3A_669, %get3A_670, %get3A_671] {strides = array<i32>} : memref<2x28x8x256xf32, #tpu.memory_space<vmem>>, vector<16xf32>,
          %add3A_673 = arith.addf %get3A_664, %get3A_672 : vector<16xf32>
          %add3A_674 = arith.constant 8 : i32
          %add3A_675 = arith.addi %add3A_674, %select_n3A : i32
          %get3A_676 = arith.constant 0 : i32
          %get3A_677 = arith.index_cast %get3A_676 : i32 to index
          %get3A_678 = arith.index_cast %add3A_675 : i32 to index
          %get3A_679 = arith.index_cast %select_n3A_132 : i32 to index
          %get3A_680 = arith.constant 128 : index
          %get3A_681 = tpu.vector_load %arg6[%get3A_677, %get3A_678, %get3A_679, %get3A_680] {strides = array<i32>} : memref<2x28x8x256xf32, #tpu.memory_space<vmem>>, vector<16xf32>,
          %add3A_682 = arith.addf %add3A_673, %get3A_681 : vector<16xf32>
          %add3A_683 = arith.constant 12 : i32
          %add3A_684 = arith.addi %add3A_683, %select_n3A : i32
          %get3A_685 = arith.constant 0 : i32
          %get3A_686 = arith.index_cast %get3A_685 : i32 to index
          %get3A_687 = arith.index_cast %add3A_684 : i32 to index
          %get3A_688 = arith.index_cast %select_n3A_132 : i32 to index
          %get3A_689 = arith.constant 128 : index
          %get3A_690 = tpu.vector_load %arg6[%get3A_686, %get3A_687, %get3A_688, %get3A_689] {strides = array<i32>} : memref<2x28x8x256xf32, #tpu.memory_space<vmem>>, vector<16xf32>,
          %add3A_691 = arith.addf %add3A_682, %get3A_690 : vector<16xf32>
          %add3A_692 = arith.constant 16 : i32
          %add3A_693 = arith.addi %add3A_692, %select_n3A : i32
          %get3A_694 = arith.constant 0 : i32
          %get3A_695 = arith.index_cast %get3A_694 : i32 to index
          %get3A_696 = arith.index_cast %add3A_693 : i32 to index
          %get3A_697 = arith.index_cast %select_n3A_132 : i32 to index
          %get3A_698 = arith.constant 128 : index
          %get3A_699 = tpu.vector_load %arg6[%get3A_695, %get3A_696, %get3A_697, %get3A_698] {strides = array<i32>} : memref<2x28x8x256xf32, #tpu.memory_space<vmem>>, vector<16xf32>,
          %add3A_700 = arith.addf %add3A_691, %get3A_699 : vector<16xf32>
          %add3A_701 = arith.constant 20 : i32
          %add3A_702 = arith.addi %add3A_701, %select_n3A : i32
          %get3A_703 = arith.constant 0 : i32
          %get3A_704 = arith.index_cast %get3A_703 : i32 to index
          %get3A_705 = arith.index_cast %add3A_702 : i32 to index
          %get3A_706 = arith.index_cast %select_n3A_132 : i32 to index
          %get3A_707 = arith.constant 128 : index
          %get3A_708 = tpu.vector_load %arg6[%get3A_704, %get3A_705, %get3A_706, %get3A_707] {strides = array<i32>} : memref<2x28x8x256xf32, #tpu.memory_space<vmem>>, vector<16xf32>,
          %add3A_709 = arith.addf %add3A_700, %get3A_708 : vector<16xf32>
          %add3A_710 = arith.constant 24 : i32
          %add3A_711 = arith.addi %add3A_710, %select_n3A : i32
          %get3A_712 = arith.constant 0 : i32
          %get3A_713 = arith.index_cast %get3A_712 : i32 to index
          %get3A_714 = arith.index_cast %add3A_711 : i32 to index
          %get3A_715 = arith.index_cast %select_n3A_132 : i32 to index
          %get3A_716 = arith.constant 128 : index
          %get3A_717 = tpu.vector_load %arg6[%get3A_713, %get3A_714, %get3A_715, %get3A_716] {strides = array<i32>} : memref<2x28x8x256xf32, #tpu.memory_space<vmem>>, vector<16xf32>,
          %add3A_718 = arith.addf %add3A_709, %get3A_717 : vector<16xf32>
          %mul3A_719 = vector.broadcast %scan3A_12 : f32 to vector<16xf32>
          %mul3A_720 = arith.mulf %add3A_718, %mul3A_719 : vector<16xf32>
          %swap3A_721 = arith.index_cast %select_n3A : i32 to index
          %swap3A_722 = arith.index_cast %select_n3A_132 : i32 to index
          %swap3A_723 = arith.constant 128 : index
          %swap3A_724 = tpu.vector_load %arg7[%swap3A_721, %swap3A_722, %swap3A_723] {strides = array<i32>} : memref<4x8x256xf32, #tpu.memory_space<vmem>>, vector<16xf32>,
          tpu.vector_store %arg7[%swap3A_721, %swap3A_722, %swap3A_723], %mul3A_720 {strides = array<i32>} : memref<4x8x256xf32, #tpu.memory_space<vmem>>, vector<16xf32>,
          %get3A_725 = arith.constant 0 : i32
          %get3A_726 = arith.index_cast %get3A_725 : i32 to index
          %get3A_727 = arith.index_cast %select_n3A : i32 to index
          %get3A_728 = arith.index_cast %select_n3A_132 : i32 to index
          %get3A_729 = arith.constant 144 : index
          %get3A_730 = tpu.vector_load %arg6[%get3A_726, %get3A_727, %get3A_728, %get3A_729] {strides = array<i32>} : memref<2x28x8x256xf32, #tpu.memory_space<vmem>>, vector<16xf32>,
          %add3A_731 = arith.constant 4 : i32
          %add3A_732 = arith.addi %add3A_731, %select_n3A : i32
          %get3A_733 = arith.constant 0 : i32
          %get3A_734 = arith.index_cast %get3A_733 : i32 to index
          %get3A_735 = arith.index_cast %add3A_732 : i32 to index
          %get3A_736 = arith.index_cast %select_n3A_132 : i32 to index
          %get3A_737 = arith.constant 144 : index
          %get3A_738 = tpu.vector_load %arg6[%get3A_734, %get3A_735, %get3A_736, %get3A_737] {strides = array<i32>} : memref<2x28x8x256xf32, #tpu.memory_space<vmem>>, vector<16xf32>,
          %add3A_739 = arith.addf %get3A_730, %get3A_738 : vector<16xf32>
          %add3A_740 = arith.constant 8 : i32
          %add3A_741 = arith.addi %add3A_740, %select_n3A : i32
          %get3A_742 = arith.constant 0 : i32
          %get3A_743 = arith.index_cast %get3A_742 : i32 to index
          %get3A_744 = arith.index_cast %add3A_741 : i32 to index
          %get3A_745 = arith.index_cast %select_n3A_132 : i32 to index
          %get3A_746 = arith.constant 144 : index
          %get3A_747 = tpu.vector_load %arg6[%get3A_743, %get3A_744, %get3A_745, %get3A_746] {strides = array<i32>} : memref<2x28x8x256xf32, #tpu.memory_space<vmem>>, vector<16xf32>,
          %add3A_748 = arith.addf %add3A_739, %get3A_747 : vector<16xf32>
          %add3A_749 = arith.constant 12 : i32
          %add3A_750 = arith.addi %add3A_749, %select_n3A : i32
          %get3A_751 = arith.constant 0 : i32
          %get3A_752 = arith.index_cast %get3A_751 : i32 to index
          %get3A_753 = arith.index_cast %add3A_750 : i32 to index
          %get3A_754 = arith.index_cast %select_n3A_132 : i32 to index
          %get3A_755 = arith.constant 144 : index
          %get3A_756 = tpu.vector_load %arg6[%get3A_752, %get3A_753, %get3A_754, %get3A_755] {strides = array<i32>} : memref<2x28x8x256xf32, #tpu.memory_space<vmem>>, vector<16xf32>,
          %add3A_757 = arith.addf %add3A_748, %get3A_756 : vector<16xf32>
          %add3A_758 = arith.constant 16 : i32
          %add3A_759 = arith.addi %add3A_758, %select_n3A : i32
          %get3A_760 = arith.constant 0 : i32
          %get3A_761 = arith.index_cast %get3A_760 : i32 to index
          %get3A_762 = arith.index_cast %add3A_759 : i32 to index
          %get3A_763 = arith.index_cast %select_n3A_132 : i32 to index
          %get3A_764 = arith.constant 144 : index
          %get3A_765 = tpu.vector_load %arg6[%get3A_761, %get3A_762, %get3A_763, %get3A_764] {strides = array<i32>} : memref<2x28x8x256xf32, #tpu.memory_space<vmem>>, vector<16xf32>,
          %add3A_766 = arith.addf %add3A_757, %get3A_765 : vector<16xf32>
          %add3A_767 = arith.constant 20 : i32
          %add3A_768 = arith.addi %add3A_767, %select_n3A : i32
          %get3A_769 = arith.constant 0 : i32
          %get3A_770 = arith.index_cast %get3A_769 : i32 to index
          %get3A_771 = arith.index_cast %add3A_768 : i32 to index
          %get3A_772 = arith.index_cast %select_n3A_132 : i32 to index
          %get3A_773 = arith.constant 144 : index
          %get3A_774 = tpu.vector_load %arg6[%get3A_770, %get3A_771, %get3A_772, %get3A_773] {strides = array<i32>} : memref<2x28x8x256xf32, #tpu.memory_space<vmem>>, vector<16xf32>,
          %add3A_775 = arith.addf %add3A_766, %get3A_774 : vector<16xf32>
          %add3A_776 = arith.constant 24 : i32
          %add3A_777 = arith.addi %add3A_776, %select_n3A : i32
          %get3A_778 = arith.constant 0 : i32
          %get3A_779 = arith.index_cast %get3A_778 : i32 to index
          %get3A_780 = arith.index_cast %add3A_777 : i32 to index
          %get3A_781 = arith.index_cast %select_n3A_132 : i32 to index
          %get3A_782 = arith.constant 144 : index
          %get3A_783 = tpu.vector_load %arg6[%get3A_779, %get3A_780, %get3A_781, %get3A_782] {strides = array<i32>} : memref<2x28x8x256xf32, #tpu.memory_space<vmem>>, vector<16xf32>,
          %add3A_784 = arith.addf %add3A_775, %get3A_783 : vector<16xf32>
          %mul3A_785 = vector.broadcast %scan3A_12 : f32 to vector<16xf32>
          %mul3A_786 = arith.mulf %add3A_784, %mul3A_785 : vector<16xf32>
          %swap3A_787 = arith.index_cast %select_n3A : i32 to index
          %swap3A_788 = arith.index_cast %select_n3A_132 : i32 to index
          %swap3A_789 = arith.constant 144 : index
          %swap3A_790 = tpu.vector_load %arg7[%swap3A_787, %swap3A_788, %swap3A_789] {strides = array<i32>} : memref<4x8x256xf32, #tpu.memory_space<vmem>>, vector<16xf32>,
          tpu.vector_store %arg7[%swap3A_787, %swap3A_788, %swap3A_789], %mul3A_786 {strides = array<i32>} : memref<4x8x256xf32, #tpu.memory_space<vmem>>, vector<16xf32>,
          %get3A_791 = arith.constant 0 : i32
          %get3A_792 = arith.index_cast %get3A_791 : i32 to index
          %get3A_793 = arith.index_cast %select_n3A : i32 to index
          %get3A_794 = arith.index_cast %select_n3A_132 : i32 to index
          %get3A_795 = arith.constant 160 : index
          %get3A_796 = tpu.vector_load %arg6[%get3A_792, %get3A_793, %get3A_794, %get3A_795] {strides = array<i32>} : memref<2x28x8x256xf32, #tpu.memory_space<vmem>>, vector<16xf32>,
          %add3A_797 = arith.constant 4 : i32
          %add3A_798 = arith.addi %add3A_797, %select_n3A : i32
          %get3A_799 = arith.constant 0 : i32
          %get3A_800 = arith.index_cast %get3A_799 : i32 to index
          %get3A_801 = arith.index_cast %add3A_798 : i32 to index
          %get3A_802 = arith.index_cast %select_n3A_132 : i32 to index
          %get3A_803 = arith.constant 160 : index
          %get3A_804 = tpu.vector_load %arg6[%get3A_800, %get3A_801, %get3A_802, %get3A_803] {strides = array<i32>} : memref<2x28x8x256xf32, #tpu.memory_space<vmem>>, vector<16xf32>,
          %add3A_805 = arith.addf %get3A_796, %get3A_804 : vector<16xf32>
          %add3A_806 = arith.constant 8 : i32
          %add3A_807 = arith.addi %add3A_806, %select_n3A : i32
          %get3A_808 = arith.constant 0 : i32
          %get3A_809 = arith.index_cast %get3A_808 : i32 to index
          %get3A_810 = arith.index_cast %add3A_807 : i32 to index
          %get3A_811 = arith.index_cast %select_n3A_132 : i32 to index
          %get3A_812 = arith.constant 160 : index
          %get3A_813 = tpu.vector_load %arg6[%get3A_809, %get3A_810, %get3A_811, %get3A_812] {strides = array<i32>} : memref<2x28x8x256xf32, #tpu.memory_space<vmem>>, vector<16xf32>,
          %add3A_814 = arith.addf %add3A_805, %get3A_813 : vector<16xf32>
          %add3A_815 = arith.constant 12 : i32
          %add3A_816 = arith.addi %add3A_815, %select_n3A : i32
          %get3A_817 = arith.constant 0 : i32
          %get3A_818 = arith.index_cast %get3A_817 : i32 to index
          %get3A_819 = arith.index_cast %add3A_816 : i32 to index
          %get3A_820 = arith.index_cast %select_n3A_132 : i32 to index
          %get3A_821 = arith.constant 160 : index
          %get3A_822 = tpu.vector_load %arg6[%get3A_818, %get3A_819, %get3A_820, %get3A_821] {strides = array<i32>} : memref<2x28x8x256xf32, #tpu.memory_space<vmem>>, vector<16xf32>,
          %add3A_823 = arith.addf %add3A_814, %get3A_822 : vector<16xf32>
          %add3A_824 = arith.constant 16 : i32
          %add3A_825 = arith.addi %add3A_824, %select_n3A : i32
          %get3A_826 = arith.constant 0 : i32
          %get3A_827 = arith.index_cast %get3A_826 : i32 to index
          %get3A_828 = arith.index_cast %add3A_825 : i32 to index
          %get3A_829 = arith.index_cast %select_n3A_132 : i32 to index
          %get3A_830 = arith.constant 160 : index
          %get3A_831 = tpu.vector_load %arg6[%get3A_827, %get3A_828, %get3A_829, %get3A_830] {strides = array<i32>} : memref<2x28x8x256xf32, #tpu.memory_space<vmem>>, vector<16xf32>,
          %add3A_832 = arith.addf %add3A_823, %get3A_831 : vector<16xf32>
          %add3A_833 = arith.constant 20 : i32
          %add3A_834 = arith.addi %add3A_833, %select_n3A : i32
          %get3A_835 = arith.constant 0 : i32
          %get3A_836 = arith.index_cast %get3A_835 : i32 to index
          %get3A_837 = arith.index_cast %add3A_834 : i32 to index
          %get3A_838 = arith.index_cast %select_n3A_132 : i32 to index
          %get3A_839 = arith.constant 160 : index
          %get3A_840 = tpu.vector_load %arg6[%get3A_836, %get3A_837, %get3A_838, %get3A_839] {strides = array<i32>} : memref<2x28x8x256xf32, #tpu.memory_space<vmem>>, vector<16xf32>,
          %add3A_841 = arith.addf %add3A_832, %get3A_840 : vector<16xf32>
          %add3A_842 = arith.constant 24 : i32
          %add3A_843 = arith.addi %add3A_842, %select_n3A : i32
          %get3A_844 = arith.constant 0 : i32
          %get3A_845 = arith.index_cast %get3A_844 : i32 to index
          %get3A_846 = arith.index_cast %add3A_843 : i32 to index
          %get3A_847 = arith.index_cast %select_n3A_132 : i32 to index
          %get3A_848 = arith.constant 160 : index
          %get3A_849 = tpu.vector_load %arg6[%get3A_845, %get3A_846, %get3A_847, %get3A_848] {strides = array<i32>} : memref<2x28x8x256xf32, #tpu.memory_space<vmem>>, vector<16xf32>,
          %add3A_850 = arith.addf %add3A_841, %get3A_849 : vector<16xf32>
          %mul3A_851 = vector.broadcast %scan3A_12 : f32 to vector<16xf32>
          %mul3A_852 = arith.mulf %add3A_850, %mul3A_851 : vector<16xf32>
          %swap3A_853 = arith.index_cast %select_n3A : i32 to index
          %swap3A_854 = arith.index_cast %select_n3A_132 : i32 to index
          %swap3A_855 = arith.constant 160 : index
          %swap3A_856 = tpu.vector_load %arg7[%swap3A_853, %swap3A_854, %swap3A_855] {strides = array<i32>} : memref<4x8x256xf32, #tpu.memory_space<vmem>>, vector<16xf32>,
          tpu.vector_store %arg7[%swap3A_853, %swap3A_854, %swap3A_855], %mul3A_852 {strides = array<i32>} : memref<4x8x256xf32, #tpu.memory_space<vmem>>, vector<16xf32>,
          %get3A_857 = arith.constant 0 : i32
          %get3A_858 = arith.index_cast %get3A_857 : i32 to index
          %get3A_859 = arith.index_cast %select_n3A : i32 to index
          %get3A_860 = arith.index_cast %select_n3A_132 : i32 to index
          %get3A_861 = arith.constant 176 : index
          %get3A_862 = tpu.vector_load %arg6[%get3A_858, %get3A_859, %get3A_860, %get3A_861] {strides = array<i32>} : memref<2x28x8x256xf32, #tpu.memory_space<vmem>>, vector<16xf32>,
          %add3A_863 = arith.constant 4 : i32
          %add3A_864 = arith.addi %add3A_863, %select_n3A : i32
          %get3A_865 = arith.constant 0 : i32
          %get3A_866 = arith.index_cast %get3A_865 : i32 to index
          %get3A_867 = arith.index_cast %add3A_864 : i32 to index
          %get3A_868 = arith.index_cast %select_n3A_132 : i32 to index
          %get3A_869 = arith.constant 176 : index
          %get3A_870 = tpu.vector_load %arg6[%get3A_866, %get3A_867, %get3A_868, %get3A_869] {strides = array<i32>} : memref<2x28x8x256xf32, #tpu.memory_space<vmem>>, vector<16xf32>,
          %add3A_871 = arith.addf %get3A_862, %get3A_870 : vector<16xf32>
          %add3A_872 = arith.constant 8 : i32
          %add3A_873 = arith.addi %add3A_872, %select_n3A : i32
          %get3A_874 = arith.constant 0 : i32
          %get3A_875 = arith.index_cast %get3A_874 : i32 to index
          %get3A_876 = arith.index_cast %add3A_873 : i32 to index
          %get3A_877 = arith.index_cast %select_n3A_132 : i32 to index
          %get3A_878 = arith.constant 176 : index
          %get3A_879 = tpu.vector_load %arg6[%get3A_875, %get3A_876, %get3A_877, %get3A_878] {strides = array<i32>} : memref<2x28x8x256xf32, #tpu.memory_space<vmem>>, vector<16xf32>,
          %add3A_880 = arith.addf %add3A_871, %get3A_879 : vector<16xf32>
          %add3A_881 = arith.constant 12 : i32
          %add3A_882 = arith.addi %add3A_881, %select_n3A : i32
          %get3A_883 = arith.constant 0 : i32
          %get3A_884 = arith.index_cast %get3A_883 : i32 to index
          %get3A_885 = arith.index_cast %add3A_882 : i32 to index
          %get3A_886 = arith.index_cast %select_n3A_132 : i32 to index
          %get3A_887 = arith.constant 176 : index
          %get3A_888 = tpu.vector_load %arg6[%get3A_884, %get3A_885, %get3A_886, %get3A_887] {strides = array<i32>} : memref<2x28x8x256xf32, #tpu.memory_space<vmem>>, vector<16xf32>,
          %add3A_889 = arith.addf %add3A_880, %get3A_888 : vector<16xf32>
          %add3A_890 = arith.constant 16 : i32
          %add3A_891 = arith.addi %add3A_890, %select_n3A : i32
          %get3A_892 = arith.constant 0 : i32
          %get3A_893 = arith.index_cast %get3A_892 : i32 to index
          %get3A_894 = arith.index_cast %add3A_891 : i32 to index
          %get3A_895 = arith.index_cast %select_n3A_132 : i32 to index
          %get3A_896 = arith.constant 176 : index
          %get3A_897 = tpu.vector_load %arg6[%get3A_893, %get3A_894, %get3A_895, %get3A_896] {strides = array<i32>} : memref<2x28x8x256xf32, #tpu.memory_space<vmem>>, vector<16xf32>,
          %add3A_898 = arith.addf %add3A_889, %get3A_897 : vector<16xf32>
          %add3A_899 = arith.constant 20 : i32
          %add3A_900 = arith.addi %add3A_899, %select_n3A : i32
          %get3A_901 = arith.constant 0 : i32
          %get3A_902 = arith.index_cast %get3A_901 : i32 to index
          %get3A_903 = arith.index_cast %add3A_900 : i32 to index
          %get3A_904 = arith.index_cast %select_n3A_132 : i32 to index
          %get3A_905 = arith.constant 176 : index
          %get3A_906 = tpu.vector_load %arg6[%get3A_902, %get3A_903, %get3A_904, %get3A_905] {strides = array<i32>} : memref<2x28x8x256xf32, #tpu.memory_space<vmem>>, vector<16xf32>,
          %add3A_907 = arith.addf %add3A_898, %get3A_906 : vector<16xf32>
          %add3A_908 = arith.constant 24 : i32
          %add3A_909 = arith.addi %add3A_908, %select_n3A : i32
          %get3A_910 = arith.constant 0 : i32
          %get3A_911 = arith.index_cast %get3A_910 : i32 to index
          %get3A_912 = arith.index_cast %add3A_909 : i32 to index
          %get3A_913 = arith.index_cast %select_n3A_132 : i32 to index
          %get3A_914 = arith.constant 176 : index
          %get3A_915 = tpu.vector_load %arg6[%get3A_911, %get3A_912, %get3A_913, %get3A_914] {strides = array<i32>} : memref<2x28x8x256xf32, #tpu.memory_space<vmem>>, vector<16xf32>,
          %add3A_916 = arith.addf %add3A_907, %get3A_915 : vector<16xf32>
          %mul3A_917 = vector.broadcast %scan3A_12 : f32 to vector<16xf32>
          %mul3A_918 = arith.mulf %add3A_916, %mul3A_917 : vector<16xf32>
          %swap3A_919 = arith.index_cast %select_n3A : i32 to index
          %swap3A_920 = arith.index_cast %select_n3A_132 : i32 to index
          %swap3A_921 = arith.constant 176 : index
          %swap3A_922 = tpu.vector_load %arg7[%swap3A_919, %swap3A_920, %swap3A_921] {strides = array<i32>} : memref<4x8x256xf32, #tpu.memory_space<vmem>>, vector<16xf32>,
          tpu.vector_store %arg7[%swap3A_919, %swap3A_920, %swap3A_921], %mul3A_918 {strides = array<i32>} : memref<4x8x256xf32, #tpu.memory_space<vmem>>, vector<16xf32>,
          %get3A_923 = arith.constant 0 : i32
          %get3A_924 = arith.index_cast %get3A_923 : i32 to index
          %get3A_925 = arith.index_cast %select_n3A : i32 to index
          %get3A_926 = arith.index_cast %select_n3A_132 : i32 to index
          %get3A_927 = arith.constant 192 : index
          %get3A_928 = tpu.vector_load %arg6[%get3A_924, %get3A_925, %get3A_926, %get3A_927] {strides = array<i32>} : memref<2x28x8x256xf32, #tpu.memory_space<vmem>>, vector<16xf32>,
          %add3A_929 = arith.constant 4 : i32
          %add3A_930 = arith.addi %add3A_929, %select_n3A : i32
          %get3A_931 = arith.constant 0 : i32
          %get3A_932 = arith.index_cast %get3A_931 : i32 to index
          %get3A_933 = arith.index_cast %add3A_930 : i32 to index
          %get3A_934 = arith.index_cast %select_n3A_132 : i32 to index
          %get3A_935 = arith.constant 192 : index
          %get3A_936 = tpu.vector_load %arg6[%get3A_932, %get3A_933, %get3A_934, %get3A_935] {strides = array<i32>} : memref<2x28x8x256xf32, #tpu.memory_space<vmem>>, vector<16xf32>,
          %add3A_937 = arith.addf %get3A_928, %get3A_936 : vector<16xf32>
          %add3A_938 = arith.constant 8 : i32
          %add3A_939 = arith.addi %add3A_938, %select_n3A : i32
          %get3A_940 = arith.constant 0 : i32
          %get3A_941 = arith.index_cast %get3A_940 : i32 to index
          %get3A_942 = arith.index_cast %add3A_939 : i32 to index
          %get3A_943 = arith.index_cast %select_n3A_132 : i32 to index
          %get3A_944 = arith.constant 192 : index
          %get3A_945 = tpu.vector_load %arg6[%get3A_941, %get3A_942, %get3A_943, %get3A_944] {strides = array<i32>} : memref<2x28x8x256xf32, #tpu.memory_space<vmem>>, vector<16xf32>,
          %add3A_946 = arith.addf %add3A_937, %get3A_945 : vector<16xf32>
          %add3A_947 = arith.constant 12 : i32
          %add3A_948 = arith.addi %add3A_947, %select_n3A : i32
          %get3A_949 = arith.constant 0 : i32
          %get3A_950 = arith.index_cast %get3A_949 : i32 to index
          %get3A_951 = arith.index_cast %add3A_948 : i32 to index
          %get3A_952 = arith.index_cast %select_n3A_132 : i32 to index
          %get3A_953 = arith.constant 192 : index
          %get3A_954 = tpu.vector_load %arg6[%get3A_950, %get3A_951, %get3A_952, %get3A_953] {strides = array<i32>} : memref<2x28x8x256xf32, #tpu.memory_space<vmem>>, vector<16xf32>,
          %add3A_955 = arith.addf %add3A_946, %get3A_954 : vector<16xf32>
          %add3A_956 = arith.constant 16 : i32
          %add3A_957 = arith.addi %add3A_956, %select_n3A : i32
          %get3A_958 = arith.constant 0 : i32
          %get3A_959 = arith.index_cast %get3A_958 : i32 to index
          %get3A_960 = arith.index_cast %add3A_957 : i32 to index
          %get3A_961 = arith.index_cast %select_n3A_132 : i32 to index
          %get3A_962 = arith.constant 192 : index
          %get3A_963 = tpu.vector_load %arg6[%get3A_959, %get3A_960, %get3A_961, %get3A_962] {strides = array<i32>} : memref<2x28x8x256xf32, #tpu.memory_space<vmem>>, vector<16xf32>,
          %add3A_964 = arith.addf %add3A_955, %get3A_963 : vector<16xf32>
          %add3A_965 = arith.constant 20 : i32
          %add3A_966 = arith.addi %add3A_965, %select_n3A : i32
          %get3A_967 = arith.constant 0 : i32
          %get3A_968 = arith.index_cast %get3A_967 : i32 to index
          %get3A_969 = arith.index_cast %add3A_966 : i32 to index
          %get3A_970 = arith.index_cast %select_n3A_132 : i32 to index
          %get3A_971 = arith.constant 192 : index
          %get3A_972 = tpu.vector_load %arg6[%get3A_968, %get3A_969, %get3A_970, %get3A_971] {strides = array<i32>} : memref<2x28x8x256xf32, #tpu.memory_space<vmem>>, vector<16xf32>,
          %add3A_973 = arith.addf %add3A_964, %get3A_972 : vector<16xf32>
          %add3A_974 = arith.constant 24 : i32
          %add3A_975 = arith.addi %add3A_974, %select_n3A : i32
          %get3A_976 = arith.constant 0 : i32
          %get3A_977 = arith.index_cast %get3A_976 : i32 to index
          %get3A_978 = arith.index_cast %add3A_975 : i32 to index
          %get3A_979 = arith.index_cast %select_n3A_132 : i32 to index
          %get3A_980 = arith.constant 192 : index
          %get3A_981 = tpu.vector_load %arg6[%get3A_977, %get3A_978, %get3A_979, %get3A_980] {strides = array<i32>} : memref<2x28x8x256xf32, #tpu.memory_space<vmem>>, vector<16xf32>,
          %add3A_982 = arith.addf %add3A_973, %get3A_981 : vector<16xf32>
          %mul3A_983 = vector.broadcast %scan3A_12 : f32 to vector<16xf32>
          %mul3A_984 = arith.mulf %add3A_982, %mul3A_983 : vector<16xf32>
          %swap3A_985 = arith.index_cast %select_n3A : i32 to index
          %swap3A_986 = arith.index_cast %select_n3A_132 : i32 to index
          %swap3A_987 = arith.constant 192 : index
          %swap3A_988 = tpu.vector_load %arg7[%swap3A_985, %swap3A_986, %swap3A_987] {strides = array<i32>} : memref<4x8x256xf32, #tpu.memory_space<vmem>>, vector<16xf32>,
          tpu.vector_store %arg7[%swap3A_985, %swap3A_986, %swap3A_987], %mul3A_984 {strides = array<i32>} : memref<4x8x256xf32, #tpu.memory_space<vmem>>, vector<16xf32>,
          %get3A_989 = arith.constant 0 : i32
          %get3A_990 = arith.index_cast %get3A_989 : i32 to index
          %get3A_991 = arith.index_cast %select_n3A : i32 to index
          %get3A_992 = arith.index_cast %select_n3A_132 : i32 to index
          %get3A_993 = arith.constant 208 : index
          %get3A_994 = tpu.vector_load %arg6[%get3A_990, %get3A_991, %get3A_992, %get3A_993] {strides = array<i32>} : memref<2x28x8x256xf32, #tpu.memory_space<vmem>>, vector<16xf32>,
          %add3A_995 = arith.constant 4 : i32
          %add3A_996 = arith.addi %add3A_995, %select_n3A : i32
          %get3A_997 = arith.constant 0 : i32
          %get3A_998 = arith.index_cast %get3A_997 : i32 to index
          %get3A_999 = arith.index_cast %add3A_996 : i32 to index
          %get3A_1000 = arith.index_cast %select_n3A_132 : i32 to index
          %get3A_1001 = arith.constant 208 : index
          %get3A_1002 = tpu.vector_load %arg6[%get3A_998, %get3A_999, %get3A_1000, %get3A_1001] {strides = array<i32>} : memref<2x28x8x256xf32, #tpu.memory_space<vmem>>, vector<16xf32>,
          %add3A_1003 = arith.addf %get3A_994, %get3A_1002 : vector<16xf32>
          %add3A_1004 = arith.constant 8 : i32
          %add3A_1005 = arith.addi %add3A_1004, %select_n3A : i32
          %get3A_1006 = arith.constant 0 : i32
          %get3A_1007 = arith.index_cast %get3A_1006 : i32 to index
          %get3A_1008 = arith.index_cast %add3A_1005 : i32 to index
          %get3A_1009 = arith.index_cast %select_n3A_132 : i32 to index
          %get3A_1010 = arith.constant 208 : index
          %get3A_1011 = tpu.vector_load %arg6[%get3A_1007, %get3A_1008, %get3A_1009, %get3A_1010] {strides = array<i32>} : memref<2x28x8x256xf32, #tpu.memory_space<vmem>>, vector<16xf32>,
          %add3A_1012 = arith.addf %add3A_1003, %get3A_1011 : vector<16xf32>
          %add3A_1013 = arith.constant 12 : i32
          %add3A_1014 = arith.addi %add3A_1013, %select_n3A : i32
          %get3A_1015 = arith.constant 0 : i32
          %get3A_1016 = arith.index_cast %get3A_1015 : i32 to index
          %get3A_1017 = arith.index_cast %add3A_1014 : i32 to index
          %get3A_1018 = arith.index_cast %select_n3A_132 : i32 to index
          %get3A_1019 = arith.constant 208 : index
          %get3A_1020 = tpu.vector_load %arg6[%get3A_1016, %get3A_1017, %get3A_1018, %get3A_1019] {strides = array<i32>} : memref<2x28x8x256xf32, #tpu.memory_space<vmem>>, vector<16xf32>,
          %add3A_1021 = arith.addf %add3A_1012, %get3A_1020 : vector<16xf32>
          %add3A_1022 = arith.constant 16 : i32
          %add3A_1023 = arith.addi %add3A_1022, %select_n3A : i32
          %get3A_1024 = arith.constant 0 : i32
          %get3A_1025 = arith.index_cast %get3A_1024 : i32 to index
          %get3A_1026 = arith.index_cast %add3A_1023 : i32 to index
          %get3A_1027 = arith.index_cast %select_n3A_132 : i32 to index
          %get3A_1028 = arith.constant 208 : index
          %get3A_1029 = tpu.vector_load %arg6[%get3A_1025, %get3A_1026, %get3A_1027, %get3A_1028] {strides = array<i32>} : memref<2x28x8x256xf32, #tpu.memory_space<vmem>>, vector<16xf32>,
          %add3A_1030 = arith.addf %add3A_1021, %get3A_1029 : vector<16xf32>
          %add3A_1031 = arith.constant 20 : i32
          %add3A_1032 = arith.addi %add3A_1031, %select_n3A : i32
          %get3A_1033 = arith.constant 0 : i32
          %get3A_1034 = arith.index_cast %get3A_1033 : i32 to index
          %get3A_1035 = arith.index_cast %add3A_1032 : i32 to index
          %get3A_1036 = arith.index_cast %select_n3A_132 : i32 to index
          %get3A_1037 = arith.constant 208 : index
          %get3A_1038 = tpu.vector_load %arg6[%get3A_1034, %get3A_1035, %get3A_1036, %get3A_1037] {strides = array<i32>} : memref<2x28x8x256xf32, #tpu.memory_space<vmem>>, vector<16xf32>,
          %add3A_1039 = arith.addf %add3A_1030, %get3A_1038 : vector<16xf32>
          %add3A_1040 = arith.constant 24 : i32
          %add3A_1041 = arith.addi %add3A_1040, %select_n3A : i32
          %get3A_1042 = arith.constant 0 : i32
          %get3A_1043 = arith.index_cast %get3A_1042 : i32 to index
          %get3A_1044 = arith.index_cast %add3A_1041 : i32 to index
          %get3A_1045 = arith.index_cast %select_n3A_132 : i32 to index
          %get3A_1046 = arith.constant 208 : index
          %get3A_1047 = tpu.vector_load %arg6[%get3A_1043, %get3A_1044, %get3A_1045, %get3A_1046] {strides = array<i32>} : memref<2x28x8x256xf32, #tpu.memory_space<vmem>>, vector<16xf32>,
          %add3A_1048 = arith.addf %add3A_1039, %get3A_1047 : vector<16xf32>
          %mul3A_1049 = vector.broadcast %scan3A_12 : f32 to vector<16xf32>
          %mul3A_1050 = arith.mulf %add3A_1048, %mul3A_1049 : vector<16xf32>
          %swap3A_1051 = arith.index_cast %select_n3A : i32 to index
          %swap3A_1052 = arith.index_cast %select_n3A_132 : i32 to index
          %swap3A_1053 = arith.constant 208 : index
          %swap3A_1054 = tpu.vector_load %arg7[%swap3A_1051, %swap3A_1052, %swap3A_1053] {strides = array<i32>} : memref<4x8x256xf32, #tpu.memory_space<vmem>>, vector<16xf32>,
          tpu.vector_store %arg7[%swap3A_1051, %swap3A_1052, %swap3A_1053], %mul3A_1050 {strides = array<i32>} : memref<4x8x256xf32, #tpu.memory_space<vmem>>, vector<16xf32>,
          %get3A_1055 = arith.constant 0 : i32
          %get3A_1056 = arith.index_cast %get3A_1055 : i32 to index
          %get3A_1057 = arith.index_cast %select_n3A : i32 to index
          %get3A_1058 = arith.index_cast %select_n3A_132 : i32 to index
          %get3A_1059 = arith.constant 224 : index
          %get3A_1060 = tpu.vector_load %arg6[%get3A_1056, %get3A_1057, %get3A_1058, %get3A_1059] {strides = array<i32>} : memref<2x28x8x256xf32, #tpu.memory_space<vmem>>, vector<16xf32>,
          %add3A_1061 = arith.constant 4 : i32
          %add3A_1062 = arith.addi %add3A_1061, %select_n3A : i32
          %get3A_1063 = arith.constant 0 : i32
          %get3A_1064 = arith.index_cast %get3A_1063 : i32 to index
          %get3A_1065 = arith.index_cast %add3A_1062 : i32 to index
          %get3A_1066 = arith.index_cast %select_n3A_132 : i32 to index
          %get3A_1067 = arith.constant 224 : index
          %get3A_1068 = tpu.vector_load %arg6[%get3A_1064, %get3A_1065, %get3A_1066, %get3A_1067] {strides = array<i32>} : memref<2x28x8x256xf32, #tpu.memory_space<vmem>>, vector<16xf32>,
          %add3A_1069 = arith.addf %get3A_1060, %get3A_1068 : vector<16xf32>
          %add3A_1070 = arith.constant 8 : i32
          %add3A_1071 = arith.addi %add3A_1070, %select_n3A : i32
          %get3A_1072 = arith.constant 0 : i32
          %get3A_1073 = arith.index_cast %get3A_1072 : i32 to index
          %get3A_1074 = arith.index_cast %add3A_1071 : i32 to index
          %get3A_1075 = arith.index_cast %select_n3A_132 : i32 to index
          %get3A_1076 = arith.constant 224 : index
          %get3A_1077 = tpu.vector_load %arg6[%get3A_1073, %get3A_1074, %get3A_1075, %get3A_1076] {strides = array<i32>} : memref<2x28x8x256xf32, #tpu.memory_space<vmem>>, vector<16xf32>,
          %add3A_1078 = arith.addf %add3A_1069, %get3A_1077 : vector<16xf32>
          %add3A_1079 = arith.constant 12 : i32
          %add3A_1080 = arith.addi %add3A_1079, %select_n3A : i32
          %get3A_1081 = arith.constant 0 : i32
          %get3A_1082 = arith.index_cast %get3A_1081 : i32 to index
          %get3A_1083 = arith.index_cast %add3A_1080 : i32 to index
          %get3A_1084 = arith.index_cast %select_n3A_132 : i32 to index
          %get3A_1085 = arith.constant 224 : index
          %get3A_1086 = tpu.vector_load %arg6[%get3A_1082, %get3A_1083, %get3A_1084, %get3A_1085] {strides = array<i32>} : memref<2x28x8x256xf32, #tpu.memory_space<vmem>>, vector<16xf32>,
          %add3A_1087 = arith.addf %add3A_1078, %get3A_1086 : vector<16xf32>
          %add3A_1088 = arith.constant 16 : i32
          %add3A_1089 = arith.addi %add3A_1088, %select_n3A : i32
          %get3A_1090 = arith.constant 0 : i32
          %get3A_1091 = arith.index_cast %get3A_1090 : i32 to index
          %get3A_1092 = arith.index_cast %add3A_1089 : i32 to index
          %get3A_1093 = arith.index_cast %select_n3A_132 : i32 to index
          %get3A_1094 = arith.constant 224 : index
          %get3A_1095 = tpu.vector_load %arg6[%get3A_1091, %get3A_1092, %get3A_1093, %get3A_1094] {strides = array<i32>} : memref<2x28x8x256xf32, #tpu.memory_space<vmem>>, vector<16xf32>,
          %add3A_1096 = arith.addf %add3A_1087, %get3A_1095 : vector<16xf32>
          %add3A_1097 = arith.constant 20 : i32
          %add3A_1098 = arith.addi %add3A_1097, %select_n3A : i32
          %get3A_1099 = arith.constant 0 : i32
          %get3A_1100 = arith.index_cast %get3A_1099 : i32 to index
          %get3A_1101 = arith.index_cast %add3A_1098 : i32 to index
          %get3A_1102 = arith.index_cast %select_n3A_132 : i32 to index
          %get3A_1103 = arith.constant 224 : index
          %get3A_1104 = tpu.vector_load %arg6[%get3A_1100, %get3A_1101, %get3A_1102, %get3A_1103] {strides = array<i32>} : memref<2x28x8x256xf32, #tpu.memory_space<vmem>>, vector<16xf32>,
          %add3A_1105 = arith.addf %add3A_1096, %get3A_1104 : vector<16xf32>
          %add3A_1106 = arith.constant 24 : i32
          %add3A_1107 = arith.addi %add3A_1106, %select_n3A : i32
          %get3A_1108 = arith.constant 0 : i32
          %get3A_1109 = arith.index_cast %get3A_1108 : i32 to index
          %get3A_1110 = arith.index_cast %add3A_1107 : i32 to index
          %get3A_1111 = arith.index_cast %select_n3A_132 : i32 to index
          %get3A_1112 = arith.constant 224 : index
          %get3A_1113 = tpu.vector_load %arg6[%get3A_1109, %get3A_1110, %get3A_1111, %get3A_1112] {strides = array<i32>} : memref<2x28x8x256xf32, #tpu.memory_space<vmem>>, vector<16xf32>,
          %add3A_1114 = arith.addf %add3A_1105, %get3A_1113 : vector<16xf32>
          %mul3A_1115 = vector.broadcast %scan3A_12 : f32 to vector<16xf32>
          %mul3A_1116 = arith.mulf %add3A_1114, %mul3A_1115 : vector<16xf32>
          %swap3A_1117 = arith.index_cast %select_n3A : i32 to index
          %swap3A_1118 = arith.index_cast %select_n3A_132 : i32 to index
          %swap3A_1119 = arith.constant 224 : index
          %swap3A_1120 = tpu.vector_load %arg7[%swap3A_1117, %swap3A_1118, %swap3A_1119] {strides = array<i32>} : memref<4x8x256xf32, #tpu.memory_space<vmem>>, vector<16xf32>,
          tpu.vector_store %arg7[%swap3A_1117, %swap3A_1118, %swap3A_1119], %mul3A_1116 {strides = array<i32>} : memref<4x8x256xf32, #tpu.memory_space<vmem>>, vector<16xf32>,
          %get3A_1121 = arith.constant 0 : i32
          %get3A_1122 = arith.index_cast %get3A_1121 : i32 to index
          %get3A_1123 = arith.index_cast %select_n3A : i32 to index
          %get3A_1124 = arith.index_cast %select_n3A_132 : i32 to index
          %get3A_1125 = arith.constant 240 : index
          %get3A_1126 = tpu.vector_load %arg6[%get3A_1122, %get3A_1123, %get3A_1124, %get3A_1125] {strides = array<i32>} : memref<2x28x8x256xf32, #tpu.memory_space<vmem>>, vector<16xf32>,
          %add3A_1127 = arith.constant 4 : i32
          %add3A_1128 = arith.addi %add3A_1127, %select_n3A : i32
          %get3A_1129 = arith.constant 0 : i32
          %get3A_1130 = arith.index_cast %get3A_1129 : i32 to index
          %get3A_1131 = arith.index_cast %add3A_1128 : i32 to index
          %get3A_1132 = arith.index_cast %select_n3A_132 : i32 to index
          %get3A_1133 = arith.constant 240 : index
          %get3A_1134 = tpu.vector_load %arg6[%get3A_1130, %get3A_1131, %get3A_1132, %get3A_1133] {strides = array<i32>} : memref<2x28x8x256xf32, #tpu.memory_space<vmem>>, vector<16xf32>,
          %add3A_1135 = arith.addf %get3A_1126, %get3A_1134 : vector<16xf32>
          %add3A_1136 = arith.constant 8 : i32
          %add3A_1137 = arith.addi %add3A_1136, %select_n3A : i32
          %get3A_1138 = arith.constant 0 : i32
          %get3A_1139 = arith.index_cast %get3A_1138 : i32 to index
          %get3A_1140 = arith.index_cast %add3A_1137 : i32 to index
          %get3A_1141 = arith.index_cast %select_n3A_132 : i32 to index
          %get3A_1142 = arith.constant 240 : index
          %get3A_1143 = tpu.vector_load %arg6[%get3A_1139, %get3A_1140, %get3A_1141, %get3A_1142] {strides = array<i32>} : memref<2x28x8x256xf32, #tpu.memory_space<vmem>>, vector<16xf32>,
          %add3A_1144 = arith.addf %add3A_1135, %get3A_1143 : vector<16xf32>
          %add3A_1145 = arith.constant 12 : i32
          %add3A_1146 = arith.addi %add3A_1145, %select_n3A : i32
          %get3A_1147 = arith.constant 0 : i32
          %get3A_1148 = arith.index_cast %get3A_1147 : i32 to index
          %get3A_1149 = arith.index_cast %add3A_1146 : i32 to index
          %get3A_1150 = arith.index_cast %select_n3A_132 : i32 to index
          %get3A_1151 = arith.constant 240 : index
          %get3A_1152 = tpu.vector_load %arg6[%get3A_1148, %get3A_1149, %get3A_1150, %get3A_1151] {strides = array<i32>} : memref<2x28x8x256xf32, #tpu.memory_space<vmem>>, vector<16xf32>,
          %add3A_1153 = arith.addf %add3A_1144, %get3A_1152 : vector<16xf32>
          %add3A_1154 = arith.constant 16 : i32
          %add3A_1155 = arith.addi %add3A_1154, %select_n3A : i32
          %get3A_1156 = arith.constant 0 : i32
          %get3A_1157 = arith.index_cast %get3A_1156 : i32 to index
          %get3A_1158 = arith.index_cast %add3A_1155 : i32 to index
          %get3A_1159 = arith.index_cast %select_n3A_132 : i32 to index
          %get3A_1160 = arith.constant 240 : index
          %get3A_1161 = tpu.vector_load %arg6[%get3A_1157, %get3A_1158, %get3A_1159, %get3A_1160] {strides = array<i32>} : memref<2x28x8x256xf32, #tpu.memory_space<vmem>>, vector<16xf32>,
          %add3A_1162 = arith.addf %add3A_1153, %get3A_1161 : vector<16xf32>
          %add3A_1163 = arith.constant 20 : i32
          %add3A_1164 = arith.addi %add3A_1163, %select_n3A : i32
          %get3A_1165 = arith.constant 0 : i32
          %get3A_1166 = arith.index_cast %get3A_1165 : i32 to index
          %get3A_1167 = arith.index_cast %add3A_1164 : i32 to index
          %get3A_1168 = arith.index_cast %select_n3A_132 : i32 to index
          %get3A_1169 = arith.constant 240 : index
          %get3A_1170 = tpu.vector_load %arg6[%get3A_1166, %get3A_1167, %get3A_1168, %get3A_1169] {strides = array<i32>} : memref<2x28x8x256xf32, #tpu.memory_space<vmem>>, vector<16xf32>,
          %add3A_1171 = arith.addf %add3A_1162, %get3A_1170 : vector<16xf32>
          %add3A_1172 = arith.constant 24 : i32
          %add3A_1173 = arith.addi %add3A_1172, %select_n3A : i32
          %get3A_1174 = arith.constant 0 : i32
          %get3A_1175 = arith.index_cast %get3A_1174 : i32 to index
          %get3A_1176 = arith.index_cast %add3A_1173 : i32 to index
          %get3A_1177 = arith.index_cast %select_n3A_132 : i32 to index
          %get3A_1178 = arith.constant 240 : index
          %get3A_1179 = tpu.vector_load %arg6[%get3A_1175, %get3A_1176, %get3A_1177, %get3A_1178] {strides = array<i32>} : memref<2x28x8x256xf32, #tpu.memory_space<vmem>>, vector<16xf32>,
          %add3A_1180 = arith.addf %add3A_1171, %get3A_1179 : vector<16xf32>
          %mul3A_1181 = vector.broadcast %scan3A_12 : f32 to vector<16xf32>
          %mul3A_1182 = arith.mulf %add3A_1180, %mul3A_1181 : vector<16xf32>
          %swap3A_1183 = arith.index_cast %select_n3A : i32 to index
          %swap3A_1184 = arith.index_cast %select_n3A_132 : i32 to index
          %swap3A_1185 = arith.constant 240 : index
          %swap3A_1186 = tpu.vector_load %arg7[%swap3A_1183, %swap3A_1184, %swap3A_1185] {strides = array<i32>} : memref<4x8x256xf32, #tpu.memory_space<vmem>>, vector<16xf32>,
          tpu.vector_store %arg7[%swap3A_1183, %swap3A_1184, %swap3A_1185], %mul3A_1182 {strides = array<i32>} : memref<4x8x256xf32, #tpu.memory_space<vmem>>, vector<16xf32>,
        }
        %scan3A_91 = arith.constant 32 : i32
        %mul3A_92 = arith.constant 4 : i32
        %mul3A_93 = arith.muli %add3A_35, %mul3A_92 : i32
        %min3A = arith.constant 10238 : i32
        %min3A_94 = arith.minsi %mul3A_93, %min3A : i32
        %dma_start3A_95 = arith.constant 0 : i32
        %dma_start3A_96 = arith.constant 0 : i32
        %dma_start3A_97 = tpu.memref_slice %arg4[%min3A_94, %dma_start3A_95, %dma_start3A_96] : memref<10242x8x256xf32, #tpu.memory_space<hbm>> -> memref<4x8x256xf32, #tpu.memory_space<hbm>>
        %dma_start3A_98 = arith.constant 0 : i32
        %dma_start3A_99 = arith.constant 0 : i32
        %dma_start3A_100 = tpu.memref_slice %arg4[%min3A_94, %dma_start3A_98, %dma_start3A_99] : memref<10242x8x256xf32, #tpu.memory_space<hbm>> -> memref<4x8x256xf32, #tpu.memory_space<hbm>>
        tpu.enqueue_dma source(%arg7 : memref<4x8x256xf32, #tpu.memory_space<vmem>>) target(%dma_start3A_100 : memref<4x8x256xf32, #tpu.memory_space<hbm>>) target_semaphore(%arg9 : memref<!tpu.dma_semaphore, #tpu.memory_space<semaphore_mem>>)
      } else {
      }
      %mul3A_41 = arith.constant 2 : i32
      %mul3A_42 = arith.muli %mul3A_41, %scan3A_30 : i32
      %add3A_43 = arith.constant 1 : i32
      %add3A_44 = arith.addi %mul3A_42, %add3A_43 : i32
      %mul3A_45 = arith.constant 32 : i32
      %mul3A_46 = arith.muli %mul3A_45, %add3A_44 : i32
      %add3A_47 = arith.addi %add3A, %mul3A_46 : i32
      %lt3A_48 = arith.constant 2561 : i32
      %lt3A_49 = arith.cmpi slt, %add3A_47, %lt3A_48 : i32
      %convert_element_type3A_50 = arith.extui %lt3A_49 : i1 to i32
      %cond3A_51 = arith.constant 0 : i32
      %cond3A_52 = arith.cmpi ne, %convert_element_type3A_50, %cond3A_51 : i32
      scf.if %cond3A_52 {
        %add3A_53 = arith.constant 1 : i32
        %add3A_54 = arith.addi %add3A_44, %add3A_53 : i32
        %mul3A_55 = arith.constant 32 : i32
        %mul3A_56 = arith.muli %mul3A_55, %add3A_54 : i32
        %add3A_57 = arith.addi %add3A, %mul3A_56 : i32
        %lt3A_58 = arith.constant 2561 : i32
        %lt3A_59 = arith.cmpi slt, %add3A_57, %lt3A_58 : i32
        %convert_element_type3A_60 = arith.extui %lt3A_59 : i1 to i32
        %cond3A_61 = arith.constant 0 : i32
        %cond3A_62 = arith.cmpi ne, %convert_element_type3A_60, %cond3A_61 : i32
        scf.if %cond3A_62 {
          %add3A_101 = arith.constant 1 : i32
          %add3A_102 = arith.addi %add3A_44, %add3A_101 : i32
          %mul3A_103 = arith.constant 32 : i32
          %mul3A_104 = arith.muli %add3A_102, %mul3A_103 : i32
          %multiple_of3A_105 = tpu.assume_multiple %mul3A_104, 8 : i32
          %dma_start3A_106 = arith.constant 0 : i32
          %dma_start3A_107 = arith.constant 0 : i32
          %dma_start3A_108 = arith.constant 0 : i32
          %dma_start3A_109 = arith.constant 0 : i32
          %dma_start3A_110 = tpu.memref_slice %arg6[%dma_start3A_106, %dma_start3A_107, %dma_start3A_108, %dma_start3A_109] : memref<2x28x8x256xf32, #tpu.memory_space<vmem>> -> memref<1x28x8x256xf32, #tpu.memory_space<vmem>>
          %dma_start3A_111 = tpu.memref_squeeze %dma_start3A_110 : memref<1x28x8x256xf32, #tpu.memory_space<vmem>> -> memref<28x8x256xf32, #tpu.memory_space<vmem>>
          %dma_start3A_112 = tpu.memref_slice %arg5[%multiple_of3A_105] : memref<2592xi32, #tpu.memory_space<vmem>> -> memref<28xi32, #tpu.memory_space<vmem>>
          %dma_start3A_113 = arith.constant 0 : i32
          %dma_start3A_114 = arith.constant 0 : i32
          %dma_start3A_115 = arith.constant 0 : i32
          %dma_start3A_116 = tpu.memref_slice %arg2[%dma_start3A_113, %dma_start3A_114, %dma_start3A_115] : memref<40962x8x256xf32, #tpu.memory_space<hbm>> -> memref<40962x8x256xf32, #tpu.memory_space<hbm>>
          tpu.enqueue_indirect_dma source(%dma_start3A_116 : memref<40962x8x256xf32, #tpu.memory_space<hbm>>) target(%dma_start3A_111 : memref<28x8x256xf32, #tpu.memory_space<vmem>>) offsets(%dma_start3A_112 : memref<28xi32, #tpu.memory_space<vmem>>) semaphore(%arg8 : memref<!tpu.dma_semaphore, #tpu.memory_space<semaphore_mem>>)
        } else {
        }
        %dma_wait3A_63 = arith.constant 0 : i32
        %dma_wait3A_64 = arith.constant 0 : i32
        %dma_wait3A_65 = arith.constant 0 : i32
        %dma_wait3A_66 = arith.constant 0 : i32
        %dma_wait3A_67 = tpu.memref_slice %arg6[%dma_wait3A_63, %dma_wait3A_64, %dma_wait3A_65, %dma_wait3A_66] : memref<2x28x8x256xf32, #tpu.memory_space<vmem>> -> memref<1x28x8x256xf32, #tpu.memory_space<vmem>>
        %dma_wait3A_68 = tpu.memref_squeeze %dma_wait3A_67 : memref<1x28x8x256xf32, #tpu.memory_space<vmem>> -> memref<28x8x256xf32, #tpu.memory_space<vmem>>
        %dma_wait3A_69 = arith.constant 0 : i32
        %dma_wait3A_70 = arith.constant 0 : i32
        %dma_wait3A_71 = arith.constant 0 : i32
        %dma_wait3A_72 = tpu.memref_slice %arg2[%dma_wait3A_69, %dma_wait3A_70, %dma_wait3A_71] : memref<40962x8x256xf32, #tpu.memory_space<hbm>> -> memref<28x8x256xf32, #tpu.memory_space<hbm>>
        %dma_wait3A_73 = arith.constant 0 : i32
        %dma_wait3A_74 = arith.constant 0 : i32
        %dma_wait3A_75 = arith.constant 0 : i32
        %dma_wait3A_76 = tpu.memref_slice %arg6[%dma_wait3A_63, %dma_wait3A_73, %dma_wait3A_74, %dma_wait3A_75] : memref<2x28x8x256xf32, #tpu.memory_space<vmem>> -> memref<1x28x8x256xf32, #tpu.memory_space<vmem>>
        %dma_wait3A_77 = tpu.memref_squeeze %dma_wait3A_76 : memref<1x28x8x256xf32, #tpu.memory_space<vmem>> -> memref<28x8x256xf32, #tpu.memory_space<vmem>>
        %dma_wait3A_78 = arith.constant 0 : i32
        %dma_wait3A_79 = arith.constant 0 : i32
        %dma_wait3A_80 = arith.constant 0 : i32
        %dma_wait3A_81 = tpu.memref_slice %arg2[%dma_wait3A_78, %dma_wait3A_79, %dma_wait3A_80] : memref<40962x8x256xf32, #tpu.memory_space<hbm>> -> memref<28x8x256xf32, #tpu.memory_space<hbm>>
        tpu.wait_dma2 semaphore(%arg8 : memref<!tpu.dma_semaphore, #tpu.memory_space<semaphore_mem>>) src(%dma_wait3A_81 : memref<28x8x256xf32, #tpu.memory_space<hbm>>) dst(%dma_wait3A_77 : memref<28x8x256xf32, #tpu.memory_space<vmem>>)
        %gt3A = arith.constant 0 : i32
        %gt3A_82 = arith.cmpi sgt, %add3A_44, %gt3A : i32
        %convert_element_type3A_83 = arith.extui %gt3A_82 : i1 to i32
        %cond3A_84 = arith.constant 0 : i32
        %cond3A_85 = arith.cmpi ne, %convert_element_type3A_83, %cond3A_84 : i32
        scf.if %cond3A_85 {
          %dma_wait3A_101 = arith.constant 0 : i32
          %dma_wait3A_102 = arith.constant 0 : i32
          %dma_wait3A_103 = arith.constant 0 : i32
          %dma_wait3A_104 = tpu.memref_slice %arg4[%dma_wait3A_101, %dma_wait3A_102, %dma_wait3A_103] : memref<10242x8x256xf32, #tpu.memory_space<hbm>> -> memref<4x8x256xf32, #tpu.memory_space<hbm>>
          %dma_wait3A_105 = arith.constant 0 : i32
          %dma_wait3A_106 = arith.constant 0 : i32
          %dma_wait3A_107 = arith.constant 0 : i32
          %dma_wait3A_108 = tpu.memref_slice %arg4[%dma_wait3A_105, %dma_wait3A_106, %dma_wait3A_107] : memref<10242x8x256xf32, #tpu.memory_space<hbm>> -> memref<4x8x256xf32, #tpu.memory_space<hbm>>
          tpu.wait_dma2 semaphore(%arg9 : memref<!tpu.dma_semaphore, #tpu.memory_space<semaphore_mem>>) src(%arg7 : memref<4x8x256xf32, #tpu.memory_space<vmem>>) dst(%dma_wait3A_108 : memref<4x8x256xf32, #tpu.memory_space<hbm>>)
        } else {
        }
        %scan3A_86 = arith.constant 0 : i32
        %scan3A_87 = arith.constant 0 : i32
        %scan3A_88 = arith.constant 32 : i32
        %scan3A_89 = arith.addi %scan3A_87, %scan3A_88 : i32
        %scan3A_90 = arith.constant 1 : i32
        scf.for %scan3A_101 = %scan3A_87 to %scan3A_89 step %scan3A_90  : i32 {
          %jit3A = arith.constant 8 : i32
          %div3A = arith.divsi %scan3A_101, %jit3A : i32
          %sign3A = arith.constant 0 : i32
          %sign3A_102 = arith.cmpi sgt, %scan3A_101, %sign3A : i32
          %sign3A_103 = arith.extui %sign3A_102 : i1 to i32
          %sign3A_104 = arith.constant 0 : i32
          %sign3A_105 = arith.cmpi slt, %scan3A_101, %sign3A_104 : i32
          %sign3A_106 = arith.extui %sign3A_105 : i1 to i32
          %sign3A_107 = arith.subi %sign3A_103, %sign3A_106 : i32
          %sign3A_108 = arith.constant 0 : i32
          %sign3A_109 = arith.cmpi sgt, %jit3A, %sign3A_108 : i32
          %sign3A_110 = arith.extui %sign3A_109 : i1 to i32
          %sign3A_111 = arith.constant 0 : i32
          %sign3A_112 = arith.cmpi slt, %jit3A, %sign3A_111 : i32
          %sign3A_113 = arith.extui %sign3A_112 : i1 to i32
          %sign3A_114 = arith.subi %sign3A_110, %sign3A_113 : i32
          %ne3A = arith.cmpi ne, %sign3A_107, %sign3A_114 : i32
          %rem3A = arith.remsi %scan3A_101, %jit3A : i32
          %ne3A_115 = arith.constant 0 : i32
          %ne3A_116 = arith.cmpi ne, %rem3A, %ne3A_115 : i32
          %and3A = arith.andi %ne3A, %ne3A_116 : i1
          %sub3A = arith.constant 1 : i32
          %sub3A_117 = arith.subi %div3A, %sub3A : i32
          %select_n3A = arith.select %and3A, %sub3A_117, %div3A : i32
          %jit3A_118 = arith.constant 8 : i32
          %eq3A = arith.constant 0 : i32
          %eq3A_119 = arith.cmpi eq, %jit3A_118, %eq3A : i32
          %jit3A_120 = arith.constant 1 : i32
          %select_n3A_121 = arith.select %eq3A_119, %jit3A_120, %jit3A_118 : i32
          %rem3A_122 = arith.remsi %scan3A_101, %select_n3A_121 : i32
          %ne3A_123 = arith.constant 0 : i32
          %ne3A_124 = arith.cmpi ne, %rem3A_122, %ne3A_123 : i32
          %lt3A_125 = arith.constant 0 : i32
          %lt3A_126 = arith.cmpi slt, %rem3A_122, %lt3A_125 : i32
          %lt3A_127 = arith.constant 0 : i32
          %lt3A_128 = arith.cmpi slt, %select_n3A_121, %lt3A_127 : i32
          %ne3A_129 = arith.xori %lt3A_126, %lt3A_128 : i1
          %and3A_130 = arith.andi %ne3A_129, %ne3A_124 : i1
          %add3A_131 = arith.addi %rem3A_122, %select_n3A_121 : i32
          %select_n3A_132 = arith.select %and3A_130, %add3A_131, %rem3A_122 : i32
          %get3A = arith.constant 1 : i32
          %get3A_133 = arith.index_cast %get3A : i32 to index
          %get3A_134 = arith.index_cast %select_n3A : i32 to index
          %get3A_135 = arith.index_cast %select_n3A_132 : i32 to index
          %get3A_136 = arith.constant 0 : index
          %get3A_137 = tpu.vector_load %arg6[%get3A_133, %get3A_134, %get3A_135, %get3A_136] {strides = array<i32>} : memref<2x28x8x256xf32, #tpu.memory_space<vmem>>, vector<16xf32>,
          %add3A_138 = arith.constant 4 : i32
          %add3A_139 = arith.addi %add3A_138, %select_n3A : i32
          %get3A_140 = arith.constant 1 : i32
          %get3A_141 = arith.index_cast %get3A_140 : i32 to index
          %get3A_142 = arith.index_cast %add3A_139 : i32 to index
          %get3A_143 = arith.index_cast %select_n3A_132 : i32 to index
          %get3A_144 = arith.constant 0 : index
          %get3A_145 = tpu.vector_load %arg6[%get3A_141, %get3A_142, %get3A_143, %get3A_144] {strides = array<i32>} : memref<2x28x8x256xf32, #tpu.memory_space<vmem>>, vector<16xf32>,
          %add3A_146 = arith.addf %get3A_137, %get3A_145 : vector<16xf32>
          %add3A_147 = arith.constant 8 : i32
          %add3A_148 = arith.addi %add3A_147, %select_n3A : i32
          %get3A_149 = arith.constant 1 : i32
          %get3A_150 = arith.index_cast %get3A_149 : i32 to index
          %get3A_151 = arith.index_cast %add3A_148 : i32 to index
          %get3A_152 = arith.index_cast %select_n3A_132 : i32 to index
          %get3A_153 = arith.constant 0 : index
          %get3A_154 = tpu.vector_load %arg6[%get3A_150, %get3A_151, %get3A_152, %get3A_153] {strides = array<i32>} : memref<2x28x8x256xf32, #tpu.memory_space<vmem>>, vector<16xf32>,
          %add3A_155 = arith.addf %add3A_146, %get3A_154 : vector<16xf32>
          %add3A_156 = arith.constant 12 : i32
          %add3A_157 = arith.addi %add3A_156, %select_n3A : i32
          %get3A_158 = arith.constant 1 : i32
          %get3A_159 = arith.index_cast %get3A_158 : i32 to index
          %get3A_160 = arith.index_cast %add3A_157 : i32 to index
          %get3A_161 = arith.index_cast %select_n3A_132 : i32 to index
          %get3A_162 = arith.constant 0 : index
          %get3A_163 = tpu.vector_load %arg6[%get3A_159, %get3A_160, %get3A_161, %get3A_162] {strides = array<i32>} : memref<2x28x8x256xf32, #tpu.memory_space<vmem>>, vector<16xf32>,
          %add3A_164 = arith.addf %add3A_155, %get3A_163 : vector<16xf32>
          %add3A_165 = arith.constant 16 : i32
          %add3A_166 = arith.addi %add3A_165, %select_n3A : i32
          %get3A_167 = arith.constant 1 : i32
          %get3A_168 = arith.index_cast %get3A_167 : i32 to index
          %get3A_169 = arith.index_cast %add3A_166 : i32 to index
          %get3A_170 = arith.index_cast %select_n3A_132 : i32 to index
          %get3A_171 = arith.constant 0 : index
          %get3A_172 = tpu.vector_load %arg6[%get3A_168, %get3A_169, %get3A_170, %get3A_171] {strides = array<i32>} : memref<2x28x8x256xf32, #tpu.memory_space<vmem>>, vector<16xf32>,
          %add3A_173 = arith.addf %add3A_164, %get3A_172 : vector<16xf32>
          %add3A_174 = arith.constant 20 : i32
          %add3A_175 = arith.addi %add3A_174, %select_n3A : i32
          %get3A_176 = arith.constant 1 : i32
          %get3A_177 = arith.index_cast %get3A_176 : i32 to index
          %get3A_178 = arith.index_cast %add3A_175 : i32 to index
          %get3A_179 = arith.index_cast %select_n3A_132 : i32 to index
          %get3A_180 = arith.constant 0 : index
          %get3A_181 = tpu.vector_load %arg6[%get3A_177, %get3A_178, %get3A_179, %get3A_180] {strides = array<i32>} : memref<2x28x8x256xf32, #tpu.memory_space<vmem>>, vector<16xf32>,
          %add3A_182 = arith.addf %add3A_173, %get3A_181 : vector<16xf32>
          %add3A_183 = arith.constant 24 : i32
          %add3A_184 = arith.addi %add3A_183, %select_n3A : i32
          %get3A_185 = arith.constant 1 : i32
          %get3A_186 = arith.index_cast %get3A_185 : i32 to index
          %get3A_187 = arith.index_cast %add3A_184 : i32 to index
          %get3A_188 = arith.index_cast %select_n3A_132 : i32 to index
          %get3A_189 = arith.constant 0 : index
          %get3A_190 = tpu.vector_load %arg6[%get3A_186, %get3A_187, %get3A_188, %get3A_189] {strides = array<i32>} : memref<2x28x8x256xf32, #tpu.memory_space<vmem>>, vector<16xf32>,
          %add3A_191 = arith.addf %add3A_182, %get3A_190 : vector<16xf32>
          %mul3A_192 = vector.broadcast %scan3A_12 : f32 to vector<16xf32>
          %mul3A_193 = arith.mulf %add3A_191, %mul3A_192 : vector<16xf32>
          %swap3A = arith.index_cast %select_n3A : i32 to index
          %swap3A_194 = arith.index_cast %select_n3A_132 : i32 to index
          %swap3A_195 = arith.constant 0 : index
          %swap3A_196 = tpu.vector_load %arg7[%swap3A, %swap3A_194, %swap3A_195] {strides = array<i32>} : memref<4x8x256xf32, #tpu.memory_space<vmem>>, vector<16xf32>,
          tpu.vector_store %arg7[%swap3A, %swap3A_194, %swap3A_195], %mul3A_193 {strides = array<i32>} : memref<4x8x256xf32, #tpu.memory_space<vmem>>, vector<16xf32>,
          %get3A_197 = arith.constant 1 : i32
          %get3A_198 = arith.index_cast %get3A_197 : i32 to index
          %get3A_199 = arith.index_cast %select_n3A : i32 to index
          %get3A_200 = arith.index_cast %select_n3A_132 : i32 to index
          %get3A_201 = arith.constant 16 : index
          %get3A_202 = tpu.vector_load %arg6[%get3A_198, %get3A_199, %get3A_200, %get3A_201] {strides = array<i32>} : memref<2x28x8x256xf32, #tpu.memory_space<vmem>>, vector<16xf32>,
          %add3A_203 = arith.constant 4 : i32
          %add3A_204 = arith.addi %add3A_203, %select_n3A : i32
          %get3A_205 = arith.constant 1 : i32
          %get3A_206 = arith.index_cast %get3A_205 : i32 to index
          %get3A_207 = arith.index_cast %add3A_204 : i32 to index
          %get3A_208 = arith.index_cast %select_n3A_132 : i32 to index
          %get3A_209 = arith.constant 16 : index
          %get3A_210 = tpu.vector_load %arg6[%get3A_206, %get3A_207, %get3A_208, %get3A_209] {strides = array<i32>} : memref<2x28x8x256xf32, #tpu.memory_space<vmem>>, vector<16xf32>,
          %add3A_211 = arith.addf %get3A_202, %get3A_210 : vector<16xf32>
          %add3A_212 = arith.constant 8 : i32
          %add3A_213 = arith.addi %add3A_212, %select_n3A : i32
          %get3A_214 = arith.constant 1 : i32
          %get3A_215 = arith.index_cast %get3A_214 : i32 to index
          %get3A_216 = arith.index_cast %add3A_213 : i32 to index
          %get3A_217 = arith.index_cast %select_n3A_132 : i32 to index
          %get3A_218 = arith.constant 16 : index
          %get3A_219 = tpu.vector_load %arg6[%get3A_215, %get3A_216, %get3A_217, %get3A_218] {strides = array<i32>} : memref<2x28x8x256xf32, #tpu.memory_space<vmem>>, vector<16xf32>,
          %add3A_220 = arith.addf %add3A_211, %get3A_219 : vector<16xf32>
          %add3A_221 = arith.constant 12 : i32
          %add3A_222 = arith.addi %add3A_221, %select_n3A : i32
          %get3A_223 = arith.constant 1 : i32
          %get3A_224 = arith.index_cast %get3A_223 : i32 to index
          %get3A_225 = arith.index_cast %add3A_222 : i32 to index
          %get3A_226 = arith.index_cast %select_n3A_132 : i32 to index
          %get3A_227 = arith.constant 16 : index
          %get3A_228 = tpu.vector_load %arg6[%get3A_224, %get3A_225, %get3A_226, %get3A_227] {strides = array<i32>} : memref<2x28x8x256xf32, #tpu.memory_space<vmem>>, vector<16xf32>,
          %add3A_229 = arith.addf %add3A_220, %get3A_228 : vector<16xf32>
          %add3A_230 = arith.constant 16 : i32
          %add3A_231 = arith.addi %add3A_230, %select_n3A : i32
          %get3A_232 = arith.constant 1 : i32
          %get3A_233 = arith.index_cast %get3A_232 : i32 to index
          %get3A_234 = arith.index_cast %add3A_231 : i32 to index
          %get3A_235 = arith.index_cast %select_n3A_132 : i32 to index
          %get3A_236 = arith.constant 16 : index
          %get3A_237 = tpu.vector_load %arg6[%get3A_233, %get3A_234, %get3A_235, %get3A_236] {strides = array<i32>} : memref<2x28x8x256xf32, #tpu.memory_space<vmem>>, vector<16xf32>,
          %add3A_238 = arith.addf %add3A_229, %get3A_237 : vector<16xf32>
          %add3A_239 = arith.constant 20 : i32
          %add3A_240 = arith.addi %add3A_239, %select_n3A : i32
          %get3A_241 = arith.constant 1 : i32
          %get3A_242 = arith.index_cast %get3A_241 : i32 to index
          %get3A_243 = arith.index_cast %add3A_240 : i32 to index
          %get3A_244 = arith.index_cast %select_n3A_132 : i32 to index
          %get3A_245 = arith.constant 16 : index
          %get3A_246 = tpu.vector_load %arg6[%get3A_242, %get3A_243, %get3A_244, %get3A_245] {strides = array<i32>} : memref<2x28x8x256xf32, #tpu.memory_space<vmem>>, vector<16xf32>,
          %add3A_247 = arith.addf %add3A_238, %get3A_246 : vector<16xf32>
          %add3A_248 = arith.constant 24 : i32
          %add3A_249 = arith.addi %add3A_248, %select_n3A : i32
          %get3A_250 = arith.constant 1 : i32
          %get3A_251 = arith.index_cast %get3A_250 : i32 to index
          %get3A_252 = arith.index_cast %add3A_249 : i32 to index
          %get3A_253 = arith.index_cast %select_n3A_132 : i32 to index
          %get3A_254 = arith.constant 16 : index
          %get3A_255 = tpu.vector_load %arg6[%get3A_251, %get3A_252, %get3A_253, %get3A_254] {strides = array<i32>} : memref<2x28x8x256xf32, #tpu.memory_space<vmem>>, vector<16xf32>,
          %add3A_256 = arith.addf %add3A_247, %get3A_255 : vector<16xf32>
          %mul3A_257 = vector.broadcast %scan3A_12 : f32 to vector<16xf32>
          %mul3A_258 = arith.mulf %add3A_256, %mul3A_257 : vector<16xf32>
          %swap3A_259 = arith.index_cast %select_n3A : i32 to index
          %swap3A_260 = arith.index_cast %select_n3A_132 : i32 to index
          %swap3A_261 = arith.constant 16 : index
          %swap3A_262 = tpu.vector_load %arg7[%swap3A_259, %swap3A_260, %swap3A_261] {strides = array<i32>} : memref<4x8x256xf32, #tpu.memory_space<vmem>>, vector<16xf32>,
          tpu.vector_store %arg7[%swap3A_259, %swap3A_260, %swap3A_261], %mul3A_258 {strides = array<i32>} : memref<4x8x256xf32, #tpu.memory_space<vmem>>, vector<16xf32>,
          %get3A_263 = arith.constant 1 : i32
          %get3A_264 = arith.index_cast %get3A_263 : i32 to index
          %get3A_265 = arith.index_cast %select_n3A : i32 to index
          %get3A_266 = arith.index_cast %select_n3A_132 : i32 to index
          %get3A_267 = arith.constant 32 : index
          %get3A_268 = tpu.vector_load %arg6[%get3A_264, %get3A_265, %get3A_266, %get3A_267] {strides = array<i32>} : memref<2x28x8x256xf32, #tpu.memory_space<vmem>>, vector<16xf32>,
          %add3A_269 = arith.constant 4 : i32
          %add3A_270 = arith.addi %add3A_269, %select_n3A : i32
          %get3A_271 = arith.constant 1 : i32
          %get3A_272 = arith.index_cast %get3A_271 : i32 to index
          %get3A_273 = arith.index_cast %add3A_270 : i32 to index
          %get3A_274 = arith.index_cast %select_n3A_132 : i32 to index
          %get3A_275 = arith.constant 32 : index
          %get3A_276 = tpu.vector_load %arg6[%get3A_272, %get3A_273, %get3A_274, %get3A_275] {strides = array<i32>} : memref<2x28x8x256xf32, #tpu.memory_space<vmem>>, vector<16xf32>,
          %add3A_277 = arith.addf %get3A_268, %get3A_276 : vector<16xf32>
          %add3A_278 = arith.constant 8 : i32
          %add3A_279 = arith.addi %add3A_278, %select_n3A : i32
          %get3A_280 = arith.constant 1 : i32
          %get3A_281 = arith.index_cast %get3A_280 : i32 to index
          %get3A_282 = arith.index_cast %add3A_279 : i32 to index
          %get3A_283 = arith.index_cast %select_n3A_132 : i32 to index
          %get3A_284 = arith.constant 32 : index
          %get3A_285 = tpu.vector_load %arg6[%get3A_281, %get3A_282, %get3A_283, %get3A_284] {strides = array<i32>} : memref<2x28x8x256xf32, #tpu.memory_space<vmem>>, vector<16xf32>,
          %add3A_286 = arith.addf %add3A_277, %get3A_285 : vector<16xf32>
          %add3A_287 = arith.constant 12 : i32
          %add3A_288 = arith.addi %add3A_287, %select_n3A : i32
          %get3A_289 = arith.constant 1 : i32
          %get3A_290 = arith.index_cast %get3A_289 : i32 to index
          %get3A_291 = arith.index_cast %add3A_288 : i32 to index
          %get3A_292 = arith.index_cast %select_n3A_132 : i32 to index
          %get3A_293 = arith.constant 32 : index
          %get3A_294 = tpu.vector_load %arg6[%get3A_290, %get3A_291, %get3A_292, %get3A_293] {strides = array<i32>} : memref<2x28x8x256xf32, #tpu.memory_space<vmem>>, vector<16xf32>,
          %add3A_295 = arith.addf %add3A_286, %get3A_294 : vector<16xf32>
          %add3A_296 = arith.constant 16 : i32
          %add3A_297 = arith.addi %add3A_296, %select_n3A : i32
          %get3A_298 = arith.constant 1 : i32
          %get3A_299 = arith.index_cast %get3A_298 : i32 to index
          %get3A_300 = arith.index_cast %add3A_297 : i32 to index
          %get3A_301 = arith.index_cast %select_n3A_132 : i32 to index
          %get3A_302 = arith.constant 32 : index
          %get3A_303 = tpu.vector_load %arg6[%get3A_299, %get3A_300, %get3A_301, %get3A_302] {strides = array<i32>} : memref<2x28x8x256xf32, #tpu.memory_space<vmem>>, vector<16xf32>,
          %add3A_304 = arith.addf %add3A_295, %get3A_303 : vector<16xf32>
          %add3A_305 = arith.constant 20 : i32
          %add3A_306 = arith.addi %add3A_305, %select_n3A : i32
          %get3A_307 = arith.constant 1 : i32
          %get3A_308 = arith.index_cast %get3A_307 : i32 to index
          %get3A_309 = arith.index_cast %add3A_306 : i32 to index
          %get3A_310 = arith.index_cast %select_n3A_132 : i32 to index
          %get3A_311 = arith.constant 32 : index
          %get3A_312 = tpu.vector_load %arg6[%get3A_308, %get3A_309, %get3A_310, %get3A_311] {strides = array<i32>} : memref<2x28x8x256xf32, #tpu.memory_space<vmem>>, vector<16xf32>,
          %add3A_313 = arith.addf %add3A_304, %get3A_312 : vector<16xf32>
          %add3A_314 = arith.constant 24 : i32
          %add3A_315 = arith.addi %add3A_314, %select_n3A : i32
          %get3A_316 = arith.constant 1 : i32
          %get3A_317 = arith.index_cast %get3A_316 : i32 to index
          %get3A_318 = arith.index_cast %add3A_315 : i32 to index
          %get3A_319 = arith.index_cast %select_n3A_132 : i32 to index
          %get3A_320 = arith.constant 32 : index
          %get3A_321 = tpu.vector_load %arg6[%get3A_317, %get3A_318, %get3A_319, %get3A_320] {strides = array<i32>} : memref<2x28x8x256xf32, #tpu.memory_space<vmem>>, vector<16xf32>,
          %add3A_322 = arith.addf %add3A_313, %get3A_321 : vector<16xf32>
          %mul3A_323 = vector.broadcast %scan3A_12 : f32 to vector<16xf32>
          %mul3A_324 = arith.mulf %add3A_322, %mul3A_323 : vector<16xf32>
          %swap3A_325 = arith.index_cast %select_n3A : i32 to index
          %swap3A_326 = arith.index_cast %select_n3A_132 : i32 to index
          %swap3A_327 = arith.constant 32 : index
          %swap3A_328 = tpu.vector_load %arg7[%swap3A_325, %swap3A_326, %swap3A_327] {strides = array<i32>} : memref<4x8x256xf32, #tpu.memory_space<vmem>>, vector<16xf32>,
          tpu.vector_store %arg7[%swap3A_325, %swap3A_326, %swap3A_327], %mul3A_324 {strides = array<i32>} : memref<4x8x256xf32, #tpu.memory_space<vmem>>, vector<16xf32>,
          %get3A_329 = arith.constant 1 : i32
          %get3A_330 = arith.index_cast %get3A_329 : i32 to index
          %get3A_331 = arith.index_cast %select_n3A : i32 to index
          %get3A_332 = arith.index_cast %select_n3A_132 : i32 to index
          %get3A_333 = arith.constant 48 : index
          %get3A_334 = tpu.vector_load %arg6[%get3A_330, %get3A_331, %get3A_332, %get3A_333] {strides = array<i32>} : memref<2x28x8x256xf32, #tpu.memory_space<vmem>>, vector<16xf32>,
          %add3A_335 = arith.constant 4 : i32
          %add3A_336 = arith.addi %add3A_335, %select_n3A : i32
          %get3A_337 = arith.constant 1 : i32
          %get3A_338 = arith.index_cast %get3A_337 : i32 to index
          %get3A_339 = arith.index_cast %add3A_336 : i32 to index
          %get3A_340 = arith.index_cast %select_n3A_132 : i32 to index
          %get3A_341 = arith.constant 48 : index
          %get3A_342 = tpu.vector_load %arg6[%get3A_338, %get3A_339, %get3A_340, %get3A_341] {strides = array<i32>} : memref<2x28x8x256xf32, #tpu.memory_space<vmem>>, vector<16xf32>,
          %add3A_343 = arith.addf %get3A_334, %get3A_342 : vector<16xf32>
          %add3A_344 = arith.constant 8 : i32
          %add3A_345 = arith.addi %add3A_344, %select_n3A : i32
          %get3A_346 = arith.constant 1 : i32
          %get3A_347 = arith.index_cast %get3A_346 : i32 to index
          %get3A_348 = arith.index_cast %add3A_345 : i32 to index
          %get3A_349 = arith.index_cast %select_n3A_132 : i32 to index
          %get3A_350 = arith.constant 48 : index
          %get3A_351 = tpu.vector_load %arg6[%get3A_347, %get3A_348, %get3A_349, %get3A_350] {strides = array<i32>} : memref<2x28x8x256xf32, #tpu.memory_space<vmem>>, vector<16xf32>,
          %add3A_352 = arith.addf %add3A_343, %get3A_351 : vector<16xf32>
          %add3A_353 = arith.constant 12 : i32
          %add3A_354 = arith.addi %add3A_353, %select_n3A : i32
          %get3A_355 = arith.constant 1 : i32
          %get3A_356 = arith.index_cast %get3A_355 : i32 to index
          %get3A_357 = arith.index_cast %add3A_354 : i32 to index
          %get3A_358 = arith.index_cast %select_n3A_132 : i32 to index
          %get3A_359 = arith.constant 48 : index
          %get3A_360 = tpu.vector_load %arg6[%get3A_356, %get3A_357, %get3A_358, %get3A_359] {strides = array<i32>} : memref<2x28x8x256xf32, #tpu.memory_space<vmem>>, vector<16xf32>,
          %add3A_361 = arith.addf %add3A_352, %get3A_360 : vector<16xf32>
          %add3A_362 = arith.constant 16 : i32
          %add3A_363 = arith.addi %add3A_362, %select_n3A : i32
          %get3A_364 = arith.constant 1 : i32
          %get3A_365 = arith.index_cast %get3A_364 : i32 to index
          %get3A_366 = arith.index_cast %add3A_363 : i32 to index
          %get3A_367 = arith.index_cast %select_n3A_132 : i32 to index
          %get3A_368 = arith.constant 48 : index
          %get3A_369 = tpu.vector_load %arg6[%get3A_365, %get3A_366, %get3A_367, %get3A_368] {strides = array<i32>} : memref<2x28x8x256xf32, #tpu.memory_space<vmem>>, vector<16xf32>,
          %add3A_370 = arith.addf %add3A_361, %get3A_369 : vector<16xf32>
          %add3A_371 = arith.constant 20 : i32
          %add3A_372 = arith.addi %add3A_371, %select_n3A : i32
          %get3A_373 = arith.constant 1 : i32
          %get3A_374 = arith.index_cast %get3A_373 : i32 to index
          %get3A_375 = arith.index_cast %add3A_372 : i32 to index
          %get3A_376 = arith.index_cast %select_n3A_132 : i32 to index
          %get3A_377 = arith.constant 48 : index
          %get3A_378 = tpu.vector_load %arg6[%get3A_374, %get3A_375, %get3A_376, %get3A_377] {strides = array<i32>} : memref<2x28x8x256xf32, #tpu.memory_space<vmem>>, vector<16xf32>,
          %add3A_379 = arith.addf %add3A_370, %get3A_378 : vector<16xf32>
          %add3A_380 = arith.constant 24 : i32
          %add3A_381 = arith.addi %add3A_380, %select_n3A : i32
          %get3A_382 = arith.constant 1 : i32
          %get3A_383 = arith.index_cast %get3A_382 : i32 to index
          %get3A_384 = arith.index_cast %add3A_381 : i32 to index
          %get3A_385 = arith.index_cast %select_n3A_132 : i32 to index
          %get3A_386 = arith.constant 48 : index
          %get3A_387 = tpu.vector_load %arg6[%get3A_383, %get3A_384, %get3A_385, %get3A_386] {strides = array<i32>} : memref<2x28x8x256xf32, #tpu.memory_space<vmem>>, vector<16xf32>,
          %add3A_388 = arith.addf %add3A_379, %get3A_387 : vector<16xf32>
          %mul3A_389 = vector.broadcast %scan3A_12 : f32 to vector<16xf32>
          %mul3A_390 = arith.mulf %add3A_388, %mul3A_389 : vector<16xf32>
          %swap3A_391 = arith.index_cast %select_n3A : i32 to index
          %swap3A_392 = arith.index_cast %select_n3A_132 : i32 to index
          %swap3A_393 = arith.constant 48 : index
          %swap3A_394 = tpu.vector_load %arg7[%swap3A_391, %swap3A_392, %swap3A_393] {strides = array<i32>} : memref<4x8x256xf32, #tpu.memory_space<vmem>>, vector<16xf32>,
          tpu.vector_store %arg7[%swap3A_391, %swap3A_392, %swap3A_393], %mul3A_390 {strides = array<i32>} : memref<4x8x256xf32, #tpu.memory_space<vmem>>, vector<16xf32>,
          %get3A_395 = arith.constant 1 : i32
          %get3A_396 = arith.index_cast %get3A_395 : i32 to index
          %get3A_397 = arith.index_cast %select_n3A : i32 to index
          %get3A_398 = arith.index_cast %select_n3A_132 : i32 to index
          %get3A_399 = arith.constant 64 : index
          %get3A_400 = tpu.vector_load %arg6[%get3A_396, %get3A_397, %get3A_398, %get3A_399] {strides = array<i32>} : memref<2x28x8x256xf32, #tpu.memory_space<vmem>>, vector<16xf32>,
          %add3A_401 = arith.constant 4 : i32
          %add3A_402 = arith.addi %add3A_401, %select_n3A : i32
          %get3A_403 = arith.constant 1 : i32
          %get3A_404 = arith.index_cast %get3A_403 : i32 to index
          %get3A_405 = arith.index_cast %add3A_402 : i32 to index
          %get3A_406 = arith.index_cast %select_n3A_132 : i32 to index
          %get3A_407 = arith.constant 64 : index
          %get3A_408 = tpu.vector_load %arg6[%get3A_404, %get3A_405, %get3A_406, %get3A_407] {strides = array<i32>} : memref<2x28x8x256xf32, #tpu.memory_space<vmem>>, vector<16xf32>,
          %add3A_409 = arith.addf %get3A_400, %get3A_408 : vector<16xf32>
          %add3A_410 = arith.constant 8 : i32
          %add3A_411 = arith.addi %add3A_410, %select_n3A : i32
          %get3A_412 = arith.constant 1 : i32
          %get3A_413 = arith.index_cast %get3A_412 : i32 to index
          %get3A_414 = arith.index_cast %add3A_411 : i32 to index
          %get3A_415 = arith.index_cast %select_n3A_132 : i32 to index
          %get3A_416 = arith.constant 64 : index
          %get3A_417 = tpu.vector_load %arg6[%get3A_413, %get3A_414, %get3A_415, %get3A_416] {strides = array<i32>} : memref<2x28x8x256xf32, #tpu.memory_space<vmem>>, vector<16xf32>,
          %add3A_418 = arith.addf %add3A_409, %get3A_417 : vector<16xf32>
          %add3A_419 = arith.constant 12 : i32
          %add3A_420 = arith.addi %add3A_419, %select_n3A : i32
          %get3A_421 = arith.constant 1 : i32
          %get3A_422 = arith.index_cast %get3A_421 : i32 to index
          %get3A_423 = arith.index_cast %add3A_420 : i32 to index
          %get3A_424 = arith.index_cast %select_n3A_132 : i32 to index
          %get3A_425 = arith.constant 64 : index
          %get3A_426 = tpu.vector_load %arg6[%get3A_422, %get3A_423, %get3A_424, %get3A_425] {strides = array<i32>} : memref<2x28x8x256xf32, #tpu.memory_space<vmem>>, vector<16xf32>,
          %add3A_427 = arith.addf %add3A_418, %get3A_426 : vector<16xf32>
          %add3A_428 = arith.constant 16 : i32
          %add3A_429 = arith.addi %add3A_428, %select_n3A : i32
          %get3A_430 = arith.constant 1 : i32
          %get3A_431 = arith.index_cast %get3A_430 : i32 to index
          %get3A_432 = arith.index_cast %add3A_429 : i32 to index
          %get3A_433 = arith.index_cast %select_n3A_132 : i32 to index
          %get3A_434 = arith.constant 64 : index
          %get3A_435 = tpu.vector_load %arg6[%get3A_431, %get3A_432, %get3A_433, %get3A_434] {strides = array<i32>} : memref<2x28x8x256xf32, #tpu.memory_space<vmem>>, vector<16xf32>,
          %add3A_436 = arith.addf %add3A_427, %get3A_435 : vector<16xf32>
          %add3A_437 = arith.constant 20 : i32
          %add3A_438 = arith.addi %add3A_437, %select_n3A : i32
          %get3A_439 = arith.constant 1 : i32
          %get3A_440 = arith.index_cast %get3A_439 : i32 to index
          %get3A_441 = arith.index_cast %add3A_438 : i32 to index
          %get3A_442 = arith.index_cast %select_n3A_132 : i32 to index
          %get3A_443 = arith.constant 64 : index
          %get3A_444 = tpu.vector_load %arg6[%get3A_440, %get3A_441, %get3A_442, %get3A_443] {strides = array<i32>} : memref<2x28x8x256xf32, #tpu.memory_space<vmem>>, vector<16xf32>,
          %add3A_445 = arith.addf %add3A_436, %get3A_444 : vector<16xf32>
          %add3A_446 = arith.constant 24 : i32
          %add3A_447 = arith.addi %add3A_446, %select_n3A : i32
          %get3A_448 = arith.constant 1 : i32
          %get3A_449 = arith.index_cast %get3A_448 : i32 to index
          %get3A_450 = arith.index_cast %add3A_447 : i32 to index
          %get3A_451 = arith.index_cast %select_n3A_132 : i32 to index
          %get3A_452 = arith.constant 64 : index
          %get3A_453 = tpu.vector_load %arg6[%get3A_449, %get3A_450, %get3A_451, %get3A_452] {strides = array<i32>} : memref<2x28x8x256xf32, #tpu.memory_space<vmem>>, vector<16xf32>,
          %add3A_454 = arith.addf %add3A_445, %get3A_453 : vector<16xf32>
          %mul3A_455 = vector.broadcast %scan3A_12 : f32 to vector<16xf32>
          %mul3A_456 = arith.mulf %add3A_454, %mul3A_455 : vector<16xf32>
          %swap3A_457 = arith.index_cast %select_n3A : i32 to index
          %swap3A_458 = arith.index_cast %select_n3A_132 : i32 to index
          %swap3A_459 = arith.constant 64 : index
          %swap3A_460 = tpu.vector_load %arg7[%swap3A_457, %swap3A_458, %swap3A_459] {strides = array<i32>} : memref<4x8x256xf32, #tpu.memory_space<vmem>>, vector<16xf32>,
          tpu.vector_store %arg7[%swap3A_457, %swap3A_458, %swap3A_459], %mul3A_456 {strides = array<i32>} : memref<4x8x256xf32, #tpu.memory_space<vmem>>, vector<16xf32>,
          %get3A_461 = arith.constant 1 : i32
          %get3A_462 = arith.index_cast %get3A_461 : i32 to index
          %get3A_463 = arith.index_cast %select_n3A : i32 to index
          %get3A_464 = arith.index_cast %select_n3A_132 : i32 to index
          %get3A_465 = arith.constant 80 : index
          %get3A_466 = tpu.vector_load %arg6[%get3A_462, %get3A_463, %get3A_464, %get3A_465] {strides = array<i32>} : memref<2x28x8x256xf32, #tpu.memory_space<vmem>>, vector<16xf32>,
          %add3A_467 = arith.constant 4 : i32
          %add3A_468 = arith.addi %add3A_467, %select_n3A : i32
          %get3A_469 = arith.constant 1 : i32
          %get3A_470 = arith.index_cast %get3A_469 : i32 to index
          %get3A_471 = arith.index_cast %add3A_468 : i32 to index
          %get3A_472 = arith.index_cast %select_n3A_132 : i32 to index
          %get3A_473 = arith.constant 80 : index
          %get3A_474 = tpu.vector_load %arg6[%get3A_470, %get3A_471, %get3A_472, %get3A_473] {strides = array<i32>} : memref<2x28x8x256xf32, #tpu.memory_space<vmem>>, vector<16xf32>,
          %add3A_475 = arith.addf %get3A_466, %get3A_474 : vector<16xf32>
          %add3A_476 = arith.constant 8 : i32
          %add3A_477 = arith.addi %add3A_476, %select_n3A : i32
          %get3A_478 = arith.constant 1 : i32
          %get3A_479 = arith.index_cast %get3A_478 : i32 to index
          %get3A_480 = arith.index_cast %add3A_477 : i32 to index
          %get3A_481 = arith.index_cast %select_n3A_132 : i32 to index
          %get3A_482 = arith.constant 80 : index
          %get3A_483 = tpu.vector_load %arg6[%get3A_479, %get3A_480, %get3A_481, %get3A_482] {strides = array<i32>} : memref<2x28x8x256xf32, #tpu.memory_space<vmem>>, vector<16xf32>,
          %add3A_484 = arith.addf %add3A_475, %get3A_483 : vector<16xf32>
          %add3A_485 = arith.constant 12 : i32
          %add3A_486 = arith.addi %add3A_485, %select_n3A : i32
          %get3A_487 = arith.constant 1 : i32
          %get3A_488 = arith.index_cast %get3A_487 : i32 to index
          %get3A_489 = arith.index_cast %add3A_486 : i32 to index
          %get3A_490 = arith.index_cast %select_n3A_132 : i32 to index
          %get3A_491 = arith.constant 80 : index
          %get3A_492 = tpu.vector_load %arg6[%get3A_488, %get3A_489, %get3A_490, %get3A_491] {strides = array<i32>} : memref<2x28x8x256xf32, #tpu.memory_space<vmem>>, vector<16xf32>,
          %add3A_493 = arith.addf %add3A_484, %get3A_492 : vector<16xf32>
          %add3A_494 = arith.constant 16 : i32
          %add3A_495 = arith.addi %add3A_494, %select_n3A : i32
          %get3A_496 = arith.constant 1 : i32
          %get3A_497 = arith.index_cast %get3A_496 : i32 to index
          %get3A_498 = arith.index_cast %add3A_495 : i32 to index
          %get3A_499 = arith.index_cast %select_n3A_132 : i32 to index
          %get3A_500 = arith.constant 80 : index
          %get3A_501 = tpu.vector_load %arg6[%get3A_497, %get3A_498, %get3A_499, %get3A_500] {strides = array<i32>} : memref<2x28x8x256xf32, #tpu.memory_space<vmem>>, vector<16xf32>,
          %add3A_502 = arith.addf %add3A_493, %get3A_501 : vector<16xf32>
          %add3A_503 = arith.constant 20 : i32
          %add3A_504 = arith.addi %add3A_503, %select_n3A : i32
          %get3A_505 = arith.constant 1 : i32
          %get3A_506 = arith.index_cast %get3A_505 : i32 to index
          %get3A_507 = arith.index_cast %add3A_504 : i32 to index
          %get3A_508 = arith.index_cast %select_n3A_132 : i32 to index
          %get3A_509 = arith.constant 80 : index
          %get3A_510 = tpu.vector_load %arg6[%get3A_506, %get3A_507, %get3A_508, %get3A_509] {strides = array<i32>} : memref<2x28x8x256xf32, #tpu.memory_space<vmem>>, vector<16xf32>,
          %add3A_511 = arith.addf %add3A_502, %get3A_510 : vector<16xf32>
          %add3A_512 = arith.constant 24 : i32
          %add3A_513 = arith.addi %add3A_512, %select_n3A : i32
          %get3A_514 = arith.constant 1 : i32
          %get3A_515 = arith.index_cast %get3A_514 : i32 to index
          %get3A_516 = arith.index_cast %add3A_513 : i32 to index
          %get3A_517 = arith.index_cast %select_n3A_132 : i32 to index
          %get3A_518 = arith.constant 80 : index
          %get3A_519 = tpu.vector_load %arg6[%get3A_515, %get3A_516, %get3A_517, %get3A_518] {strides = array<i32>} : memref<2x28x8x256xf32, #tpu.memory_space<vmem>>, vector<16xf32>,
          %add3A_520 = arith.addf %add3A_511, %get3A_519 : vector<16xf32>
          %mul3A_521 = vector.broadcast %scan3A_12 : f32 to vector<16xf32>
          %mul3A_522 = arith.mulf %add3A_520, %mul3A_521 : vector<16xf32>
          %swap3A_523 = arith.index_cast %select_n3A : i32 to index
          %swap3A_524 = arith.index_cast %select_n3A_132 : i32 to index
          %swap3A_525 = arith.constant 80 : index
          %swap3A_526 = tpu.vector_load %arg7[%swap3A_523, %swap3A_524, %swap3A_525] {strides = array<i32>} : memref<4x8x256xf32, #tpu.memory_space<vmem>>, vector<16xf32>,
          tpu.vector_store %arg7[%swap3A_523, %swap3A_524, %swap3A_525], %mul3A_522 {strides = array<i32>} : memref<4x8x256xf32, #tpu.memory_space<vmem>>, vector<16xf32>,
          %get3A_527 = arith.constant 1 : i32
          %get3A_528 = arith.index_cast %get3A_527 : i32 to index
          %get3A_529 = arith.index_cast %select_n3A : i32 to index
          %get3A_530 = arith.index_cast %select_n3A_132 : i32 to index
          %get3A_531 = arith.constant 96 : index
          %get3A_532 = tpu.vector_load %arg6[%get3A_528, %get3A_529, %get3A_530, %get3A_531] {strides = array<i32>} : memref<2x28x8x256xf32, #tpu.memory_space<vmem>>, vector<16xf32>,
          %add3A_533 = arith.constant 4 : i32
          %add3A_534 = arith.addi %add3A_533, %select_n3A : i32
          %get3A_535 = arith.constant 1 : i32
          %get3A_536 = arith.index_cast %get3A_535 : i32 to index
          %get3A_537 = arith.index_cast %add3A_534 : i32 to index
          %get3A_538 = arith.index_cast %select_n3A_132 : i32 to index
          %get3A_539 = arith.constant 96 : index
          %get3A_540 = tpu.vector_load %arg6[%get3A_536, %get3A_537, %get3A_538, %get3A_539] {strides = array<i32>} : memref<2x28x8x256xf32, #tpu.memory_space<vmem>>, vector<16xf32>,
          %add3A_541 = arith.addf %get3A_532, %get3A_540 : vector<16xf32>
          %add3A_542 = arith.constant 8 : i32
          %add3A_543 = arith.addi %add3A_542, %select_n3A : i32
          %get3A_544 = arith.constant 1 : i32
          %get3A_545 = arith.index_cast %get3A_544 : i32 to index
          %get3A_546 = arith.index_cast %add3A_543 : i32 to index
          %get3A_547 = arith.index_cast %select_n3A_132 : i32 to index
          %get3A_548 = arith.constant 96 : index
          %get3A_549 = tpu.vector_load %arg6[%get3A_545, %get3A_546, %get3A_547, %get3A_548] {strides = array<i32>} : memref<2x28x8x256xf32, #tpu.memory_space<vmem>>, vector<16xf32>,
          %add3A_550 = arith.addf %add3A_541, %get3A_549 : vector<16xf32>
          %add3A_551 = arith.constant 12 : i32
          %add3A_552 = arith.addi %add3A_551, %select_n3A : i32
          %get3A_553 = arith.constant 1 : i32
          %get3A_554 = arith.index_cast %get3A_553 : i32 to index
          %get3A_555 = arith.index_cast %add3A_552 : i32 to index
          %get3A_556 = arith.index_cast %select_n3A_132 : i32 to index
          %get3A_557 = arith.constant 96 : index
          %get3A_558 = tpu.vector_load %arg6[%get3A_554, %get3A_555, %get3A_556, %get3A_557] {strides = array<i32>} : memref<2x28x8x256xf32, #tpu.memory_space<vmem>>, vector<16xf32>,
          %add3A_559 = arith.addf %add3A_550, %get3A_558 : vector<16xf32>
          %add3A_560 = arith.constant 16 : i32
          %add3A_561 = arith.addi %add3A_560, %select_n3A : i32
          %get3A_562 = arith.constant 1 : i32
          %get3A_563 = arith.index_cast %get3A_562 : i32 to index
          %get3A_564 = arith.index_cast %add3A_561 : i32 to index
          %get3A_565 = arith.index_cast %select_n3A_132 : i32 to index
          %get3A_566 = arith.constant 96 : index
          %get3A_567 = tpu.vector_load %arg6[%get3A_563, %get3A_564, %get3A_565, %get3A_566] {strides = array<i32>} : memref<2x28x8x256xf32, #tpu.memory_space<vmem>>, vector<16xf32>,
          %add3A_568 = arith.addf %add3A_559, %get3A_567 : vector<16xf32>
          %add3A_569 = arith.constant 20 : i32
          %add3A_570 = arith.addi %add3A_569, %select_n3A : i32
          %get3A_571 = arith.constant 1 : i32
          %get3A_572 = arith.index_cast %get3A_571 : i32 to index
          %get3A_573 = arith.index_cast %add3A_570 : i32 to index
          %get3A_574 = arith.index_cast %select_n3A_132 : i32 to index
          %get3A_575 = arith.constant 96 : index
          %get3A_576 = tpu.vector_load %arg6[%get3A_572, %get3A_573, %get3A_574, %get3A_575] {strides = array<i32>} : memref<2x28x8x256xf32, #tpu.memory_space<vmem>>, vector<16xf32>,
          %add3A_577 = arith.addf %add3A_568, %get3A_576 : vector<16xf32>
          %add3A_578 = arith.constant 24 : i32
          %add3A_579 = arith.addi %add3A_578, %select_n3A : i32
          %get3A_580 = arith.constant 1 : i32
          %get3A_581 = arith.index_cast %get3A_580 : i32 to index
          %get3A_582 = arith.index_cast %add3A_579 : i32 to index
          %get3A_583 = arith.index_cast %select_n3A_132 : i32 to index
          %get3A_584 = arith.constant 96 : index
          %get3A_585 = tpu.vector_load %arg6[%get3A_581, %get3A_582, %get3A_583, %get3A_584] {strides = array<i32>} : memref<2x28x8x256xf32, #tpu.memory_space<vmem>>, vector<16xf32>,
          %add3A_586 = arith.addf %add3A_577, %get3A_585 : vector<16xf32>
          %mul3A_587 = vector.broadcast %scan3A_12 : f32 to vector<16xf32>
          %mul3A_588 = arith.mulf %add3A_586, %mul3A_587 : vector<16xf32>
          %swap3A_589 = arith.index_cast %select_n3A : i32 to index
          %swap3A_590 = arith.index_cast %select_n3A_132 : i32 to index
          %swap3A_591 = arith.constant 96 : index
          %swap3A_592 = tpu.vector_load %arg7[%swap3A_589, %swap3A_590, %swap3A_591] {strides = array<i32>} : memref<4x8x256xf32, #tpu.memory_space<vmem>>, vector<16xf32>,
          tpu.vector_store %arg7[%swap3A_589, %swap3A_590, %swap3A_591], %mul3A_588 {strides = array<i32>} : memref<4x8x256xf32, #tpu.memory_space<vmem>>, vector<16xf32>,
          %get3A_593 = arith.constant 1 : i32
          %get3A_594 = arith.index_cast %get3A_593 : i32 to index
          %get3A_595 = arith.index_cast %select_n3A : i32 to index
          %get3A_596 = arith.index_cast %select_n3A_132 : i32 to index
          %get3A_597 = arith.constant 112 : index
          %get3A_598 = tpu.vector_load %arg6[%get3A_594, %get3A_595, %get3A_596, %get3A_597] {strides = array<i32>} : memref<2x28x8x256xf32, #tpu.memory_space<vmem>>, vector<16xf32>,
          %add3A_599 = arith.constant 4 : i32
          %add3A_600 = arith.addi %add3A_599, %select_n3A : i32
          %get3A_601 = arith.constant 1 : i32
          %get3A_602 = arith.index_cast %get3A_601 : i32 to index
          %get3A_603 = arith.index_cast %add3A_600 : i32 to index
          %get3A_604 = arith.index_cast %select_n3A_132 : i32 to index
          %get3A_605 = arith.constant 112 : index
          %get3A_606 = tpu.vector_load %arg6[%get3A_602, %get3A_603, %get3A_604, %get3A_605] {strides = array<i32>} : memref<2x28x8x256xf32, #tpu.memory_space<vmem>>, vector<16xf32>,
          %add3A_607 = arith.addf %get3A_598, %get3A_606 : vector<16xf32>
          %add3A_608 = arith.constant 8 : i32
          %add3A_609 = arith.addi %add3A_608, %select_n3A : i32
          %get3A_610 = arith.constant 1 : i32
          %get3A_611 = arith.index_cast %get3A_610 : i32 to index
          %get3A_612 = arith.index_cast %add3A_609 : i32 to index
          %get3A_613 = arith.index_cast %select_n3A_132 : i32 to index
          %get3A_614 = arith.constant 112 : index
          %get3A_615 = tpu.vector_load %arg6[%get3A_611, %get3A_612, %get3A_613, %get3A_614] {strides = array<i32>} : memref<2x28x8x256xf32, #tpu.memory_space<vmem>>, vector<16xf32>,
          %add3A_616 = arith.addf %add3A_607, %get3A_615 : vector<16xf32>
          %add3A_617 = arith.constant 12 : i32
          %add3A_618 = arith.addi %add3A_617, %select_n3A : i32
          %get3A_619 = arith.constant 1 : i32
          %get3A_620 = arith.index_cast %get3A_619 : i32 to index
          %get3A_621 = arith.index_cast %add3A_618 : i32 to index
          %get3A_622 = arith.index_cast %select_n3A_132 : i32 to index
          %get3A_623 = arith.constant 112 : index
          %get3A_624 = tpu.vector_load %arg6[%get3A_620, %get3A_621, %get3A_622, %get3A_623] {strides = array<i32>} : memref<2x28x8x256xf32, #tpu.memory_space<vmem>>, vector<16xf32>,
          %add3A_625 = arith.addf %add3A_616, %get3A_624 : vector<16xf32>
          %add3A_626 = arith.constant 16 : i32
          %add3A_627 = arith.addi %add3A_626, %select_n3A : i32
          %get3A_628 = arith.constant 1 : i32
          %get3A_629 = arith.index_cast %get3A_628 : i32 to index
          %get3A_630 = arith.index_cast %add3A_627 : i32 to index
          %get3A_631 = arith.index_cast %select_n3A_132 : i32 to index
          %get3A_632 = arith.constant 112 : index
          %get3A_633 = tpu.vector_load %arg6[%get3A_629, %get3A_630, %get3A_631, %get3A_632] {strides = array<i32>} : memref<2x28x8x256xf32, #tpu.memory_space<vmem>>, vector<16xf32>,
          %add3A_634 = arith.addf %add3A_625, %get3A_633 : vector<16xf32>
          %add3A_635 = arith.constant 20 : i32
          %add3A_636 = arith.addi %add3A_635, %select_n3A : i32
          %get3A_637 = arith.constant 1 : i32
          %get3A_638 = arith.index_cast %get3A_637 : i32 to index
          %get3A_639 = arith.index_cast %add3A_636 : i32 to index
          %get3A_640 = arith.index_cast %select_n3A_132 : i32 to index
          %get3A_641 = arith.constant 112 : index
          %get3A_642 = tpu.vector_load %arg6[%get3A_638, %get3A_639, %get3A_640, %get3A_641] {strides = array<i32>} : memref<2x28x8x256xf32, #tpu.memory_space<vmem>>, vector<16xf32>,
          %add3A_643 = arith.addf %add3A_634, %get3A_642 : vector<16xf32>
          %add3A_644 = arith.constant 24 : i32
          %add3A_645 = arith.addi %add3A_644, %select_n3A : i32
          %get3A_646 = arith.constant 1 : i32
          %get3A_647 = arith.index_cast %get3A_646 : i32 to index
          %get3A_648 = arith.index_cast %add3A_645 : i32 to index
          %get3A_649 = arith.index_cast %select_n3A_132 : i32 to index
          %get3A_650 = arith.constant 112 : index
          %get3A_651 = tpu.vector_load %arg6[%get3A_647, %get3A_648, %get3A_649, %get3A_650] {strides = array<i32>} : memref<2x28x8x256xf32, #tpu.memory_space<vmem>>, vector<16xf32>,
          %add3A_652 = arith.addf %add3A_643, %get3A_651 : vector<16xf32>
          %mul3A_653 = vector.broadcast %scan3A_12 : f32 to vector<16xf32>
          %mul3A_654 = arith.mulf %add3A_652, %mul3A_653 : vector<16xf32>
          %swap3A_655 = arith.index_cast %select_n3A : i32 to index
          %swap3A_656 = arith.index_cast %select_n3A_132 : i32 to index
          %swap3A_657 = arith.constant 112 : index
          %swap3A_658 = tpu.vector_load %arg7[%swap3A_655, %swap3A_656, %swap3A_657] {strides = array<i32>} : memref<4x8x256xf32, #tpu.memory_space<vmem>>, vector<16xf32>,
          tpu.vector_store %arg7[%swap3A_655, %swap3A_656, %swap3A_657], %mul3A_654 {strides = array<i32>} : memref<4x8x256xf32, #tpu.memory_space<vmem>>, vector<16xf32>,
          %get3A_659 = arith.constant 1 : i32
          %get3A_660 = arith.index_cast %get3A_659 : i32 to index
          %get3A_661 = arith.index_cast %select_n3A : i32 to index
          %get3A_662 = arith.index_cast %select_n3A_132 : i32 to index
          %get3A_663 = arith.constant 128 : index
          %get3A_664 = tpu.vector_load %arg6[%get3A_660, %get3A_661, %get3A_662, %get3A_663] {strides = array<i32>} : memref<2x28x8x256xf32, #tpu.memory_space<vmem>>, vector<16xf32>,
          %add3A_665 = arith.constant 4 : i32
          %add3A_666 = arith.addi %add3A_665, %select_n3A : i32
          %get3A_667 = arith.constant 1 : i32
          %get3A_668 = arith.index_cast %get3A_667 : i32 to index
          %get3A_669 = arith.index_cast %add3A_666 : i32 to index
          %get3A_670 = arith.index_cast %select_n3A_132 : i32 to index
          %get3A_671 = arith.constant 128 : index
          %get3A_672 = tpu.vector_load %arg6[%get3A_668, %get3A_669, %get3A_670, %get3A_671] {strides = array<i32>} : memref<2x28x8x256xf32, #tpu.memory_space<vmem>>, vector<16xf32>,
          %add3A_673 = arith.addf %get3A_664, %get3A_672 : vector<16xf32>
          %add3A_674 = arith.constant 8 : i32
          %add3A_675 = arith.addi %add3A_674, %select_n3A : i32
          %get3A_676 = arith.constant 1 : i32
          %get3A_677 = arith.index_cast %get3A_676 : i32 to index
          %get3A_678 = arith.index_cast %add3A_675 : i32 to index
          %get3A_679 = arith.index_cast %select_n3A_132 : i32 to index
          %get3A_680 = arith.constant 128 : index
          %get3A_681 = tpu.vector_load %arg6[%get3A_677, %get3A_678, %get3A_679, %get3A_680] {strides = array<i32>} : memref<2x28x8x256xf32, #tpu.memory_space<vmem>>, vector<16xf32>,
          %add3A_682 = arith.addf %add3A_673, %get3A_681 : vector<16xf32>
          %add3A_683 = arith.constant 12 : i32
          %add3A_684 = arith.addi %add3A_683, %select_n3A : i32
          %get3A_685 = arith.constant 1 : i32
          %get3A_686 = arith.index_cast %get3A_685 : i32 to index
          %get3A_687 = arith.index_cast %add3A_684 : i32 to index
          %get3A_688 = arith.index_cast %select_n3A_132 : i32 to index
          %get3A_689 = arith.constant 128 : index
          %get3A_690 = tpu.vector_load %arg6[%get3A_686, %get3A_687, %get3A_688, %get3A_689] {strides = array<i32>} : memref<2x28x8x256xf32, #tpu.memory_space<vmem>>, vector<16xf32>,
          %add3A_691 = arith.addf %add3A_682, %get3A_690 : vector<16xf32>
          %add3A_692 = arith.constant 16 : i32
          %add3A_693 = arith.addi %add3A_692, %select_n3A : i32
          %get3A_694 = arith.constant 1 : i32
          %get3A_695 = arith.index_cast %get3A_694 : i32 to index
          %get3A_696 = arith.index_cast %add3A_693 : i32 to index
          %get3A_697 = arith.index_cast %select_n3A_132 : i32 to index
          %get3A_698 = arith.constant 128 : index
          %get3A_699 = tpu.vector_load %arg6[%get3A_695, %get3A_696, %get3A_697, %get3A_698] {strides = array<i32>} : memref<2x28x8x256xf32, #tpu.memory_space<vmem>>, vector<16xf32>,
          %add3A_700 = arith.addf %add3A_691, %get3A_699 : vector<16xf32>
          %add3A_701 = arith.constant 20 : i32
          %add3A_702 = arith.addi %add3A_701, %select_n3A : i32
          %get3A_703 = arith.constant 1 : i32
          %get3A_704 = arith.index_cast %get3A_703 : i32 to index
          %get3A_705 = arith.index_cast %add3A_702 : i32 to index
          %get3A_706 = arith.index_cast %select_n3A_132 : i32 to index
          %get3A_707 = arith.constant 128 : index
          %get3A_708 = tpu.vector_load %arg6[%get3A_704, %get3A_705, %get3A_706, %get3A_707] {strides = array<i32>} : memref<2x28x8x256xf32, #tpu.memory_space<vmem>>, vector<16xf32>,
          %add3A_709 = arith.addf %add3A_700, %get3A_708 : vector<16xf32>
          %add3A_710 = arith.constant 24 : i32
          %add3A_711 = arith.addi %add3A_710, %select_n3A : i32
          %get3A_712 = arith.constant 1 : i32
          %get3A_713 = arith.index_cast %get3A_712 : i32 to index
          %get3A_714 = arith.index_cast %add3A_711 : i32 to index
          %get3A_715 = arith.index_cast %select_n3A_132 : i32 to index
          %get3A_716 = arith.constant 128 : index
          %get3A_717 = tpu.vector_load %arg6[%get3A_713, %get3A_714, %get3A_715, %get3A_716] {strides = array<i32>} : memref<2x28x8x256xf32, #tpu.memory_space<vmem>>, vector<16xf32>,
          %add3A_718 = arith.addf %add3A_709, %get3A_717 : vector<16xf32>
          %mul3A_719 = vector.broadcast %scan3A_12 : f32 to vector<16xf32>
          %mul3A_720 = arith.mulf %add3A_718, %mul3A_719 : vector<16xf32>
          %swap3A_721 = arith.index_cast %select_n3A : i32 to index
          %swap3A_722 = arith.index_cast %select_n3A_132 : i32 to index
          %swap3A_723 = arith.constant 128 : index
          %swap3A_724 = tpu.vector_load %arg7[%swap3A_721, %swap3A_722, %swap3A_723] {strides = array<i32>} : memref<4x8x256xf32, #tpu.memory_space<vmem>>, vector<16xf32>,
          tpu.vector_store %arg7[%swap3A_721, %swap3A_722, %swap3A_723], %mul3A_720 {strides = array<i32>} : memref<4x8x256xf32, #tpu.memory_space<vmem>>, vector<16xf32>,
          %get3A_725 = arith.constant 1 : i32
          %get3A_726 = arith.index_cast %get3A_725 : i32 to index
          %get3A_727 = arith.index_cast %select_n3A : i32 to index
          %get3A_728 = arith.index_cast %select_n3A_132 : i32 to index
          %get3A_729 = arith.constant 144 : index
          %get3A_730 = tpu.vector_load %arg6[%get3A_726, %get3A_727, %get3A_728, %get3A_729] {strides = array<i32>} : memref<2x28x8x256xf32, #tpu.memory_space<vmem>>, vector<16xf32>,
          %add3A_731 = arith.constant 4 : i32
          %add3A_732 = arith.addi %add3A_731, %select_n3A : i32
          %get3A_733 = arith.constant 1 : i32
          %get3A_734 = arith.index_cast %get3A_733 : i32 to index
          %get3A_735 = arith.index_cast %add3A_732 : i32 to index
          %get3A_736 = arith.index_cast %select_n3A_132 : i32 to index
          %get3A_737 = arith.constant 144 : index
          %get3A_738 = tpu.vector_load %arg6[%get3A_734, %get3A_735, %get3A_736, %get3A_737] {strides = array<i32>} : memref<2x28x8x256xf32, #tpu.memory_space<vmem>>, vector<16xf32>,
          %add3A_739 = arith.addf %get3A_730, %get3A_738 : vector<16xf32>
          %add3A_740 = arith.constant 8 : i32
          %add3A_741 = arith.addi %add3A_740, %select_n3A : i32
          %get3A_742 = arith.constant 1 : i32
          %get3A_743 = arith.index_cast %get3A_742 : i32 to index
          %get3A_744 = arith.index_cast %add3A_741 : i32 to index
          %get3A_745 = arith.index_cast %select_n3A_132 : i32 to index
          %get3A_746 = arith.constant 144 : index
          %get3A_747 = tpu.vector_load %arg6[%get3A_743, %get3A_744, %get3A_745, %get3A_746] {strides = array<i32>} : memref<2x28x8x256xf32, #tpu.memory_space<vmem>>, vector<16xf32>,
          %add3A_748 = arith.addf %add3A_739, %get3A_747 : vector<16xf32>
          %add3A_749 = arith.constant 12 : i32
          %add3A_750 = arith.addi %add3A_749, %select_n3A : i32
          %get3A_751 = arith.constant 1 : i32
          %get3A_752 = arith.index_cast %get3A_751 : i32 to index
          %get3A_753 = arith.index_cast %add3A_750 : i32 to index
          %get3A_754 = arith.index_cast %select_n3A_132 : i32 to index
          %get3A_755 = arith.constant 144 : index
          %get3A_756 = tpu.vector_load %arg6[%get3A_752, %get3A_753, %get3A_754, %get3A_755] {strides = array<i32>} : memref<2x28x8x256xf32, #tpu.memory_space<vmem>>, vector<16xf32>,
          %add3A_757 = arith.addf %add3A_748, %get3A_756 : vector<16xf32>
          %add3A_758 = arith.constant 16 : i32
          %add3A_759 = arith.addi %add3A_758, %select_n3A : i32
          %get3A_760 = arith.constant 1 : i32
          %get3A_761 = arith.index_cast %get3A_760 : i32 to index
          %get3A_762 = arith.index_cast %add3A_759 : i32 to index
          %get3A_763 = arith.index_cast %select_n3A_132 : i32 to index
          %get3A_764 = arith.constant 144 : index
          %get3A_765 = tpu.vector_load %arg6[%get3A_761, %get3A_762, %get3A_763, %get3A_764] {strides = array<i32>} : memref<2x28x8x256xf32, #tpu.memory_space<vmem>>, vector<16xf32>,
          %add3A_766 = arith.addf %add3A_757, %get3A_765 : vector<16xf32>
          %add3A_767 = arith.constant 20 : i32
          %add3A_768 = arith.addi %add3A_767, %select_n3A : i32
          %get3A_769 = arith.constant 1 : i32
          %get3A_770 = arith.index_cast %get3A_769 : i32 to index
          %get3A_771 = arith.index_cast %add3A_768 : i32 to index
          %get3A_772 = arith.index_cast %select_n3A_132 : i32 to index
          %get3A_773 = arith.constant 144 : index
          %get3A_774 = tpu.vector_load %arg6[%get3A_770, %get3A_771, %get3A_772, %get3A_773] {strides = array<i32>} : memref<2x28x8x256xf32, #tpu.memory_space<vmem>>, vector<16xf32>,
          %add3A_775 = arith.addf %add3A_766, %get3A_774 : vector<16xf32>
          %add3A_776 = arith.constant 24 : i32
          %add3A_777 = arith.addi %add3A_776, %select_n3A : i32
          %get3A_778 = arith.constant 1 : i32
          %get3A_779 = arith.index_cast %get3A_778 : i32 to index
          %get3A_780 = arith.index_cast %add3A_777 : i32 to index
          %get3A_781 = arith.index_cast %select_n3A_132 : i32 to index
          %get3A_782 = arith.constant 144 : index
          %get3A_783 = tpu.vector_load %arg6[%get3A_779, %get3A_780, %get3A_781, %get3A_782] {strides = array<i32>} : memref<2x28x8x256xf32, #tpu.memory_space<vmem>>, vector<16xf32>,
          %add3A_784 = arith.addf %add3A_775, %get3A_783 : vector<16xf32>
          %mul3A_785 = vector.broadcast %scan3A_12 : f32 to vector<16xf32>
          %mul3A_786 = arith.mulf %add3A_784, %mul3A_785 : vector<16xf32>
          %swap3A_787 = arith.index_cast %select_n3A : i32 to index
          %swap3A_788 = arith.index_cast %select_n3A_132 : i32 to index
          %swap3A_789 = arith.constant 144 : index
          %swap3A_790 = tpu.vector_load %arg7[%swap3A_787, %swap3A_788, %swap3A_789] {strides = array<i32>} : memref<4x8x256xf32, #tpu.memory_space<vmem>>, vector<16xf32>,
          tpu.vector_store %arg7[%swap3A_787, %swap3A_788, %swap3A_789], %mul3A_786 {strides = array<i32>} : memref<4x8x256xf32, #tpu.memory_space<vmem>>, vector<16xf32>,
          %get3A_791 = arith.constant 1 : i32
          %get3A_792 = arith.index_cast %get3A_791 : i32 to index
          %get3A_793 = arith.index_cast %select_n3A : i32 to index
          %get3A_794 = arith.index_cast %select_n3A_132 : i32 to index
          %get3A_795 = arith.constant 160 : index
          %get3A_796 = tpu.vector_load %arg6[%get3A_792, %get3A_793, %get3A_794, %get3A_795] {strides = array<i32>} : memref<2x28x8x256xf32, #tpu.memory_space<vmem>>, vector<16xf32>,
          %add3A_797 = arith.constant 4 : i32
          %add3A_798 = arith.addi %add3A_797, %select_n3A : i32
          %get3A_799 = arith.constant 1 : i32
          %get3A_800 = arith.index_cast %get3A_799 : i32 to index
          %get3A_801 = arith.index_cast %add3A_798 : i32 to index
          %get3A_802 = arith.index_cast %select_n3A_132 : i32 to index
          %get3A_803 = arith.constant 160 : index
          %get3A_804 = tpu.vector_load %arg6[%get3A_800, %get3A_801, %get3A_802, %get3A_803] {strides = array<i32>} : memref<2x28x8x256xf32, #tpu.memory_space<vmem>>, vector<16xf32>,
          %add3A_805 = arith.addf %get3A_796, %get3A_804 : vector<16xf32>
          %add3A_806 = arith.constant 8 : i32
          %add3A_807 = arith.addi %add3A_806, %select_n3A : i32
          %get3A_808 = arith.constant 1 : i32
          %get3A_809 = arith.index_cast %get3A_808 : i32 to index
          %get3A_810 = arith.index_cast %add3A_807 : i32 to index
          %get3A_811 = arith.index_cast %select_n3A_132 : i32 to index
          %get3A_812 = arith.constant 160 : index
          %get3A_813 = tpu.vector_load %arg6[%get3A_809, %get3A_810, %get3A_811, %get3A_812] {strides = array<i32>} : memref<2x28x8x256xf32, #tpu.memory_space<vmem>>, vector<16xf32>,
          %add3A_814 = arith.addf %add3A_805, %get3A_813 : vector<16xf32>
          %add3A_815 = arith.constant 12 : i32
          %add3A_816 = arith.addi %add3A_815, %select_n3A : i32
          %get3A_817 = arith.constant 1 : i32
          %get3A_818 = arith.index_cast %get3A_817 : i32 to index
          %get3A_819 = arith.index_cast %add3A_816 : i32 to index
          %get3A_820 = arith.index_cast %select_n3A_132 : i32 to index
          %get3A_821 = arith.constant 160 : index
          %get3A_822 = tpu.vector_load %arg6[%get3A_818, %get3A_819, %get3A_820, %get3A_821] {strides = array<i32>} : memref<2x28x8x256xf32, #tpu.memory_space<vmem>>, vector<16xf32>,
          %add3A_823 = arith.addf %add3A_814, %get3A_822 : vector<16xf32>
          %add3A_824 = arith.constant 16 : i32
          %add3A_825 = arith.addi %add3A_824, %select_n3A : i32
          %get3A_826 = arith.constant 1 : i32
          %get3A_827 = arith.index_cast %get3A_826 : i32 to index
          %get3A_828 = arith.index_cast %add3A_825 : i32 to index
          %get3A_829 = arith.index_cast %select_n3A_132 : i32 to index
          %get3A_830 = arith.constant 160 : index
          %get3A_831 = tpu.vector_load %arg6[%get3A_827, %get3A_828, %get3A_829, %get3A_830] {strides = array<i32>} : memref<2x28x8x256xf32, #tpu.memory_space<vmem>>, vector<16xf32>,
          %add3A_832 = arith.addf %add3A_823, %get3A_831 : vector<16xf32>
          %add3A_833 = arith.constant 20 : i32
          %add3A_834 = arith.addi %add3A_833, %select_n3A : i32
          %get3A_835 = arith.constant 1 : i32
          %get3A_836 = arith.index_cast %get3A_835 : i32 to index
          %get3A_837 = arith.index_cast %add3A_834 : i32 to index
          %get3A_838 = arith.index_cast %select_n3A_132 : i32 to index
          %get3A_839 = arith.constant 160 : index
          %get3A_840 = tpu.vector_load %arg6[%get3A_836, %get3A_837, %get3A_838, %get3A_839] {strides = array<i32>} : memref<2x28x8x256xf32, #tpu.memory_space<vmem>>, vector<16xf32>,
          %add3A_841 = arith.addf %add3A_832, %get3A_840 : vector<16xf32>
          %add3A_842 = arith.constant 24 : i32
          %add3A_843 = arith.addi %add3A_842, %select_n3A : i32
          %get3A_844 = arith.constant 1 : i32
          %get3A_845 = arith.index_cast %get3A_844 : i32 to index
          %get3A_846 = arith.index_cast %add3A_843 : i32 to index
          %get3A_847 = arith.index_cast %select_n3A_132 : i32 to index
          %get3A_848 = arith.constant 160 : index
          %get3A_849 = tpu.vector_load %arg6[%get3A_845, %get3A_846, %get3A_847, %get3A_848] {strides = array<i32>} : memref<2x28x8x256xf32, #tpu.memory_space<vmem>>, vector<16xf32>,
          %add3A_850 = arith.addf %add3A_841, %get3A_849 : vector<16xf32>
          %mul3A_851 = vector.broadcast %scan3A_12 : f32 to vector<16xf32>
          %mul3A_852 = arith.mulf %add3A_850, %mul3A_851 : vector<16xf32>
          %swap3A_853 = arith.index_cast %select_n3A : i32 to index
          %swap3A_854 = arith.index_cast %select_n3A_132 : i32 to index
          %swap3A_855 = arith.constant 160 : index
          %swap3A_856 = tpu.vector_load %arg7[%swap3A_853, %swap3A_854, %swap3A_855] {strides = array<i32>} : memref<4x8x256xf32, #tpu.memory_space<vmem>>, vector<16xf32>,
          tpu.vector_store %arg7[%swap3A_853, %swap3A_854, %swap3A_855], %mul3A_852 {strides = array<i32>} : memref<4x8x256xf32, #tpu.memory_space<vmem>>, vector<16xf32>,
          %get3A_857 = arith.constant 1 : i32
          %get3A_858 = arith.index_cast %get3A_857 : i32 to index
          %get3A_859 = arith.index_cast %select_n3A : i32 to index
          %get3A_860 = arith.index_cast %select_n3A_132 : i32 to index
          %get3A_861 = arith.constant 176 : index
          %get3A_862 = tpu.vector_load %arg6[%get3A_858, %get3A_859, %get3A_860, %get3A_861] {strides = array<i32>} : memref<2x28x8x256xf32, #tpu.memory_space<vmem>>, vector<16xf32>,
          %add3A_863 = arith.constant 4 : i32
          %add3A_864 = arith.addi %add3A_863, %select_n3A : i32
          %get3A_865 = arith.constant 1 : i32
          %get3A_866 = arith.index_cast %get3A_865 : i32 to index
          %get3A_867 = arith.index_cast %add3A_864 : i32 to index
          %get3A_868 = arith.index_cast %select_n3A_132 : i32 to index
          %get3A_869 = arith.constant 176 : index
          %get3A_870 = tpu.vector_load %arg6[%get3A_866, %get3A_867, %get3A_868, %get3A_869] {strides = array<i32>} : memref<2x28x8x256xf32, #tpu.memory_space<vmem>>, vector<16xf32>,
          %add3A_871 = arith.addf %get3A_862, %get3A_870 : vector<16xf32>
          %add3A_872 = arith.constant 8 : i32
          %add3A_873 = arith.addi %add3A_872, %select_n3A : i32
          %get3A_874 = arith.constant 1 : i32
          %get3A_875 = arith.index_cast %get3A_874 : i32 to index
          %get3A_876 = arith.index_cast %add3A_873 : i32 to index
          %get3A_877 = arith.index_cast %select_n3A_132 : i32 to index
          %get3A_878 = arith.constant 176 : index
          %get3A_879 = tpu.vector_load %arg6[%get3A_875, %get3A_876, %get3A_877, %get3A_878] {strides = array<i32>} : memref<2x28x8x256xf32, #tpu.memory_space<vmem>>, vector<16xf32>,
          %add3A_880 = arith.addf %add3A_871, %get3A_879 : vector<16xf32>
          %add3A_881 = arith.constant 12 : i32
          %add3A_882 = arith.addi %add3A_881, %select_n3A : i32
          %get3A_883 = arith.constant 1 : i32
          %get3A_884 = arith.index_cast %get3A_883 : i32 to index
          %get3A_885 = arith.index_cast %add3A_882 : i32 to index
          %get3A_886 = arith.index_cast %select_n3A_132 : i32 to index
          %get3A_887 = arith.constant 176 : index
          %get3A_888 = tpu.vector_load %arg6[%get3A_884, %get3A_885, %get3A_886, %get3A_887] {strides = array<i32>} : memref<2x28x8x256xf32, #tpu.memory_space<vmem>>, vector<16xf32>,
          %add3A_889 = arith.addf %add3A_880, %get3A_888 : vector<16xf32>
          %add3A_890 = arith.constant 16 : i32
          %add3A_891 = arith.addi %add3A_890, %select_n3A : i32
          %get3A_892 = arith.constant 1 : i32
          %get3A_893 = arith.index_cast %get3A_892 : i32 to index
          %get3A_894 = arith.index_cast %add3A_891 : i32 to index
          %get3A_895 = arith.index_cast %select_n3A_132 : i32 to index
          %get3A_896 = arith.constant 176 : index
          %get3A_897 = tpu.vector_load %arg6[%get3A_893, %get3A_894, %get3A_895, %get3A_896] {strides = array<i32>} : memref<2x28x8x256xf32, #tpu.memory_space<vmem>>, vector<16xf32>,
          %add3A_898 = arith.addf %add3A_889, %get3A_897 : vector<16xf32>
          %add3A_899 = arith.constant 20 : i32
          %add3A_900 = arith.addi %add3A_899, %select_n3A : i32
          %get3A_901 = arith.constant 1 : i32
          %get3A_902 = arith.index_cast %get3A_901 : i32 to index
          %get3A_903 = arith.index_cast %add3A_900 : i32 to index
          %get3A_904 = arith.index_cast %select_n3A_132 : i32 to index
          %get3A_905 = arith.constant 176 : index
          %get3A_906 = tpu.vector_load %arg6[%get3A_902, %get3A_903, %get3A_904, %get3A_905] {strides = array<i32>} : memref<2x28x8x256xf32, #tpu.memory_space<vmem>>, vector<16xf32>,
          %add3A_907 = arith.addf %add3A_898, %get3A_906 : vector<16xf32>
          %add3A_908 = arith.constant 24 : i32
          %add3A_909 = arith.addi %add3A_908, %select_n3A : i32
          %get3A_910 = arith.constant 1 : i32
          %get3A_911 = arith.index_cast %get3A_910 : i32 to index
          %get3A_912 = arith.index_cast %add3A_909 : i32 to index
          %get3A_913 = arith.index_cast %select_n3A_132 : i32 to index
          %get3A_914 = arith.constant 176 : index
          %get3A_915 = tpu.vector_load %arg6[%get3A_911, %get3A_912, %get3A_913, %get3A_914] {strides = array<i32>} : memref<2x28x8x256xf32, #tpu.memory_space<vmem>>, vector<16xf32>,
          %add3A_916 = arith.addf %add3A_907, %get3A_915 : vector<16xf32>
          %mul3A_917 = vector.broadcast %scan3A_12 : f32 to vector<16xf32>
          %mul3A_918 = arith.mulf %add3A_916, %mul3A_917 : vector<16xf32>
          %swap3A_919 = arith.index_cast %select_n3A : i32 to index
          %swap3A_920 = arith.index_cast %select_n3A_132 : i32 to index
          %swap3A_921 = arith.constant 176 : index
          %swap3A_922 = tpu.vector_load %arg7[%swap3A_919, %swap3A_920, %swap3A_921] {strides = array<i32>} : memref<4x8x256xf32, #tpu.memory_space<vmem>>, vector<16xf32>,
          tpu.vector_store %arg7[%swap3A_919, %swap3A_920, %swap3A_921], %mul3A_918 {strides = array<i32>} : memref<4x8x256xf32, #tpu.memory_space<vmem>>, vector<16xf32>,
          %get3A_923 = arith.constant 1 : i32
          %get3A_924 = arith.index_cast %get3A_923 : i32 to index
          %get3A_925 = arith.index_cast %select_n3A : i32 to index
          %get3A_926 = arith.index_cast %select_n3A_132 : i32 to index
          %get3A_927 = arith.constant 192 : index
          %get3A_928 = tpu.vector_load %arg6[%get3A_924, %get3A_925, %get3A_926, %get3A_927] {strides = array<i32>} : memref<2x28x8x256xf32, #tpu.memory_space<vmem>>, vector<16xf32>,
          %add3A_929 = arith.constant 4 : i32
          %add3A_930 = arith.addi %add3A_929, %select_n3A : i32
          %get3A_931 = arith.constant 1 : i32
          %get3A_932 = arith.index_cast %get3A_931 : i32 to index
          %get3A_933 = arith.index_cast %add3A_930 : i32 to index
          %get3A_934 = arith.index_cast %select_n3A_132 : i32 to index
          %get3A_935 = arith.constant 192 : index
          %get3A_936 = tpu.vector_load %arg6[%get3A_932, %get3A_933, %get3A_934, %get3A_935] {strides = array<i32>} : memref<2x28x8x256xf32, #tpu.memory_space<vmem>>, vector<16xf32>,
          %add3A_937 = arith.addf %get3A_928, %get3A_936 : vector<16xf32>
          %add3A_938 = arith.constant 8 : i32
          %add3A_939 = arith.addi %add3A_938, %select_n3A : i32
          %get3A_940 = arith.constant 1 : i32
          %get3A_941 = arith.index_cast %get3A_940 : i32 to index
          %get3A_942 = arith.index_cast %add3A_939 : i32 to index
          %get3A_943 = arith.index_cast %select_n3A_132 : i32 to index
          %get3A_944 = arith.constant 192 : index
          %get3A_945 = tpu.vector_load %arg6[%get3A_941, %get3A_942, %get3A_943, %get3A_944] {strides = array<i32>} : memref<2x28x8x256xf32, #tpu.memory_space<vmem>>, vector<16xf32>,
          %add3A_946 = arith.addf %add3A_937, %get3A_945 : vector<16xf32>
          %add3A_947 = arith.constant 12 : i32
          %add3A_948 = arith.addi %add3A_947, %select_n3A : i32
          %get3A_949 = arith.constant 1 : i32
          %get3A_950 = arith.index_cast %get3A_949 : i32 to index
          %get3A_951 = arith.index_cast %add3A_948 : i32 to index
          %get3A_952 = arith.index_cast %select_n3A_132 : i32 to index
          %get3A_953 = arith.constant 192 : index
          %get3A_954 = tpu.vector_load %arg6[%get3A_950, %get3A_951, %get3A_952, %get3A_953] {strides = array<i32>} : memref<2x28x8x256xf32, #tpu.memory_space<vmem>>, vector<16xf32>,
          %add3A_955 = arith.addf %add3A_946, %get3A_954 : vector<16xf32>
          %add3A_956 = arith.constant 16 : i32
          %add3A_957 = arith.addi %add3A_956, %select_n3A : i32
          %get3A_958 = arith.constant 1 : i32
          %get3A_959 = arith.index_cast %get3A_958 : i32 to index
          %get3A_960 = arith.index_cast %add3A_957 : i32 to index
          %get3A_961 = arith.index_cast %select_n3A_132 : i32 to index
          %get3A_962 = arith.constant 192 : index
          %get3A_963 = tpu.vector_load %arg6[%get3A_959, %get3A_960, %get3A_961, %get3A_962] {strides = array<i32>} : memref<2x28x8x256xf32, #tpu.memory_space<vmem>>, vector<16xf32>,
          %add3A_964 = arith.addf %add3A_955, %get3A_963 : vector<16xf32>
          %add3A_965 = arith.constant 20 : i32
          %add3A_966 = arith.addi %add3A_965, %select_n3A : i32
          %get3A_967 = arith.constant 1 : i32
          %get3A_968 = arith.index_cast %get3A_967 : i32 to index
          %get3A_969 = arith.index_cast %add3A_966 : i32 to index
          %get3A_970 = arith.index_cast %select_n3A_132 : i32 to index
          %get3A_971 = arith.constant 192 : index
          %get3A_972 = tpu.vector_load %arg6[%get3A_968, %get3A_969, %get3A_970, %get3A_971] {strides = array<i32>} : memref<2x28x8x256xf32, #tpu.memory_space<vmem>>, vector<16xf32>,
          %add3A_973 = arith.addf %add3A_964, %get3A_972 : vector<16xf32>
          %add3A_974 = arith.constant 24 : i32
          %add3A_975 = arith.addi %add3A_974, %select_n3A : i32
          %get3A_976 = arith.constant 1 : i32
          %get3A_977 = arith.index_cast %get3A_976 : i32 to index
          %get3A_978 = arith.index_cast %add3A_975 : i32 to index
          %get3A_979 = arith.index_cast %select_n3A_132 : i32 to index
          %get3A_980 = arith.constant 192 : index
          %get3A_981 = tpu.vector_load %arg6[%get3A_977, %get3A_978, %get3A_979, %get3A_980] {strides = array<i32>} : memref<2x28x8x256xf32, #tpu.memory_space<vmem>>, vector<16xf32>,
          %add3A_982 = arith.addf %add3A_973, %get3A_981 : vector<16xf32>
          %mul3A_983 = vector.broadcast %scan3A_12 : f32 to vector<16xf32>
          %mul3A_984 = arith.mulf %add3A_982, %mul3A_983 : vector<16xf32>
          %swap3A_985 = arith.index_cast %select_n3A : i32 to index
          %swap3A_986 = arith.index_cast %select_n3A_132 : i32 to index
          %swap3A_987 = arith.constant 192 : index
          %swap3A_988 = tpu.vector_load %arg7[%swap3A_985, %swap3A_986, %swap3A_987] {strides = array<i32>} : memref<4x8x256xf32, #tpu.memory_space<vmem>>, vector<16xf32>,
          tpu.vector_store %arg7[%swap3A_985, %swap3A_986, %swap3A_987], %mul3A_984 {strides = array<i32>} : memref<4x8x256xf32, #tpu.memory_space<vmem>>, vector<16xf32>,
          %get3A_989 = arith.constant 1 : i32
          %get3A_990 = arith.index_cast %get3A_989 : i32 to index
          %get3A_991 = arith.index_cast %select_n3A : i32 to index
          %get3A_992 = arith.index_cast %select_n3A_132 : i32 to index
          %get3A_993 = arith.constant 208 : index
          %get3A_994 = tpu.vector_load %arg6[%get3A_990, %get3A_991, %get3A_992, %get3A_993] {strides = array<i32>} : memref<2x28x8x256xf32, #tpu.memory_space<vmem>>, vector<16xf32>,
          %add3A_995 = arith.constant 4 : i32
          %add3A_996 = arith.addi %add3A_995, %select_n3A : i32
          %get3A_997 = arith.constant 1 : i32
          %get3A_998 = arith.index_cast %get3A_997 : i32 to index
          %get3A_999 = arith.index_cast %add3A_996 : i32 to index
          %get3A_1000 = arith.index_cast %select_n3A_132 : i32 to index
          %get3A_1001 = arith.constant 208 : index
          %get3A_1002 = tpu.vector_load %arg6[%get3A_998, %get3A_999, %get3A_1000, %get3A_1001] {strides = array<i32>} : memref<2x28x8x256xf32, #tpu.memory_space<vmem>>, vector<16xf32>,
          %add3A_1003 = arith.addf %get3A_994, %get3A_1002 : vector<16xf32>
          %add3A_1004 = arith.constant 8 : i32
          %add3A_1005 = arith.addi %add3A_1004, %select_n3A : i32
          %get3A_1006 = arith.constant 1 : i32
          %get3A_1007 = arith.index_cast %get3A_1006 : i32 to index
          %get3A_1008 = arith.index_cast %add3A_1005 : i32 to index
          %get3A_1009 = arith.index_cast %select_n3A_132 : i32 to index
          %get3A_1010 = arith.constant 208 : index
          %get3A_1011 = tpu.vector_load %arg6[%get3A_1007, %get3A_1008, %get3A_1009, %get3A_1010] {strides = array<i32>} : memref<2x28x8x256xf32, #tpu.memory_space<vmem>>, vector<16xf32>,
          %add3A_1012 = arith.addf %add3A_1003, %get3A_1011 : vector<16xf32>
          %add3A_1013 = arith.constant 12 : i32
          %add3A_1014 = arith.addi %add3A_1013, %select_n3A : i32
          %get3A_1015 = arith.constant 1 : i32
          %get3A_1016 = arith.index_cast %get3A_1015 : i32 to index
          %get3A_1017 = arith.index_cast %add3A_1014 : i32 to index
          %get3A_1018 = arith.index_cast %select_n3A_132 : i32 to index
          %get3A_1019 = arith.constant 208 : index
          %get3A_1020 = tpu.vector_load %arg6[%get3A_1016, %get3A_1017, %get3A_1018, %get3A_1019] {strides = array<i32>} : memref<2x28x8x256xf32, #tpu.memory_space<vmem>>, vector<16xf32>,
          %add3A_1021 = arith.addf %add3A_1012, %get3A_1020 : vector<16xf32>
          %add3A_1022 = arith.constant 16 : i32
          %add3A_1023 = arith.addi %add3A_1022, %select_n3A : i32
          %get3A_1024 = arith.constant 1 : i32
          %get3A_1025 = arith.index_cast %get3A_1024 : i32 to index
          %get3A_1026 = arith.index_cast %add3A_1023 : i32 to index
          %get3A_1027 = arith.index_cast %select_n3A_132 : i32 to index
          %get3A_1028 = arith.constant 208 : index
          %get3A_1029 = tpu.vector_load %arg6[%get3A_1025, %get3A_1026, %get3A_1027, %get3A_1028] {strides = array<i32>} : memref<2x28x8x256xf32, #tpu.memory_space<vmem>>, vector<16xf32>,
          %add3A_1030 = arith.addf %add3A_1021, %get3A_1029 : vector<16xf32>
          %add3A_1031 = arith.constant 20 : i32
          %add3A_1032 = arith.addi %add3A_1031, %select_n3A : i32
          %get3A_1033 = arith.constant 1 : i32
          %get3A_1034 = arith.index_cast %get3A_1033 : i32 to index
          %get3A_1035 = arith.index_cast %add3A_1032 : i32 to index
          %get3A_1036 = arith.index_cast %select_n3A_132 : i32 to index
          %get3A_1037 = arith.constant 208 : index
          %get3A_1038 = tpu.vector_load %arg6[%get3A_1034, %get3A_1035, %get3A_1036, %get3A_1037] {strides = array<i32>} : memref<2x28x8x256xf32, #tpu.memory_space<vmem>>, vector<16xf32>,
          %add3A_1039 = arith.addf %add3A_1030, %get3A_1038 : vector<16xf32>
          %add3A_1040 = arith.constant 24 : i32
          %add3A_1041 = arith.addi %add3A_1040, %select_n3A : i32
          %get3A_1042 = arith.constant 1 : i32
          %get3A_1043 = arith.index_cast %get3A_1042 : i32 to index
          %get3A_1044 = arith.index_cast %add3A_1041 : i32 to index
          %get3A_1045 = arith.index_cast %select_n3A_132 : i32 to index
          %get3A_1046 = arith.constant 208 : index
          %get3A_1047 = tpu.vector_load %arg6[%get3A_1043, %get3A_1044, %get3A_1045, %get3A_1046] {strides = array<i32>} : memref<2x28x8x256xf32, #tpu.memory_space<vmem>>, vector<16xf32>,
          %add3A_1048 = arith.addf %add3A_1039, %get3A_1047 : vector<16xf32>
          %mul3A_1049 = vector.broadcast %scan3A_12 : f32 to vector<16xf32>
          %mul3A_1050 = arith.mulf %add3A_1048, %mul3A_1049 : vector<16xf32>
          %swap3A_1051 = arith.index_cast %select_n3A : i32 to index
          %swap3A_1052 = arith.index_cast %select_n3A_132 : i32 to index
          %swap3A_1053 = arith.constant 208 : index
          %swap3A_1054 = tpu.vector_load %arg7[%swap3A_1051, %swap3A_1052, %swap3A_1053] {strides = array<i32>} : memref<4x8x256xf32, #tpu.memory_space<vmem>>, vector<16xf32>,
          tpu.vector_store %arg7[%swap3A_1051, %swap3A_1052, %swap3A_1053], %mul3A_1050 {strides = array<i32>} : memref<4x8x256xf32, #tpu.memory_space<vmem>>, vector<16xf32>,
          %get3A_1055 = arith.constant 1 : i32
          %get3A_1056 = arith.index_cast %get3A_1055 : i32 to index
          %get3A_1057 = arith.index_cast %select_n3A : i32 to index
          %get3A_1058 = arith.index_cast %select_n3A_132 : i32 to index
          %get3A_1059 = arith.constant 224 : index
          %get3A_1060 = tpu.vector_load %arg6[%get3A_1056, %get3A_1057, %get3A_1058, %get3A_1059] {strides = array<i32>} : memref<2x28x8x256xf32, #tpu.memory_space<vmem>>, vector<16xf32>,
          %add3A_1061 = arith.constant 4 : i32
          %add3A_1062 = arith.addi %add3A_1061, %select_n3A : i32
          %get3A_1063 = arith.constant 1 : i32
          %get3A_1064 = arith.index_cast %get3A_1063 : i32 to index
          %get3A_1065 = arith.index_cast %add3A_1062 : i32 to index
          %get3A_1066 = arith.index_cast %select_n3A_132 : i32 to index
          %get3A_1067 = arith.constant 224 : index
          %get3A_1068 = tpu.vector_load %arg6[%get3A_1064, %get3A_1065, %get3A_1066, %get3A_1067] {strides = array<i32>} : memref<2x28x8x256xf32, #tpu.memory_space<vmem>>, vector<16xf32>,
          %add3A_1069 = arith.addf %get3A_1060, %get3A_1068 : vector<16xf32>
          %add3A_1070 = arith.constant 8 : i32
          %add3A_1071 = arith.addi %add3A_1070, %select_n3A : i32
          %get3A_1072 = arith.constant 1 : i32
          %get3A_1073 = arith.index_cast %get3A_1072 : i32 to index
          %get3A_1074 = arith.index_cast %add3A_1071 : i32 to index
          %get3A_1075 = arith.index_cast %select_n3A_132 : i32 to index
          %get3A_1076 = arith.constant 224 : index
          %get3A_1077 = tpu.vector_load %arg6[%get3A_1073, %get3A_1074, %get3A_1075, %get3A_1076] {strides = array<i32>} : memref<2x28x8x256xf32, #tpu.memory_space<vmem>>, vector<16xf32>,
          %add3A_1078 = arith.addf %add3A_1069, %get3A_1077 : vector<16xf32>
          %add3A_1079 = arith.constant 12 : i32
          %add3A_1080 = arith.addi %add3A_1079, %select_n3A : i32
          %get3A_1081 = arith.constant 1 : i32
          %get3A_1082 = arith.index_cast %get3A_1081 : i32 to index
          %get3A_1083 = arith.index_cast %add3A_1080 : i32 to index
          %get3A_1084 = arith.index_cast %select_n3A_132 : i32 to index
          %get3A_1085 = arith.constant 224 : index
          %get3A_1086 = tpu.vector_load %arg6[%get3A_1082, %get3A_1083, %get3A_1084, %get3A_1085] {strides = array<i32>} : memref<2x28x8x256xf32, #tpu.memory_space<vmem>>, vector<16xf32>,
          %add3A_1087 = arith.addf %add3A_1078, %get3A_1086 : vector<16xf32>
          %add3A_1088 = arith.constant 16 : i32
          %add3A_1089 = arith.addi %add3A_1088, %select_n3A : i32
          %get3A_1090 = arith.constant 1 : i32
          %get3A_1091 = arith.index_cast %get3A_1090 : i32 to index
          %get3A_1092 = arith.index_cast %add3A_1089 : i32 to index
          %get3A_1093 = arith.index_cast %select_n3A_132 : i32 to index
          %get3A_1094 = arith.constant 224 : index
          %get3A_1095 = tpu.vector_load %arg6[%get3A_1091, %get3A_1092, %get3A_1093, %get3A_1094] {strides = array<i32>} : memref<2x28x8x256xf32, #tpu.memory_space<vmem>>, vector<16xf32>,
          %add3A_1096 = arith.addf %add3A_1087, %get3A_1095 : vector<16xf32>
          %add3A_1097 = arith.constant 20 : i32
          %add3A_1098 = arith.addi %add3A_1097, %select_n3A : i32
          %get3A_1099 = arith.constant 1 : i32
          %get3A_1100 = arith.index_cast %get3A_1099 : i32 to index
          %get3A_1101 = arith.index_cast %add3A_1098 : i32 to index
          %get3A_1102 = arith.index_cast %select_n3A_132 : i32 to index
          %get3A_1103 = arith.constant 224 : index
          %get3A_1104 = tpu.vector_load %arg6[%get3A_1100, %get3A_1101, %get3A_1102, %get3A_1103] {strides = array<i32>} : memref<2x28x8x256xf32, #tpu.memory_space<vmem>>, vector<16xf32>,
          %add3A_1105 = arith.addf %add3A_1096, %get3A_1104 : vector<16xf32>
          %add3A_1106 = arith.constant 24 : i32
          %add3A_1107 = arith.addi %add3A_1106, %select_n3A : i32
          %get3A_1108 = arith.constant 1 : i32
          %get3A_1109 = arith.index_cast %get3A_1108 : i32 to index
          %get3A_1110 = arith.index_cast %add3A_1107 : i32 to index
          %get3A_1111 = arith.index_cast %select_n3A_132 : i32 to index
          %get3A_1112 = arith.constant 224 : index
          %get3A_1113 = tpu.vector_load %arg6[%get3A_1109, %get3A_1110, %get3A_1111, %get3A_1112] {strides = array<i32>} : memref<2x28x8x256xf32, #tpu.memory_space<vmem>>, vector<16xf32>,
          %add3A_1114 = arith.addf %add3A_1105, %get3A_1113 : vector<16xf32>
          %mul3A_1115 = vector.broadcast %scan3A_12 : f32 to vector<16xf32>
          %mul3A_1116 = arith.mulf %add3A_1114, %mul3A_1115 : vector<16xf32>
          %swap3A_1117 = arith.index_cast %select_n3A : i32 to index
          %swap3A_1118 = arith.index_cast %select_n3A_132 : i32 to index
          %swap3A_1119 = arith.constant 224 : index
          %swap3A_1120 = tpu.vector_load %arg7[%swap3A_1117, %swap3A_1118, %swap3A_1119] {strides = array<i32>} : memref<4x8x256xf32, #tpu.memory_space<vmem>>, vector<16xf32>,
          tpu.vector_store %arg7[%swap3A_1117, %swap3A_1118, %swap3A_1119], %mul3A_1116 {strides = array<i32>} : memref<4x8x256xf32, #tpu.memory_space<vmem>>, vector<16xf32>,
          %get3A_1121 = arith.constant 1 : i32
          %get3A_1122 = arith.index_cast %get3A_1121 : i32 to index
          %get3A_1123 = arith.index_cast %select_n3A : i32 to index
          %get3A_1124 = arith.index_cast %select_n3A_132 : i32 to index
          %get3A_1125 = arith.constant 240 : index
          %get3A_1126 = tpu.vector_load %arg6[%get3A_1122, %get3A_1123, %get3A_1124, %get3A_1125] {strides = array<i32>} : memref<2x28x8x256xf32, #tpu.memory_space<vmem>>, vector<16xf32>,
          %add3A_1127 = arith.constant 4 : i32
          %add3A_1128 = arith.addi %add3A_1127, %select_n3A : i32
          %get3A_1129 = arith.constant 1 : i32
          %get3A_1130 = arith.index_cast %get3A_1129 : i32 to index
          %get3A_1131 = arith.index_cast %add3A_1128 : i32 to index
          %get3A_1132 = arith.index_cast %select_n3A_132 : i32 to index
          %get3A_1133 = arith.constant 240 : index
          %get3A_1134 = tpu.vector_load %arg6[%get3A_1130, %get3A_1131, %get3A_1132, %get3A_1133] {strides = array<i32>} : memref<2x28x8x256xf32, #tpu.memory_space<vmem>>, vector<16xf32>,
          %add3A_1135 = arith.addf %get3A_1126, %get3A_1134 : vector<16xf32>
          %add3A_1136 = arith.constant 8 : i32
          %add3A_1137 = arith.addi %add3A_1136, %select_n3A : i32
          %get3A_1138 = arith.constant 1 : i32
          %get3A_1139 = arith.index_cast %get3A_1138 : i32 to index
          %get3A_1140 = arith.index_cast %add3A_1137 : i32 to index
          %get3A_1141 = arith.index_cast %select_n3A_132 : i32 to index
          %get3A_1142 = arith.constant 240 : index
          %get3A_1143 = tpu.vector_load %arg6[%get3A_1139, %get3A_1140, %get3A_1141, %get3A_1142] {strides = array<i32>} : memref<2x28x8x256xf32, #tpu.memory_space<vmem>>, vector<16xf32>,
          %add3A_1144 = arith.addf %add3A_1135, %get3A_1143 : vector<16xf32>
          %add3A_1145 = arith.constant 12 : i32
          %add3A_1146 = arith.addi %add3A_1145, %select_n3A : i32
          %get3A_1147 = arith.constant 1 : i32
          %get3A_1148 = arith.index_cast %get3A_1147 : i32 to index
          %get3A_1149 = arith.index_cast %add3A_1146 : i32 to index
          %get3A_1150 = arith.index_cast %select_n3A_132 : i32 to index
          %get3A_1151 = arith.constant 240 : index
          %get3A_1152 = tpu.vector_load %arg6[%get3A_1148, %get3A_1149, %get3A_1150, %get3A_1151] {strides = array<i32>} : memref<2x28x8x256xf32, #tpu.memory_space<vmem>>, vector<16xf32>,
          %add3A_1153 = arith.addf %add3A_1144, %get3A_1152 : vector<16xf32>
          %add3A_1154 = arith.constant 16 : i32
          %add3A_1155 = arith.addi %add3A_1154, %select_n3A : i32
          %get3A_1156 = arith.constant 1 : i32
          %get3A_1157 = arith.index_cast %get3A_1156 : i32 to index
          %get3A_1158 = arith.index_cast %add3A_1155 : i32 to index
          %get3A_1159 = arith.index_cast %select_n3A_132 : i32 to index
          %get3A_1160 = arith.constant 240 : index
          %get3A_1161 = tpu.vector_load %arg6[%get3A_1157, %get3A_1158, %get3A_1159, %get3A_1160] {strides = array<i32>} : memref<2x28x8x256xf32, #tpu.memory_space<vmem>>, vector<16xf32>,
          %add3A_1162 = arith.addf %add3A_1153, %get3A_1161 : vector<16xf32>
          %add3A_1163 = arith.constant 20 : i32
          %add3A_1164 = arith.addi %add3A_1163, %select_n3A : i32
          %get3A_1165 = arith.constant 1 : i32
          %get3A_1166 = arith.index_cast %get3A_1165 : i32 to index
          %get3A_1167 = arith.index_cast %add3A_1164 : i32 to index
          %get3A_1168 = arith.index_cast %select_n3A_132 : i32 to index
          %get3A_1169 = arith.constant 240 : index
          %get3A_1170 = tpu.vector_load %arg6[%get3A_1166, %get3A_1167, %get3A_1168, %get3A_1169] {strides = array<i32>} : memref<2x28x8x256xf32, #tpu.memory_space<vmem>>, vector<16xf32>,
          %add3A_1171 = arith.addf %add3A_1162, %get3A_1170 : vector<16xf32>
          %add3A_1172 = arith.constant 24 : i32
          %add3A_1173 = arith.addi %add3A_1172, %select_n3A : i32
          %get3A_1174 = arith.constant 1 : i32
          %get3A_1175 = arith.index_cast %get3A_1174 : i32 to index
          %get3A_1176 = arith.index_cast %add3A_1173 : i32 to index
          %get3A_1177 = arith.index_cast %select_n3A_132 : i32 to index
          %get3A_1178 = arith.constant 240 : index
          %get3A_1179 = tpu.vector_load %arg6[%get3A_1175, %get3A_1176, %get3A_1177, %get3A_1178] {strides = array<i32>} : memref<2x28x8x256xf32, #tpu.memory_space<vmem>>, vector<16xf32>,
          %add3A_1180 = arith.addf %add3A_1171, %get3A_1179 : vector<16xf32>
          %mul3A_1181 = vector.broadcast %scan3A_12 : f32 to vector<16xf32>
          %mul3A_1182 = arith.mulf %add3A_1180, %mul3A_1181 : vector<16xf32>
          %swap3A_1183 = arith.index_cast %select_n3A : i32 to index
          %swap3A_1184 = arith.index_cast %select_n3A_132 : i32 to index
          %swap3A_1185 = arith.constant 240 : index
          %swap3A_1186 = tpu.vector_load %arg7[%swap3A_1183, %swap3A_1184, %swap3A_1185] {strides = array<i32>} : memref<4x8x256xf32, #tpu.memory_space<vmem>>, vector<16xf32>,
          tpu.vector_store %arg7[%swap3A_1183, %swap3A_1184, %swap3A_1185], %mul3A_1182 {strides = array<i32>} : memref<4x8x256xf32, #tpu.memory_space<vmem>>, vector<16xf32>,
        }
        %scan3A_91 = arith.constant 32 : i32
        %mul3A_92 = arith.constant 4 : i32
        %mul3A_93 = arith.muli %add3A_47, %mul3A_92 : i32
        %min3A = arith.constant 10238 : i32
        %min3A_94 = arith.minsi %mul3A_93, %min3A : i32
        %dma_start3A_95 = arith.constant 0 : i32
        %dma_start3A_96 = arith.constant 0 : i32
        %dma_start3A_97 = tpu.memref_slice %arg4[%min3A_94, %dma_start3A_95, %dma_start3A_96] : memref<10242x8x256xf32, #tpu.memory_space<hbm>> -> memref<4x8x256xf32, #tpu.memory_space<hbm>>
        %dma_start3A_98 = arith.constant 0 : i32
        %dma_start3A_99 = arith.constant 0 : i32
        %dma_start3A_100 = tpu.memref_slice %arg4[%min3A_94, %dma_start3A_98, %dma_start3A_99] : memref<10242x8x256xf32, #tpu.memory_space<hbm>> -> memref<4x8x256xf32, #tpu.memory_space<hbm>>
        tpu.enqueue_dma source(%arg7 : memref<4x8x256xf32, #tpu.memory_space<vmem>>) target(%dma_start3A_100 : memref<4x8x256xf32, #tpu.memory_space<hbm>>) target_semaphore(%arg9 : memref<!tpu.dma_semaphore, #tpu.memory_space<semaphore_mem>>)
      } else {
      }
    }
    %scan3A_17 = arith.constant 40 : i32
    %add3A_18 = arith.constant 2560 : i32
    %add3A_19 = arith.addi %add3A, %add3A_18 : i32
    %lt3A = arith.constant 2561 : i32
    %lt3A_20 = arith.cmpi slt, %add3A_19, %lt3A : i32
    %convert_element_type3A = arith.extui %lt3A_20 : i1 to i32
    %cond3A = arith.constant 0.142857149 : f32
    %cond3A_21 = arith.constant 0 : i32
    %cond3A_22 = arith.cmpi ne, %convert_element_type3A, %cond3A_21 : i32
    scf.if %cond3A_22 {
      %add3A_30 = arith.constant 2592 : i32
      %add3A_31 = arith.addi %add3A, %add3A_30 : i32
      %lt3A_32 = arith.constant 2561 : i32
      %lt3A_33 = arith.cmpi slt, %add3A_31, %lt3A_32 : i32
      %convert_element_type3A_34 = arith.extui %lt3A_33 : i1 to i32
      %cond3A_35 = arith.constant 0 : i32
      %cond3A_36 = arith.cmpi ne, %convert_element_type3A_34, %cond3A_35 : i32
      scf.if %cond3A_36 {
        %multiple_of3A_79 = arith.constant 2592 : i32
        %multiple_of3A_80 = tpu.assume_multiple %multiple_of3A_79, 8 : i32
        %dma_start3A_81 = arith.constant 1 : i32
        %dma_start3A_82 = arith.constant 0 : i32
        %dma_start3A_83 = arith.constant 0 : i32
        %dma_start3A_84 = arith.constant 0 : i32
        %dma_start3A_85 = tpu.memref_slice %arg6[%dma_start3A_81, %dma_start3A_82, %dma_start3A_83, %dma_start3A_84] : memref<2x28x8x256xf32, #tpu.memory_space<vmem>> -> memref<1x28x8x256xf32, #tpu.memory_space<vmem>>
        %dma_start3A_86 = tpu.memref_squeeze %dma_start3A_85 : memref<1x28x8x256xf32, #tpu.memory_space<vmem>> -> memref<28x8x256xf32, #tpu.memory_space<vmem>>
        %dma_start3A_87 = tpu.memref_slice %arg5[%multiple_of3A_80] : memref<2592xi32, #tpu.memory_space<vmem>> -> memref<28xi32, #tpu.memory_space<vmem>>
        %dma_start3A_88 = arith.constant 0 : i32
        %dma_start3A_89 = arith.constant 0 : i32
        %dma_start3A_90 = arith.constant 0 : i32
        %dma_start3A_91 = tpu.memref_slice %arg2[%dma_start3A_88, %dma_start3A_89, %dma_start3A_90] : memref<40962x8x256xf32, #tpu.memory_space<hbm>> -> memref<40962x8x256xf32, #tpu.memory_space<hbm>>
        tpu.enqueue_indirect_dma source(%dma_start3A_91 : memref<40962x8x256xf32, #tpu.memory_space<hbm>>) target(%dma_start3A_86 : memref<28x8x256xf32, #tpu.memory_space<vmem>>) offsets(%dma_start3A_87 : memref<28xi32, #tpu.memory_space<vmem>>) semaphore(%arg8 : memref<!tpu.dma_semaphore, #tpu.memory_space<semaphore_mem>>)
      } else {
      }
      %dma_wait3A_37 = arith.constant 0 : i32
      %dma_wait3A_38 = arith.constant 0 : i32
      %dma_wait3A_39 = arith.constant 0 : i32
      %dma_wait3A_40 = arith.constant 0 : i32
      %dma_wait3A_41 = tpu.memref_slice %arg6[%dma_wait3A_37, %dma_wait3A_38, %dma_wait3A_39, %dma_wait3A_40] : memref<2x28x8x256xf32, #tpu.memory_space<vmem>> -> memref<1x28x8x256xf32, #tpu.memory_space<vmem>>
      %dma_wait3A_42 = tpu.memref_squeeze %dma_wait3A_41 : memref<1x28x8x256xf32, #tpu.memory_space<vmem>> -> memref<28x8x256xf32, #tpu.memory_space<vmem>>
      %dma_wait3A_43 = arith.constant 0 : i32
      %dma_wait3A_44 = arith.constant 0 : i32
      %dma_wait3A_45 = arith.constant 0 : i32
      %dma_wait3A_46 = tpu.memref_slice %arg2[%dma_wait3A_43, %dma_wait3A_44, %dma_wait3A_45] : memref<40962x8x256xf32, #tpu.memory_space<hbm>> -> memref<28x8x256xf32, #tpu.memory_space<hbm>>
      %dma_wait3A_47 = arith.constant 0 : i32
      %dma_wait3A_48 = arith.constant 0 : i32
      %dma_wait3A_49 = arith.constant 0 : i32
      %dma_wait3A_50 = tpu.memref_slice %arg6[%dma_wait3A_37, %dma_wait3A_47, %dma_wait3A_48, %dma_wait3A_49] : memref<2x28x8x256xf32, #tpu.memory_space<vmem>> -> memref<1x28x8x256xf32, #tpu.memory_space<vmem>>
      %dma_wait3A_51 = tpu.memref_squeeze %dma_wait3A_50 : memref<1x28x8x256xf32, #tpu.memory_space<vmem>> -> memref<28x8x256xf32, #tpu.memory_space<vmem>>
      %dma_wait3A_52 = arith.constant 0 : i32
      %dma_wait3A_53 = arith.constant 0 : i32
      %dma_wait3A_54 = arith.constant 0 : i32
      %dma_wait3A_55 = tpu.memref_slice %arg2[%dma_wait3A_52, %dma_wait3A_53, %dma_wait3A_54] : memref<40962x8x256xf32, #tpu.memory_space<hbm>> -> memref<28x8x256xf32, #tpu.memory_space<hbm>>
      tpu.wait_dma2 semaphore(%arg8 : memref<!tpu.dma_semaphore, #tpu.memory_space<semaphore_mem>>) src(%dma_wait3A_55 : memref<28x8x256xf32, #tpu.memory_space<hbm>>) dst(%dma_wait3A_51 : memref<28x8x256xf32, #tpu.memory_space<vmem>>)
      %dma_wait3A_56 = arith.constant 0 : i32
      %dma_wait3A_57 = arith.constant 0 : i32
      %dma_wait3A_58 = arith.constant 0 : i32
      %dma_wait3A_59 = tpu.memref_slice %arg4[%dma_wait3A_56, %dma_wait3A_57, %dma_wait3A_58] : memref<10242x8x256xf32, #tpu.memory_space<hbm>> -> memref<4x8x256xf32, #tpu.memory_space<hbm>>
      %dma_wait3A_60 = arith.constant 0 : i32
      %dma_wait3A_61 = arith.constant 0 : i32
      %dma_wait3A_62 = arith.constant 0 : i32
      %dma_wait3A_63 = tpu.memref_slice %arg4[%dma_wait3A_60, %dma_wait3A_61, %dma_wait3A_62] : memref<10242x8x256xf32, #tpu.memory_space<hbm>> -> memref<4x8x256xf32, #tpu.memory_space<hbm>>
      tpu.wait_dma2 semaphore(%arg9 : memref<!tpu.dma_semaphore, #tpu.memory_space<semaphore_mem>>) src(%arg7 : memref<4x8x256xf32, #tpu.memory_space<vmem>>) dst(%dma_wait3A_63 : memref<4x8x256xf32, #tpu.memory_space<hbm>>)
      %scan3A_64 = arith.constant 0 : i32
      %scan3A_65 = arith.constant 0 : i32
      %scan3A_66 = arith.constant 32 : i32
      %scan3A_67 = arith.addi %scan3A_65, %scan3A_66 : i32
      %scan3A_68 = arith.constant 1 : i32
      scf.for %scan3A_79 = %scan3A_65 to %scan3A_67 step %scan3A_68  : i32 {
        %jit3A = arith.constant 8 : i32
        %div3A = arith.divsi %scan3A_79, %jit3A : i32
        %sign3A = arith.constant 0 : i32
        %sign3A_80 = arith.cmpi sgt, %scan3A_79, %sign3A : i32
        %sign3A_81 = arith.extui %sign3A_80 : i1 to i32
        %sign3A_82 = arith.constant 0 : i32
        %sign3A_83 = arith.cmpi slt, %scan3A_79, %sign3A_82 : i32
        %sign3A_84 = arith.extui %sign3A_83 : i1 to i32
        %sign3A_85 = arith.subi %sign3A_81, %sign3A_84 : i32
        %sign3A_86 = arith.constant 0 : i32
        %sign3A_87 = arith.cmpi sgt, %jit3A, %sign3A_86 : i32
        %sign3A_88 = arith.extui %sign3A_87 : i1 to i32
        %sign3A_89 = arith.constant 0 : i32
        %sign3A_90 = arith.cmpi slt, %jit3A, %sign3A_89 : i32
        %sign3A_91 = arith.extui %sign3A_90 : i1 to i32
        %sign3A_92 = arith.subi %sign3A_88, %sign3A_91 : i32
        %ne3A = arith.cmpi ne, %sign3A_85, %sign3A_92 : i32
        %rem3A = arith.remsi %scan3A_79, %jit3A : i32
        %ne3A_93 = arith.constant 0 : i32
        %ne3A_94 = arith.cmpi ne, %rem3A, %ne3A_93 : i32
        %and3A = arith.andi %ne3A, %ne3A_94 : i1
        %sub3A = arith.constant 1 : i32
        %sub3A_95 = arith.subi %div3A, %sub3A : i32
        %select_n3A = arith.select %and3A, %sub3A_95, %div3A : i32
        %jit3A_96 = arith.constant 8 : i32
        %eq3A = arith.constant 0 : i32
        %eq3A_97 = arith.cmpi eq, %jit3A_96, %eq3A : i32
        %jit3A_98 = arith.constant 1 : i32
        %select_n3A_99 = arith.select %eq3A_97, %jit3A_98, %jit3A_96 : i32
        %rem3A_100 = arith.remsi %scan3A_79, %select_n3A_99 : i32
        %ne3A_101 = arith.constant 0 : i32
        %ne3A_102 = arith.cmpi ne, %rem3A_100, %ne3A_101 : i32
        %lt3A_103 = arith.constant 0 : i32
        %lt3A_104 = arith.cmpi slt, %rem3A_100, %lt3A_103 : i32
        %lt3A_105 = arith.constant 0 : i32
        %lt3A_106 = arith.cmpi slt, %select_n3A_99, %lt3A_105 : i32
        %ne3A_107 = arith.xori %lt3A_104, %lt3A_106 : i1
        %and3A_108 = arith.andi %ne3A_107, %ne3A_102 : i1
        %add3A_109 = arith.addi %rem3A_100, %select_n3A_99 : i32
        %select_n3A_110 = arith.select %and3A_108, %add3A_109, %rem3A_100 : i32
        %get3A = arith.constant 0 : i32
        %get3A_111 = arith.index_cast %get3A : i32 to index
        %get3A_112 = arith.index_cast %select_n3A : i32 to index
        %get3A_113 = arith.index_cast %select_n3A_110 : i32 to index
        %get3A_114 = arith.constant 0 : index
        %get3A_115 = tpu.vector_load %arg6[%get3A_111, %get3A_112, %get3A_113, %get3A_114] {strides = array<i32>} : memref<2x28x8x256xf32, #tpu.memory_space<vmem>>, vector<16xf32>,
        %add3A_116 = arith.constant 4 : i32
        %add3A_117 = arith.addi %add3A_116, %select_n3A : i32
        %get3A_118 = arith.constant 0 : i32
        %get3A_119 = arith.index_cast %get3A_118 : i32 to index
        %get3A_120 = arith.index_cast %add3A_117 : i32 to index
        %get3A_121 = arith.index_cast %select_n3A_110 : i32 to index
        %get3A_122 = arith.constant 0 : index
        %get3A_123 = tpu.vector_load %arg6[%get3A_119, %get3A_120, %get3A_121, %get3A_122] {strides = array<i32>} : memref<2x28x8x256xf32, #tpu.memory_space<vmem>>, vector<16xf32>,
        %add3A_124 = arith.addf %get3A_115, %get3A_123 : vector<16xf32>
        %add3A_125 = arith.constant 8 : i32
        %add3A_126 = arith.addi %add3A_125, %select_n3A : i32
        %get3A_127 = arith.constant 0 : i32
        %get3A_128 = arith.index_cast %get3A_127 : i32 to index
        %get3A_129 = arith.index_cast %add3A_126 : i32 to index
        %get3A_130 = arith.index_cast %select_n3A_110 : i32 to index
        %get3A_131 = arith.constant 0 : index
        %get3A_132 = tpu.vector_load %arg6[%get3A_128, %get3A_129, %get3A_130, %get3A_131] {strides = array<i32>} : memref<2x28x8x256xf32, #tpu.memory_space<vmem>>, vector<16xf32>,
        %add3A_133 = arith.addf %add3A_124, %get3A_132 : vector<16xf32>
        %add3A_134 = arith.constant 12 : i32
        %add3A_135 = arith.addi %add3A_134, %select_n3A : i32
        %get3A_136 = arith.constant 0 : i32
        %get3A_137 = arith.index_cast %get3A_136 : i32 to index
        %get3A_138 = arith.index_cast %add3A_135 : i32 to index
        %get3A_139 = arith.index_cast %select_n3A_110 : i32 to index
        %get3A_140 = arith.constant 0 : index
        %get3A_141 = tpu.vector_load %arg6[%get3A_137, %get3A_138, %get3A_139, %get3A_140] {strides = array<i32>} : memref<2x28x8x256xf32, #tpu.memory_space<vmem>>, vector<16xf32>,
        %add3A_142 = arith.addf %add3A_133, %get3A_141 : vector<16xf32>
        %add3A_143 = arith.constant 16 : i32
        %add3A_144 = arith.addi %add3A_143, %select_n3A : i32
        %get3A_145 = arith.constant 0 : i32
        %get3A_146 = arith.index_cast %get3A_145 : i32 to index
        %get3A_147 = arith.index_cast %add3A_144 : i32 to index
        %get3A_148 = arith.index_cast %select_n3A_110 : i32 to index
        %get3A_149 = arith.constant 0 : index
        %get3A_150 = tpu.vector_load %arg6[%get3A_146, %get3A_147, %get3A_148, %get3A_149] {strides = array<i32>} : memref<2x28x8x256xf32, #tpu.memory_space<vmem>>, vector<16xf32>,
        %add3A_151 = arith.addf %add3A_142, %get3A_150 : vector<16xf32>
        %add3A_152 = arith.constant 20 : i32
        %add3A_153 = arith.addi %add3A_152, %select_n3A : i32
        %get3A_154 = arith.constant 0 : i32
        %get3A_155 = arith.index_cast %get3A_154 : i32 to index
        %get3A_156 = arith.index_cast %add3A_153 : i32 to index
        %get3A_157 = arith.index_cast %select_n3A_110 : i32 to index
        %get3A_158 = arith.constant 0 : index
        %get3A_159 = tpu.vector_load %arg6[%get3A_155, %get3A_156, %get3A_157, %get3A_158] {strides = array<i32>} : memref<2x28x8x256xf32, #tpu.memory_space<vmem>>, vector<16xf32>,
        %add3A_160 = arith.addf %add3A_151, %get3A_159 : vector<16xf32>
        %add3A_161 = arith.constant 24 : i32
        %add3A_162 = arith.addi %add3A_161, %select_n3A : i32
        %get3A_163 = arith.constant 0 : i32
        %get3A_164 = arith.index_cast %get3A_163 : i32 to index
        %get3A_165 = arith.index_cast %add3A_162 : i32 to index
        %get3A_166 = arith.index_cast %select_n3A_110 : i32 to index
        %get3A_167 = arith.constant 0 : index
        %get3A_168 = tpu.vector_load %arg6[%get3A_164, %get3A_165, %get3A_166, %get3A_167] {strides = array<i32>} : memref<2x28x8x256xf32, #tpu.memory_space<vmem>>, vector<16xf32>,
        %add3A_169 = arith.addf %add3A_160, %get3A_168 : vector<16xf32>
        %mul3A_170 = vector.broadcast %cond3A : f32 to vector<16xf32>
        %mul3A_171 = arith.mulf %add3A_169, %mul3A_170 : vector<16xf32>
        %swap3A = arith.index_cast %select_n3A : i32 to index
        %swap3A_172 = arith.index_cast %select_n3A_110 : i32 to index
        %swap3A_173 = arith.constant 0 : index
        %swap3A_174 = tpu.vector_load %arg7[%swap3A, %swap3A_172, %swap3A_173] {strides = array<i32>} : memref<4x8x256xf32, #tpu.memory_space<vmem>>, vector<16xf32>,
        tpu.vector_store %arg7[%swap3A, %swap3A_172, %swap3A_173], %mul3A_171 {strides = array<i32>} : memref<4x8x256xf32, #tpu.memory_space<vmem>>, vector<16xf32>,
        %get3A_175 = arith.constant 0 : i32
        %get3A_176 = arith.index_cast %get3A_175 : i32 to index
        %get3A_177 = arith.index_cast %select_n3A : i32 to index
        %get3A_178 = arith.index_cast %select_n3A_110 : i32 to index
        %get3A_179 = arith.constant 16 : index
        %get3A_180 = tpu.vector_load %arg6[%get3A_176, %get3A_177, %get3A_178, %get3A_179] {strides = array<i32>} : memref<2x28x8x256xf32, #tpu.memory_space<vmem>>, vector<16xf32>,
        %add3A_181 = arith.constant 4 : i32
        %add3A_182 = arith.addi %add3A_181, %select_n3A : i32
        %get3A_183 = arith.constant 0 : i32
        %get3A_184 = arith.index_cast %get3A_183 : i32 to index
        %get3A_185 = arith.index_cast %add3A_182 : i32 to index
        %get3A_186 = arith.index_cast %select_n3A_110 : i32 to index
        %get3A_187 = arith.constant 16 : index
        %get3A_188 = tpu.vector_load %arg6[%get3A_184, %get3A_185, %get3A_186, %get3A_187] {strides = array<i32>} : memref<2x28x8x256xf32, #tpu.memory_space<vmem>>, vector<16xf32>,
        %add3A_189 = arith.addf %get3A_180, %get3A_188 : vector<16xf32>
        %add3A_190 = arith.constant 8 : i32
        %add3A_191 = arith.addi %add3A_190, %select_n3A : i32
        %get3A_192 = arith.constant 0 : i32
        %get3A_193 = arith.index_cast %get3A_192 : i32 to index
        %get3A_194 = arith.index_cast %add3A_191 : i32 to index
        %get3A_195 = arith.index_cast %select_n3A_110 : i32 to index
        %get3A_196 = arith.constant 16 : index
        %get3A_197 = tpu.vector_load %arg6[%get3A_193, %get3A_194, %get3A_195, %get3A_196] {strides = array<i32>} : memref<2x28x8x256xf32, #tpu.memory_space<vmem>>, vector<16xf32>,
        %add3A_198 = arith.addf %add3A_189, %get3A_197 : vector<16xf32>
        %add3A_199 = arith.constant 12 : i32
        %add3A_200 = arith.addi %add3A_199, %select_n3A : i32
        %get3A_201 = arith.constant 0 : i32
        %get3A_202 = arith.index_cast %get3A_201 : i32 to index
        %get3A_203 = arith.index_cast %add3A_200 : i32 to index
        %get3A_204 = arith.index_cast %select_n3A_110 : i32 to index
        %get3A_205 = arith.constant 16 : index
        %get3A_206 = tpu.vector_load %arg6[%get3A_202, %get3A_203, %get3A_204, %get3A_205] {strides = array<i32>} : memref<2x28x8x256xf32, #tpu.memory_space<vmem>>, vector<16xf32>,
        %add3A_207 = arith.addf %add3A_198, %get3A_206 : vector<16xf32>
        %add3A_208 = arith.constant 16 : i32
        %add3A_209 = arith.addi %add3A_208, %select_n3A : i32
        %get3A_210 = arith.constant 0 : i32
        %get3A_211 = arith.index_cast %get3A_210 : i32 to index
        %get3A_212 = arith.index_cast %add3A_209 : i32 to index
        %get3A_213 = arith.index_cast %select_n3A_110 : i32 to index
        %get3A_214 = arith.constant 16 : index
        %get3A_215 = tpu.vector_load %arg6[%get3A_211, %get3A_212, %get3A_213, %get3A_214] {strides = array<i32>} : memref<2x28x8x256xf32, #tpu.memory_space<vmem>>, vector<16xf32>,
        %add3A_216 = arith.addf %add3A_207, %get3A_215 : vector<16xf32>
        %add3A_217 = arith.constant 20 : i32
        %add3A_218 = arith.addi %add3A_217, %select_n3A : i32
        %get3A_219 = arith.constant 0 : i32
        %get3A_220 = arith.index_cast %get3A_219 : i32 to index
        %get3A_221 = arith.index_cast %add3A_218 : i32 to index
        %get3A_222 = arith.index_cast %select_n3A_110 : i32 to index
        %get3A_223 = arith.constant 16 : index
        %get3A_224 = tpu.vector_load %arg6[%get3A_220, %get3A_221, %get3A_222, %get3A_223] {strides = array<i32>} : memref<2x28x8x256xf32, #tpu.memory_space<vmem>>, vector<16xf32>,
        %add3A_225 = arith.addf %add3A_216, %get3A_224 : vector<16xf32>
        %add3A_226 = arith.constant 24 : i32
        %add3A_227 = arith.addi %add3A_226, %select_n3A : i32
        %get3A_228 = arith.constant 0 : i32
        %get3A_229 = arith.index_cast %get3A_228 : i32 to index
        %get3A_230 = arith.index_cast %add3A_227 : i32 to index
        %get3A_231 = arith.index_cast %select_n3A_110 : i32 to index
        %get3A_232 = arith.constant 16 : index
        %get3A_233 = tpu.vector_load %arg6[%get3A_229, %get3A_230, %get3A_231, %get3A_232] {strides = array<i32>} : memref<2x28x8x256xf32, #tpu.memory_space<vmem>>, vector<16xf32>,
        %add3A_234 = arith.addf %add3A_225, %get3A_233 : vector<16xf32>
        %mul3A_235 = vector.broadcast %cond3A : f32 to vector<16xf32>
        %mul3A_236 = arith.mulf %add3A_234, %mul3A_235 : vector<16xf32>
        %swap3A_237 = arith.index_cast %select_n3A : i32 to index
        %swap3A_238 = arith.index_cast %select_n3A_110 : i32 to index
        %swap3A_239 = arith.constant 16 : index
        %swap3A_240 = tpu.vector_load %arg7[%swap3A_237, %swap3A_238, %swap3A_239] {strides = array<i32>} : memref<4x8x256xf32, #tpu.memory_space<vmem>>, vector<16xf32>,
        tpu.vector_store %arg7[%swap3A_237, %swap3A_238, %swap3A_239], %mul3A_236 {strides = array<i32>} : memref<4x8x256xf32, #tpu.memory_space<vmem>>, vector<16xf32>,
        %get3A_241 = arith.constant 0 : i32
        %get3A_242 = arith.index_cast %get3A_241 : i32 to index
        %get3A_243 = arith.index_cast %select_n3A : i32 to index
        %get3A_244 = arith.index_cast %select_n3A_110 : i32 to index
        %get3A_245 = arith.constant 32 : index
        %get3A_246 = tpu.vector_load %arg6[%get3A_242, %get3A_243, %get3A_244, %get3A_245] {strides = array<i32>} : memref<2x28x8x256xf32, #tpu.memory_space<vmem>>, vector<16xf32>,
        %add3A_247 = arith.constant 4 : i32
        %add3A_248 = arith.addi %add3A_247, %select_n3A : i32
        %get3A_249 = arith.constant 0 : i32
        %get3A_250 = arith.index_cast %get3A_249 : i32 to index
        %get3A_251 = arith.index_cast %add3A_248 : i32 to index
        %get3A_252 = arith.index_cast %select_n3A_110 : i32 to index
        %get3A_253 = arith.constant 32 : index
        %get3A_254 = tpu.vector_load %arg6[%get3A_250, %get3A_251, %get3A_252, %get3A_253] {strides = array<i32>} : memref<2x28x8x256xf32, #tpu.memory_space<vmem>>, vector<16xf32>,
        %add3A_255 = arith.addf %get3A_246, %get3A_254 : vector<16xf32>
        %add3A_256 = arith.constant 8 : i32
        %add3A_257 = arith.addi %add3A_256, %select_n3A : i32
        %get3A_258 = arith.constant 0 : i32
        %get3A_259 = arith.index_cast %get3A_258 : i32 to index
        %get3A_260 = arith.index_cast %add3A_257 : i32 to index
        %get3A_261 = arith.index_cast %select_n3A_110 : i32 to index
        %get3A_262 = arith.constant 32 : index
        %get3A_263 = tpu.vector_load %arg6[%get3A_259, %get3A_260, %get3A_261, %get3A_262] {strides = array<i32>} : memref<2x28x8x256xf32, #tpu.memory_space<vmem>>, vector<16xf32>,
        %add3A_264 = arith.addf %add3A_255, %get3A_263 : vector<16xf32>
        %add3A_265 = arith.constant 12 : i32
        %add3A_266 = arith.addi %add3A_265, %select_n3A : i32
        %get3A_267 = arith.constant 0 : i32
        %get3A_268 = arith.index_cast %get3A_267 : i32 to index
        %get3A_269 = arith.index_cast %add3A_266 : i32 to index
        %get3A_270 = arith.index_cast %select_n3A_110 : i32 to index
        %get3A_271 = arith.constant 32 : index
        %get3A_272 = tpu.vector_load %arg6[%get3A_268, %get3A_269, %get3A_270, %get3A_271] {strides = array<i32>} : memref<2x28x8x256xf32, #tpu.memory_space<vmem>>, vector<16xf32>,
        %add3A_273 = arith.addf %add3A_264, %get3A_272 : vector<16xf32>
        %add3A_274 = arith.constant 16 : i32
        %add3A_275 = arith.addi %add3A_274, %select_n3A : i32
        %get3A_276 = arith.constant 0 : i32
        %get3A_277 = arith.index_cast %get3A_276 : i32 to index
        %get3A_278 = arith.index_cast %add3A_275 : i32 to index
        %get3A_279 = arith.index_cast %select_n3A_110 : i32 to index
        %get3A_280 = arith.constant 32 : index
        %get3A_281 = tpu.vector_load %arg6[%get3A_277, %get3A_278, %get3A_279, %get3A_280] {strides = array<i32>} : memref<2x28x8x256xf32, #tpu.memory_space<vmem>>, vector<16xf32>,
        %add3A_282 = arith.addf %add3A_273, %get3A_281 : vector<16xf32>
        %add3A_283 = arith.constant 20 : i32
        %add3A_284 = arith.addi %add3A_283, %select_n3A : i32
        %get3A_285 = arith.constant 0 : i32
        %get3A_286 = arith.index_cast %get3A_285 : i32 to index
        %get3A_287 = arith.index_cast %add3A_284 : i32 to index
        %get3A_288 = arith.index_cast %select_n3A_110 : i32 to index
        %get3A_289 = arith.constant 32 : index
        %get3A_290 = tpu.vector_load %arg6[%get3A_286, %get3A_287, %get3A_288, %get3A_289] {strides = array<i32>} : memref<2x28x8x256xf32, #tpu.memory_space<vmem>>, vector<16xf32>,
        %add3A_291 = arith.addf %add3A_282, %get3A_290 : vector<16xf32>
        %add3A_292 = arith.constant 24 : i32
        %add3A_293 = arith.addi %add3A_292, %select_n3A : i32
        %get3A_294 = arith.constant 0 : i32
        %get3A_295 = arith.index_cast %get3A_294 : i32 to index
        %get3A_296 = arith.index_cast %add3A_293 : i32 to index
        %get3A_297 = arith.index_cast %select_n3A_110 : i32 to index
        %get3A_298 = arith.constant 32 : index
        %get3A_299 = tpu.vector_load %arg6[%get3A_295, %get3A_296, %get3A_297, %get3A_298] {strides = array<i32>} : memref<2x28x8x256xf32, #tpu.memory_space<vmem>>, vector<16xf32>,
        %add3A_300 = arith.addf %add3A_291, %get3A_299 : vector<16xf32>
        %mul3A_301 = vector.broadcast %cond3A : f32 to vector<16xf32>
        %mul3A_302 = arith.mulf %add3A_300, %mul3A_301 : vector<16xf32>
        %swap3A_303 = arith.index_cast %select_n3A : i32 to index
        %swap3A_304 = arith.index_cast %select_n3A_110 : i32 to index
        %swap3A_305 = arith.constant 32 : index
        %swap3A_306 = tpu.vector_load %arg7[%swap3A_303, %swap3A_304, %swap3A_305] {strides = array<i32>} : memref<4x8x256xf32, #tpu.memory_space<vmem>>, vector<16xf32>,
        tpu.vector_store %arg7[%swap3A_303, %swap3A_304, %swap3A_305], %mul3A_302 {strides = array<i32>} : memref<4x8x256xf32, #tpu.memory_space<vmem>>, vector<16xf32>,
        %get3A_307 = arith.constant 0 : i32
        %get3A_308 = arith.index_cast %get3A_307 : i32 to index
        %get3A_309 = arith.index_cast %select_n3A : i32 to index
        %get3A_310 = arith.index_cast %select_n3A_110 : i32 to index
        %get3A_311 = arith.constant 48 : index
        %get3A_312 = tpu.vector_load %arg6[%get3A_308, %get3A_309, %get3A_310, %get3A_311] {strides = array<i32>} : memref<2x28x8x256xf32, #tpu.memory_space<vmem>>, vector<16xf32>,
        %add3A_313 = arith.constant 4 : i32
        %add3A_314 = arith.addi %add3A_313, %select_n3A : i32
        %get3A_315 = arith.constant 0 : i32
        %get3A_316 = arith.index_cast %get3A_315 : i32 to index
        %get3A_317 = arith.index_cast %add3A_314 : i32 to index
        %get3A_318 = arith.index_cast %select_n3A_110 : i32 to index
        %get3A_319 = arith.constant 48 : index
        %get3A_320 = tpu.vector_load %arg6[%get3A_316, %get3A_317, %get3A_318, %get3A_319] {strides = array<i32>} : memref<2x28x8x256xf32, #tpu.memory_space<vmem>>, vector<16xf32>,
        %add3A_321 = arith.addf %get3A_312, %get3A_320 : vector<16xf32>
        %add3A_322 = arith.constant 8 : i32
        %add3A_323 = arith.addi %add3A_322, %select_n3A : i32
        %get3A_324 = arith.constant 0 : i32
        %get3A_325 = arith.index_cast %get3A_324 : i32 to index
        %get3A_326 = arith.index_cast %add3A_323 : i32 to index
        %get3A_327 = arith.index_cast %select_n3A_110 : i32 to index
        %get3A_328 = arith.constant 48 : index
        %get3A_329 = tpu.vector_load %arg6[%get3A_325, %get3A_326, %get3A_327, %get3A_328] {strides = array<i32>} : memref<2x28x8x256xf32, #tpu.memory_space<vmem>>, vector<16xf32>,
        %add3A_330 = arith.addf %add3A_321, %get3A_329 : vector<16xf32>
        %add3A_331 = arith.constant 12 : i32
        %add3A_332 = arith.addi %add3A_331, %select_n3A : i32
        %get3A_333 = arith.constant 0 : i32
        %get3A_334 = arith.index_cast %get3A_333 : i32 to index
        %get3A_335 = arith.index_cast %add3A_332 : i32 to index
        %get3A_336 = arith.index_cast %select_n3A_110 : i32 to index
        %get3A_337 = arith.constant 48 : index
        %get3A_338 = tpu.vector_load %arg6[%get3A_334, %get3A_335, %get3A_336, %get3A_337] {strides = array<i32>} : memref<2x28x8x256xf32, #tpu.memory_space<vmem>>, vector<16xf32>,
        %add3A_339 = arith.addf %add3A_330, %get3A_338 : vector<16xf32>
        %add3A_340 = arith.constant 16 : i32
        %add3A_341 = arith.addi %add3A_340, %select_n3A : i32
        %get3A_342 = arith.constant 0 : i32
        %get3A_343 = arith.index_cast %get3A_342 : i32 to index
        %get3A_344 = arith.index_cast %add3A_341 : i32 to index
        %get3A_345 = arith.index_cast %select_n3A_110 : i32 to index
        %get3A_346 = arith.constant 48 : index
        %get3A_347 = tpu.vector_load %arg6[%get3A_343, %get3A_344, %get3A_345, %get3A_346] {strides = array<i32>} : memref<2x28x8x256xf32, #tpu.memory_space<vmem>>, vector<16xf32>,
        %add3A_348 = arith.addf %add3A_339, %get3A_347 : vector<16xf32>
        %add3A_349 = arith.constant 20 : i32
        %add3A_350 = arith.addi %add3A_349, %select_n3A : i32
        %get3A_351 = arith.constant 0 : i32
        %get3A_352 = arith.index_cast %get3A_351 : i32 to index
        %get3A_353 = arith.index_cast %add3A_350 : i32 to index
        %get3A_354 = arith.index_cast %select_n3A_110 : i32 to index
        %get3A_355 = arith.constant 48 : index
        %get3A_356 = tpu.vector_load %arg6[%get3A_352, %get3A_353, %get3A_354, %get3A_355] {strides = array<i32>} : memref<2x28x8x256xf32, #tpu.memory_space<vmem>>, vector<16xf32>,
        %add3A_357 = arith.addf %add3A_348, %get3A_356 : vector<16xf32>
        %add3A_358 = arith.constant 24 : i32
        %add3A_359 = arith.addi %add3A_358, %select_n3A : i32
        %get3A_360 = arith.constant 0 : i32
        %get3A_361 = arith.index_cast %get3A_360 : i32 to index
        %get3A_362 = arith.index_cast %add3A_359 : i32 to index
        %get3A_363 = arith.index_cast %select_n3A_110 : i32 to index
        %get3A_364 = arith.constant 48 : index
        %get3A_365 = tpu.vector_load %arg6[%get3A_361, %get3A_362, %get3A_363, %get3A_364] {strides = array<i32>} : memref<2x28x8x256xf32, #tpu.memory_space<vmem>>, vector<16xf32>,
        %add3A_366 = arith.addf %add3A_357, %get3A_365 : vector<16xf32>
        %mul3A_367 = vector.broadcast %cond3A : f32 to vector<16xf32>
        %mul3A_368 = arith.mulf %add3A_366, %mul3A_367 : vector<16xf32>
        %swap3A_369 = arith.index_cast %select_n3A : i32 to index
        %swap3A_370 = arith.index_cast %select_n3A_110 : i32 to index
        %swap3A_371 = arith.constant 48 : index
        %swap3A_372 = tpu.vector_load %arg7[%swap3A_369, %swap3A_370, %swap3A_371] {strides = array<i32>} : memref<4x8x256xf32, #tpu.memory_space<vmem>>, vector<16xf32>,
        tpu.vector_store %arg7[%swap3A_369, %swap3A_370, %swap3A_371], %mul3A_368 {strides = array<i32>} : memref<4x8x256xf32, #tpu.memory_space<vmem>>, vector<16xf32>,
        %get3A_373 = arith.constant 0 : i32
        %get3A_374 = arith.index_cast %get3A_373 : i32 to index
        %get3A_375 = arith.index_cast %select_n3A : i32 to index
        %get3A_376 = arith.index_cast %select_n3A_110 : i32 to index
        %get3A_377 = arith.constant 64 : index
        %get3A_378 = tpu.vector_load %arg6[%get3A_374, %get3A_375, %get3A_376, %get3A_377] {strides = array<i32>} : memref<2x28x8x256xf32, #tpu.memory_space<vmem>>, vector<16xf32>,
        %add3A_379 = arith.constant 4 : i32
        %add3A_380 = arith.addi %add3A_379, %select_n3A : i32
        %get3A_381 = arith.constant 0 : i32
        %get3A_382 = arith.index_cast %get3A_381 : i32 to index
        %get3A_383 = arith.index_cast %add3A_380 : i32 to index
        %get3A_384 = arith.index_cast %select_n3A_110 : i32 to index
        %get3A_385 = arith.constant 64 : index
        %get3A_386 = tpu.vector_load %arg6[%get3A_382, %get3A_383, %get3A_384, %get3A_385] {strides = array<i32>} : memref<2x28x8x256xf32, #tpu.memory_space<vmem>>, vector<16xf32>,
        %add3A_387 = arith.addf %get3A_378, %get3A_386 : vector<16xf32>
        %add3A_388 = arith.constant 8 : i32
        %add3A_389 = arith.addi %add3A_388, %select_n3A : i32
        %get3A_390 = arith.constant 0 : i32
        %get3A_391 = arith.index_cast %get3A_390 : i32 to index
        %get3A_392 = arith.index_cast %add3A_389 : i32 to index
        %get3A_393 = arith.index_cast %select_n3A_110 : i32 to index
        %get3A_394 = arith.constant 64 : index
        %get3A_395 = tpu.vector_load %arg6[%get3A_391, %get3A_392, %get3A_393, %get3A_394] {strides = array<i32>} : memref<2x28x8x256xf32, #tpu.memory_space<vmem>>, vector<16xf32>,
        %add3A_396 = arith.addf %add3A_387, %get3A_395 : vector<16xf32>
        %add3A_397 = arith.constant 12 : i32
        %add3A_398 = arith.addi %add3A_397, %select_n3A : i32
        %get3A_399 = arith.constant 0 : i32
        %get3A_400 = arith.index_cast %get3A_399 : i32 to index
        %get3A_401 = arith.index_cast %add3A_398 : i32 to index
        %get3A_402 = arith.index_cast %select_n3A_110 : i32 to index
        %get3A_403 = arith.constant 64 : index
        %get3A_404 = tpu.vector_load %arg6[%get3A_400, %get3A_401, %get3A_402, %get3A_403] {strides = array<i32>} : memref<2x28x8x256xf32, #tpu.memory_space<vmem>>, vector<16xf32>,
        %add3A_405 = arith.addf %add3A_396, %get3A_404 : vector<16xf32>
        %add3A_406 = arith.constant 16 : i32
        %add3A_407 = arith.addi %add3A_406, %select_n3A : i32
        %get3A_408 = arith.constant 0 : i32
        %get3A_409 = arith.index_cast %get3A_408 : i32 to index
        %get3A_410 = arith.index_cast %add3A_407 : i32 to index
        %get3A_411 = arith.index_cast %select_n3A_110 : i32 to index
        %get3A_412 = arith.constant 64 : index
        %get3A_413 = tpu.vector_load %arg6[%get3A_409, %get3A_410, %get3A_411, %get3A_412] {strides = array<i32>} : memref<2x28x8x256xf32, #tpu.memory_space<vmem>>, vector<16xf32>,
        %add3A_414 = arith.addf %add3A_405, %get3A_413 : vector<16xf32>
        %add3A_415 = arith.constant 20 : i32
        %add3A_416 = arith.addi %add3A_415, %select_n3A : i32
        %get3A_417 = arith.constant 0 : i32
        %get3A_418 = arith.index_cast %get3A_417 : i32 to index
        %get3A_419 = arith.index_cast %add3A_416 : i32 to index
        %get3A_420 = arith.index_cast %select_n3A_110 : i32 to index
        %get3A_421 = arith.constant 64 : index
        %get3A_422 = tpu.vector_load %arg6[%get3A_418, %get3A_419, %get3A_420, %get3A_421] {strides = array<i32>} : memref<2x28x8x256xf32, #tpu.memory_space<vmem>>, vector<16xf32>,
        %add3A_423 = arith.addf %add3A_414, %get3A_422 : vector<16xf32>
        %add3A_424 = arith.constant 24 : i32
        %add3A_425 = arith.addi %add3A_424, %select_n3A : i32
        %get3A_426 = arith.constant 0 : i32
        %get3A_427 = arith.index_cast %get3A_426 : i32 to index
        %get3A_428 = arith.index_cast %add3A_425 : i32 to index
        %get3A_429 = arith.index_cast %select_n3A_110 : i32 to index
        %get3A_430 = arith.constant 64 : index
        %get3A_431 = tpu.vector_load %arg6[%get3A_427, %get3A_428, %get3A_429, %get3A_430] {strides = array<i32>} : memref<2x28x8x256xf32, #tpu.memory_space<vmem>>, vector<16xf32>,
        %add3A_432 = arith.addf %add3A_423, %get3A_431 : vector<16xf32>
        %mul3A_433 = vector.broadcast %cond3A : f32 to vector<16xf32>
        %mul3A_434 = arith.mulf %add3A_432, %mul3A_433 : vector<16xf32>
        %swap3A_435 = arith.index_cast %select_n3A : i32 to index
        %swap3A_436 = arith.index_cast %select_n3A_110 : i32 to index
        %swap3A_437 = arith.constant 64 : index
        %swap3A_438 = tpu.vector_load %arg7[%swap3A_435, %swap3A_436, %swap3A_437] {strides = array<i32>} : memref<4x8x256xf32, #tpu.memory_space<vmem>>, vector<16xf32>,
        tpu.vector_store %arg7[%swap3A_435, %swap3A_436, %swap3A_437], %mul3A_434 {strides = array<i32>} : memref<4x8x256xf32, #tpu.memory_space<vmem>>, vector<16xf32>,
        %get3A_439 = arith.constant 0 : i32
        %get3A_440 = arith.index_cast %get3A_439 : i32 to index
        %get3A_441 = arith.index_cast %select_n3A : i32 to index
        %get3A_442 = arith.index_cast %select_n3A_110 : i32 to index
        %get3A_443 = arith.constant 80 : index
        %get3A_444 = tpu.vector_load %arg6[%get3A_440, %get3A_441, %get3A_442, %get3A_443] {strides = array<i32>} : memref<2x28x8x256xf32, #tpu.memory_space<vmem>>, vector<16xf32>,
        %add3A_445 = arith.constant 4 : i32
        %add3A_446 = arith.addi %add3A_445, %select_n3A : i32
        %get3A_447 = arith.constant 0 : i32
        %get3A_448 = arith.index_cast %get3A_447 : i32 to index
        %get3A_449 = arith.index_cast %add3A_446 : i32 to index
        %get3A_450 = arith.index_cast %select_n3A_110 : i32 to index
        %get3A_451 = arith.constant 80 : index
        %get3A_452 = tpu.vector_load %arg6[%get3A_448, %get3A_449, %get3A_450, %get3A_451] {strides = array<i32>} : memref<2x28x8x256xf32, #tpu.memory_space<vmem>>, vector<16xf32>,
        %add3A_453 = arith.addf %get3A_444, %get3A_452 : vector<16xf32>
        %add3A_454 = arith.constant 8 : i32
        %add3A_455 = arith.addi %add3A_454, %select_n3A : i32
        %get3A_456 = arith.constant 0 : i32
        %get3A_457 = arith.index_cast %get3A_456 : i32 to index
        %get3A_458 = arith.index_cast %add3A_455 : i32 to index
        %get3A_459 = arith.index_cast %select_n3A_110 : i32 to index
        %get3A_460 = arith.constant 80 : index
        %get3A_461 = tpu.vector_load %arg6[%get3A_457, %get3A_458, %get3A_459, %get3A_460] {strides = array<i32>} : memref<2x28x8x256xf32, #tpu.memory_space<vmem>>, vector<16xf32>,
        %add3A_462 = arith.addf %add3A_453, %get3A_461 : vector<16xf32>
        %add3A_463 = arith.constant 12 : i32
        %add3A_464 = arith.addi %add3A_463, %select_n3A : i32
        %get3A_465 = arith.constant 0 : i32
        %get3A_466 = arith.index_cast %get3A_465 : i32 to index
        %get3A_467 = arith.index_cast %add3A_464 : i32 to index
        %get3A_468 = arith.index_cast %select_n3A_110 : i32 to index
        %get3A_469 = arith.constant 80 : index
        %get3A_470 = tpu.vector_load %arg6[%get3A_466, %get3A_467, %get3A_468, %get3A_469] {strides = array<i32>} : memref<2x28x8x256xf32, #tpu.memory_space<vmem>>, vector<16xf32>,
        %add3A_471 = arith.addf %add3A_462, %get3A_470 : vector<16xf32>
        %add3A_472 = arith.constant 16 : i32
        %add3A_473 = arith.addi %add3A_472, %select_n3A : i32
        %get3A_474 = arith.constant 0 : i32
        %get3A_475 = arith.index_cast %get3A_474 : i32 to index
        %get3A_476 = arith.index_cast %add3A_473 : i32 to index
        %get3A_477 = arith.index_cast %select_n3A_110 : i32 to index
        %get3A_478 = arith.constant 80 : index
        %get3A_479 = tpu.vector_load %arg6[%get3A_475, %get3A_476, %get3A_477, %get3A_478] {strides = array<i32>} : memref<2x28x8x256xf32, #tpu.memory_space<vmem>>, vector<16xf32>,
        %add3A_480 = arith.addf %add3A_471, %get3A_479 : vector<16xf32>
        %add3A_481 = arith.constant 20 : i32
        %add3A_482 = arith.addi %add3A_481, %select_n3A : i32
        %get3A_483 = arith.constant 0 : i32
        %get3A_484 = arith.index_cast %get3A_483 : i32 to index
        %get3A_485 = arith.index_cast %add3A_482 : i32 to index
        %get3A_486 = arith.index_cast %select_n3A_110 : i32 to index
        %get3A_487 = arith.constant 80 : index
        %get3A_488 = tpu.vector_load %arg6[%get3A_484, %get3A_485, %get3A_486, %get3A_487] {strides = array<i32>} : memref<2x28x8x256xf32, #tpu.memory_space<vmem>>, vector<16xf32>,
        %add3A_489 = arith.addf %add3A_480, %get3A_488 : vector<16xf32>
        %add3A_490 = arith.constant 24 : i32
        %add3A_491 = arith.addi %add3A_490, %select_n3A : i32
        %get3A_492 = arith.constant 0 : i32
        %get3A_493 = arith.index_cast %get3A_492 : i32 to index
        %get3A_494 = arith.index_cast %add3A_491 : i32 to index
        %get3A_495 = arith.index_cast %select_n3A_110 : i32 to index
        %get3A_496 = arith.constant 80 : index
        %get3A_497 = tpu.vector_load %arg6[%get3A_493, %get3A_494, %get3A_495, %get3A_496] {strides = array<i32>} : memref<2x28x8x256xf32, #tpu.memory_space<vmem>>, vector<16xf32>,
        %add3A_498 = arith.addf %add3A_489, %get3A_497 : vector<16xf32>
        %mul3A_499 = vector.broadcast %cond3A : f32 to vector<16xf32>
        %mul3A_500 = arith.mulf %add3A_498, %mul3A_499 : vector<16xf32>
        %swap3A_501 = arith.index_cast %select_n3A : i32 to index
        %swap3A_502 = arith.index_cast %select_n3A_110 : i32 to index
        %swap3A_503 = arith.constant 80 : index
        %swap3A_504 = tpu.vector_load %arg7[%swap3A_501, %swap3A_502, %swap3A_503] {strides = array<i32>} : memref<4x8x256xf32, #tpu.memory_space<vmem>>, vector<16xf32>,
        tpu.vector_store %arg7[%swap3A_501, %swap3A_502, %swap3A_503], %mul3A_500 {strides = array<i32>} : memref<4x8x256xf32, #tpu.memory_space<vmem>>, vector<16xf32>,
        %get3A_505 = arith.constant 0 : i32
        %get3A_506 = arith.index_cast %get3A_505 : i32 to index
        %get3A_507 = arith.index_cast %select_n3A : i32 to index
        %get3A_508 = arith.index_cast %select_n3A_110 : i32 to index
        %get3A_509 = arith.constant 96 : index
        %get3A_510 = tpu.vector_load %arg6[%get3A_506, %get3A_507, %get3A_508, %get3A_509] {strides = array<i32>} : memref<2x28x8x256xf32, #tpu.memory_space<vmem>>, vector<16xf32>,
        %add3A_511 = arith.constant 4 : i32
        %add3A_512 = arith.addi %add3A_511, %select_n3A : i32
        %get3A_513 = arith.constant 0 : i32
        %get3A_514 = arith.index_cast %get3A_513 : i32 to index
        %get3A_515 = arith.index_cast %add3A_512 : i32 to index
        %get3A_516 = arith.index_cast %select_n3A_110 : i32 to index
        %get3A_517 = arith.constant 96 : index
        %get3A_518 = tpu.vector_load %arg6[%get3A_514, %get3A_515, %get3A_516, %get3A_517] {strides = array<i32>} : memref<2x28x8x256xf32, #tpu.memory_space<vmem>>, vector<16xf32>,
        %add3A_519 = arith.addf %get3A_510, %get3A_518 : vector<16xf32>
        %add3A_520 = arith.constant 8 : i32
        %add3A_521 = arith.addi %add3A_520, %select_n3A : i32
        %get3A_522 = arith.constant 0 : i32
        %get3A_523 = arith.index_cast %get3A_522 : i32 to index
        %get3A_524 = arith.index_cast %add3A_521 : i32 to index
        %get3A_525 = arith.index_cast %select_n3A_110 : i32 to index
        %get3A_526 = arith.constant 96 : index
        %get3A_527 = tpu.vector_load %arg6[%get3A_523, %get3A_524, %get3A_525, %get3A_526] {strides = array<i32>} : memref<2x28x8x256xf32, #tpu.memory_space<vmem>>, vector<16xf32>,
        %add3A_528 = arith.addf %add3A_519, %get3A_527 : vector<16xf32>
        %add3A_529 = arith.constant 12 : i32
        %add3A_530 = arith.addi %add3A_529, %select_n3A : i32
        %get3A_531 = arith.constant 0 : i32
        %get3A_532 = arith.index_cast %get3A_531 : i32 to index
        %get3A_533 = arith.index_cast %add3A_530 : i32 to index
        %get3A_534 = arith.index_cast %select_n3A_110 : i32 to index
        %get3A_535 = arith.constant 96 : index
        %get3A_536 = tpu.vector_load %arg6[%get3A_532, %get3A_533, %get3A_534, %get3A_535] {strides = array<i32>} : memref<2x28x8x256xf32, #tpu.memory_space<vmem>>, vector<16xf32>,
        %add3A_537 = arith.addf %add3A_528, %get3A_536 : vector<16xf32>
        %add3A_538 = arith.constant 16 : i32
        %add3A_539 = arith.addi %add3A_538, %select_n3A : i32
        %get3A_540 = arith.constant 0 : i32
        %get3A_541 = arith.index_cast %get3A_540 : i32 to index
        %get3A_542 = arith.index_cast %add3A_539 : i32 to index
        %get3A_543 = arith.index_cast %select_n3A_110 : i32 to index
        %get3A_544 = arith.constant 96 : index
        %get3A_545 = tpu.vector_load %arg6[%get3A_541, %get3A_542, %get3A_543, %get3A_544] {strides = array<i32>} : memref<2x28x8x256xf32, #tpu.memory_space<vmem>>, vector<16xf32>,
        %add3A_546 = arith.addf %add3A_537, %get3A_545 : vector<16xf32>
        %add3A_547 = arith.constant 20 : i32
        %add3A_548 = arith.addi %add3A_547, %select_n3A : i32
        %get3A_549 = arith.constant 0 : i32
        %get3A_550 = arith.index_cast %get3A_549 : i32 to index
        %get3A_551 = arith.index_cast %add3A_548 : i32 to index
        %get3A_552 = arith.index_cast %select_n3A_110 : i32 to index
        %get3A_553 = arith.constant 96 : index
        %get3A_554 = tpu.vector_load %arg6[%get3A_550, %get3A_551, %get3A_552, %get3A_553] {strides = array<i32>} : memref<2x28x8x256xf32, #tpu.memory_space<vmem>>, vector<16xf32>,
        %add3A_555 = arith.addf %add3A_546, %get3A_554 : vector<16xf32>
        %add3A_556 = arith.constant 24 : i32
        %add3A_557 = arith.addi %add3A_556, %select_n3A : i32
        %get3A_558 = arith.constant 0 : i32
        %get3A_559 = arith.index_cast %get3A_558 : i32 to index
        %get3A_560 = arith.index_cast %add3A_557 : i32 to index
        %get3A_561 = arith.index_cast %select_n3A_110 : i32 to index
        %get3A_562 = arith.constant 96 : index
        %get3A_563 = tpu.vector_load %arg6[%get3A_559, %get3A_560, %get3A_561, %get3A_562] {strides = array<i32>} : memref<2x28x8x256xf32, #tpu.memory_space<vmem>>, vector<16xf32>,
        %add3A_564 = arith.addf %add3A_555, %get3A_563 : vector<16xf32>
        %mul3A_565 = vector.broadcast %cond3A : f32 to vector<16xf32>
        %mul3A_566 = arith.mulf %add3A_564, %mul3A_565 : vector<16xf32>
        %swap3A_567 = arith.index_cast %select_n3A : i32 to index
        %swap3A_568 = arith.index_cast %select_n3A_110 : i32 to index
        %swap3A_569 = arith.constant 96 : index
        %swap3A_570 = tpu.vector_load %arg7[%swap3A_567, %swap3A_568, %swap3A_569] {strides = array<i32>} : memref<4x8x256xf32, #tpu.memory_space<vmem>>, vector<16xf32>,
        tpu.vector_store %arg7[%swap3A_567, %swap3A_568, %swap3A_569], %mul3A_566 {strides = array<i32>} : memref<4x8x256xf32, #tpu.memory_space<vmem>>, vector<16xf32>,
        %get3A_571 = arith.constant 0 : i32
        %get3A_572 = arith.index_cast %get3A_571 : i32 to index
        %get3A_573 = arith.index_cast %select_n3A : i32 to index
        %get3A_574 = arith.index_cast %select_n3A_110 : i32 to index
        %get3A_575 = arith.constant 112 : index
        %get3A_576 = tpu.vector_load %arg6[%get3A_572, %get3A_573, %get3A_574, %get3A_575] {strides = array<i32>} : memref<2x28x8x256xf32, #tpu.memory_space<vmem>>, vector<16xf32>,
        %add3A_577 = arith.constant 4 : i32
        %add3A_578 = arith.addi %add3A_577, %select_n3A : i32
        %get3A_579 = arith.constant 0 : i32
        %get3A_580 = arith.index_cast %get3A_579 : i32 to index
        %get3A_581 = arith.index_cast %add3A_578 : i32 to index
        %get3A_582 = arith.index_cast %select_n3A_110 : i32 to index
        %get3A_583 = arith.constant 112 : index
        %get3A_584 = tpu.vector_load %arg6[%get3A_580, %get3A_581, %get3A_582, %get3A_583] {strides = array<i32>} : memref<2x28x8x256xf32, #tpu.memory_space<vmem>>, vector<16xf32>,
        %add3A_585 = arith.addf %get3A_576, %get3A_584 : vector<16xf32>
        %add3A_586 = arith.constant 8 : i32
        %add3A_587 = arith.addi %add3A_586, %select_n3A : i32
        %get3A_588 = arith.constant 0 : i32
        %get3A_589 = arith.index_cast %get3A_588 : i32 to index
        %get3A_590 = arith.index_cast %add3A_587 : i32 to index
        %get3A_591 = arith.index_cast %select_n3A_110 : i32 to index
        %get3A_592 = arith.constant 112 : index
        %get3A_593 = tpu.vector_load %arg6[%get3A_589, %get3A_590, %get3A_591, %get3A_592] {strides = array<i32>} : memref<2x28x8x256xf32, #tpu.memory_space<vmem>>, vector<16xf32>,
        %add3A_594 = arith.addf %add3A_585, %get3A_593 : vector<16xf32>
        %add3A_595 = arith.constant 12 : i32
        %add3A_596 = arith.addi %add3A_595, %select_n3A : i32
        %get3A_597 = arith.constant 0 : i32
        %get3A_598 = arith.index_cast %get3A_597 : i32 to index
        %get3A_599 = arith.index_cast %add3A_596 : i32 to index
        %get3A_600 = arith.index_cast %select_n3A_110 : i32 to index
        %get3A_601 = arith.constant 112 : index
        %get3A_602 = tpu.vector_load %arg6[%get3A_598, %get3A_599, %get3A_600, %get3A_601] {strides = array<i32>} : memref<2x28x8x256xf32, #tpu.memory_space<vmem>>, vector<16xf32>,
        %add3A_603 = arith.addf %add3A_594, %get3A_602 : vector<16xf32>
        %add3A_604 = arith.constant 16 : i32
        %add3A_605 = arith.addi %add3A_604, %select_n3A : i32
        %get3A_606 = arith.constant 0 : i32
        %get3A_607 = arith.index_cast %get3A_606 : i32 to index
        %get3A_608 = arith.index_cast %add3A_605 : i32 to index
        %get3A_609 = arith.index_cast %select_n3A_110 : i32 to index
        %get3A_610 = arith.constant 112 : index
        %get3A_611 = tpu.vector_load %arg6[%get3A_607, %get3A_608, %get3A_609, %get3A_610] {strides = array<i32>} : memref<2x28x8x256xf32, #tpu.memory_space<vmem>>, vector<16xf32>,
        %add3A_612 = arith.addf %add3A_603, %get3A_611 : vector<16xf32>
        %add3A_613 = arith.constant 20 : i32
        %add3A_614 = arith.addi %add3A_613, %select_n3A : i32
        %get3A_615 = arith.constant 0 : i32
        %get3A_616 = arith.index_cast %get3A_615 : i32 to index
        %get3A_617 = arith.index_cast %add3A_614 : i32 to index
        %get3A_618 = arith.index_cast %select_n3A_110 : i32 to index
        %get3A_619 = arith.constant 112 : index
        %get3A_620 = tpu.vector_load %arg6[%get3A_616, %get3A_617, %get3A_618, %get3A_619] {strides = array<i32>} : memref<2x28x8x256xf32, #tpu.memory_space<vmem>>, vector<16xf32>,
        %add3A_621 = arith.addf %add3A_612, %get3A_620 : vector<16xf32>
        %add3A_622 = arith.constant 24 : i32
        %add3A_623 = arith.addi %add3A_622, %select_n3A : i32
        %get3A_624 = arith.constant 0 : i32
        %get3A_625 = arith.index_cast %get3A_624 : i32 to index
        %get3A_626 = arith.index_cast %add3A_623 : i32 to index
        %get3A_627 = arith.index_cast %select_n3A_110 : i32 to index
        %get3A_628 = arith.constant 112 : index
        %get3A_629 = tpu.vector_load %arg6[%get3A_625, %get3A_626, %get3A_627, %get3A_628] {strides = array<i32>} : memref<2x28x8x256xf32, #tpu.memory_space<vmem>>, vector<16xf32>,
        %add3A_630 = arith.addf %add3A_621, %get3A_629 : vector<16xf32>
        %mul3A_631 = vector.broadcast %cond3A : f32 to vector<16xf32>
        %mul3A_632 = arith.mulf %add3A_630, %mul3A_631 : vector<16xf32>
        %swap3A_633 = arith.index_cast %select_n3A : i32 to index
        %swap3A_634 = arith.index_cast %select_n3A_110 : i32 to index
        %swap3A_635 = arith.constant 112 : index
        %swap3A_636 = tpu.vector_load %arg7[%swap3A_633, %swap3A_634, %swap3A_635] {strides = array<i32>} : memref<4x8x256xf32, #tpu.memory_space<vmem>>, vector<16xf32>,
        tpu.vector_store %arg7[%swap3A_633, %swap3A_634, %swap3A_635], %mul3A_632 {strides = array<i32>} : memref<4x8x256xf32, #tpu.memory_space<vmem>>, vector<16xf32>,
        %get3A_637 = arith.constant 0 : i32
        %get3A_638 = arith.index_cast %get3A_637 : i32 to index
        %get3A_639 = arith.index_cast %select_n3A : i32 to index
        %get3A_640 = arith.index_cast %select_n3A_110 : i32 to index
        %get3A_641 = arith.constant 128 : index
        %get3A_642 = tpu.vector_load %arg6[%get3A_638, %get3A_639, %get3A_640, %get3A_641] {strides = array<i32>} : memref<2x28x8x256xf32, #tpu.memory_space<vmem>>, vector<16xf32>,
        %add3A_643 = arith.constant 4 : i32
        %add3A_644 = arith.addi %add3A_643, %select_n3A : i32
        %get3A_645 = arith.constant 0 : i32
        %get3A_646 = arith.index_cast %get3A_645 : i32 to index
        %get3A_647 = arith.index_cast %add3A_644 : i32 to index
        %get3A_648 = arith.index_cast %select_n3A_110 : i32 to index
        %get3A_649 = arith.constant 128 : index
        %get3A_650 = tpu.vector_load %arg6[%get3A_646, %get3A_647, %get3A_648, %get3A_649] {strides = array<i32>} : memref<2x28x8x256xf32, #tpu.memory_space<vmem>>, vector<16xf32>,
        %add3A_651 = arith.addf %get3A_642, %get3A_650 : vector<16xf32>
        %add3A_652 = arith.constant 8 : i32
        %add3A_653 = arith.addi %add3A_652, %select_n3A : i32
        %get3A_654 = arith.constant 0 : i32
        %get3A_655 = arith.index_cast %get3A_654 : i32 to index
        %get3A_656 = arith.index_cast %add3A_653 : i32 to index
        %get3A_657 = arith.index_cast %select_n3A_110 : i32 to index
        %get3A_658 = arith.constant 128 : index
        %get3A_659 = tpu.vector_load %arg6[%get3A_655, %get3A_656, %get3A_657, %get3A_658] {strides = array<i32>} : memref<2x28x8x256xf32, #tpu.memory_space<vmem>>, vector<16xf32>,
        %add3A_660 = arith.addf %add3A_651, %get3A_659 : vector<16xf32>
        %add3A_661 = arith.constant 12 : i32
        %add3A_662 = arith.addi %add3A_661, %select_n3A : i32
        %get3A_663 = arith.constant 0 : i32
        %get3A_664 = arith.index_cast %get3A_663 : i32 to index
        %get3A_665 = arith.index_cast %add3A_662 : i32 to index
        %get3A_666 = arith.index_cast %select_n3A_110 : i32 to index
        %get3A_667 = arith.constant 128 : index
        %get3A_668 = tpu.vector_load %arg6[%get3A_664, %get3A_665, %get3A_666, %get3A_667] {strides = array<i32>} : memref<2x28x8x256xf32, #tpu.memory_space<vmem>>, vector<16xf32>,
        %add3A_669 = arith.addf %add3A_660, %get3A_668 : vector<16xf32>
        %add3A_670 = arith.constant 16 : i32
        %add3A_671 = arith.addi %add3A_670, %select_n3A : i32
        %get3A_672 = arith.constant 0 : i32
        %get3A_673 = arith.index_cast %get3A_672 : i32 to index
        %get3A_674 = arith.index_cast %add3A_671 : i32 to index
        %get3A_675 = arith.index_cast %select_n3A_110 : i32 to index
        %get3A_676 = arith.constant 128 : index
        %get3A_677 = tpu.vector_load %arg6[%get3A_673, %get3A_674, %get3A_675, %get3A_676] {strides = array<i32>} : memref<2x28x8x256xf32, #tpu.memory_space<vmem>>, vector<16xf32>,
        %add3A_678 = arith.addf %add3A_669, %get3A_677 : vector<16xf32>
        %add3A_679 = arith.constant 20 : i32
        %add3A_680 = arith.addi %add3A_679, %select_n3A : i32
        %get3A_681 = arith.constant 0 : i32
        %get3A_682 = arith.index_cast %get3A_681 : i32 to index
        %get3A_683 = arith.index_cast %add3A_680 : i32 to index
        %get3A_684 = arith.index_cast %select_n3A_110 : i32 to index
        %get3A_685 = arith.constant 128 : index
        %get3A_686 = tpu.vector_load %arg6[%get3A_682, %get3A_683, %get3A_684, %get3A_685] {strides = array<i32>} : memref<2x28x8x256xf32, #tpu.memory_space<vmem>>, vector<16xf32>,
        %add3A_687 = arith.addf %add3A_678, %get3A_686 : vector<16xf32>
        %add3A_688 = arith.constant 24 : i32
        %add3A_689 = arith.addi %add3A_688, %select_n3A : i32
        %get3A_690 = arith.constant 0 : i32
        %get3A_691 = arith.index_cast %get3A_690 : i32 to index
        %get3A_692 = arith.index_cast %add3A_689 : i32 to index
        %get3A_693 = arith.index_cast %select_n3A_110 : i32 to index
        %get3A_694 = arith.constant 128 : index
        %get3A_695 = tpu.vector_load %arg6[%get3A_691, %get3A_692, %get3A_693, %get3A_694] {strides = array<i32>} : memref<2x28x8x256xf32, #tpu.memory_space<vmem>>, vector<16xf32>,
        %add3A_696 = arith.addf %add3A_687, %get3A_695 : vector<16xf32>
        %mul3A_697 = vector.broadcast %cond3A : f32 to vector<16xf32>
        %mul3A_698 = arith.mulf %add3A_696, %mul3A_697 : vector<16xf32>
        %swap3A_699 = arith.index_cast %select_n3A : i32 to index
        %swap3A_700 = arith.index_cast %select_n3A_110 : i32 to index
        %swap3A_701 = arith.constant 128 : index
        %swap3A_702 = tpu.vector_load %arg7[%swap3A_699, %swap3A_700, %swap3A_701] {strides = array<i32>} : memref<4x8x256xf32, #tpu.memory_space<vmem>>, vector<16xf32>,
        tpu.vector_store %arg7[%swap3A_699, %swap3A_700, %swap3A_701], %mul3A_698 {strides = array<i32>} : memref<4x8x256xf32, #tpu.memory_space<vmem>>, vector<16xf32>,
        %get3A_703 = arith.constant 0 : i32
        %get3A_704 = arith.index_cast %get3A_703 : i32 to index
        %get3A_705 = arith.index_cast %select_n3A : i32 to index
        %get3A_706 = arith.index_cast %select_n3A_110 : i32 to index
        %get3A_707 = arith.constant 144 : index
        %get3A_708 = tpu.vector_load %arg6[%get3A_704, %get3A_705, %get3A_706, %get3A_707] {strides = array<i32>} : memref<2x28x8x256xf32, #tpu.memory_space<vmem>>, vector<16xf32>,
        %add3A_709 = arith.constant 4 : i32
        %add3A_710 = arith.addi %add3A_709, %select_n3A : i32
        %get3A_711 = arith.constant 0 : i32
        %get3A_712 = arith.index_cast %get3A_711 : i32 to index
        %get3A_713 = arith.index_cast %add3A_710 : i32 to index
        %get3A_714 = arith.index_cast %select_n3A_110 : i32 to index
        %get3A_715 = arith.constant 144 : index
        %get3A_716 = tpu.vector_load %arg6[%get3A_712, %get3A_713, %get3A_714, %get3A_715] {strides = array<i32>} : memref<2x28x8x256xf32, #tpu.memory_space<vmem>>, vector<16xf32>,
        %add3A_717 = arith.addf %get3A_708, %get3A_716 : vector<16xf32>
        %add3A_718 = arith.constant 8 : i32
        %add3A_719 = arith.addi %add3A_718, %select_n3A : i32
        %get3A_720 = arith.constant 0 : i32
        %get3A_721 = arith.index_cast %get3A_720 : i32 to index
        %get3A_722 = arith.index_cast %add3A_719 : i32 to index
        %get3A_723 = arith.index_cast %select_n3A_110 : i32 to index
        %get3A_724 = arith.constant 144 : index
        %get3A_725 = tpu.vector_load %arg6[%get3A_721, %get3A_722, %get3A_723, %get3A_724] {strides = array<i32>} : memref<2x28x8x256xf32, #tpu.memory_space<vmem>>, vector<16xf32>,
        %add3A_726 = arith.addf %add3A_717, %get3A_725 : vector<16xf32>
        %add3A_727 = arith.constant 12 : i32
        %add3A_728 = arith.addi %add3A_727, %select_n3A : i32
        %get3A_729 = arith.constant 0 : i32
        %get3A_730 = arith.index_cast %get3A_729 : i32 to index
        %get3A_731 = arith.index_cast %add3A_728 : i32 to index
        %get3A_732 = arith.index_cast %select_n3A_110 : i32 to index
        %get3A_733 = arith.constant 144 : index
        %get3A_734 = tpu.vector_load %arg6[%get3A_730, %get3A_731, %get3A_732, %get3A_733] {strides = array<i32>} : memref<2x28x8x256xf32, #tpu.memory_space<vmem>>, vector<16xf32>,
        %add3A_735 = arith.addf %add3A_726, %get3A_734 : vector<16xf32>
        %add3A_736 = arith.constant 16 : i32
        %add3A_737 = arith.addi %add3A_736, %select_n3A : i32
        %get3A_738 = arith.constant 0 : i32
        %get3A_739 = arith.index_cast %get3A_738 : i32 to index
        %get3A_740 = arith.index_cast %add3A_737 : i32 to index
        %get3A_741 = arith.index_cast %select_n3A_110 : i32 to index
        %get3A_742 = arith.constant 144 : index
        %get3A_743 = tpu.vector_load %arg6[%get3A_739, %get3A_740, %get3A_741, %get3A_742] {strides = array<i32>} : memref<2x28x8x256xf32, #tpu.memory_space<vmem>>, vector<16xf32>,
        %add3A_744 = arith.addf %add3A_735, %get3A_743 : vector<16xf32>
        %add3A_745 = arith.constant 20 : i32
        %add3A_746 = arith.addi %add3A_745, %select_n3A : i32
        %get3A_747 = arith.constant 0 : i32
        %get3A_748 = arith.index_cast %get3A_747 : i32 to index
        %get3A_749 = arith.index_cast %add3A_746 : i32 to index
        %get3A_750 = arith.index_cast %select_n3A_110 : i32 to index
        %get3A_751 = arith.constant 144 : index
        %get3A_752 = tpu.vector_load %arg6[%get3A_748, %get3A_749, %get3A_750, %get3A_751] {strides = array<i32>} : memref<2x28x8x256xf32, #tpu.memory_space<vmem>>, vector<16xf32>,
        %add3A_753 = arith.addf %add3A_744, %get3A_752 : vector<16xf32>
        %add3A_754 = arith.constant 24 : i32
        %add3A_755 = arith.addi %add3A_754, %select_n3A : i32
        %get3A_756 = arith.constant 0 : i32
        %get3A_757 = arith.index_cast %get3A_756 : i32 to index
        %get3A_758 = arith.index_cast %add3A_755 : i32 to index
        %get3A_759 = arith.index_cast %select_n3A_110 : i32 to index
        %get3A_760 = arith.constant 144 : index
        %get3A_761 = tpu.vector_load %arg6[%get3A_757, %get3A_758, %get3A_759, %get3A_760] {strides = array<i32>} : memref<2x28x8x256xf32, #tpu.memory_space<vmem>>, vector<16xf32>,
        %add3A_762 = arith.addf %add3A_753, %get3A_761 : vector<16xf32>
        %mul3A_763 = vector.broadcast %cond3A : f32 to vector<16xf32>
        %mul3A_764 = arith.mulf %add3A_762, %mul3A_763 : vector<16xf32>
        %swap3A_765 = arith.index_cast %select_n3A : i32 to index
        %swap3A_766 = arith.index_cast %select_n3A_110 : i32 to index
        %swap3A_767 = arith.constant 144 : index
        %swap3A_768 = tpu.vector_load %arg7[%swap3A_765, %swap3A_766, %swap3A_767] {strides = array<i32>} : memref<4x8x256xf32, #tpu.memory_space<vmem>>, vector<16xf32>,
        tpu.vector_store %arg7[%swap3A_765, %swap3A_766, %swap3A_767], %mul3A_764 {strides = array<i32>} : memref<4x8x256xf32, #tpu.memory_space<vmem>>, vector<16xf32>,
        %get3A_769 = arith.constant 0 : i32
        %get3A_770 = arith.index_cast %get3A_769 : i32 to index
        %get3A_771 = arith.index_cast %select_n3A : i32 to index
        %get3A_772 = arith.index_cast %select_n3A_110 : i32 to index
        %get3A_773 = arith.constant 160 : index
        %get3A_774 = tpu.vector_load %arg6[%get3A_770, %get3A_771, %get3A_772, %get3A_773] {strides = array<i32>} : memref<2x28x8x256xf32, #tpu.memory_space<vmem>>, vector<16xf32>,
        %add3A_775 = arith.constant 4 : i32
        %add3A_776 = arith.addi %add3A_775, %select_n3A : i32
        %get3A_777 = arith.constant 0 : i32
        %get3A_778 = arith.index_cast %get3A_777 : i32 to index
        %get3A_779 = arith.index_cast %add3A_776 : i32 to index
        %get3A_780 = arith.index_cast %select_n3A_110 : i32 to index
        %get3A_781 = arith.constant 160 : index
        %get3A_782 = tpu.vector_load %arg6[%get3A_778, %get3A_779, %get3A_780, %get3A_781] {strides = array<i32>} : memref<2x28x8x256xf32, #tpu.memory_space<vmem>>, vector<16xf32>,
        %add3A_783 = arith.addf %get3A_774, %get3A_782 : vector<16xf32>
        %add3A_784 = arith.constant 8 : i32
        %add3A_785 = arith.addi %add3A_784, %select_n3A : i32
        %get3A_786 = arith.constant 0 : i32
        %get3A_787 = arith.index_cast %get3A_786 : i32 to index
        %get3A_788 = arith.index_cast %add3A_785 : i32 to index
        %get3A_789 = arith.index_cast %select_n3A_110 : i32 to index
        %get3A_790 = arith.constant 160 : index
        %get3A_791 = tpu.vector_load %arg6[%get3A_787, %get3A_788, %get3A_789, %get3A_790] {strides = array<i32>} : memref<2x28x8x256xf32, #tpu.memory_space<vmem>>, vector<16xf32>,
        %add3A_792 = arith.addf %add3A_783, %get3A_791 : vector<16xf32>
        %add3A_793 = arith.constant 12 : i32
        %add3A_794 = arith.addi %add3A_793, %select_n3A : i32
        %get3A_795 = arith.constant 0 : i32
        %get3A_796 = arith.index_cast %get3A_795 : i32 to index
        %get3A_797 = arith.index_cast %add3A_794 : i32 to index
        %get3A_798 = arith.index_cast %select_n3A_110 : i32 to index
        %get3A_799 = arith.constant 160 : index
        %get3A_800 = tpu.vector_load %arg6[%get3A_796, %get3A_797, %get3A_798, %get3A_799] {strides = array<i32>} : memref<2x28x8x256xf32, #tpu.memory_space<vmem>>, vector<16xf32>,
        %add3A_801 = arith.addf %add3A_792, %get3A_800 : vector<16xf32>
        %add3A_802 = arith.constant 16 : i32
        %add3A_803 = arith.addi %add3A_802, %select_n3A : i32
        %get3A_804 = arith.constant 0 : i32
        %get3A_805 = arith.index_cast %get3A_804 : i32 to index
        %get3A_806 = arith.index_cast %add3A_803 : i32 to index
        %get3A_807 = arith.index_cast %select_n3A_110 : i32 to index
        %get3A_808 = arith.constant 160 : index
        %get3A_809 = tpu.vector_load %arg6[%get3A_805, %get3A_806, %get3A_807, %get3A_808] {strides = array<i32>} : memref<2x28x8x256xf32, #tpu.memory_space<vmem>>, vector<16xf32>,
        %add3A_810 = arith.addf %add3A_801, %get3A_809 : vector<16xf32>
        %add3A_811 = arith.constant 20 : i32
        %add3A_812 = arith.addi %add3A_811, %select_n3A : i32
        %get3A_813 = arith.constant 0 : i32
        %get3A_814 = arith.index_cast %get3A_813 : i32 to index
        %get3A_815 = arith.index_cast %add3A_812 : i32 to index
        %get3A_816 = arith.index_cast %select_n3A_110 : i32 to index
        %get3A_817 = arith.constant 160 : index
        %get3A_818 = tpu.vector_load %arg6[%get3A_814, %get3A_815, %get3A_816, %get3A_817] {strides = array<i32>} : memref<2x28x8x256xf32, #tpu.memory_space<vmem>>, vector<16xf32>,
        %add3A_819 = arith.addf %add3A_810, %get3A_818 : vector<16xf32>
        %add3A_820 = arith.constant 24 : i32
        %add3A_821 = arith.addi %add3A_820, %select_n3A : i32
        %get3A_822 = arith.constant 0 : i32
        %get3A_823 = arith.index_cast %get3A_822 : i32 to index
        %get3A_824 = arith.index_cast %add3A_821 : i32 to index
        %get3A_825 = arith.index_cast %select_n3A_110 : i32 to index
        %get3A_826 = arith.constant 160 : index
        %get3A_827 = tpu.vector_load %arg6[%get3A_823, %get3A_824, %get3A_825, %get3A_826] {strides = array<i32>} : memref<2x28x8x256xf32, #tpu.memory_space<vmem>>, vector<16xf32>,
        %add3A_828 = arith.addf %add3A_819, %get3A_827 : vector<16xf32>
        %mul3A_829 = vector.broadcast %cond3A : f32 to vector<16xf32>
        %mul3A_830 = arith.mulf %add3A_828, %mul3A_829 : vector<16xf32>
        %swap3A_831 = arith.index_cast %select_n3A : i32 to index
        %swap3A_832 = arith.index_cast %select_n3A_110 : i32 to index
        %swap3A_833 = arith.constant 160 : index
        %swap3A_834 = tpu.vector_load %arg7[%swap3A_831, %swap3A_832, %swap3A_833] {strides = array<i32>} : memref<4x8x256xf32, #tpu.memory_space<vmem>>, vector<16xf32>,
        tpu.vector_store %arg7[%swap3A_831, %swap3A_832, %swap3A_833], %mul3A_830 {strides = array<i32>} : memref<4x8x256xf32, #tpu.memory_space<vmem>>, vector<16xf32>,
        %get3A_835 = arith.constant 0 : i32
        %get3A_836 = arith.index_cast %get3A_835 : i32 to index
        %get3A_837 = arith.index_cast %select_n3A : i32 to index
        %get3A_838 = arith.index_cast %select_n3A_110 : i32 to index
        %get3A_839 = arith.constant 176 : index
        %get3A_840 = tpu.vector_load %arg6[%get3A_836, %get3A_837, %get3A_838, %get3A_839] {strides = array<i32>} : memref<2x28x8x256xf32, #tpu.memory_space<vmem>>, vector<16xf32>,
        %add3A_841 = arith.constant 4 : i32
        %add3A_842 = arith.addi %add3A_841, %select_n3A : i32
        %get3A_843 = arith.constant 0 : i32
        %get3A_844 = arith.index_cast %get3A_843 : i32 to index
        %get3A_845 = arith.index_cast %add3A_842 : i32 to index
        %get3A_846 = arith.index_cast %select_n3A_110 : i32 to index
        %get3A_847 = arith.constant 176 : index
        %get3A_848 = tpu.vector_load %arg6[%get3A_844, %get3A_845, %get3A_846, %get3A_847] {strides = array<i32>} : memref<2x28x8x256xf32, #tpu.memory_space<vmem>>, vector<16xf32>,
        %add3A_849 = arith.addf %get3A_840, %get3A_848 : vector<16xf32>
        %add3A_850 = arith.constant 8 : i32
        %add3A_851 = arith.addi %add3A_850, %select_n3A : i32
        %get3A_852 = arith.constant 0 : i32
        %get3A_853 = arith.index_cast %get3A_852 : i32 to index
        %get3A_854 = arith.index_cast %add3A_851 : i32 to index
        %get3A_855 = arith.index_cast %select_n3A_110 : i32 to index
        %get3A_856 = arith.constant 176 : index
        %get3A_857 = tpu.vector_load %arg6[%get3A_853, %get3A_854, %get3A_855, %get3A_856] {strides = array<i32>} : memref<2x28x8x256xf32, #tpu.memory_space<vmem>>, vector<16xf32>,
        %add3A_858 = arith.addf %add3A_849, %get3A_857 : vector<16xf32>
        %add3A_859 = arith.constant 12 : i32
        %add3A_860 = arith.addi %add3A_859, %select_n3A : i32
        %get3A_861 = arith.constant 0 : i32
        %get3A_862 = arith.index_cast %get3A_861 : i32 to index
        %get3A_863 = arith.index_cast %add3A_860 : i32 to index
        %get3A_864 = arith.index_cast %select_n3A_110 : i32 to index
        %get3A_865 = arith.constant 176 : index
        %get3A_866 = tpu.vector_load %arg6[%get3A_862, %get3A_863, %get3A_864, %get3A_865] {strides = array<i32>} : memref<2x28x8x256xf32, #tpu.memory_space<vmem>>, vector<16xf32>,
        %add3A_867 = arith.addf %add3A_858, %get3A_866 : vector<16xf32>
        %add3A_868 = arith.constant 16 : i32
        %add3A_869 = arith.addi %add3A_868, %select_n3A : i32
        %get3A_870 = arith.constant 0 : i32
        %get3A_871 = arith.index_cast %get3A_870 : i32 to index
        %get3A_872 = arith.index_cast %add3A_869 : i32 to index
        %get3A_873 = arith.index_cast %select_n3A_110 : i32 to index
        %get3A_874 = arith.constant 176 : index
        %get3A_875 = tpu.vector_load %arg6[%get3A_871, %get3A_872, %get3A_873, %get3A_874] {strides = array<i32>} : memref<2x28x8x256xf32, #tpu.memory_space<vmem>>, vector<16xf32>,
        %add3A_876 = arith.addf %add3A_867, %get3A_875 : vector<16xf32>
        %add3A_877 = arith.constant 20 : i32
        %add3A_878 = arith.addi %add3A_877, %select_n3A : i32
        %get3A_879 = arith.constant 0 : i32
        %get3A_880 = arith.index_cast %get3A_879 : i32 to index
        %get3A_881 = arith.index_cast %add3A_878 : i32 to index
        %get3A_882 = arith.index_cast %select_n3A_110 : i32 to index
        %get3A_883 = arith.constant 176 : index
        %get3A_884 = tpu.vector_load %arg6[%get3A_880, %get3A_881, %get3A_882, %get3A_883] {strides = array<i32>} : memref<2x28x8x256xf32, #tpu.memory_space<vmem>>, vector<16xf32>,
        %add3A_885 = arith.addf %add3A_876, %get3A_884 : vector<16xf32>
        %add3A_886 = arith.constant 24 : i32
        %add3A_887 = arith.addi %add3A_886, %select_n3A : i32
        %get3A_888 = arith.constant 0 : i32
        %get3A_889 = arith.index_cast %get3A_888 : i32 to index
        %get3A_890 = arith.index_cast %add3A_887 : i32 to index
        %get3A_891 = arith.index_cast %select_n3A_110 : i32 to index
        %get3A_892 = arith.constant 176 : index
        %get3A_893 = tpu.vector_load %arg6[%get3A_889, %get3A_890, %get3A_891, %get3A_892] {strides = array<i32>} : memref<2x28x8x256xf32, #tpu.memory_space<vmem>>, vector<16xf32>,
        %add3A_894 = arith.addf %add3A_885, %get3A_893 : vector<16xf32>
        %mul3A_895 = vector.broadcast %cond3A : f32 to vector<16xf32>
        %mul3A_896 = arith.mulf %add3A_894, %mul3A_895 : vector<16xf32>
        %swap3A_897 = arith.index_cast %select_n3A : i32 to index
        %swap3A_898 = arith.index_cast %select_n3A_110 : i32 to index
        %swap3A_899 = arith.constant 176 : index
        %swap3A_900 = tpu.vector_load %arg7[%swap3A_897, %swap3A_898, %swap3A_899] {strides = array<i32>} : memref<4x8x256xf32, #tpu.memory_space<vmem>>, vector<16xf32>,
        tpu.vector_store %arg7[%swap3A_897, %swap3A_898, %swap3A_899], %mul3A_896 {strides = array<i32>} : memref<4x8x256xf32, #tpu.memory_space<vmem>>, vector<16xf32>,
        %get3A_901 = arith.constant 0 : i32
        %get3A_902 = arith.index_cast %get3A_901 : i32 to index
        %get3A_903 = arith.index_cast %select_n3A : i32 to index
        %get3A_904 = arith.index_cast %select_n3A_110 : i32 to index
        %get3A_905 = arith.constant 192 : index
        %get3A_906 = tpu.vector_load %arg6[%get3A_902, %get3A_903, %get3A_904, %get3A_905] {strides = array<i32>} : memref<2x28x8x256xf32, #tpu.memory_space<vmem>>, vector<16xf32>,
        %add3A_907 = arith.constant 4 : i32
        %add3A_908 = arith.addi %add3A_907, %select_n3A : i32
        %get3A_909 = arith.constant 0 : i32
        %get3A_910 = arith.index_cast %get3A_909 : i32 to index
        %get3A_911 = arith.index_cast %add3A_908 : i32 to index
        %get3A_912 = arith.index_cast %select_n3A_110 : i32 to index
        %get3A_913 = arith.constant 192 : index
        %get3A_914 = tpu.vector_load %arg6[%get3A_910, %get3A_911, %get3A_912, %get3A_913] {strides = array<i32>} : memref<2x28x8x256xf32, #tpu.memory_space<vmem>>, vector<16xf32>,
        %add3A_915 = arith.addf %get3A_906, %get3A_914 : vector<16xf32>
        %add3A_916 = arith.constant 8 : i32
        %add3A_917 = arith.addi %add3A_916, %select_n3A : i32
        %get3A_918 = arith.constant 0 : i32
        %get3A_919 = arith.index_cast %get3A_918 : i32 to index
        %get3A_920 = arith.index_cast %add3A_917 : i32 to index
        %get3A_921 = arith.index_cast %select_n3A_110 : i32 to index
        %get3A_922 = arith.constant 192 : index
        %get3A_923 = tpu.vector_load %arg6[%get3A_919, %get3A_920, %get3A_921, %get3A_922] {strides = array<i32>} : memref<2x28x8x256xf32, #tpu.memory_space<vmem>>, vector<16xf32>,
        %add3A_924 = arith.addf %add3A_915, %get3A_923 : vector<16xf32>
        %add3A_925 = arith.constant 12 : i32
        %add3A_926 = arith.addi %add3A_925, %select_n3A : i32
        %get3A_927 = arith.constant 0 : i32
        %get3A_928 = arith.index_cast %get3A_927 : i32 to index
        %get3A_929 = arith.index_cast %add3A_926 : i32 to index
        %get3A_930 = arith.index_cast %select_n3A_110 : i32 to index
        %get3A_931 = arith.constant 192 : index
        %get3A_932 = tpu.vector_load %arg6[%get3A_928, %get3A_929, %get3A_930, %get3A_931] {strides = array<i32>} : memref<2x28x8x256xf32, #tpu.memory_space<vmem>>, vector<16xf32>,
        %add3A_933 = arith.addf %add3A_924, %get3A_932 : vector<16xf32>
        %add3A_934 = arith.constant 16 : i32
        %add3A_935 = arith.addi %add3A_934, %select_n3A : i32
        %get3A_936 = arith.constant 0 : i32
        %get3A_937 = arith.index_cast %get3A_936 : i32 to index
        %get3A_938 = arith.index_cast %add3A_935 : i32 to index
        %get3A_939 = arith.index_cast %select_n3A_110 : i32 to index
        %get3A_940 = arith.constant 192 : index
        %get3A_941 = tpu.vector_load %arg6[%get3A_937, %get3A_938, %get3A_939, %get3A_940] {strides = array<i32>} : memref<2x28x8x256xf32, #tpu.memory_space<vmem>>, vector<16xf32>,
        %add3A_942 = arith.addf %add3A_933, %get3A_941 : vector<16xf32>
        %add3A_943 = arith.constant 20 : i32
        %add3A_944 = arith.addi %add3A_943, %select_n3A : i32
        %get3A_945 = arith.constant 0 : i32
        %get3A_946 = arith.index_cast %get3A_945 : i32 to index
        %get3A_947 = arith.index_cast %add3A_944 : i32 to index
        %get3A_948 = arith.index_cast %select_n3A_110 : i32 to index
        %get3A_949 = arith.constant 192 : index
        %get3A_950 = tpu.vector_load %arg6[%get3A_946, %get3A_947, %get3A_948, %get3A_949] {strides = array<i32>} : memref<2x28x8x256xf32, #tpu.memory_space<vmem>>, vector<16xf32>,
        %add3A_951 = arith.addf %add3A_942, %get3A_950 : vector<16xf32>
        %add3A_952 = arith.constant 24 : i32
        %add3A_953 = arith.addi %add3A_952, %select_n3A : i32
        %get3A_954 = arith.constant 0 : i32
        %get3A_955 = arith.index_cast %get3A_954 : i32 to index
        %get3A_956 = arith.index_cast %add3A_953 : i32 to index
        %get3A_957 = arith.index_cast %select_n3A_110 : i32 to index
        %get3A_958 = arith.constant 192 : index
        %get3A_959 = tpu.vector_load %arg6[%get3A_955, %get3A_956, %get3A_957, %get3A_958] {strides = array<i32>} : memref<2x28x8x256xf32, #tpu.memory_space<vmem>>, vector<16xf32>,
        %add3A_960 = arith.addf %add3A_951, %get3A_959 : vector<16xf32>
        %mul3A_961 = vector.broadcast %cond3A : f32 to vector<16xf32>
        %mul3A_962 = arith.mulf %add3A_960, %mul3A_961 : vector<16xf32>
        %swap3A_963 = arith.index_cast %select_n3A : i32 to index
        %swap3A_964 = arith.index_cast %select_n3A_110 : i32 to index
        %swap3A_965 = arith.constant 192 : index
        %swap3A_966 = tpu.vector_load %arg7[%swap3A_963, %swap3A_964, %swap3A_965] {strides = array<i32>} : memref<4x8x256xf32, #tpu.memory_space<vmem>>, vector<16xf32>,
        tpu.vector_store %arg7[%swap3A_963, %swap3A_964, %swap3A_965], %mul3A_962 {strides = array<i32>} : memref<4x8x256xf32, #tpu.memory_space<vmem>>, vector<16xf32>,
        %get3A_967 = arith.constant 0 : i32
        %get3A_968 = arith.index_cast %get3A_967 : i32 to index
        %get3A_969 = arith.index_cast %select_n3A : i32 to index
        %get3A_970 = arith.index_cast %select_n3A_110 : i32 to index
        %get3A_971 = arith.constant 208 : index
        %get3A_972 = tpu.vector_load %arg6[%get3A_968, %get3A_969, %get3A_970, %get3A_971] {strides = array<i32>} : memref<2x28x8x256xf32, #tpu.memory_space<vmem>>, vector<16xf32>,
        %add3A_973 = arith.constant 4 : i32
        %add3A_974 = arith.addi %add3A_973, %select_n3A : i32
        %get3A_975 = arith.constant 0 : i32
        %get3A_976 = arith.index_cast %get3A_975 : i32 to index
        %get3A_977 = arith.index_cast %add3A_974 : i32 to index
        %get3A_978 = arith.index_cast %select_n3A_110 : i32 to index
        %get3A_979 = arith.constant 208 : index
        %get3A_980 = tpu.vector_load %arg6[%get3A_976, %get3A_977, %get3A_978, %get3A_979] {strides = array<i32>} : memref<2x28x8x256xf32, #tpu.memory_space<vmem>>, vector<16xf32>,
        %add3A_981 = arith.addf %get3A_972, %get3A_980 : vector<16xf32>
        %add3A_982 = arith.constant 8 : i32
        %add3A_983 = arith.addi %add3A_982, %select_n3A : i32
        %get3A_984 = arith.constant 0 : i32
        %get3A_985 = arith.index_cast %get3A_984 : i32 to index
        %get3A_986 = arith.index_cast %add3A_983 : i32 to index
        %get3A_987 = arith.index_cast %select_n3A_110 : i32 to index
        %get3A_988 = arith.constant 208 : index
        %get3A_989 = tpu.vector_load %arg6[%get3A_985, %get3A_986, %get3A_987, %get3A_988] {strides = array<i32>} : memref<2x28x8x256xf32, #tpu.memory_space<vmem>>, vector<16xf32>,
        %add3A_990 = arith.addf %add3A_981, %get3A_989 : vector<16xf32>
        %add3A_991 = arith.constant 12 : i32
        %add3A_992 = arith.addi %add3A_991, %select_n3A : i32
        %get3A_993 = arith.constant 0 : i32
        %get3A_994 = arith.index_cast %get3A_993 : i32 to index
        %get3A_995 = arith.index_cast %add3A_992 : i32 to index
        %get3A_996 = arith.index_cast %select_n3A_110 : i32 to index
        %get3A_997 = arith.constant 208 : index
        %get3A_998 = tpu.vector_load %arg6[%get3A_994, %get3A_995, %get3A_996, %get3A_997] {strides = array<i32>} : memref<2x28x8x256xf32, #tpu.memory_space<vmem>>, vector<16xf32>,
        %add3A_999 = arith.addf %add3A_990, %get3A_998 : vector<16xf32>
        %add3A_1000 = arith.constant 16 : i32
        %add3A_1001 = arith.addi %add3A_1000, %select_n3A : i32
        %get3A_1002 = arith.constant 0 : i32
        %get3A_1003 = arith.index_cast %get3A_1002 : i32 to index
        %get3A_1004 = arith.index_cast %add3A_1001 : i32 to index
        %get3A_1005 = arith.index_cast %select_n3A_110 : i32 to index
        %get3A_1006 = arith.constant 208 : index
        %get3A_1007 = tpu.vector_load %arg6[%get3A_1003, %get3A_1004, %get3A_1005, %get3A_1006] {strides = array<i32>} : memref<2x28x8x256xf32, #tpu.memory_space<vmem>>, vector<16xf32>,
        %add3A_1008 = arith.addf %add3A_999, %get3A_1007 : vector<16xf32>
        %add3A_1009 = arith.constant 20 : i32
        %add3A_1010 = arith.addi %add3A_1009, %select_n3A : i32
        %get3A_1011 = arith.constant 0 : i32
        %get3A_1012 = arith.index_cast %get3A_1011 : i32 to index
        %get3A_1013 = arith.index_cast %add3A_1010 : i32 to index
        %get3A_1014 = arith.index_cast %select_n3A_110 : i32 to index
        %get3A_1015 = arith.constant 208 : index
        %get3A_1016 = tpu.vector_load %arg6[%get3A_1012, %get3A_1013, %get3A_1014, %get3A_1015] {strides = array<i32>} : memref<2x28x8x256xf32, #tpu.memory_space<vmem>>, vector<16xf32>,
        %add3A_1017 = arith.addf %add3A_1008, %get3A_1016 : vector<16xf32>
        %add3A_1018 = arith.constant 24 : i32
        %add3A_1019 = arith.addi %add3A_1018, %select_n3A : i32
        %get3A_1020 = arith.constant 0 : i32
        %get3A_1021 = arith.index_cast %get3A_1020 : i32 to index
        %get3A_1022 = arith.index_cast %add3A_1019 : i32 to index
        %get3A_1023 = arith.index_cast %select_n3A_110 : i32 to index
        %get3A_1024 = arith.constant 208 : index
        %get3A_1025 = tpu.vector_load %arg6[%get3A_1021, %get3A_1022, %get3A_1023, %get3A_1024] {strides = array<i32>} : memref<2x28x8x256xf32, #tpu.memory_space<vmem>>, vector<16xf32>,
        %add3A_1026 = arith.addf %add3A_1017, %get3A_1025 : vector<16xf32>
        %mul3A_1027 = vector.broadcast %cond3A : f32 to vector<16xf32>
        %mul3A_1028 = arith.mulf %add3A_1026, %mul3A_1027 : vector<16xf32>
        %swap3A_1029 = arith.index_cast %select_n3A : i32 to index
        %swap3A_1030 = arith.index_cast %select_n3A_110 : i32 to index
        %swap3A_1031 = arith.constant 208 : index
        %swap3A_1032 = tpu.vector_load %arg7[%swap3A_1029, %swap3A_1030, %swap3A_1031] {strides = array<i32>} : memref<4x8x256xf32, #tpu.memory_space<vmem>>, vector<16xf32>,
        tpu.vector_store %arg7[%swap3A_1029, %swap3A_1030, %swap3A_1031], %mul3A_1028 {strides = array<i32>} : memref<4x8x256xf32, #tpu.memory_space<vmem>>, vector<16xf32>,
        %get3A_1033 = arith.constant 0 : i32
        %get3A_1034 = arith.index_cast %get3A_1033 : i32 to index
        %get3A_1035 = arith.index_cast %select_n3A : i32 to index
        %get3A_1036 = arith.index_cast %select_n3A_110 : i32 to index
        %get3A_1037 = arith.constant 224 : index
        %get3A_1038 = tpu.vector_load %arg6[%get3A_1034, %get3A_1035, %get3A_1036, %get3A_1037] {strides = array<i32>} : memref<2x28x8x256xf32, #tpu.memory_space<vmem>>, vector<16xf32>,
        %add3A_1039 = arith.constant 4 : i32
        %add3A_1040 = arith.addi %add3A_1039, %select_n3A : i32
        %get3A_1041 = arith.constant 0 : i32
        %get3A_1042 = arith.index_cast %get3A_1041 : i32 to index
        %get3A_1043 = arith.index_cast %add3A_1040 : i32 to index
        %get3A_1044 = arith.index_cast %select_n3A_110 : i32 to index
        %get3A_1045 = arith.constant 224 : index
        %get3A_1046 = tpu.vector_load %arg6[%get3A_1042, %get3A_1043, %get3A_1044, %get3A_1045] {strides = array<i32>} : memref<2x28x8x256xf32, #tpu.memory_space<vmem>>, vector<16xf32>,
        %add3A_1047 = arith.addf %get3A_1038, %get3A_1046 : vector<16xf32>
        %add3A_1048 = arith.constant 8 : i32
        %add3A_1049 = arith.addi %add3A_1048, %select_n3A : i32
        %get3A_1050 = arith.constant 0 : i32
        %get3A_1051 = arith.index_cast %get3A_1050 : i32 to index
        %get3A_1052 = arith.index_cast %add3A_1049 : i32 to index
        %get3A_1053 = arith.index_cast %select_n3A_110 : i32 to index
        %get3A_1054 = arith.constant 224 : index
        %get3A_1055 = tpu.vector_load %arg6[%get3A_1051, %get3A_1052, %get3A_1053, %get3A_1054] {strides = array<i32>} : memref<2x28x8x256xf32, #tpu.memory_space<vmem>>, vector<16xf32>,
        %add3A_1056 = arith.addf %add3A_1047, %get3A_1055 : vector<16xf32>
        %add3A_1057 = arith.constant 12 : i32
        %add3A_1058 = arith.addi %add3A_1057, %select_n3A : i32
        %get3A_1059 = arith.constant 0 : i32
        %get3A_1060 = arith.index_cast %get3A_1059 : i32 to index
        %get3A_1061 = arith.index_cast %add3A_1058 : i32 to index
        %get3A_1062 = arith.index_cast %select_n3A_110 : i32 to index
        %get3A_1063 = arith.constant 224 : index
        %get3A_1064 = tpu.vector_load %arg6[%get3A_1060, %get3A_1061, %get3A_1062, %get3A_1063] {strides = array<i32>} : memref<2x28x8x256xf32, #tpu.memory_space<vmem>>, vector<16xf32>,
        %add3A_1065 = arith.addf %add3A_1056, %get3A_1064 : vector<16xf32>
        %add3A_1066 = arith.constant 16 : i32
        %add3A_1067 = arith.addi %add3A_1066, %select_n3A : i32
        %get3A_1068 = arith.constant 0 : i32
        %get3A_1069 = arith.index_cast %get3A_1068 : i32 to index
        %get3A_1070 = arith.index_cast %add3A_1067 : i32 to index
        %get3A_1071 = arith.index_cast %select_n3A_110 : i32 to index
        %get3A_1072 = arith.constant 224 : index
        %get3A_1073 = tpu.vector_load %arg6[%get3A_1069, %get3A_1070, %get3A_1071, %get3A_1072] {strides = array<i32>} : memref<2x28x8x256xf32, #tpu.memory_space<vmem>>, vector<16xf32>,
        %add3A_1074 = arith.addf %add3A_1065, %get3A_1073 : vector<16xf32>
        %add3A_1075 = arith.constant 20 : i32
        %add3A_1076 = arith.addi %add3A_1075, %select_n3A : i32
        %get3A_1077 = arith.constant 0 : i32
        %get3A_1078 = arith.index_cast %get3A_1077 : i32 to index
        %get3A_1079 = arith.index_cast %add3A_1076 : i32 to index
        %get3A_1080 = arith.index_cast %select_n3A_110 : i32 to index
        %get3A_1081 = arith.constant 224 : index
        %get3A_1082 = tpu.vector_load %arg6[%get3A_1078, %get3A_1079, %get3A_1080, %get3A_1081] {strides = array<i32>} : memref<2x28x8x256xf32, #tpu.memory_space<vmem>>, vector<16xf32>,
        %add3A_1083 = arith.addf %add3A_1074, %get3A_1082 : vector<16xf32>
        %add3A_1084 = arith.constant 24 : i32
        %add3A_1085 = arith.addi %add3A_1084, %select_n3A : i32
        %get3A_1086 = arith.constant 0 : i32
        %get3A_1087 = arith.index_cast %get3A_1086 : i32 to index
        %get3A_1088 = arith.index_cast %add3A_1085 : i32 to index
        %get3A_1089 = arith.index_cast %select_n3A_110 : i32 to index
        %get3A_1090 = arith.constant 224 : index
        %get3A_1091 = tpu.vector_load %arg6[%get3A_1087, %get3A_1088, %get3A_1089, %get3A_1090] {strides = array<i32>} : memref<2x28x8x256xf32, #tpu.memory_space<vmem>>, vector<16xf32>,
        %add3A_1092 = arith.addf %add3A_1083, %get3A_1091 : vector<16xf32>
        %mul3A_1093 = vector.broadcast %cond3A : f32 to vector<16xf32>
        %mul3A_1094 = arith.mulf %add3A_1092, %mul3A_1093 : vector<16xf32>
        %swap3A_1095 = arith.index_cast %select_n3A : i32 to index
        %swap3A_1096 = arith.index_cast %select_n3A_110 : i32 to index
        %swap3A_1097 = arith.constant 224 : index
        %swap3A_1098 = tpu.vector_load %arg7[%swap3A_1095, %swap3A_1096, %swap3A_1097] {strides = array<i32>} : memref<4x8x256xf32, #tpu.memory_space<vmem>>, vector<16xf32>,
        tpu.vector_store %arg7[%swap3A_1095, %swap3A_1096, %swap3A_1097], %mul3A_1094 {strides = array<i32>} : memref<4x8x256xf32, #tpu.memory_space<vmem>>, vector<16xf32>,
        %get3A_1099 = arith.constant 0 : i32
        %get3A_1100 = arith.index_cast %get3A_1099 : i32 to index
        %get3A_1101 = arith.index_cast %select_n3A : i32 to index
        %get3A_1102 = arith.index_cast %select_n3A_110 : i32 to index
        %get3A_1103 = arith.constant 240 : index
        %get3A_1104 = tpu.vector_load %arg6[%get3A_1100, %get3A_1101, %get3A_1102, %get3A_1103] {strides = array<i32>} : memref<2x28x8x256xf32, #tpu.memory_space<vmem>>, vector<16xf32>,
        %add3A_1105 = arith.constant 4 : i32
        %add3A_1106 = arith.addi %add3A_1105, %select_n3A : i32
        %get3A_1107 = arith.constant 0 : i32
        %get3A_1108 = arith.index_cast %get3A_1107 : i32 to index
        %get3A_1109 = arith.index_cast %add3A_1106 : i32 to index
        %get3A_1110 = arith.index_cast %select_n3A_110 : i32 to index
        %get3A_1111 = arith.constant 240 : index
        %get3A_1112 = tpu.vector_load %arg6[%get3A_1108, %get3A_1109, %get3A_1110, %get3A_1111] {strides = array<i32>} : memref<2x28x8x256xf32, #tpu.memory_space<vmem>>, vector<16xf32>,
        %add3A_1113 = arith.addf %get3A_1104, %get3A_1112 : vector<16xf32>
        %add3A_1114 = arith.constant 8 : i32
        %add3A_1115 = arith.addi %add3A_1114, %select_n3A : i32
        %get3A_1116 = arith.constant 0 : i32
        %get3A_1117 = arith.index_cast %get3A_1116 : i32 to index
        %get3A_1118 = arith.index_cast %add3A_1115 : i32 to index
        %get3A_1119 = arith.index_cast %select_n3A_110 : i32 to index
        %get3A_1120 = arith.constant 240 : index
        %get3A_1121 = tpu.vector_load %arg6[%get3A_1117, %get3A_1118, %get3A_1119, %get3A_1120] {strides = array<i32>} : memref<2x28x8x256xf32, #tpu.memory_space<vmem>>, vector<16xf32>,
        %add3A_1122 = arith.addf %add3A_1113, %get3A_1121 : vector<16xf32>
        %add3A_1123 = arith.constant 12 : i32
        %add3A_1124 = arith.addi %add3A_1123, %select_n3A : i32
        %get3A_1125 = arith.constant 0 : i32
        %get3A_1126 = arith.index_cast %get3A_1125 : i32 to index
        %get3A_1127 = arith.index_cast %add3A_1124 : i32 to index
        %get3A_1128 = arith.index_cast %select_n3A_110 : i32 to index
        %get3A_1129 = arith.constant 240 : index
        %get3A_1130 = tpu.vector_load %arg6[%get3A_1126, %get3A_1127, %get3A_1128, %get3A_1129] {strides = array<i32>} : memref<2x28x8x256xf32, #tpu.memory_space<vmem>>, vector<16xf32>,
        %add3A_1131 = arith.addf %add3A_1122, %get3A_1130 : vector<16xf32>
        %add3A_1132 = arith.constant 16 : i32
        %add3A_1133 = arith.addi %add3A_1132, %select_n3A : i32
        %get3A_1134 = arith.constant 0 : i32
        %get3A_1135 = arith.index_cast %get3A_1134 : i32 to index
        %get3A_1136 = arith.index_cast %add3A_1133 : i32 to index
        %get3A_1137 = arith.index_cast %select_n3A_110 : i32 to index
        %get3A_1138 = arith.constant 240 : index
        %get3A_1139 = tpu.vector_load %arg6[%get3A_1135, %get3A_1136, %get3A_1137, %get3A_1138] {strides = array<i32>} : memref<2x28x8x256xf32, #tpu.memory_space<vmem>>, vector<16xf32>,
        %add3A_1140 = arith.addf %add3A_1131, %get3A_1139 : vector<16xf32>
        %add3A_1141 = arith.constant 20 : i32
        %add3A_1142 = arith.addi %add3A_1141, %select_n3A : i32
        %get3A_1143 = arith.constant 0 : i32
        %get3A_1144 = arith.index_cast %get3A_1143 : i32 to index
        %get3A_1145 = arith.index_cast %add3A_1142 : i32 to index
        %get3A_1146 = arith.index_cast %select_n3A_110 : i32 to index
        %get3A_1147 = arith.constant 240 : index
        %get3A_1148 = tpu.vector_load %arg6[%get3A_1144, %get3A_1145, %get3A_1146, %get3A_1147] {strides = array<i32>} : memref<2x28x8x256xf32, #tpu.memory_space<vmem>>, vector<16xf32>,
        %add3A_1149 = arith.addf %add3A_1140, %get3A_1148 : vector<16xf32>
        %add3A_1150 = arith.constant 24 : i32
        %add3A_1151 = arith.addi %add3A_1150, %select_n3A : i32
        %get3A_1152 = arith.constant 0 : i32
        %get3A_1153 = arith.index_cast %get3A_1152 : i32 to index
        %get3A_1154 = arith.index_cast %add3A_1151 : i32 to index
        %get3A_1155 = arith.index_cast %select_n3A_110 : i32 to index
        %get3A_1156 = arith.constant 240 : index
        %get3A_1157 = tpu.vector_load %arg6[%get3A_1153, %get3A_1154, %get3A_1155, %get3A_1156] {strides = array<i32>} : memref<2x28x8x256xf32, #tpu.memory_space<vmem>>, vector<16xf32>,
        %add3A_1158 = arith.addf %add3A_1149, %get3A_1157 : vector<16xf32>
        %mul3A_1159 = vector.broadcast %cond3A : f32 to vector<16xf32>
        %mul3A_1160 = arith.mulf %add3A_1158, %mul3A_1159 : vector<16xf32>
        %swap3A_1161 = arith.index_cast %select_n3A : i32 to index
        %swap3A_1162 = arith.index_cast %select_n3A_110 : i32 to index
        %swap3A_1163 = arith.constant 240 : index
        %swap3A_1164 = tpu.vector_load %arg7[%swap3A_1161, %swap3A_1162, %swap3A_1163] {strides = array<i32>} : memref<4x8x256xf32, #tpu.memory_space<vmem>>, vector<16xf32>,
        tpu.vector_store %arg7[%swap3A_1161, %swap3A_1162, %swap3A_1163], %mul3A_1160 {strides = array<i32>} : memref<4x8x256xf32, #tpu.memory_space<vmem>>, vector<16xf32>,
      }
      %scan3A_69 = arith.constant 32 : i32
      %mul3A_70 = arith.constant 4 : i32
      %mul3A_71 = arith.muli %add3A_19, %mul3A_70 : i32
      %min3A = arith.constant 10238 : i32
      %min3A_72 = arith.minsi %mul3A_71, %min3A : i32
      %dma_start3A_73 = arith.constant 0 : i32
      %dma_start3A_74 = arith.constant 0 : i32
      %dma_start3A_75 = tpu.memref_slice %arg4[%min3A_72, %dma_start3A_73, %dma_start3A_74] : memref<10242x8x256xf32, #tpu.memory_space<hbm>> -> memref<4x8x256xf32, #tpu.memory_space<hbm>>
      %dma_start3A_76 = arith.constant 0 : i32
      %dma_start3A_77 = arith.constant 0 : i32
      %dma_start3A_78 = tpu.memref_slice %arg4[%min3A_72, %dma_start3A_76, %dma_start3A_77] : memref<10242x8x256xf32, #tpu.memory_space<hbm>> -> memref<4x8x256xf32, #tpu.memory_space<hbm>>
      tpu.enqueue_dma source(%arg7 : memref<4x8x256xf32, #tpu.memory_space<vmem>>) target(%dma_start3A_78 : memref<4x8x256xf32, #tpu.memory_space<hbm>>) target_semaphore(%arg9 : memref<!tpu.dma_semaphore, #tpu.memory_space<semaphore_mem>>)
    } else {
    }
    %dma_wait3A = arith.constant 0 : i32
    %dma_wait3A_23 = arith.constant 0 : i32
    %dma_wait3A_24 = arith.constant 0 : i32
    %dma_wait3A_25 = tpu.memref_slice %arg4[%dma_wait3A, %dma_wait3A_23, %dma_wait3A_24] : memref<10242x8x256xf32, #tpu.memory_space<hbm>> -> memref<4x8x256xf32, #tpu.memory_space<hbm>>
    %dma_wait3A_26 = arith.constant 0 : i32
    %dma_wait3A_27 = arith.constant 0 : i32
    %dma_wait3A_28 = arith.constant 0 : i32
    %dma_wait3A_29 = tpu.memref_slice %arg4[%dma_wait3A_26, %dma_wait3A_27, %dma_wait3A_28] : memref<10242x8x256xf32, #tpu.memory_space<hbm>> -> memref<4x8x256xf32, #tpu.memory_space<hbm>>
    tpu.wait_dma2 semaphore(%arg9 : memref<!tpu.dma_semaphore, #tpu.memory_space<semaphore_mem>>) src(%arg7 : memref<4x8x256xf32, #tpu.memory_space<vmem>>) dst(%dma_wait3A_29 : memref<4x8x256xf32, #tpu.memory_space<hbm>>)
    return
  }
}

</mosaic_0001>

<sc_bundles>
// kernel: gather_offload_async_start
scs
__scs_entry_jumppad:
0x0: {  	(pc) =	sbr.rel $0x88, $3  }
0x1: {  	(tag) =	ssettag $0x0;
	lr =	simm.s32 $0x1  }
0x2: {  	[smem:$0x3F9F] =	sst lr;
	_ =	strace $0xD0000000  }
0x3: {  	_ = 	snop  }
0x4: {  	_ = 	snop  }
0x5: {  	_ = 	snop  }
0x6: {  	_ = 	snop  }
0x7: {  	_ = 	snop  }
__scs_overlays_trampoline_lowered:
0x8: {  	[smem:$0x3FAE] =	sst s0  }
0x9: {  	[smem:$0x3FAF] =	sst s1  }
0xa: {  	[smem:$0x3FB0] =	sst s2  }
0xb: {  	[smem:$0x3FB1] =	sst s3  }
0xc: {  	[smem:$0x3FB2] =	sst s4  }
0xd: {  	[smem:$0x3FB3] =	sst s5  }
0xe: {  	[smem:$0x3FB4] =	sst s6  }
0xf: {  	[smem:$0x3FB5] =	sst s7  }
0x10: {  	[smem:$0x3FB6] =	sst s8  }
0x11: {  	[smem:$0x3FB7] =	sst s9;
	s0 =	simm.s32 @!p0 $0x0  }
0x12: {  	s1 =	sld [smem:$0x3F9D];
	s0 =	simm.s32 @p0 $0x1  }
0x13: {  	[smem:$0x3FB8] =	sst s0;
	s0 =	simm.s32 @!p1 $0x0  }
0x14: {  	s2 =	sld [smem:$0x3F9C];
	s0 =	simm.s32 @p1 $0x1  }
0x15: {  	[smem:$0x3FB9] =	sst s0;
	s0 =	simm.s32 @!p2 $0x0  }
0x16: {  	s3 =	sld [smem:$0x3FDB];
	s0 =	simm.s32 @p2 $0x1  }
0x17: {  	s4 =	simm.s32 $0x1BF5;
	[smem:$0x3FBB] =	sst s0  }
0x18: {  	s0 =	sld [smem:$0x3F9E];
	_ =	swait.ge [sflag:s4], $0x0  }
0x19: {  	s7 =	sld [smem:$0x3F9F]  }
0x1a: {  	s8 =	sadd.s32 $0xFFFFE003, lr  }
0x1b: {  	s9 =	sadd.s32 $0xFFFFFEF7, lr;
	s5 =	simm.s32 $0xFFFFFFFF;
	p2 =	slt.u32 s8, $0xFFFFF086  }
0x1c: {  	p1 =	slt.u32 s9, $0xF7A;
	s5 =	simm.s32 @!p2 $0x0  }
0x1d: {  	s5 =	simm.s32 @p1 $0x1;
	p0 =	seq.s32 s7, s2  }
0x1e: {  	s7 =	smul.u32 @!p0 $0xF7A, s2;
	p2 =	seq.s32 @!p0 s5, $0x0  }
0x1f: {  	s9 =	smul.u32 $0xF7A, s1;
	s8 =	simm.s32 @!p0 $0x1BF5;
	p2 =	por !p2, p0  }
0x20: {  	[sflag:s8] =	ssyncset.s32 @!p0 $0xFFFFF086;
	s6 =	sadd.s32 @!p0 s3, s7;
	s7 =	simm.s32 @!p0 $0x108  }
0x21: {  	s3 =	sadd.s32 s3, s9;
	s6 =	sadd.s32 @!p0 $0x88, s6;
	s7 =	simm.s32 @p2 $0x1082  }
0x22: {  	[simem:s7], [sflag:s8] =	dma.local @!p0 [hbm:s6], $0xF7A  }
0x23: {  	s9 =	sor.u32 $0xD0000000, s2;
	s6 =	simm.s32 $0x108;
	_ =	swait.ge @!p0 [sflag:s8], $0x0  }
0x24: {  	s3 =	sadd.s32 $0x88, s3;
	s6 =	simm.s32 @!p1 $0x1082;
	[sflag:s4] =	ssyncset.s32 $0xFFFFF086  }
0x25: {  	[simem:s6], [sflag:s4] =	dma.local [hbm:s3], $0xF7A  }
0x26: {  	[smem:$0x3F9F] =	sst s1;
	(tag) =	ssettag s2;
	_ =	strace s9  }
0x27: {  	s1 =	sld [smem:$0x3FAF]  }
0x28: {  	s2 =	sld [smem:$0x3FB0]  }
0x29: {  	s4 =	sld [smem:$0x3FB2]  }
0x2a: {  	p0 =	seq.s32 s5, $0x0;
	s5 =	sld [smem:$0x3FB3]  }
0x2b: {  	s6 =	sld [smem:$0x3FB4]  }
0x2c: {  	s7 =	sld [smem:$0x3FB5]  }
0x2d: {  	s3 =	simm.s32 $0x108;
	s8 =	sld [smem:$0x3FB6]  }
0x2e: {  	s3 =	simm.s32 @!p0 $0x1082;
	s9 =	sld [smem:$0x3FB7]  }
0x2f: {  	lr =	sadd.s32 s0, s3;
	s0 =	sld [smem:$0x3FAE]  }
0x30: {  	s3 =	sld [smem:$0x3FB1]  }
0x31: {  	[smem:$0x3FBA] =	sst s10  }
0x32: {  	s10 =	sld [smem:$0x3FB8];
	_ =	sdelay $0x3  }
0x33: {  	p0 =	seq.s32 s10, $0x1;
	s10 =	sld [smem:$0x3FBA];
	_ =	sdelay $0x3  }
0x34: {  	[smem:$0x3FBA] =	sst s10  }
0x35: {  	s10 =	sld [smem:$0x3FB9];
	_ =	sdelay $0x3  }
0x36: {  	p1 =	seq.s32 s10, $0x1;
	s10 =	sld [smem:$0x3FBA];
	_ =	sdelay $0x3  }
0x37: {  	[smem:$0x3FBA] =	sst s10  }
0x38: {  	s10 =	sld [smem:$0x3FBB]  }
0x39: {  	_ = 	snop;
	(pc) =	sbr.ind lr, $3  }
0x3a: {  	_ = 	snop  }
0x3b: {  	_ = 	snop  }
0x3c: {  	p2 =	seq.s32 s10, $0x1;
	s10 =	sld [smem:$0x3FBA]  }
0x3d: {  	_ =	shalt  }
0x3e: {  	_ =	shalt  }
0x3f: {  	_ =	shalt  }
0x40: {  	_ =	shalt  }
0x41: {  	_ =	shalt  }
0x42: {  	_ =	shalt  }
0x43: {  	_ =	shalt  }
0x44: {  	_ =	shalt  }
0x45: {  	_ =	shalt  }
0x46: {  	_ =	shalt  }
0x47: {  	_ =	shalt  }
0x48: {  	_ =	shalt  }
0x49: {  	_ =	shalt  }
0x4a: {  	_ =	shalt  }
0x4b: {  	_ =	shalt  }
0x4c: {  	_ =	shalt  }
0x4d: {  	_ =	shalt  }
0x4e: {  	_ =	shalt  }
0x4f: {  	_ =	shalt  }
0x50: {  	_ =	shalt  }
0x51: {  	_ =	shalt  }
0x52: {  	_ =	shalt  }
0x53: {  	_ =	shalt  }
0x54: {  	_ =	shalt  }
0x55: {  	_ =	shalt  }
0x56: {  	_ =	shalt  }
0x57: {  	_ =	shalt  }
0x58: {  	_ =	shalt  }
0x59: {  	_ =	shalt  }
0x5a: {  	_ =	shalt  }
0x5b: {  	_ =	shalt  }
0x5c: {  	_ =	shalt  }
0x5d: {  	_ =	shalt  }
0x5e: {  	_ =	shalt  }
0x5f: {  	_ =	shalt  }
0x60: {  	_ =	shalt  }
0x61: {  	_ =	shalt  }
0x62: {  	_ =	shalt  }
0x63: {  	_ =	shalt  }
0x64: {  	_ =	shalt  }
0x65: {  	_ =	shalt  }
0x66: {  	_ =	shalt  }
0x67: {  	_ =	shalt  }
0x68: {  	_ =	shalt  }
0x69: {  	_ =	shalt  }
0x6a: {  	_ =	shalt  }
0x6b: {  	_ =	shalt  }
0x6c: {  	_ =	shalt  }
0x6d: {  	_ =	shalt  }
0x6e: {  	_ =	shalt  }
0x6f: {  	_ =	shalt  }
0x70: {  	_ =	shalt  }
0x71: {  	_ =	shalt  }
0x72: {  	_ =	shalt  }
0x73: {  	_ =	shalt  }
0x74: {  	_ =	shalt  }
0x75: {  	_ =	shalt  }
0x76: {  	_ =	shalt  }
0x77: {  	_ =	shalt  }
0x78: {  	_ =	shalt  }
0x79: {  	_ =	shalt  }
0x7a: {  	_ =	shalt  }
0x7b: {  	_ =	shalt  }
0x7c: {  	_ =	shalt  }
0x7d: {  	_ =	shalt  }
0x7e: {  	_ =	shalt  }
0x7f: {  	_ =	shalt  }
0x80: {  	_ =	shalt  }
0x81: {  	_ =	shalt  }
0x82: {  	_ =	shalt  }
0x83: {  	_ =	shalt  }
0x84: {  	_ =	shalt  }
0x85: {  	_ =	shalt  }
0x86: {  	_ =	shalt  }
0x87: {  	_ =	shalt  }
.Lfunc_end0:
.L_simem_size_0:
called_computation_lowered:
.L_overlay_start_0:
0x88: {  	s2 =	sld [smem:$0x3FD9]  }
0x89: {  	s3 =	sld [smem:$0x3FFE];
	_ =	sdelay $0x1  }
0x8a: {  	s1 =	srdreg.scid  }
0x8b: {  	s0 =	sand.u32 $0x1, s1  }
0x8c: {  	s17 =	sshll.u32 s0, $0xA;
	s2 =	sadd.s32 s3, s2  }
0x8d: {  	s2 =	sadd.s32 s2, s17  }
0x8e: {  	[smem:$0x3FC6] =	sst s2  }
0x8f: {  	_ = 	snop  }
0x90: {  	s2 =	sld [smem:$0x3FD0];
	(tm) =	ssettm $0x1  }
0x91: {  	s18 =	sld [smem:$0x3FFB];
	_ =	sdelay $0x3  }
0x92: {  	_ =	strace s18  }
0x93: {  	s3 =	sld [smem:$0x3FFC];
	_ =	sdelay $0x3  }
0x94: {  	_ =	strace s3  }
0x95: {  	s3 =	sld [smem:$0x3FFD];
	_ =	sdelay $0x3  }
0x96: {  	_ =	strace s3  }
0x97: {  	_ =	strace $0x8FFFFFFF  }
0x98: {  	s19 =	sld [smem:$0x3FDB];
	_ =	sdelay $0x1  }
0x99: {  	s4 =	simm.s32 $_scs_section_size  }
0x9a: {  	s5 =	simm.s32 $_size__tile_overlayer_lowered;
	s6 =	simm.s32 $_tile_overlayer_lowered  }
0x9b: {  	s22 =	simm.s32 $0x1BFF;
	s21 =	sshll.u32 s6, $0x1;
	s3 =	sadd.s32 s4, s19  }
0x9c: {  	s7 =	simm.s32 $0x0;
	s20 =	sshll.u32 s5, $0x1;
	s5 =	sadd.s32 s21, s3  }
0x9d: {  	[timem:s7], [sflag:s22] =	dma.local [hbm:s5], s20  }
0x9e: {  	_ =	swait.ge [sflag:s22], s20  }
0x9f: {  	s4 =	ssub.s32 $0x0, s20;
	[sflag:s22] =	ssyncset.done $0x0  }
0xa0: {  	[sflag:s22] =	ssyncadd.s32 s4;
	_ =	sdelay $0x1  }
0xa1: {  	s23 =	simm.s32 $0x1B8B  }
0xa2: {  	_ =	swait.ge [sflag:s23], $0x1  }
0xa3: {  	[sflag:s23] =	ssyncset.done $0x0  }
0xa4: {  	s25 =	simm.s32 $0x1B8E;
	s24 =	sld [smem:$0x3FFE];
	[sflag:s23] =	ssyncadd.s32 $0xFFFFFFFF  }
0xa5: {  	s26 =	simm.s32 $execute0_lowered;
	[smem:$0x3FD2] =	sst s25  }
0xa6: {  	s5 =	sshll.u32 s26, $0x1;
	_ =	strace $0x80000046;
	[dreg:$0x1] =	wrdreg $0xFFFFFFFF  }
0xa7: {  	s28 =	simm.s32 $_size_execute0_lowered;
	s3 =	sadd.s32 s3, s5;
	[dreg:$0x0] =	wrdreg $0x0  }
0xa8: {  	s5 =	sshll.u32 s28, $0x1;
	[dreg:$0x2] =	wrdreg s3  }
0xa9: {  	[dreg:$0x3] =	wrdreg s5  }
0xaa: {  	[dreg:$0x4] =	wrdreg $0xC0  }
0xab: {  	_ =	task [dreg:s7], $0x5FFFF  }
0xac: {  	[dreg:$0x1] =	wrdreg $0xFFFFFFFF  }
0xad: {  	[dreg:$0x0] =	wrdreg $0x60  }
0xae: {  	[dreg:$0x2] =	wrdreg s24  }
0xaf: {  	[dreg:$0x3] =	wrdreg s2  }
0xb0: {  	[dreg:$0x4] =	wrdreg $0x9  }
0xb1: {  	_ =	task.clear_ibuf [dreg:s7], $0x5FFFF;
	_ =	strace $0x90000046  }
0xb2: {  	s29 =	simm.s32 $0x9;
	_ =	strace $0x80000048  }
0xb3: {  	_ =	swait.ge [sflag:s29], $0x1  }
0xb4: {  	[sflag:s29] =	ssyncadd.s32 $0xFFFFFFFF  }
0xb5: {  	_ =	strace $0x90000048  }
0xb6: {  	_ =	sfence  }
0xb7: {  	s30 =	sld [smem:$0x0];
	_ =	sdelay $0x2  }
0xb8: {  	s31 =	sshll.u32 s1, $0xD;
	s1 =	sshrl.u32 s1, $0x2  }
0xb9: {  	s3 =	sand.u32 $0x4000, s31;
	s1 =	sadd.s32 s1, s30  }
0xba: {  	s0 =	sor.u32 s3, s0;
	s1 =	sshll.u32 s1, $0x11  }
0xbb: {  	s0 =	sor.u32 s1, s0  }
0xbc: {  	s0 =	sadd.s32 $0x8F2B, s0  }
0xbd: {  	[sflag:s0] =	ssyncadd.remote.s32 $0x1  }
0xbe: {  	_ =	sfence.sel $0xFFFF  }
0xbf: {  	[dreg:$0x0] =	wrdreg $0xFFFFFFFF;
	(pc) =	sbr.abs _section_cstart, $3  }
0xc0: {  	[dreg:$0x1] =	wrdreg $0xFFFFFFFF  }
0xc1: {  	_ =	task.clear_ibuf [dreg:s7], $0x2FFFF;
	_ =	strace $0x9FFFFFFF  }
0xc2: {  	(tm) =	ssettm $0x7FFFFFFF  }
0xc3: {  	_ =	shalt  }
tec
execute0_lowered:
.L_overlay_start_1:
0x0: {  	(tag) =	ssettag $0x1  }
0x1: {  	s0 =	srdreg.scid  }
0x2: {  	s1 =	sshll.u32 s0, $0x4  }
0x3: {  	s0 =	stileid.u32;
	s1 =	sand.u32 $0x10, s1  }
0x4: {  	s2 =	sor.u32 s0, s1  }
0x5: {  	s1 =	smin.u32 s2, $0x4  }
0x6: {  	s1 =	sadd.s32 s2, s1  }
0x7: {  	p0 =	slt.u32 s2, $0x4;
	s2 =	simm.s32 $0x240;
	s1 =	smul.u32 $0x120, s1  }
0x8: {  	s2 =	simm.s32 @!p0 $0x120  }
0x9: {  	s2 =	sadd.s32 s2, s1  }
0xa: {  	s3 =	smin.u32 s2, $0x2880  }
0xb: {  	s7 =	ssub.s32 s3, s1  }
0xc: {  	p0 =	sgt.s32 s7, $0x0  }
0xd: {  	s7 =	simm.s32 @!p0 $0x0  }
0xe: {  	s9 =	rddreg [dreg:$0x0];
	s31 =	smul.u32 $0xE38F, s7  }
0xf: {  	s4 =	rddreg [dreg:$0x1];
	s6 =	simm.s32 $0x1  }
0x10: {  	s11 =	simm.s32 $0x3;
	s13 =	simm.s32 $0x0;
	s8 =	sshrl.u32 s31, $0x18  }
0x11: {  	s12 =	simm.s32 $0x0;
	s5 =	sadd.s32 $0x1000, s9;
	s10 =	smul.u32 $0x120, s8  }
.Ltmp0:
0x12: {  	s9 =	sadd.s32 $0xA00, s9;
	s2 =	rddreg [dreg:$0x2];
	(pc) =	sbr.rel .LBB2_1-.Ltmp0, $4  }
0x13: {  	_ =	strace $0x80000047;
	p0 =	sne.s32 s7, s10;
	s10 =	simm.s32 $0x1  }
0x14: {  	[sflag:s6] =	ssyncpa.u1 $0x0;
	s7 =	simm.s32 $0x2;
	s10 =	simm.s32 @!p0 $0x0  }
0x15: {  	[sflag:s7] =	ssyncpa.u1 $0x0;
	p0 =	por $0x0, $0x0;
	s8 =	sadd.s32 s8, s10  }
0x16: {  	vm0 =	vmmov $0xff;
	vm1 =	vcmask $0x3F20;
	[sflag:s11] =	ssyncpa.u1 $0x0;
	s11 =	smov.u32 s1;
	s10 =	sadd.s32 $0x1, s8  }
.LBB2_6:
0x17: {  	[hbm:s17] =	stream.linear.scatter [tilespmem:s14], [sflag:$0x3], $0x400, $0x38;
	[tilespmem:$0x12240] =	vst v63  }
.LBB2_7:
0x18: {  	s13 =	sadd.s32 $0x120, s11  }
0x19: {  	s15 =	smov.u32 s1;
	p2 =	slt.s32 s13, s3  }
0x1a: {  	s15 =	smov.u32 @p2 s13;
	p2 =	sne.s32 s12, s10  }
.Ltmp1:
0x1b: {  	p1 =	slt.u32 s12, $0x2;
	(pc) =	sbr.rel @!p2 .LBB2_8-.Ltmp1, $4  }
0x1c: {  	s14 =	simm.s32 @!p1 $0x3  }
0x1d: {  	s16 =	sadd.s32 $0x1, s12;
	_ =	swait.ge @!p1 [sflag:s14], $0x9000  }
0x1e: {  	p0 =	por !p0, !p0;
	s13 =	smov.u32 s11;
	[sflag:s14] =	ssyncset.done @!p1 $0x0  }
0x1f: {  	s12 =	smov.u32 s16;
	s11 =	smov.u32 s15;
	[sflag:s14] =	ssyncadd.s32 @!p1 $0xFFFF7000  }
.LBB2_1:
0x20: {  	p1 =	sge.u32 s12, s8  }
0x21: {  	s14 =	sxor.u32 @!p1 $0xFFFFFFFF, s12  }
0x22: {  	s14 =	sand.u32 @!p1 $0x1, s14  }
0x23: {  	s14 =	smul.u32 @!p1 $0x480, s14  }
0x24: {  	s31 =	sadd.s32 $0xFFFFFFFF, s12;
	s15 =	sshrl.u32 @!p1 s11, $0x3  }
0x25: {  	s16 =	sand.u32 @!p1 $0x7, s11;
	s15 =	sadd.s32 @!p1 s9, s15;
	s14 =	sshrl.u32 @!p1 s14, $0x2  }
0x26: {  	[tilespmem:s14], [sflag:$0x2] =	stream.linear.gather @!p1 [hbm4b:s15+s16], $0x120, $0x38;
	[tilespmem:$0x12240] =	vst v63  }
0x27: {  	p1 =	sge.u32 s31, s8  }
.Ltmp2:
0x28: {  	_ = 	snop;
	(pc) =	sbr.rel @p1 .LBB2_7-.Ltmp2, $1  }
0x29: {  	_ =	sdelay $0x3  }
0x2a: {  	s14 =	simm.s32 $0x1  }
0x2b: {  	s14 =	simm.s32 @!p0 $0x0  }
0x2c: {  	s15 =	smul.u32 $0x480, s14  }
0x2d: {  	_ =	swait.ge [sflag:s7], $0x120  }
0x2e: {  	[sflag:s7] =	ssyncset.done $0x0;
	s16 =	sshrl.u32 s15, $0x2  }
0x2f: {  	[sflag:s7] =	ssyncadd.s32 $0xFFFFFEE0;
	s15 =	sadd.s32 $0x0, s16  }
0x30: {  	v0 =	vld.msk [tilespmem:s15+$0x0 ss:$0x1], $0xffff;
	_ =	sdelay $0x4  }
0x31: {  	vm2 =	vgt.s32 v0, $0x0  }
0x32: {  	v0 =	vnsel vm2, $0x0, v0  }
0x33: {  	v0 =	vmin.u32 v0, $0x2801  }
0x34: {  	v0 =	vshll.u32 v0, $0x4  }
0x35: {  	s14 =	smul.u32 $0x24000, s14;
	_ =	sdelay $0x1  }
0x36: {  	s14 =	sshrl.u32 s14, $0x2  }
0x37: {  	s14 =	sor.u32 $0x240, s14  }
0x38: {  	[tilespmem:s14], [sflag:$0x1] =	stream.indirect_vreg.gather [hbm:s5], $0x80, v0, vm0, $0x38;
	[tilespmem:$0x12240] =	vst v63  }
0x39: {  	s17 =	sadd.s32 $0x10, s16;
	s15 =	sadd.s32 $0x400, s14  }
0x3a: {  	[tilespmem:s15], [sflag:$0x1] =	stream.indirect_vreg.gather [hbm:s5], $0x80, v0, vm1, $0x38;
	[tilespmem:$0x12240] =	vst v63  }
0x3b: {  	s18 =	simm.s32 $0x80;
	v0 =	vld.msk [tilespmem:s17+$0x0 ss:$0x1], $0xffff;
	s17 =	smov.u32 s14  }
.LBB2_3:
0x3c: {  	p1 =	sne.s32 s18, $0x440;
	_ =	sdelay $0x4  }
0x3d: {  	vm2 =	vgt.s32 v0, $0x0  }
0x3e: {  	v0 =	vnsel vm2, $0x0, v0  }
0x3f: {  	v0 =	vmin.u32 v0, $0x2801  }
0x40: {  	v0 =	vshll.u32 v0, $0x4;
	_ =	sdelay $0x3  }
.Ltmp3:
0x41: {  	s19 =	sshra.s32 s18, $0x2;
	s17 =	sadd.s32 $0x800, s17;
	(pc) =	sbr.rel @p1 .LBB2_3-.Ltmp3, $4  }
0x42: {  	[tilespmem:s17], [sflag:$0x1] =	stream.indirect_vreg.gather [hbm:s5], $0x80, v0, vm0, $0x38;
	[tilespmem:$0x12240] =	vst v63  }
0x43: {  	s19 =	sadd.s32 s19, s16;
	s20 =	sadd.s32 $0x400, s17  }
0x44: {  	[tilespmem:s20], [sflag:$0x1] =	stream.indirect_vreg.gather [hbm:s5], $0x80, v0, vm1, $0x38;
	[tilespmem:$0x12240] =	vst v63  }
0x45: {  	s18 =	sadd.s32 $0x40, s18;
	v0 =	vld.msk [tilespmem:s19+$0x0 ss:$0x1], $0xffff  }
0x46: {  	_ =	sdelay $0x3  }
0x47: {  	vm2 =	vgt.s32 v0, $0x0  }
0x48: {  	v0 =	vnsel vm2, $0x0, v0  }
0x49: {  	v0 =	vmin.u32 v0, $0x2801  }
0x4a: {  	v0 =	vshll.u32 v0, $0x4;
	_ =	sdelay $0x3  }
0x4b: {  	s16 =	sadd.s32 $0x800, s17  }
0x4c: {  	[tilespmem:s16], [sflag:$0x1] =	stream.indirect_vreg.gather [hbm:s5], $0x80, v0, vm0, $0x38;
	[tilespmem:$0x12240] =	vst v63  }
0x4d: {  	s16 =	sadd.s32 $0x400, s16  }
0x4e: {  	[tilespmem:s16], [sflag:$0x1] =	stream.indirect_vreg.gather [hbm:s5], $0x80, v0, vm1, $0x38;
	[tilespmem:$0x12240] =	vst v63  }
0x4f: {  	s13 =	sshll.u32 s13, $0x4;
	_ =	swait.ge [sflag:s6], $0x9000  }
0x50: {  	s13 =	sadd.s32 s13, s4;
	[sflag:s6] =	ssyncset.done $0x0  }
0x51: {  	s17 =	sadd.s32 $0x0, s13;
	s16 =	simm.s32 $0x80;
	[sflag:s6] =	ssyncadd.s32 $0xFFFF7000  }
.LBB2_5:
0x52: {  	[hbm:s17] =	stream.linear.scatter [tilespmem:s14], [sflag:$0x3], $0x400, $0x38;
	[tilespmem:$0x12240] =	vst v63  }
0x53: {  	s17 =	smov.u32 s16;
	s14 =	smov.u32 s15;
	p1 =	sne.s32 s16, $0x1180  }
.Ltmp4:
0x54: {  	s16 =	sadd.s32 $0x80, s16;
	(pc) =	sbr.rel @p1 .LBB2_5-.Ltmp4, $2  }
0x55: {  	_ =	sdelay $0x2  }
0x56: {  	s15 =	sadd.s32 $0x400, s15;
	s17 =	sadd.s32 s17, s13  }
.Ltmp5:
0x57: {  	_ = 	snop;
	(pc) =	sbr.rel .LBB2_6-.Ltmp5, $1  }
0x58: {  	_ =	sdelay $0x3  }
.LBB2_8:
0x59: {  	_ =	sfence.sel $0x180000  }
0x5a: {  	s1 =	simm.s32 $0x2;
	[bflag:$0x0] =	sbarrier.arrive $0xFFFF  }
0x5b: {  	s30 =	simm.s32 $0x3;
	[sflag:s1] =	ssyncpa.u1 $0x1  }
0x5c: {  	s31 =	simm.s32 $0x1;
	[sflag:s30] =	ssyncpa.u1 $0x1  }
0x5d: {  	[sflag:s31] =	ssyncpa.u1 $0x1  }
0x5e: {  	p0 =	sne.s32 s0, $0x0;
	_ =	strace $0x90000047  }
0x5f: {  	s0 =	sadd.s32 @!p0 $0x100000, s2;
	[bflag:$0x2] =	sbarrier.arrive $0xFFFF  }
0x60: {  	[sflag:s0] =	ssyncadd.tile.s32 @!p0 $0x1;
	_ =	shalt  }
.Lfunc_end2:
_tile_overlayer_lowered:
.L_overlay_start_2:
0x61: {  	(tag) =	ssettag $0x2  }
0x62: {  	s0 =	rddreg [dreg:$0x0];
	s2 =	stileid.u32  }
0x63: {  	s1 =	rddreg [dreg:$0x1];
	p0 =	sne.s32 s2, $0x0  }
0x64: {  	s3 =	rddreg [dreg:$0x2];
	[bflag:$0x3] =	sbarrier.arrive $0xFFFF;
	s2 =	simm.s32 @!p0 $0x1C01  }
0x65: {  	[timem:s3], [sflag:s2] =	dma.local @!p0 [hbm:s0], s1  }
0x66: {  	s0 =	simm.s32 @!p0 $0x1  }
0x67: {  	_ =	swait.ge @!p0 [sflag:s0], s1  }
0x68: {  	s1 =	ssub.s32 @!p0 $0x0, s1;
	[sflag:s0] =	ssyncset.done @!p0 $0x0  }
0x69: {  	[sflag:s0] =	ssyncadd.s32 @!p0 s1  }
0x6a: {  	[bflag:$0x3] =	sbarrier.arrive $0xFFFF  }
0x6b: {  	_ =	shalt  }

// kernel: kernel.3.cloned.1.call-start
scs
__scs_entry_jumppad:
0x0: {  	(pc) =	sbr.rel $0x88, $3  }
0x1: {  	(tag) =	ssettag $0x0;
	lr =	simm.s32 $0x1  }
0x2: {  	[smem:$0x3F9F] =	sst lr;
	_ =	strace $0xD0000000  }
0x3: {  	_ = 	snop  }
0x4: {  	_ = 	snop  }
0x5: {  	_ = 	snop  }
0x6: {  	_ = 	snop  }
0x7: {  	_ = 	snop  }
__scs_overlays_trampoline_lowered:
0x8: {  	[smem:$0x3FAE] =	sst s0  }
0x9: {  	[smem:$0x3FAF] =	sst s1  }
0xa: {  	[smem:$0x3FB0] =	sst s2  }
0xb: {  	[smem:$0x3FB1] =	sst s3  }
0xc: {  	[smem:$0x3FB2] =	sst s4  }
0xd: {  	[smem:$0x3FB3] =	sst s5  }
0xe: {  	[smem:$0x3FB4] =	sst s6  }
0xf: {  	[smem:$0x3FB5] =	sst s7  }
0x10: {  	[smem:$0x3FB6] =	sst s8  }
0x11: {  	[smem:$0x3FB7] =	sst s9;
	s0 =	simm.s32 @!p0 $0x0  }
0x12: {  	s1 =	sld [smem:$0x3F9D];
	s0 =	simm.s32 @p0 $0x1  }
0x13: {  	[smem:$0x3FB8] =	sst s0;
	s0 =	simm.s32 @!p1 $0x0  }
0x14: {  	s2 =	sld [smem:$0x3F9C];
	s0 =	simm.s32 @p1 $0x1  }
0x15: {  	[smem:$0x3FB9] =	sst s0;
	s0 =	simm.s32 @!p2 $0x0  }
0x16: {  	s3 =	sld [smem:$0x3FDB];
	s0 =	simm.s32 @p2 $0x1  }
0x17: {  	s4 =	simm.s32 $0x1BF5;
	[smem:$0x3FBB] =	sst s0  }
0x18: {  	s0 =	sld [smem:$0x3F9E];
	_ =	swait.ge [sflag:s4], $0x0  }
0x19: {  	s7 =	sld [smem:$0x3F9F]  }
0x1a: {  	s8 =	sadd.s32 $0xFFFFE003, lr  }
0x1b: {  	s9 =	sadd.s32 $0xFFFFFEF7, lr;
	s5 =	simm.s32 $0xFFFFFFFF;
	p2 =	slt.u32 s8, $0xFFFFF086  }
0x1c: {  	p1 =	slt.u32 s9, $0xF7A;
	s5 =	simm.s32 @!p2 $0x0  }
0x1d: {  	s5 =	simm.s32 @p1 $0x1;
	p0 =	seq.s32 s7, s2  }
0x1e: {  	s7 =	smul.u32 @!p0 $0xF7A, s2;
	p2 =	seq.s32 @!p0 s5, $0x0  }
0x1f: {  	s9 =	smul.u32 $0xF7A, s1;
	s8 =	simm.s32 @!p0 $0x1BF5;
	p2 =	por !p2, p0  }
0x20: {  	[sflag:s8] =	ssyncset.s32 @!p0 $0xFFFFF086;
	s6 =	sadd.s32 @!p0 s3, s7;
	s7 =	simm.s32 @!p0 $0x108  }
0x21: {  	s3 =	sadd.s32 s3, s9;
	s6 =	sadd.s32 @!p0 $0x88, s6;
	s7 =	simm.s32 @p2 $0x1082  }
0x22: {  	[simem:s7], [sflag:s8] =	dma.local @!p0 [hbm:s6], $0xF7A  }
0x23: {  	s9 =	sor.u32 $0xD0000000, s2;
	s6 =	simm.s32 $0x108;
	_ =	swait.ge @!p0 [sflag:s8], $0x0  }
0x24: {  	s3 =	sadd.s32 $0x88, s3;
	s6 =	simm.s32 @!p1 $0x1082;
	[sflag:s4] =	ssyncset.s32 $0xFFFFF086  }
0x25: {  	[simem:s6], [sflag:s4] =	dma.local [hbm:s3], $0xF7A  }
0x26: {  	[smem:$0x3F9F] =	sst s1;
	(tag) =	ssettag s2;
	_ =	strace s9  }
0x27: {  	s1 =	sld [smem:$0x3FAF]  }
0x28: {  	s2 =	sld [smem:$0x3FB0]  }
0x29: {  	s4 =	sld [smem:$0x3FB2]  }
0x2a: {  	p0 =	seq.s32 s5, $0x0;
	s5 =	sld [smem:$0x3FB3]  }
0x2b: {  	s6 =	sld [smem:$0x3FB4]  }
0x2c: {  	s7 =	sld [smem:$0x3FB5]  }
0x2d: {  	s3 =	simm.s32 $0x108;
	s8 =	sld [smem:$0x3FB6]  }
0x2e: {  	s3 =	simm.s32 @!p0 $0x1082;
	s9 =	sld [smem:$0x3FB7]  }
0x2f: {  	lr =	sadd.s32 s0, s3;
	s0 =	sld [smem:$0x3FAE]  }
0x30: {  	s3 =	sld [smem:$0x3FB1]  }
0x31: {  	[smem:$0x3FBA] =	sst s10  }
0x32: {  	s10 =	sld [smem:$0x3FB8];
	_ =	sdelay $0x3  }
0x33: {  	p0 =	seq.s32 s10, $0x1;
	s10 =	sld [smem:$0x3FBA];
	_ =	sdelay $0x3  }
0x34: {  	[smem:$0x3FBA] =	sst s10  }
0x35: {  	s10 =	sld [smem:$0x3FB9];
	_ =	sdelay $0x3  }
0x36: {  	p1 =	seq.s32 s10, $0x1;
	s10 =	sld [smem:$0x3FBA];
	_ =	sdelay $0x3  }
0x37: {  	[smem:$0x3FBA] =	sst s10  }
0x38: {  	s10 =	sld [smem:$0x3FBB]  }
0x39: {  	_ = 	snop;
	(pc) =	sbr.ind lr, $3  }
0x3a: {  	_ = 	snop  }
0x3b: {  	_ = 	snop  }
0x3c: {  	p2 =	seq.s32 s10, $0x1;
	s10 =	sld [smem:$0x3FBA]  }
0x3d: {  	_ =	shalt  }
0x3e: {  	_ =	shalt  }
0x3f: {  	_ =	shalt  }
0x40: {  	_ =	shalt  }
0x41: {  	_ =	shalt  }
0x42: {  	_ =	shalt  }
0x43: {  	_ =	shalt  }
0x44: {  	_ =	shalt  }
0x45: {  	_ =	shalt  }
0x46: {  	_ =	shalt  }
0x47: {  	_ =	shalt  }
0x48: {  	_ =	shalt  }
0x49: {  	_ =	shalt  }
0x4a: {  	_ =	shalt  }
0x4b: {  	_ =	shalt  }
0x4c: {  	_ =	shalt  }
0x4d: {  	_ =	shalt  }
0x4e: {  	_ =	shalt  }
0x4f: {  	_ =	shalt  }
0x50: {  	_ =	shalt  }
0x51: {  	_ =	shalt  }
0x52: {  	_ =	shalt  }
0x53: {  	_ =	shalt  }
0x54: {  	_ =	shalt  }
0x55: {  	_ =	shalt  }
0x56: {  	_ =	shalt  }
0x57: {  	_ =	shalt  }
0x58: {  	_ =	shalt  }
0x59: {  	_ =	shalt  }
0x5a: {  	_ =	shalt  }
0x5b: {  	_ =	shalt  }
0x5c: {  	_ =	shalt  }
0x5d: {  	_ =	shalt  }
0x5e: {  	_ =	shalt  }
0x5f: {  	_ =	shalt  }
0x60: {  	_ =	shalt  }
0x61: {  	_ =	shalt  }
0x62: {  	_ =	shalt  }
0x63: {  	_ =	shalt  }
0x64: {  	_ =	shalt  }
0x65: {  	_ =	shalt  }
0x66: {  	_ =	shalt  }
0x67: {  	_ =	shalt  }
0x68: {  	_ =	shalt  }
0x69: {  	_ =	shalt  }
0x6a: {  	_ =	shalt  }
0x6b: {  	_ =	shalt  }
0x6c: {  	_ =	shalt  }
0x6d: {  	_ =	shalt  }
0x6e: {  	_ =	shalt  }
0x6f: {  	_ =	shalt  }
0x70: {  	_ =	shalt  }
0x71: {  	_ =	shalt  }
0x72: {  	_ =	shalt  }
0x73: {  	_ =	shalt  }
0x74: {  	_ =	shalt  }
0x75: {  	_ =	shalt  }
0x76: {  	_ =	shalt  }
0x77: {  	_ =	shalt  }
0x78: {  	_ =	shalt  }
0x79: {  	_ =	shalt  }
0x7a: {  	_ =	shalt  }
0x7b: {  	_ =	shalt  }
0x7c: {  	_ =	shalt  }
0x7d: {  	_ =	shalt  }
0x7e: {  	_ =	shalt  }
0x7f: {  	_ =	shalt  }
0x80: {  	_ =	shalt  }
0x81: {  	_ =	shalt  }
0x82: {  	_ =	shalt  }
0x83: {  	_ =	shalt  }
0x84: {  	_ =	shalt  }
0x85: {  	_ =	shalt  }
0x86: {  	_ =	shalt  }
0x87: {  	_ =	shalt  }
.Lfunc_end0:
.L_simem_size_0:
called_computation.1_lowered:
.L_overlay_start_0:
0x88: {  	s2 =	sld [smem:$0x3FD9]  }
0x89: {  	s3 =	sld [smem:$0x3FFE];
	_ =	sdelay $0x1  }
0x8a: {  	s1 =	srdreg.scid  }
0x8b: {  	s0 =	sand.u32 $0x1, s1  }
0x8c: {  	s17 =	sshll.u32 s0, $0xA;
	s2 =	sadd.s32 s3, s2  }
0x8d: {  	s2 =	sadd.s32 s2, s17  }
0x8e: {  	[smem:$0x3FC6] =	sst s2  }
0x8f: {  	_ = 	snop  }
0x90: {  	s2 =	sld [smem:$0x3FC9]  }
0x91: {  	s18 =	sld [smem:$0x3FD0];
	(tm) =	ssettm $0x1  }
0x92: {  	s4 =	sld [smem:$0x3FFB];
	_ =	sdelay $0x3  }
0x93: {  	_ =	strace s4  }
0x94: {  	s4 =	sld [smem:$0x3FFC];
	_ =	sdelay $0x3  }
0x95: {  	_ =	strace s4  }
0x96: {  	s4 =	sld [smem:$0x3FFD];
	_ =	sdelay $0x3  }
0x97: {  	_ =	strace s4  }
0x98: {  	_ =	strace $0x8FFFFFFF  }
0x99: {  	s19 =	sld [smem:$0x3FDB];
	_ =	sdelay $0x1  }
0x9a: {  	s5 =	simm.s32 $_scs_section_size  }
0x9b: {  	s6 =	simm.s32 $_size__tile_overlayer_lowered;
	s7 =	simm.s32 $_tile_overlayer_lowered  }
0x9c: {  	s22 =	simm.s32 $0x1BFF;
	s21 =	sshll.u32 s7, $0x1;
	s4 =	sadd.s32 s5, s19  }
0x9d: {  	s8 =	simm.s32 $0x0;
	s20 =	sshll.u32 s6, $0x1;
	s6 =	sadd.s32 s21, s4  }
0x9e: {  	[timem:s8], [sflag:s22] =	dma.local [hbm:s6], s20  }
0x9f: {  	_ =	swait.ge [sflag:s22], s20  }
0xa0: {  	s5 =	ssub.s32 $0x0, s20;
	[sflag:s22] =	ssyncset.done $0x0  }
0xa1: {  	[sflag:s22] =	ssyncadd.s32 s5;
	_ =	sdelay $0x1  }
0xa2: {  	s23 =	simm.s32 $0x1B8B  }
0xa3: {  	_ =	swait.ge [sflag:s23], $0x1  }
0xa4: {  	[sflag:s23] =	ssyncset.done $0x0  }
0xa5: {  	s25 =	simm.s32 $0x1B8E;
	s24 =	sld [smem:$0x3FFE];
	[sflag:s23] =	ssyncadd.s32 $0xFFFFFFFF  }
0xa6: {  	s26 =	simm.s32 $execute0_lowered;
	[smem:$0x3FD2] =	sst s25  }
0xa7: {  	s6 =	sshll.u32 s26, $0x1;
	_ =	strace $0x80000049;
	[dreg:$0x1] =	wrdreg $0xFFFFFFFF  }
0xa8: {  	s28 =	simm.s32 $_size_execute0_lowered;
	s4 =	sadd.s32 s4, s6;
	[dreg:$0x0] =	wrdreg $0x0  }
0xa9: {  	s6 =	sshll.u32 s28, $0x1;
	[dreg:$0x2] =	wrdreg s4  }
0xaa: {  	[dreg:$0x3] =	wrdreg s6  }
0xab: {  	[dreg:$0x4] =	wrdreg $0xC0  }
0xac: {  	_ =	task [dreg:s8], $0x5FFFF  }
0xad: {  	[dreg:$0x1] =	wrdreg $0xFFFFFFFF  }
0xae: {  	[dreg:$0x0] =	wrdreg $0x60  }
0xaf: {  	[dreg:$0x2] =	wrdreg s2  }
0xb0: {  	[dreg:$0x3] =	wrdreg s24  }
0xb1: {  	[dreg:$0x4] =	wrdreg s18  }
0xb2: {  	[dreg:$0x5] =	wrdreg $0x9  }
0xb3: {  	_ =	task.clear_ibuf [dreg:s8], $0x6FFFF;
	_ =	strace $0x90000049  }
0xb4: {  	s29 =	simm.s32 $0x9;
	_ =	strace $0x8000004B  }
0xb5: {  	_ =	swait.ge [sflag:s29], $0x1  }
0xb6: {  	[sflag:s29] =	ssyncadd.s32 $0xFFFFFFFF  }
0xb7: {  	_ =	strace $0x9000004B  }
0xb8: {  	_ =	sfence  }
0xb9: {  	s30 =	sld [smem:$0x0];
	_ =	sdelay $0x2  }
0xba: {  	s31 =	sshll.u32 s1, $0xD;
	s1 =	sshrl.u32 s1, $0x2  }
0xbb: {  	s3 =	sand.u32 $0x4000, s31;
	s1 =	sadd.s32 s1, s30  }
0xbc: {  	s0 =	sor.u32 s3, s0;
	s1 =	sshll.u32 s1, $0x11  }
0xbd: {  	s0 =	sor.u32 s1, s0  }
0xbe: {  	s0 =	sadd.s32 $0x8F2B, s0  }
0xbf: {  	[sflag:s0] =	ssyncadd.remote.s32 $0x1  }
0xc0: {  	_ =	sfence.sel $0xFFFF  }
0xc1: {  	[dreg:$0x0] =	wrdreg $0xFFFFFFFF;
	(pc) =	sbr.abs _section_cstart, $3  }
0xc2: {  	[dreg:$0x1] =	wrdreg $0xFFFFFFFF  }
0xc3: {  	_ =	task.clear_ibuf [dreg:s8], $0x2FFFF;
	_ =	strace $0x9FFFFFFF  }
0xc4: {  	(tm) =	ssettm $0x7FFFFFFF  }
0xc5: {  	_ =	shalt  }
tec
execute0_lowered:
.L_overlay_start_1:
0x0: {  	(tag) =	ssettag $0x1  }
0x1: {  	s1 =	srdreg.scid  }
0x2: {  	s0 =	stileid.u32;
	s7 =	rddreg [dreg:$0x1]  }
0x3: {  	s4 =	rddreg [dreg:$0x2];
	s10 =	simm.s32 $0x80;
	s11 =	simm.s32 $0x400  }
0x4: {  	s12 =	simm.s32 $0x3;
	s13 =	simm.s32 $0xA80;
	s14 =	simm.s32 $0x8A80  }
0x5: {  	s15 =	simm.s32 $0xEA80;
	s16 =	simm.s32 $0x16A80;
	s17 =	simm.s32 $0x1  }
0x6: {  	s18 =	simm.s32 $0x1CA80;
	s19 =	simm.s32 $0x2;
	s20 =	simm.s32 $0x0  }
0x7: {  	s6 =	sand.u32 $0x1, s1;
	s2 =	sshll.u32 s0, $0x1;
	s3 =	sshrl.u32 s0, $0x2  }
0x8: {  	s1 =	rddreg [dreg:$0x0];
	s2 =	sor.u32 s6, s2;
	s5 =	smul.u32 $0x5400, s3  }
0x9: {  	s3 =	rddreg [dreg:$0x3];
	s6 =	ssub.s32 $0x2, s6;
	s30 =	sshll.u32 s2, $0x7  }
.Ltmp0:
0xa: {  	s31 =	sshrl.u32 s6, $0x1;
	s8 =	sand.u32 $0x380, s30;
	(pc) =	sbr.rel .LBB2_1-.Ltmp0, $4  }
0xb: {  	p0 =	sne.s32 s2, $0x0;
	s8 =	sor.u32 s5, s8;
	s5 =	simm.s32 $0x0  }
0xc: {  	s9 =	ssub.s32 s6, s31;
	s8 =	sshrl.u32 s8, $0x3;
	[smem:$0x7FF] =	sst s5  }
0xd: {  	s9 =	smax.u32 s9, $0x1;
	s7 =	sadd.s32 s8, s7;
	_ =	strace $0x8000004A  }
0xe: {  	vm0 =	vmmov $0xffff;
	vm1 =	vmmov $0xfff;
	s8 =	sadd.s32 $0x27FE00, s4;
	s6 =	sadd.s32 $0xA00, s7;
	s7 =	ssub.s32 $0xA01, s2  }
.LBB2_11:
0xf: {  	s20 =	sadd.s32 $0x1, s20  }
0x10: {  	p1 =	sne.s32 s20, s9  }
.Ltmp1:
0x11: {  	_ = 	snop;
	(pc) =	sbr.rel @!p1 .LBB2_12-.Ltmp1, $4  }
0x12: {  	_ = 	snop  }
0x13: {  	_ =	swait.ge [sflag:s19], $0x2000  }
0x14: {  	[sflag:s19] =	ssyncset.done $0x0  }
0x15: {  	[sflag:s19] =	ssyncadd.s32 $0xFFFFE000  }
.LBB2_1:
0x16: {  	[tilespmem:s5], [sflag:$0x3] =	stream.strided.gather [hbm4b:s6+s10], $0xA80, s11, s10, $0x38;
	[tilespmem:$0x1EA80] =	vst v63  }
0x17: {  	_ =	swait.ge [sflag:s12], $0xA80  }
0x18: {  	[sflag:s12] =	ssyncset.done $0x0  }
0x19: {  	[sflag:s12] =	ssyncadd.s32 $0xFFFFF580  }
0x1a: {  	v1 =	vld [tilespmem:$0x0];
	_ =	sdelay $0x4  }
0x1b: {  	v0 =	vlaneseq.u32;
	v1 =	vshll.u32 v1, $0xB  }
0x1c: {  	v1 =	vperm.xlane v1, v0;
	_ =	sdelay $0x5  }
0x1d: {  	[tilespmem:s13], [sflag:$0x1] =	stream.indirect_vreg.gather [hbm4b:s1+s5], $0x800, v1, vm0, $0x38;
	[tilespmem:$0x1EA80] =	vst v63  }
0x1e: {  	v1 =	vld.msk [tilespmem:$0x10], $0xfff;
	_ =	sdelay $0x4  }
0x1f: {  	v1 =	vshll.u32 v1, $0xB  }
0x20: {  	v1 =	vperm.xlane v1, v0;
	_ =	sdelay $0x4  }
0x21: {  	s21 =	simm.s32 $0x0  }
0x22: {  	[tilespmem:s14], [sflag:$0x1] =	stream.indirect_vreg.gather [hbm4b:s1+s5], $0x800, v1, vm1, $0x38;
	[tilespmem:$0x1EA80] =	vst v63  }
.LBB2_2:
0x23: {  	s23 =	sshll.u32 s21, $0x6  }
0x24: {  	v1 =	vld [tilespmem:s23+$0x20];
	_ =	sdelay $0x4  }
0x25: {  	v0 =	vlaneseq.u32;
	v1 =	vshll.u32 v1, $0xB  }
0x26: {  	v1 =	vperm.xlane v1, v0;
	_ =	sdelay $0x4  }
0x27: {  	s22 =	sor.u32 $0x30, s23  }
0x28: {  	[tilespmem:s15], [sflag:$0x1] =	stream.indirect_vreg.gather [hbm4b:s1+s5], $0x800, v1, vm0, $0x38;
	[tilespmem:$0x1EA80] =	vst v63  }
0x29: {  	v1 =	vld.msk [tilespmem:s22+$0x0], $0xfff;
	_ =	sdelay $0x4  }
0x2a: {  	v1 =	vshll.u32 v1, $0xB  }
0x2b: {  	v1 =	vperm.xlane v1, v0;
	_ =	sdelay $0x5  }
0x2c: {  	[tilespmem:s16], [sflag:$0x1] =	stream.indirect_vreg.gather [hbm4b:s1+s5], $0x800, v1, vm1, $0x38;
	[tilespmem:$0x1EA80] =	vst v63  }
0x2d: {  	_ =	swait.ge [sflag:s17], $0xE000  }
0x2e: {  	p1 =	seq.s32 s21, $0x0;
	[sflag:s17] =	ssyncset.done $0x0  }
0x2f: {  	s22 =	simm.s32 @!p1 $0x2;
	[sflag:s17] =	ssyncadd.s32 $0xFFFF2000  }
0x30: {  	s24 =	simm.s32 $0x0;
	_ =	swait.ge @!p1 [sflag:s22], $0x2000  }
0x31: {  	s25 =	sand.u32 $0x1800, s24;
	s24 =	sand.u32 $0x380, s24;
	[sflag:s22] =	ssyncset.done @!p1 $0x0  }
0x32: {  	s24 =	sor.u32 s24, s25;
	[sflag:s22] =	ssyncadd.s32 @!p1 $0xFFFFE000  }
0x33: {  	v1 =	vld [tilespmem:s24+$0xEF0]  }
0x34: {  	v2 =	vld [tilespmem:s24+$0x2EF0]  }
0x35: {  	v7 =	vld [tilespmem:s24+$0xA80]  }
0x36: {  	v4 =	vld [tilespmem:s24+$0x4EF0]  }
0x37: {  	v0 =	vld [tilespmem:s24+$0x2A80]  }
0x38: {  	v6 =	vld [tilespmem:s24+$0x6EF0]  }
0x39: {  	v8 =	vld [tilespmem:s24+$0x2A90]  }
0x3a: {  	v9 =	vld [tilespmem:s24+$0xAA0]  }
0x3b: {  	v10 =	vld [tilespmem:s24+$0x2AA0]  }
0x3c: {  	v11 =	vld [tilespmem:s24+$0x2AB0]  }
0x3d: {  	v12 =	vld [tilespmem:s24+$0x2AC0]  }
0x3e: {  	v13 =	vld [tilespmem:s24+$0x2AD0]  }
0x3f: {  	v14 =	vld [tilespmem:s24+$0xAE0]  }
0x40: {  	v15 =	vld [tilespmem:s24+$0x2AE0]  }
0x41: {  	v16 =	vld [tilespmem:s24+$0x2AF0]  }
0x42: {  	v17 =	vld [tilespmem:s24+$0xE80]  }
0x43: {  	v18 =	vld [tilespmem:s24+$0x2E80]  }
0x44: {  	v19 =	vld [tilespmem:s24+$0xE90]  }
0x45: {  	v20 =	vld [tilespmem:s24+$0x2E90]  }
0x46: {  	v21 =	vld [tilespmem:s24+$0xEA0]  }
0x47: {  	v22 =	vld [tilespmem:s24+$0x2EA0]  }
0x48: {  	v23 =	vld [tilespmem:s24+$0xEB0]  }
0x49: {  	v24 =	vld [tilespmem:s24+$0x2EB0]  }
0x4a: {  	v25 =	vld [tilespmem:s24+$0xEC0]  }
0x4b: {  	v26 =	vld [tilespmem:s24+$0x2EC0]  }
0x4c: {  	v27 =	vld [tilespmem:s24+$0xED0]  }
0x4d: {  	v28 =	vld [tilespmem:s24+$0x2ED0]  }
0x4e: {  	v29 =	vld [tilespmem:s24+$0xEE0]  }
0x4f: {  	v30 =	vld [tilespmem:s24+$0x2EE0]  }
0x50: {  	v31 =	vld [tilespmem:s24+$0x4A80]  }
0x51: {  	v32 =	vld [tilespmem:s24+$0x4A90]  }
0x52: {  	v33 =	vld [tilespmem:s24+$0x4AA0]  }
0x53: {  	v34 =	vld [tilespmem:s24+$0x4AB0]  }
0x54: {  	v35 =	vld [tilespmem:s24+$0x4AC0]  }
0x55: {  	v36 =	vld [tilespmem:s24+$0x4AD0]  }
0x56: {  	v37 =	vld [tilespmem:s24+$0x4AE0]  }
0x57: {  	v38 =	vld [tilespmem:s24+$0x4AF0]  }
0x58: {  	v39 =	vld [tilespmem:s24+$0x4E80]  }
0x59: {  	v40 =	vld [tilespmem:s24+$0x4E90]  }
0x5a: {  	v41 =	vld [tilespmem:s24+$0x4EA0]  }
0x5b: {  	v42 =	vld [tilespmem:s24+$0x4EB0]  }
0x5c: {  	v43 =	vld [tilespmem:s24+$0x4EC0]  }
0x5d: {  	v44 =	vld [tilespmem:s24+$0x4ED0]  }
0x5e: {  	v45 =	vld [tilespmem:s24+$0x4EE0]  }
0x5f: {  	v46 =	vld [tilespmem:s24+$0x6A80]  }
0x60: {  	v47 =	vld [tilespmem:s24+$0x6A90]  }
0x61: {  	v48 =	vld [tilespmem:s24+$0x6AA0]  }
0x62: {  	v49 =	vld [tilespmem:s24+$0x6AB0]  }
0x63: {  	v50 =	vld [tilespmem:s24+$0x6AC0]  }
0x64: {  	v51 =	vld [tilespmem:s24+$0x6AD0]  }
0x65: {  	v52 =	vld [tilespmem:s24+$0x6AE0]  }
0x66: {  	v53 =	vld [tilespmem:s24+$0x6AF0]  }
0x67: {  	v54 =	vld [tilespmem:s24+$0x6E80]  }
0x68: {  	v55 =	vld [tilespmem:s24+$0x6E90]  }
0x69: {  	v56 =	vld [tilespmem:s24+$0x6EA0]  }
0x6a: {  	v57 =	vld [tilespmem:s24+$0x6EB0]  }
0x6b: {  	v58 =	vld [tilespmem:s24+$0x6EC0]  }
0x6c: {  	v59 =	vld [tilespmem:s24+$0x6ED0]  }
0x6d: {  	v5 =	vld [tilespmem:s24+$0x8AD0]  }
0x6e: {  	v60 =	vld [tilespmem:s24+$0x6EE0]  }
0x6f: {  	v61 =	vld [tilespmem:s24+$0x8A80]  }
0x70: {  	v62 =	vld [tilespmem:s24+$0x8A90]  }
0x71: {  	v63 =	vld [tilespmem:s24+$0x8AA0]  }
0x72: {  	[tilespmem:$0x1FFC0] =	vst v5;
	v5 =	vld [tilespmem:s24+$0x8AE0]  }
0x73: {  	v3 =	vld [tilespmem:s24+$0x8AC0];
	v1 =	vadd.f32 v2, v1  }
0x74: {  	v2 =	vld [tilespmem:s24+$0x8EF0]  }
0x75: {  	[tilespmem:$0x1FFA0] =	vst v0;
	v0 =	vld [tilespmem:s24+$0xA90];
	v1 =	vadd.f32 v4, v1  }
0x76: {  	v4 =	vld [tilespmem:s24+$0xAEF0]  }
0x77: {  	v1 =	vadd.f32 v6, v1;
	[tilespmem:$0x1FFD0] =	vst v5;
	v5 =	vld [tilespmem:s24+$0x8AF0]  }
0x78: {  	v6 =	vld [tilespmem:s24+$0xCEF0]  }
0x79: {  	v1 =	vadd.f32 v2, v1;
	v2 =	vld [tilespmem:s24+$0xAB0]  }
0x7a: {  	[tilespmem:$0x1FFB0] =	vst v0;
	v0 =	vld [tilespmem:s24+$0x8AB0]  }
0x7b: {  	v1 =	vadd.f32 v4, v1;
	v4 =	vld [tilespmem:s24+$0xAC0]  }
0x7c: {  	[tilespmem:$0x1FFE0] =	vst v5;
	v5 =	vld [tilespmem:$0x1FFA0]  }
0x7d: {  	v1 =	vadd.f32 v6, v1;
	v6 =	vld [tilespmem:s24+$0xAD0]  }
0x7e: {  	v2 =	vadd.f32 v11, v2;
	v11 =	vadd.f32 v15, v14;
	v14 =	vld [tilespmem:s24+$0x8EC0]  }
0x7f: {  	v15 =	vadd.f32 v20, v19;
	v20 =	vld [tilespmem:s24+$0x8EE0]  }
0x80: {  	v19 =	vadd.f32 v26, v25;
	v25 =	vld [tilespmem:s24+$0xAAA0];
	v4 =	vadd.f32 v12, v4  }
0x81: {  	v2 =	vadd.f32 v34, v2;
	v5 =	vadd.f32 v5, v7;
	v7 =	vld [tilespmem:s24+$0x8E80]  }
0x82: {  	v26 =	vld [tilespmem:s24+$0xAAB0];
	v1 =	vmul.f32 $1.428571490e-01, v1;
	v11 =	vadd.f32 v37, v11;
	v15 =	vadd.f32 v40, v15  }
0x83: {  	v12 =	vld [tilespmem:s24+$0x8EB0];
	v19 =	vadd.f32 v43, v19;
	v6 =	vadd.f32 v13, v6  }
0x84: {  	[tilespmem:s24+$0x1CEF0] =	vst v1;
	v1 =	vld [tilespmem:s24+$0xAF0];
	v13 =	vadd.f32 v18, v17;
	v18 =	vadd.f32 v24, v23  }
0x85: {  	v17 =	vld [tilespmem:s24+$0x8ED0];
	v4 =	vadd.f32 v35, v4;
	v2 =	vadd.f32 v49, v2  }
0x86: {  	v11 =	vadd.f32 v52, v11;
	v15 =	vadd.f32 v55, v15;
	[tilespmem:$0x1FFF0] =	vst v7;
	v7 =	vld [tilespmem:$0x1FFB0]  }
0x87: {  	v23 =	vld [tilespmem:s24+$0xAA80];
	v19 =	vadd.f32 v58, v19;
	v5 =	vadd.f32 v31, v5  }
0x88: {  	v24 =	vld [tilespmem:s24+$0xAA90];
	v6 =	vadd.f32 v36, v6;
	v13 =	vadd.f32 v39, v13  }
0x89: {  	v55 =	vld [tilespmem:$0x1FFC0];
	v18 =	vadd.f32 v42, v18;
	v4 =	vadd.f32 v50, v4  }
0x8a: {  	v49 =	vld [tilespmem:s24+$0xAEB0];
	v0 =	vadd.f32 v0, v2;
	v5 =	vadd.f32 v46, v5  }
0x8b: {  	v52 =	vld [tilespmem:s24+$0xAEE0];
	v14 =	vadd.f32 v14, v19;
	v7 =	vadd.f32 v8, v7  }
0x8c: {  	v58 =	vld [tilespmem:s24+$0xCAE0];
	v6 =	vadd.f32 v51, v6;
	v5 =	vadd.f32 v61, v5  }
0x8d: {  	v50 =	vld [tilespmem:s24+$0xAEC0];
	v3 =	vadd.f32 v3, v4;
	v7 =	vadd.f32 v32, v7  }
0x8e: {  	v4 =	vadd.f32 v23, v5;
	v23 =	vadd.f32 v55, v6;
	v6 =	vld [tilespmem:$0x1FFD0]  }
0x8f: {  	v2 =	vld [tilespmem:s24+$0xCAA0];
	v1 =	vadd.f32 v16, v1;
	v7 =	vadd.f32 v47, v7  }
0x90: {  	v16 =	vadd.f32 v22, v21;
	v21 =	vadd.f32 v28, v27;
	v27 =	vld [tilespmem:s24+$0xAAC0]  }
0x91: {  	v22 =	vadd.f32 v30, v29;
	v28 =	vld [tilespmem:s24+$0xAAD0];
	v7 =	vadd.f32 v62, v7  }
0x92: {  	v29 =	vld [tilespmem:s24+$0xAAE0];
	v13 =	vadd.f32 v54, v13;
	v18 =	vadd.f32 v57, v18  }
0x93: {  	v11 =	vadd.f32 v6, v11;
	v6 =	vadd.f32 v24, v7;
	v7 =	vld [tilespmem:$0x1FFE0]  }
0x94: {  	v46 =	vld [tilespmem:s24+$0xAE80];
	v0 =	vadd.f32 v26, v0;
	v1 =	vadd.f32 v38, v1  }
0x95: {  	v54 =	vld [tilespmem:s24+$0xCA90];
	v16 =	vadd.f32 v41, v16;
	v8 =	vadd.f32 v10, v9  }
0x96: {  	v21 =	vadd.f32 v44, v21;
	v1 =	vadd.f32 v53, v1;
	v53 =	vld [tilespmem:s24+$0xCA80]  }
0x97: {  	v22 =	vadd.f32 v45, v22;
	v5 =	vld [tilespmem:s24+$0xCAB0];
	v8 =	vadd.f32 v33, v8  }
0x98: {  	v12 =	vadd.f32 v12, v18;
	v1 =	vadd.f32 v7, v1;
	v7 =	vld [tilespmem:$0x1FFF0]  }
0x99: {  	v16 =	vadd.f32 v56, v16;
	v56 =	vld [tilespmem:s24+$0xCAC0];
	v8 =	vadd.f32 v48, v8  }
0x9a: {  	v51 =	vld [tilespmem:s24+$0xAED0];
	v21 =	vadd.f32 v59, v21;
	v3 =	vadd.f32 v27, v3  }
0x9b: {  	v44 =	vld [tilespmem:s24+$0xAAF0];
	v4 =	vadd.f32 v53, v4;
	v8 =	vadd.f32 v63, v8  }
0x9c: {  	v9 =	vld [tilespmem:s24+$0x8E90];
	v0 =	vadd.f32 v5, v0;
	v6 =	vadd.f32 v54, v6  }
0x9d: {  	v10 =	vld [tilespmem:s24+$0x8EA0];
	v4 =	vmul.f32 $1.428571490e-01, v4;
	v13 =	vadd.f32 v7, v13;
	v7 =	vadd.f32 v25, v8  }
0x9e: {  	v22 =	vadd.f32 v60, v22;
	v59 =	vld [tilespmem:s24+$0xCAF0];
	v3 =	vadd.f32 v56, v3;
	v0 =	vmul.f32 $1.428571490e-01, v0  }
0x9f: {  	v57 =	vld [tilespmem:s24+$0xCAD0];
	v60 =	vadd.f32 v17, v21;
	[tilespmem:s24+$0x1CA80] =	vst v4;
	v4 =	vmul.f32 $1.428571490e-01, v6;
	v2 =	vadd.f32 v2, v7  }
0xa0: {  	v61 =	vadd.f32 v20, v22;
	v47 =	vld [tilespmem:s24+$0xAE90];
	[tilespmem:s24+$0x1CAB0] =	vst v0;
	v0 =	vmul.f32 $1.428571490e-01, v3;
	v3 =	vadd.f32 v50, v14  }
0xa1: {  	v48 =	vld [tilespmem:s24+$0xAEA0];
	[tilespmem:s24+$0x1CA90] =	vst v4;
	v4 =	vadd.f32 v28, v23;
	v1 =	vadd.f32 v44, v1;
	v2 =	vmul.f32 $1.428571490e-01, v2  }
0xa2: {  	[tilespmem:s24+$0x1CAC0] =	vst v0;
	v8 =	vadd.f32 v9, v15;
	v9 =	vadd.f32 v10, v16;
	v10 =	vld [tilespmem:s24+$0xCE80]  }
0xa3: {  	v0 =	vadd.f32 v59, v1;
	v15 =	vld [tilespmem:s24+$0xCE90];
	[tilespmem:s24+$0x1CAA0] =	vst v2;
	v2 =	vadd.f32 v29, v11  }
0xa4: {  	v6 =	vld [tilespmem:s24+$0xCEA0];
	v13 =	vadd.f32 v46, v13;
	v11 =	vadd.f32 v57, v4  }
0xa5: {  	v7 =	vld [tilespmem:s24+$0xCEB0];
	v4 =	vadd.f32 v49, v12;
	v12 =	vadd.f32 v58, v2  }
0xa6: {  	s31 =	simm.s32 $0x100;
	s25 =	simm.s32 $0x80;
	v1 =	vadd.f32 v52, v61;
	v62 =	vadd.f32 v47, v8;
	v8 =	vld [tilespmem:s24+$0xCEC0];
	v63 =	vmul.f32 $1.428571490e-01, v11  }
0xa7: {  	s26 =	sand.u32 $0x1800, s31;
	s28 =	sand.u32 $0x380, s25;
	v5 =	vadd.f32 v48, v9;
	v9 =	vld [tilespmem:s24+$0xCED0];
	v11 =	vmul.f32 $1.428571490e-01, v12;
	v12 =	vadd.f32 v10, v13  }
0xa8: {  	s28 =	sor.u32 s28, s26;
	s26 =	simm.s32 $0x200;
	s22 =	sor.u32 s2, s23;
	v14 =	vmul.f32 $1.428571490e-01, v0;
	v2 =	vadd.f32 v51, v60;
	[tilespmem:s24+$0x1CAD0] =	vst v63;
	v13 =	vadd.f32 v15, v62;
	v10 =	vld [tilespmem:s24+$0xCEE0]  }
.LBB2_3:
0xa9: {  	p1 =	sne.s32 s26, $0x1F00;
	v0 =	vld [tilespmem:s28+$0xEF0];
	[tilespmem:s24+$0x1CAE0] =	vst v11;
	v11 =	vmul.f32 $1.428571490e-01, v12;
	v5 =	vadd.f32 v6, v5  }
0xaa: {  	v6 =	vld [tilespmem:s28+$0x2EF0];
	[tilespmem:s24+$0x1CAF0] =	vst v14;
	v12 =	vmul.f32 $1.428571490e-01, v13;
	v4 =	vadd.f32 v7, v4  }
0xab: {  	v7 =	vld [tilespmem:s28+$0xA80];
	[tilespmem:s24+$0x1CE80] =	vst v11;
	v5 =	vmul.f32 $1.428571490e-01, v5;
	v3 =	vadd.f32 v8, v3  }
0xac: {  	v8 =	vld [tilespmem:s28+$0x4EF0];
	[tilespmem:s24+$0x1CE90] =	vst v12;
	v4 =	vmul.f32 $1.428571490e-01, v4;
	v2 =	vadd.f32 v9, v2  }
0xad: {  	v9 =	vld [tilespmem:s28+$0x2A80];
	[tilespmem:s24+$0x1CEA0] =	vst v5;
	v3 =	vmul.f32 $1.428571490e-01, v3;
	v1 =	vadd.f32 v10, v1  }
0xae: {  	v5 =	vld [tilespmem:s28+$0x6EF0];
	[tilespmem:s24+$0x1CEB0] =	vst v4;
	v2 =	vmul.f32 $1.428571490e-01, v2  }
0xaf: {  	v4 =	vld [tilespmem:s28+$0xA90];
	v0 =	vadd.f32 v6, v0;
	[tilespmem:s24+$0x1CEC0] =	vst v3;
	v1 =	vmul.f32 $1.428571490e-01, v1  }
0xb0: {  	v3 =	vld [tilespmem:s28+$0x8EF0];
	[tilespmem:s24+$0x1CED0] =	vst v2  }
0xb1: {  	v2 =	vld [tilespmem:s28+$0x2A90];
	v0 =	vadd.f32 v8, v0;
	[tilespmem:s24+$0x1CEE0] =	vst v1;
	s24 =	smov.u32 s28  }
0xb2: {  	v1 =	vadd.f32 v9, v7;
	v6 =	vld [tilespmem:s24+$0xAEF0]  }
0xb3: {  	v7 =	vld [tilespmem:s24+$0xAA0];
	v0 =	vadd.f32 v5, v0  }
0xb4: {  	v5 =	vld [tilespmem:s24+$0xCEF0]  }
0xb5: {  	v8 =	vld [tilespmem:s24+$0x2AA0];
	v0 =	vadd.f32 v3, v0  }
0xb6: {  	v2 =	vadd.f32 v2, v4;
	v3 =	vld [tilespmem:s24+$0xAB0]  }
0xb7: {  	v4 =	vld [tilespmem:s24+$0x2AB0];
	v0 =	vadd.f32 v6, v0  }
0xb8: {  	v6 =	vld [tilespmem:s24+$0xAC0]  }
0xb9: {  	v9 =	vld [tilespmem:s24+$0x2AC0];
	v0 =	vadd.f32 v5, v0  }
0xba: {  	v5 =	vadd.f32 v8, v7;
	v7 =	vld [tilespmem:s24+$0xAD0]  }
0xbb: {  	v8 =	vld [tilespmem:s24+$0x2AD0];
	v0 =	vmul.f32 $1.428571490e-01, v0  }
0xbc: {  	v3 =	vadd.f32 v4, v3;
	v4 =	vld [tilespmem:s24+$0xAE0]  }
0xbd: {  	v10 =	vld [tilespmem:s24+$0x2AE0];
	[tilespmem:s24+$0x1CEF0] =	vst v0  }
0xbe: {  	v0 =	vadd.f32 v9, v6;
	v6 =	vld [tilespmem:s24+$0xAF0]  }
0xbf: {  	v9 =	vld [tilespmem:s24+$0x2AF0]  }
0xc0: {  	v7 =	vadd.f32 v8, v7;
	v8 =	vld [tilespmem:s24+$0xE80]  }
0xc1: {  	v11 =	vld [tilespmem:s24+$0x2E80]  }
0xc2: {  	v4 =	vadd.f32 v10, v4;
	v10 =	vld [tilespmem:s24+$0xE90]  }
0xc3: {  	v12 =	vld [tilespmem:s24+$0x2E90]  }
0xc4: {  	v6 =	vadd.f32 v9, v6;
	v9 =	vld [tilespmem:s24+$0xEA0]  }
0xc5: {  	v13 =	vld [tilespmem:s24+$0x2EA0]  }
0xc6: {  	v8 =	vadd.f32 v11, v8;
	v11 =	vld [tilespmem:s24+$0xEB0]  }
0xc7: {  	v14 =	vld [tilespmem:s24+$0x2EB0]  }
0xc8: {  	v10 =	vadd.f32 v12, v10;
	v12 =	vld [tilespmem:s24+$0xEC0]  }
0xc9: {  	v15 =	vld [tilespmem:s24+$0x2EC0]  }
0xca: {  	v9 =	vadd.f32 v13, v9;
	v13 =	vld [tilespmem:s24+$0xED0]  }
0xcb: {  	v16 =	vld [tilespmem:s24+$0x2ED0]  }
0xcc: {  	v11 =	vadd.f32 v14, v11;
	v14 =	vld [tilespmem:s24+$0xEE0]  }
0xcd: {  	v17 =	vld [tilespmem:s24+$0x2EE0]  }
0xce: {  	v18 =	vld [tilespmem:s24+$0x4A80];
	v12 =	vadd.f32 v15, v12  }
0xcf: {  	v15 =	vld [tilespmem:s24+$0x4A90]  }
0xd0: {  	v19 =	vld [tilespmem:s24+$0x4AA0];
	v13 =	vadd.f32 v16, v13  }
0xd1: {  	v16 =	vld [tilespmem:s24+$0x4AB0]  }
0xd2: {  	v20 =	vld [tilespmem:s24+$0x4AC0];
	v14 =	vadd.f32 v17, v14  }
0xd3: {  	v1 =	vadd.f32 v18, v1;
	v17 =	vld [tilespmem:s24+$0x4AD0]  }
0xd4: {  	v2 =	vadd.f32 v15, v2;
	v15 =	vld [tilespmem:s24+$0x4AE0]  }
0xd5: {  	v5 =	vadd.f32 v19, v5;
	v18 =	vld [tilespmem:s24+$0x4AF0]  }
0xd6: {  	v3 =	vadd.f32 v16, v3;
	v16 =	vld [tilespmem:s24+$0x4E80]  }
0xd7: {  	v0 =	vadd.f32 v20, v0;
	v19 =	vld [tilespmem:s24+$0x4E90]  }
0xd8: {  	v7 =	vadd.f32 v17, v7;
	v17 =	vld [tilespmem:s24+$0x4EA0]  }
0xd9: {  	v4 =	vadd.f32 v15, v4;
	v15 =	vld [tilespmem:s24+$0x4EB0]  }
0xda: {  	v6 =	vadd.f32 v18, v6;
	v18 =	vld [tilespmem:s24+$0x4EC0]  }
0xdb: {  	v8 =	vadd.f32 v16, v8;
	v16 =	vld [tilespmem:s24+$0x4ED0]  }
0xdc: {  	v10 =	vadd.f32 v19, v10;
	v19 =	vld [tilespmem:s24+$0x4EE0]  }
0xdd: {  	v20 =	vld [tilespmem:s24+$0x6A80];
	v9 =	vadd.f32 v17, v9  }
0xde: {  	v17 =	vld [tilespmem:s24+$0x6A90];
	v11 =	vadd.f32 v15, v11  }
0xdf: {  	v15 =	vld [tilespmem:s24+$0x6AA0];
	v12 =	vadd.f32 v18, v12  }
0xe0: {  	v18 =	vld [tilespmem:s24+$0x6AB0];
	v13 =	vadd.f32 v16, v13  }
0xe1: {  	v16 =	vld [tilespmem:s24+$0x6AC0];
	v14 =	vadd.f32 v19, v14  }
0xe2: {  	v1 =	vadd.f32 v20, v1;
	v19 =	vld [tilespmem:s24+$0x6AD0]  }
0xe3: {  	v2 =	vadd.f32 v17, v2;
	v17 =	vld [tilespmem:s24+$0x6AE0]  }
0xe4: {  	v5 =	vadd.f32 v15, v5;
	v15 =	vld [tilespmem:s24+$0x6AF0]  }
0xe5: {  	v3 =	vadd.f32 v18, v3;
	v18 =	vld [tilespmem:s24+$0x6E80]  }
0xe6: {  	v0 =	vadd.f32 v16, v0;
	v16 =	vld [tilespmem:s24+$0x6E90]  }
0xe7: {  	v7 =	vadd.f32 v19, v7;
	v19 =	vld [tilespmem:s24+$0x6EA0]  }
0xe8: {  	v4 =	vadd.f32 v17, v4;
	v17 =	vld [tilespmem:s24+$0x6EB0]  }
0xe9: {  	v6 =	vadd.f32 v15, v6;
	v15 =	vld [tilespmem:s24+$0x6EC0]  }
0xea: {  	v8 =	vadd.f32 v18, v8;
	v18 =	vld [tilespmem:s24+$0x6ED0]  }
0xeb: {  	v10 =	vadd.f32 v16, v10;
	v16 =	vld [tilespmem:s24+$0x6EE0]  }
0xec: {  	v20 =	vld [tilespmem:s24+$0x8A80];
	v9 =	vadd.f32 v19, v9  }
0xed: {  	v19 =	vld [tilespmem:s24+$0x8A90];
	v11 =	vadd.f32 v17, v11  }
0xee: {  	v17 =	vld [tilespmem:s24+$0x8AA0];
	v12 =	vadd.f32 v15, v12  }
0xef: {  	v15 =	vld [tilespmem:s24+$0x8AB0];
	v13 =	vadd.f32 v18, v13  }
0xf0: {  	v18 =	vld [tilespmem:s24+$0x8AC0];
	v14 =	vadd.f32 v16, v14  }
0xf1: {  	v1 =	vadd.f32 v20, v1;
	v16 =	vld [tilespmem:s24+$0x8AD0]  }
0xf2: {  	v2 =	vadd.f32 v19, v2;
	v19 =	vld [tilespmem:s24+$0x8AE0]  }
0xf3: {  	v5 =	vadd.f32 v17, v5;
	v17 =	vld [tilespmem:s24+$0x8AF0]  }
0xf4: {  	v3 =	vadd.f32 v15, v3;
	v15 =	vld [tilespmem:s24+$0x8E80]  }
0xf5: {  	v0 =	vadd.f32 v18, v0;
	v18 =	vld [tilespmem:s24+$0x8E90]  }
0xf6: {  	v7 =	vadd.f32 v16, v7;
	v16 =	vld [tilespmem:s24+$0x8EA0]  }
0xf7: {  	v4 =	vadd.f32 v19, v4;
	v19 =	vld [tilespmem:s24+$0x8EB0]  }
0xf8: {  	v6 =	vadd.f32 v17, v6;
	v17 =	vld [tilespmem:s24+$0x8EC0]  }
0xf9: {  	v8 =	vadd.f32 v15, v8;
	v15 =	vld [tilespmem:s24+$0x8ED0]  }
0xfa: {  	v10 =	vadd.f32 v18, v10;
	v18 =	vld [tilespmem:s24+$0x8EE0]  }
0xfb: {  	v20 =	vld [tilespmem:s24+$0xAA80];
	v9 =	vadd.f32 v16, v9  }
0xfc: {  	v16 =	vld [tilespmem:s24+$0xAA90];
	v11 =	vadd.f32 v19, v11  }
0xfd: {  	v19 =	vld [tilespmem:s24+$0xAAA0];
	v12 =	vadd.f32 v17, v12  }
0xfe: {  	v17 =	vld [tilespmem:s24+$0xAAB0];
	v13 =	vadd.f32 v15, v13  }
0xff: {  	v15 =	vld [tilespmem:s24+$0xAAC0];
	v14 =	vadd.f32 v18, v14  }
0x100: {  	v18 =	vadd.f32 v20, v1;
	v1 =	vld [tilespmem:s24+$0xAAD0]  }
0x101: {  	v16 =	vadd.f32 v16, v2;
	v2 =	vld [tilespmem:s24+$0xAAE0]  }
0x102: {  	v19 =	vadd.f32 v19, v5;
	v5 =	vld [tilespmem:s24+$0xAAF0]  }
0x103: {  	v17 =	vadd.f32 v17, v3;
	v3 =	vld [tilespmem:s24+$0xAE80]  }
0x104: {  	v0 =	vadd.f32 v15, v0;
	v15 =	vld [tilespmem:s24+$0xAE90]  }
0x105: {  	v7 =	vadd.f32 v1, v7;
	v1 =	vld [tilespmem:s24+$0xAEA0]  }
0x106: {  	v20 =	vadd.f32 v2, v4;
	v2 =	vld [tilespmem:s24+$0xAEB0]  }
0x107: {  	v21 =	vadd.f32 v5, v6;
	v6 =	vld [tilespmem:s24+$0xAEC0]  }
0x108: {  	v22 =	vadd.f32 v3, v8;
	v8 =	vld [tilespmem:s24+$0xAED0]  }
0x109: {  	v10 =	vadd.f32 v15, v10;
	v15 =	vld [tilespmem:s24+$0xAEE0]  }
0x10a: {  	v23 =	vld [tilespmem:s24+$0xCA80];
	v5 =	vadd.f32 v1, v9  }
0x10b: {  	v9 =	vld [tilespmem:s24+$0xCA90];
	v4 =	vadd.f32 v2, v11  }
0x10c: {  	v11 =	vld [tilespmem:s24+$0xCAA0];
	v3 =	vadd.f32 v6, v12  }
0x10d: {  	v6 =	vld [tilespmem:s24+$0xCAB0];
	v2 =	vadd.f32 v8, v13  }
0x10e: {  	v8 =	vld [tilespmem:s24+$0xCAC0];
	v1 =	vadd.f32 v15, v14  }
0x10f: {  	v12 =	vadd.f32 v23, v18;
	v13 =	vld [tilespmem:s24+$0xCAD0]  }
0x110: {  	v9 =	vadd.f32 v9, v16;
	v14 =	vld [tilespmem:s24+$0xCAE0]  }
0x111: {  	v12 =	vmul.f32 $1.428571490e-01, v12;
	v11 =	vadd.f32 v11, v19;
	v15 =	vld [tilespmem:s24+$0xCAF0]  }
0x112: {  	v9 =	vmul.f32 $1.428571490e-01, v9;
	v6 =	vadd.f32 v6, v17;
	v16 =	vld [tilespmem:s24+$0xCE80]  }
0x113: {  	[tilespmem:s24+$0x1CA80] =	vst v12;
	v11 =	vmul.f32 $1.428571490e-01, v11;
	v0 =	vadd.f32 v8, v0;
	v17 =	vld [tilespmem:s24+$0xCE90]  }
.Ltmp2:
0x114: {  	[tilespmem:s24+$0x1CA90] =	vst v9;
	v8 =	vmul.f32 $1.428571490e-01, v6;
	v9 =	vadd.f32 v13, v7;
	v6 =	vld [tilespmem:s24+$0xCEA0];
	(pc) =	sbr.rel @p1 .LBB2_3-.Ltmp2, $4  }
0x115: {  	[tilespmem:s24+$0x1CAA0] =	vst v11;
	v0 =	vmul.f32 $1.428571490e-01, v0;
	v11 =	vadd.f32 v14, v20;
	v7 =	vld [tilespmem:s24+$0xCEB0]  }
0x116: {  	s25 =	sadd.s32 $0x80, s25;
	[tilespmem:s24+$0x1CAB0] =	vst v8;
	v13 =	vmul.f32 $1.428571490e-01, v9;
	v14 =	vadd.f32 v15, v21;
	v8 =	vld [tilespmem:s24+$0xCEC0]  }
0x117: {  	s29 =	sand.u32 $0x380, s25;
	s28 =	sand.u32 $0x1800, s26;
	[tilespmem:s24+$0x1CAC0] =	vst v0;
	v11 =	vmul.f32 $1.428571490e-01, v11;
	v12 =	vadd.f32 v16, v22;
	v9 =	vld [tilespmem:s24+$0xCED0]  }
0x118: {  	s26 =	sadd.s32 $0x100, s26;
	s28 =	sor.u32 s29, s28;
	[tilespmem:s24+$0x1CAD0] =	vst v13;
	v14 =	vmul.f32 $1.428571490e-01, v14;
	v13 =	vadd.f32 v17, v10;
	v10 =	vld [tilespmem:s24+$0xCEE0]  }
0x119: {  	v0 =	vld [tilespmem:s28+$0xEF0];
	[tilespmem:s24+$0x1CAE0] =	vst v11;
	v12 =	vmul.f32 $1.428571490e-01, v12;
	v5 =	vadd.f32 v6, v5  }
0x11a: {  	v11 =	vld [tilespmem:s28+$0x2EF0];
	[tilespmem:s24+$0x1CAF0] =	vst v14;
	v6 =	vmul.f32 $1.428571490e-01, v13;
	v4 =	vadd.f32 v7, v4  }
0x11b: {  	v14 =	vld [tilespmem:s28+$0xA80];
	[tilespmem:s24+$0x1CE80] =	vst v12;
	v5 =	vmul.f32 $1.428571490e-01, v5  }
0x11c: {  	v12 =	vld [tilespmem:s28+$0x4EF0];
	[tilespmem:s24+$0x1CE90] =	vst v6;
	v4 =	vmul.f32 $1.428571490e-01, v4  }
0x11d: {  	v6 =	vld [tilespmem:s28+$0x2A80];
	[tilespmem:s24+$0x1CEA0] =	vst v5  }
0x11e: {  	v3 =	vadd.f32 v8, v3;
	v5 =	vld [tilespmem:s28+$0x6EF0];
	[tilespmem:s24+$0x1CEB0] =	vst v4  }
0x11f: {  	v2 =	vadd.f32 v9, v2;
	v4 =	vld [tilespmem:s28+$0xA90]  }
0x120: {  	v3 =	vmul.f32 $1.428571490e-01, v3  }
0x121: {  	v1 =	vadd.f32 v10, v1;
	v2 =	vmul.f32 $1.428571490e-01, v2  }
0x122: {  	[tilespmem:s24+$0x1CEC0] =	vst v3  }
0x123: {  	v1 =	vmul.f32 $1.428571490e-01, v1;
	v3 =	vld [tilespmem:s28+$0x8EF0];
	[tilespmem:s24+$0x1CED0] =	vst v2  }
0x124: {  	v0 =	vadd.f32 v11, v0;
	[tilespmem:$0x1FED0] =	vst v4  }
0x125: {  	v4 =	vld [tilespmem:s28+$0x2A90];
	[tilespmem:s24+$0x1CEE0] =	vst v1  }
0x126: {  	v0 =	vadd.f32 v12, v0;
	v1 =	vld [tilespmem:s28+$0xAEF0]  }
0x127: {  	v7 =	vld [tilespmem:s28+$0xAA0]  }
0x128: {  	v0 =	vadd.f32 v5, v0;
	v5 =	vld [tilespmem:s28+$0xCEF0]  }
0x129: {  	v8 =	vld [tilespmem:s28+$0x2AA0]  }
0x12a: {  	v0 =	vadd.f32 v3, v0;
	v3 =	vld [tilespmem:s28+$0xAB0]  }
0x12b: {  	v9 =	vld [tilespmem:s28+$0x2AB0]  }
0x12c: {  	v2 =	vld [tilespmem:s28+$0xAC0]  }
0x12d: {  	v10 =	vld [tilespmem:s28+$0x2AC0]  }
0x12e: {  	v11 =	vld [tilespmem:s28+$0x2AD0]  }
0x12f: {  	v12 =	vld [tilespmem:s28+$0xAE0]  }
0x130: {  	v13 =	vld [tilespmem:s28+$0x2AE0]  }
0x131: {  	v15 =	vld [tilespmem:s28+$0x2AF0]  }
0x132: {  	v16 =	vld [tilespmem:s28+$0xE80]  }
0x133: {  	v17 =	vld [tilespmem:s28+$0x2E80]  }
0x134: {  	v18 =	vld [tilespmem:s28+$0xE90]  }
0x135: {  	v19 =	vld [tilespmem:s28+$0x2E90]  }
0x136: {  	v20 =	vld [tilespmem:s28+$0xEA0]  }
0x137: {  	v21 =	vld [tilespmem:s28+$0x2EA0]  }
0x138: {  	v22 =	vld [tilespmem:s28+$0xEB0]  }
0x139: {  	v23 =	vld [tilespmem:s28+$0x2EB0]  }
0x13a: {  	v24 =	vld [tilespmem:s28+$0xEC0]  }
0x13b: {  	v25 =	vld [tilespmem:s28+$0x2EC0]  }
0x13c: {  	v26 =	vld [tilespmem:s28+$0xED0]  }
0x13d: {  	v27 =	vld [tilespmem:s28+$0x2ED0]  }
0x13e: {  	v28 =	vld [tilespmem:s28+$0xEE0]  }
0x13f: {  	v29 =	vld [tilespmem:s28+$0x2EE0]  }
0x140: {  	v30 =	vld [tilespmem:s28+$0x4A80]  }
0x141: {  	v31 =	vld [tilespmem:s28+$0x4A90]  }
0x142: {  	v32 =	vld [tilespmem:s28+$0x4AA0]  }
0x143: {  	v33 =	vld [tilespmem:s28+$0x4AB0]  }
0x144: {  	v34 =	vld [tilespmem:s28+$0x4AC0]  }
0x145: {  	v35 =	vld [tilespmem:s28+$0x4AD0]  }
0x146: {  	v36 =	vld [tilespmem:s28+$0x4AE0]  }
0x147: {  	v37 =	vld [tilespmem:s28+$0x4AF0]  }
0x148: {  	v38 =	vld [tilespmem:s28+$0x4E80]  }
0x149: {  	v39 =	vld [tilespmem:s28+$0x4E90]  }
0x14a: {  	v40 =	vld [tilespmem:s28+$0x4EA0]  }
0x14b: {  	v41 =	vld [tilespmem:s28+$0x4EB0]  }
0x14c: {  	v42 =	vld [tilespmem:s28+$0x4EC0]  }
0x14d: {  	v43 =	vld [tilespmem:s28+$0x4ED0]  }
0x14e: {  	v44 =	vld [tilespmem:s28+$0x4EE0]  }
0x14f: {  	v45 =	vld [tilespmem:s28+$0x6A80]  }
0x150: {  	v46 =	vld [tilespmem:s28+$0x6A90]  }
0x151: {  	v47 =	vld [tilespmem:s28+$0x6AA0]  }
0x152: {  	v48 =	vld [tilespmem:s28+$0x6AB0]  }
0x153: {  	v49 =	vld [tilespmem:s28+$0x6AC0];
	v0 =	vadd.f32 v1, v0  }
0x154: {  	v50 =	vld [tilespmem:s28+$0x6AD0]  }
0x155: {  	v51 =	vld [tilespmem:s28+$0x6AE0];
	v0 =	vadd.f32 v5, v0  }
0x156: {  	v52 =	vld [tilespmem:s28+$0x6AF0]  }
0x157: {  	v53 =	vld [tilespmem:s28+$0x6E80];
	v0 =	vmul.f32 $1.428571490e-01, v0  }
0x158: {  	v54 =	vld [tilespmem:s28+$0x6E90]  }
0x159: {  	[tilespmem:s28+$0x1CEF0] =	vst v0;
	v0 =	vld [tilespmem:s28+$0x8AD0]  }
0x15a: {  	v55 =	vld [tilespmem:s28+$0x6EA0]  }
0x15b: {  	v56 =	vld [tilespmem:s28+$0x6EB0]  }
0x15c: {  	v57 =	vld [tilespmem:s28+$0x6EC0]  }
0x15d: {  	v58 =	vld [tilespmem:s28+$0x6ED0]  }
0x15e: {  	[tilespmem:$0x1FEE0] =	vst v0;
	v0 =	vld [tilespmem:s28+$0x8AE0]  }
0x15f: {  	v59 =	vld [tilespmem:s28+$0x6EE0]  }
0x160: {  	v60 =	vld [tilespmem:s28+$0x8A80]  }
0x161: {  	v61 =	vld [tilespmem:s28+$0x8A90]  }
0x162: {  	v62 =	vld [tilespmem:s28+$0x8AA0]  }
0x163: {  	[tilespmem:$0x1FEF0] =	vst v0;
	v0 =	vld [tilespmem:s28+$0x8AF0]  }
0x164: {  	v63 =	vld [tilespmem:s28+$0x8AB0]  }
0x165: {  	[tilespmem:$0x1FEC0] =	vst v14;
	v14 =	vld [tilespmem:s28+$0x8AC0]  }
0x166: {  	v1 =	vld [tilespmem:s28+$0xAF0]  }
0x167: {  	v7 =	vadd.f32 v8, v7;
	v8 =	vld [tilespmem:s28+$0x8EB0]  }
0x168: {  	[tilespmem:$0x1FF00] =	vst v0;
	v0 =	vld [tilespmem:s28+$0x8E80]  }
0x169: {  	v3 =	vadd.f32 v9, v3;
	v2 =	vadd.f32 v10, v2;
	v9 =	vld [tilespmem:s28+$0x8EC0]  }
0x16a: {  	v10 =	vadd.f32 v13, v12;
	v13 =	vadd.f32 v19, v18;
	v18 =	vld [tilespmem:s28+$0xAA80]  }
0x16b: {  	v12 =	vadd.f32 v17, v16;
	v16 =	vadd.f32 v21, v20;
	v21 =	vld [tilespmem:s28+$0xAA90]  }
0x16c: {  	v17 =	vadd.f32 v23, v22;
	v23 =	vld [tilespmem:s28+$0xAAA0]  }
0x16d: {  	[tilespmem:$0x1FF10] =	vst v0;
	v0 =	vld [tilespmem:s28+$0x8E90]  }
0x16e: {  	v19 =	vadd.f32 v25, v24;
	v24 =	vld [tilespmem:s28+$0xAAB0]  }
0x16f: {  	v25 =	vld [tilespmem:s28+$0xAAC0]  }
0x170: {  	v20 =	vadd.f32 v27, v26;
	v22 =	vadd.f32 v29, v28;
	v26 =	vld [tilespmem:s28+$0xAAD0]  }
0x171: {  	v27 =	vld [tilespmem:s28+$0xAAE0];
	v7 =	vadd.f32 v32, v7;
	v3 =	vadd.f32 v33, v3  }
0x172: {  	v2 =	vadd.f32 v34, v2;
	v10 =	vadd.f32 v36, v10;
	[tilespmem:$0x1FF20] =	vst v0;
	v0 =	vld [tilespmem:$0x1FEC0]  }
0x173: {  	v28 =	vld [tilespmem:s28+$0xAAF0];
	v12 =	vadd.f32 v38, v12;
	v13 =	vadd.f32 v39, v13  }
0x174: {  	v29 =	vld [tilespmem:s28+$0xAE80];
	v16 =	vadd.f32 v40, v16;
	v17 =	vadd.f32 v41, v17  }
0x175: {  	v5 =	vld [tilespmem:s28+$0xAD0];
	v19 =	vadd.f32 v42, v19;
	v20 =	vadd.f32 v43, v20  }
0x176: {  	v22 =	vadd.f32 v44, v22;
	v44 =	vld [tilespmem:s28+$0xAE90];
	v7 =	vadd.f32 v47, v7  }
0x177: {  	v36 =	vld [tilespmem:s28+$0xCAD0];
	v3 =	vadd.f32 v48, v3;
	v0 =	vadd.f32 v6, v0  }
0x178: {  	v2 =	vadd.f32 v49, v2;
	v10 =	vadd.f32 v51, v10;
	v6 =	vld [tilespmem:$0x1FED0]  }
0x179: {  	v41 =	vld [tilespmem:s28+$0xCE80];
	v12 =	vadd.f32 v53, v12;
	v0 =	vadd.f32 v30, v0  }
0x17a: {  	v42 =	vld [tilespmem:s28+$0xCEA0];
	v13 =	vadd.f32 v54, v13;
	v16 =	vadd.f32 v55, v16  }
0x17b: {  	v48 =	vld [tilespmem:s28+$0xAEB0];
	v17 =	vadd.f32 v56, v17;
	v0 =	vadd.f32 v45, v0  }
0x17c: {  	v56 =	vld [tilespmem:s28+$0xCA80];
	v19 =	vadd.f32 v57, v19;
	v20 =	vadd.f32 v58, v20  }
0x17d: {  	v54 =	vld [tilespmem:s28+$0xAEE0];
	v4 =	vadd.f32 v4, v6;
	v0 =	vadd.f32 v60, v0  }
0x17e: {  	v57 =	vld [tilespmem:s28+$0xCA90];
	v22 =	vadd.f32 v59, v22;
	v1 =	vadd.f32 v15, v1  }
0x17f: {  	v15 =	vld [tilespmem:s28+$0x8EE0];
	v4 =	vadd.f32 v31, v4;
	v0 =	vadd.f32 v18, v0  }
0x180: {  	v7 =	vadd.f32 v62, v7;
	v3 =	vadd.f32 v63, v3;
	v63 =	vld [tilespmem:s28+$0xCAC0]  }
0x181: {  	v6 =	vld [tilespmem:s28+$0x8EA0];
	v4 =	vadd.f32 v46, v4;
	v0 =	vadd.f32 v56, v0  }
0x182: {  	v2 =	vadd.f32 v14, v2;
	v8 =	vadd.f32 v8, v17;
	v40 =	vld [tilespmem:$0x1FF00]  }
0x183: {  	v1 =	vadd.f32 v37, v1;
	v37 =	vld [tilespmem:$0x1FEF0];
	v4 =	vadd.f32 v61, v4;
	v0 =	vmul.f32 $1.428571490e-01, v0  }
0x184: {  	v5 =	vadd.f32 v11, v5;
	v7 =	vadd.f32 v23, v7;
	v60 =	vld [tilespmem:s28+$0xCAA0]  }
0x185: {  	v1 =	vadd.f32 v52, v1;
	v4 =	vadd.f32 v21, v4;
	[tilespmem:s28+$0x1CA80] =	vst v0;
	v0 =	vld [tilespmem:$0x1FF10]  }
0x186: {  	v3 =	vadd.f32 v24, v3;
	v5 =	vadd.f32 v35, v5;
	[tilespmem:$0x1FF30] =	vst v6;
	v6 =	vld [tilespmem:$0x1FEE0]  }
0x187: {  	v14 =	vld [tilespmem:s28+$0xCAF0];
	v1 =	vadd.f32 v40, v1;
	v4 =	vadd.f32 v57, v4  }
0x188: {  	v2 =	vadd.f32 v25, v2;
	v5 =	vadd.f32 v50, v5;
	v61 =	vld [tilespmem:s28+$0xCAB0]  }
0x189: {  	v11 =	vld [tilespmem:s28+$0x8ED0];
	v10 =	vadd.f32 v37, v10;
	v1 =	vadd.f32 v28, v1;
	v4 =	vmul.f32 $1.428571490e-01, v4  }
0x18a: {  	v7 =	vadd.f32 v60, v7;
	v0 =	vadd.f32 v0, v12;
	v12 =	vld [tilespmem:$0x1FF20]  }
0x18b: {  	v2 =	vadd.f32 v63, v2;
	v5 =	vadd.f32 v6, v5;
	[tilespmem:s28+$0x1CA90] =	vst v4;
	v4 =	vld [tilespmem:$0x1FF30]  }
0x18c: {  	v10 =	vadd.f32 v27, v10;
	v1 =	vadd.f32 v14, v1;
	v7 =	vmul.f32 $1.428571490e-01, v7;
	v6 =	vld [tilespmem:s28+$0xCAE0]  }
0x18d: {  	v46 =	vld [tilespmem:s28+$0xAEA0];
	v3 =	vadd.f32 v61, v3;
	v5 =	vadd.f32 v26, v5  }
0x18e: {  	v52 =	vld [tilespmem:s28+$0xAED0];
	[tilespmem:s28+$0x1CAA0] =	vst v7;
	v7 =	vadd.f32 v9, v19;
	v9 =	vadd.f32 v11, v20  }
0x18f: {  	v50 =	vld [tilespmem:s28+$0xAEC0];
	v3 =	vmul.f32 $1.428571490e-01, v3;
	v5 =	vadd.f32 v36, v5;
	v0 =	vadd.f32 v29, v0  }
0x190: {  	v2 =	vmul.f32 $1.428571490e-01, v2;
	v12 =	vadd.f32 v12, v13;
	v13 =	vld [tilespmem:s28+$0xCE90];
	v4 =	vadd.f32 v4, v16  }
0x191: {  	[tilespmem:s28+$0x1CAB0] =	vst v3;
	v3 =	vadd.f32 v15, v22;
	v15 =	vld [tilespmem:s28+$0xCEC0];
	v6 =	vadd.f32 v6, v10;
	v5 =	vmul.f32 $1.428571490e-01, v5  }
0x192: {  	[tilespmem:s28+$0x1CAC0] =	vst v2;
	v11 =	vld [tilespmem:s28+$0xCEB0];
	v0 =	vadd.f32 v41, v0;
	v4 =	vadd.f32 v46, v4  }
0x193: {  	v1 =	vmul.f32 $1.428571490e-01, v1;
	[tilespmem:s28+$0x1CAD0] =	vst v5;
	v5 =	vadd.f32 v48, v8;
	v8 =	vld [tilespmem:s28+$0xCEE0];
	v2 =	vadd.f32 v44, v12  }
0x194: {  	v7 =	vadd.f32 v50, v7;
	v10 =	vld [tilespmem:s28+$0xCED0];
	v0 =	vmul.f32 $1.428571490e-01, v0;
	v4 =	vadd.f32 v42, v4  }
0x195: {  	[tilespmem:s28+$0x1CAF0] =	vst v1;
	v6 =	vmul.f32 $1.428571490e-01, v6;
	v2 =	vadd.f32 v13, v2  }
0x196: {  	v3 =	vadd.f32 v54, v3;
	[tilespmem:s28+$0x1CE80] =	vst v0;
	v0 =	vmul.f32 $1.428571490e-01, v4;
	v4 =	vadd.f32 v15, v7  }
0x197: {  	[tilespmem:s28+$0x1CAE0] =	vst v6;
	v6 =	vadd.f32 v52, v9;
	v1 =	vmul.f32 $1.428571490e-01, v2;
	v2 =	vadd.f32 v11, v5  }
0x198: {  	v3 =	vadd.f32 v8, v3;
	[tilespmem:s28+$0x1CEA0] =	vst v0;
	v0 =	vmul.f32 $1.428571490e-01, v4  }
0x199: {  	[tilespmem:s28+$0x1CE90] =	vst v1;
	v1 =	vmul.f32 $1.428571490e-01, v2;
	v2 =	vadd.f32 v10, v6  }
0x19a: {  	[tilespmem:s28+$0x1CEC0] =	vst v0;
	v0 =	vmul.f32 $1.428571490e-01, v3  }
0x19b: {  	[tilespmem:s28+$0x1CEB0] =	vst v1;
	v1 =	vmul.f32 $1.428571490e-01, v2  }
0x19c: {  	s22 =	sshll.u32 s22, $0xA;
	s24 =	sadd.s32 $0x40, s23;
	[tilespmem:s28+$0x1CEE0] =	vst v0  }
0x19d: {  	p1 =	sge.u32 s24, s7;
	[tilespmem:s28+$0x1CED0] =	vst v1;
	s28 =	sadd.s32 s4, s22  }
0x19e: {  	[hbm4b:s28+s5] =	stream.linear.scatter [tilespmem:s18], [sflag:$0x2], $0x2000, $0x38;
	[tilespmem:$0x1EA80] =	vst v63  }
0x19f: {  	v0 =	vld @!p1 [tilespmem:s23+$0x40];
	_ =	sdelay $0x4  }
0x1a0: {  	v1 =	vlaneseq.u32 @!p1;
	v0 =	vshll.u32 @!p1 v0, $0xB  }
0x1a1: {  	v0 =	vperm.xlane @!p1 v0, v1;
	_ =	sdelay $0x4  }
0x1a2: {  	vm2 =	vmmov @!p1 $0xffff;
	s25 =	simm.s32 @!p1 $0xA80;
	s23 =	simm.s32 @!p1 $0x0  }
0x1a3: {  	[tilespmem:s25], [sflag:$0x1] =	stream.indirect_vreg.gather @!p1 [hbm4b:s1+s23], $0x800, v0, vm2, $0x38;
	[tilespmem:$0x1EA80] =	vst v63  }
0x1a4: {  	v0 =	vld.msk @!p1 [tilespmem:s24+$0x10], $0xfff;
	_ =	sdelay $0x4  }
0x1a5: {  	v0 =	vshll.u32 @!p1 v0, $0xB  }
0x1a6: {  	v0 =	vperm.xlane @!p1 v0, v1;
	_ =	sdelay $0x4  }
0x1a7: {  	vm2 =	vmmov @!p1 $0xfff;
	s24 =	simm.s32 @!p1 $0x8A80  }
0x1a8: {  	[tilespmem:s24], [sflag:$0x1] =	stream.indirect_vreg.gather @!p1 [hbm4b:s1+s23], $0x800, v0, vm2, $0x38;
	[tilespmem:$0x1EA80] =	vst v63  }
0x1a9: {  	_ =	swait.ge [sflag:s17], $0xE000  }
0x1aa: {  	[sflag:s17] =	ssyncset.done $0x0  }
0x1ab: {  	[sflag:s17] =	ssyncadd.s32 $0xFFFF2000  }
0x1ac: {  	s29 =	simm.s32 $0x0;
	_ =	swait.ge [sflag:s19], $0x2000  }
0x1ad: {  	s30 =	sand.u32 $0x1800, s29;
	s23 =	sand.u32 $0x380, s29;
	[sflag:s19] =	ssyncset.done $0x0  }
0x1ae: {  	s23 =	sor.u32 s23, s30;
	[sflag:s19] =	ssyncadd.s32 $0xFFFFE000  }
0x1af: {  	v0 =	vld [tilespmem:s23+$0xEEF0]  }
0x1b0: {  	v1 =	vld [tilespmem:s23+$0x10EF0]  }
0x1b1: {  	v6 =	vld [tilespmem:s23+$0xEA80]  }
0x1b2: {  	v3 =	vld [tilespmem:s23+$0x12EF0]  }
0x1b3: {  	v2 =	vld [tilespmem:s23+$0x10A80]  }
0x1b4: {  	v5 =	vld [tilespmem:s23+$0x14EF0]  }
0x1b5: {  	v7 =	vld [tilespmem:s23+$0x10A90]  }
0x1b6: {  	v8 =	vld [tilespmem:s23+$0xEAA0]  }
0x1b7: {  	v9 =	vld [tilespmem:s23+$0x10AA0]  }
0x1b8: {  	v10 =	vld [tilespmem:s23+$0x10AB0]  }
0x1b9: {  	v11 =	vld [tilespmem:s23+$0x10AC0]  }
0x1ba: {  	v12 =	vld [tilespmem:s23+$0x10AD0]  }
0x1bb: {  	v13 =	vld [tilespmem:s23+$0xEAE0]  }
0x1bc: {  	v14 =	vld [tilespmem:s23+$0x10AE0]  }
0x1bd: {  	v15 =	vld [tilespmem:s23+$0x10AF0]  }
0x1be: {  	v16 =	vld [tilespmem:s23+$0xEE80]  }
0x1bf: {  	v17 =	vld [tilespmem:s23+$0x10E80]  }
0x1c0: {  	v18 =	vld [tilespmem:s23+$0xEE90]  }
0x1c1: {  	v19 =	vld [tilespmem:s23+$0x10E90]  }
0x1c2: {  	v20 =	vld [tilespmem:s23+$0xEEA0]  }
0x1c3: {  	v21 =	vld [tilespmem:s23+$0x10EA0]  }
0x1c4: {  	v22 =	vld [tilespmem:s23+$0xEEB0]  }
0x1c5: {  	v23 =	vld [tilespmem:s23+$0x10EB0]  }
0x1c6: {  	v24 =	vld [tilespmem:s23+$0xEEC0]  }
0x1c7: {  	v25 =	vld [tilespmem:s23+$0x10EC0]  }
0x1c8: {  	v26 =	vld [tilespmem:s23+$0xEED0]  }
0x1c9: {  	v27 =	vld [tilespmem:s23+$0x10ED0]  }
0x1ca: {  	v28 =	vld [tilespmem:s23+$0xEEE0]  }
0x1cb: {  	v29 =	vld [tilespmem:s23+$0x10EE0]  }
0x1cc: {  	v30 =	vld [tilespmem:s23+$0x12A80]  }
0x1cd: {  	v31 =	vld [tilespmem:s23+$0x12A90]  }
0x1ce: {  	v32 =	vld [tilespmem:s23+$0x12AA0]  }
0x1cf: {  	v33 =	vld [tilespmem:s23+$0x12AB0]  }
0x1d0: {  	v34 =	vld [tilespmem:s23+$0x12AC0]  }
0x1d1: {  	v35 =	vld [tilespmem:s23+$0x12AD0]  }
0x1d2: {  	v36 =	vld [tilespmem:s23+$0x12AE0]  }
0x1d3: {  	v37 =	vld [tilespmem:s23+$0x12AF0]  }
0x1d4: {  	v38 =	vld [tilespmem:s23+$0x12E80]  }
0x1d5: {  	v39 =	vld [tilespmem:s23+$0x12E90]  }
0x1d6: {  	v40 =	vld [tilespmem:s23+$0x12EA0]  }
0x1d7: {  	v41 =	vld [tilespmem:s23+$0x12EB0]  }
0x1d8: {  	v42 =	vld [tilespmem:s23+$0x12EC0]  }
0x1d9: {  	v43 =	vld [tilespmem:s23+$0x12ED0]  }
0x1da: {  	v44 =	vld [tilespmem:s23+$0x12EE0]  }
0x1db: {  	v45 =	vld [tilespmem:s23+$0x14A80]  }
0x1dc: {  	v46 =	vld [tilespmem:s23+$0x14A90]  }
0x1dd: {  	v47 =	vld [tilespmem:s23+$0x14AA0]  }
0x1de: {  	v48 =	vld [tilespmem:s23+$0x14AB0]  }
0x1df: {  	v49 =	vld [tilespmem:s23+$0x14AC0]  }
0x1e0: {  	v50 =	vld [tilespmem:s23+$0x14AD0]  }
0x1e1: {  	v51 =	vld [tilespmem:s23+$0x14AE0]  }
0x1e2: {  	v52 =	vld [tilespmem:s23+$0x14AF0]  }
0x1e3: {  	v53 =	vld [tilespmem:s23+$0x14E80]  }
0x1e4: {  	v54 =	vld [tilespmem:s23+$0x14E90]  }
0x1e5: {  	v55 =	vld [tilespmem:s23+$0x14EA0]  }
0x1e6: {  	v56 =	vld [tilespmem:s23+$0x14EB0]  }
0x1e7: {  	v57 =	vld [tilespmem:s23+$0x14EC0]  }
0x1e8: {  	v58 =	vld [tilespmem:s23+$0x14ED0]  }
0x1e9: {  	v59 =	vld [tilespmem:s23+$0x14EE0]  }
0x1ea: {  	v4 =	vld [tilespmem:s23+$0x16AD0]  }
0x1eb: {  	v60 =	vld [tilespmem:s23+$0x16A80]  }
0x1ec: {  	v61 =	vld [tilespmem:s23+$0x16A90]  }
0x1ed: {  	v62 =	vld [tilespmem:s23+$0x16AA0]  }
0x1ee: {  	v0 =	vadd.f32 v1, v0;
	v1 =	vld [tilespmem:s23+$0x16EF0]  }
0x1ef: {  	[tilespmem:$0x1FF60] =	vst v4;
	v4 =	vld [tilespmem:s23+$0x16AE0]  }
0x1f0: {  	[tilespmem:$0x1FF40] =	vst v2;
	v2 =	vld [tilespmem:s23+$0xEA90];
	v0 =	vadd.f32 v3, v0  }
0x1f1: {  	v3 =	vld [tilespmem:s23+$0x18EF0]  }
0x1f2: {  	v63 =	vld [tilespmem:s23+$0x16AB0];
	v0 =	vadd.f32 v5, v0  }
0x1f3: {  	v5 =	vld [tilespmem:s23+$0x1AEF0]  }
0x1f4: {  	[tilespmem:$0x1FF70] =	vst v4;
	v4 =	vld [tilespmem:s23+$0x16AF0];
	v0 =	vadd.f32 v1, v0  }
0x1f5: {  	v1 =	vld [tilespmem:s23+$0xEAB0]  }
0x1f6: {  	[tilespmem:$0x1FF50] =	vst v2;
	v2 =	vld [tilespmem:s23+$0x16AC0];
	v0 =	vadd.f32 v3, v0  }
0x1f7: {  	v3 =	vld [tilespmem:s23+$0xEAC0]  }
0x1f8: {  	v0 =	vadd.f32 v5, v0;
	v5 =	vld [tilespmem:s23+$0xEAD0]  }
0x1f9: {  	[tilespmem:$0x1FF80] =	vst v4;
	v4 =	vld [tilespmem:$0x1FF40]  }
0x1fa: {  	v1 =	vadd.f32 v10, v1;
	v10 =	vadd.f32 v14, v13;
	v13 =	vld [tilespmem:s23+$0x16EC0]  }
0x1fb: {  	v14 =	vadd.f32 v19, v18;
	v19 =	vld [tilespmem:s23+$0x16EE0]  }
0x1fc: {  	v18 =	vadd.f32 v25, v24;
	v24 =	vld [tilespmem:s23+$0x18AA0];
	v3 =	vadd.f32 v11, v3  }
0x1fd: {  	v25 =	vld [tilespmem:s23+$0x18AB0];
	v0 =	vmul.f32 $1.428571490e-01, v0;
	v1 =	vadd.f32 v33, v1;
	v10 =	vadd.f32 v36, v10  }
0x1fe: {  	v11 =	vld [tilespmem:s23+$0x16EB0];
	v14 =	vadd.f32 v39, v14;
	v18 =	vadd.f32 v42, v18  }
0x1ff: {  	[tilespmem:s23+$0x1CEF0] =	vst v0;
	v0 =	vld [tilespmem:s23+$0xEAF0];
	v4 =	vadd.f32 v4, v6;
	v5 =	vadd.f32 v12, v5  }
0x200: {  	v6 =	vld [tilespmem:s23+$0x16E80];
	v12 =	vadd.f32 v17, v16;
	v17 =	vadd.f32 v23, v22  }
0x201: {  	v16 =	vld [tilespmem:s23+$0x16ED0];
	v3 =	vadd.f32 v34, v3;
	v1 =	vadd.f32 v48, v1  }
0x202: {  	v22 =	vld [tilespmem:s23+$0x18A80];
	v10 =	vadd.f32 v51, v10;
	v14 =	vadd.f32 v54, v14  }
0x203: {  	v23 =	vld [tilespmem:s23+$0x18A90];
	v18 =	vadd.f32 v57, v18;
	v4 =	vadd.f32 v30, v4  }
0x204: {  	v48 =	vld [tilespmem:s23+$0x18EC0];
	v5 =	vadd.f32 v35, v5;
	v12 =	vadd.f32 v38, v12  }
0x205: {  	v51 =	vld [tilespmem:s23+$0x1AA80];
	v17 =	vadd.f32 v41, v17;
	v3 =	vadd.f32 v49, v3  }
0x206: {  	v54 =	vld [tilespmem:$0x1FF60];
	v1 =	vadd.f32 v63, v1;
	v13 =	vadd.f32 v13, v18  }
0x207: {  	v57 =	vld [tilespmem:s23+$0x1AAD0];
	v0 =	vadd.f32 v15, v0;
	v15 =	vadd.f32 v21, v20  }
0x208: {  	v49 =	vld [tilespmem:s23+$0x18ED0];
	v20 =	vadd.f32 v27, v26;
	v21 =	vadd.f32 v29, v28  }
0x209: {  	v4 =	vadd.f32 v45, v4;
	v5 =	vadd.f32 v50, v5;
	[tilespmem:$0x1FF90] =	vst v6;
	v6 =	vld [tilespmem:$0x1FF50]  }
0x20a: {  	v26 =	vld [tilespmem:s23+$0x18AC0];
	v12 =	vadd.f32 v53, v12;
	v17 =	vadd.f32 v56, v17  }
0x20b: {  	v27 =	vld [tilespmem:s23+$0x18AD0];
	v2 =	vadd.f32 v2, v3;
	v1 =	vadd.f32 v25, v1  }
0x20c: {  	v28 =	vld [tilespmem:s23+$0x18AE0];
	v0 =	vadd.f32 v37, v0;
	v15 =	vadd.f32 v40, v15  }
0x20d: {  	v45 =	vld [tilespmem:s23+$0x18E90];
	v20 =	vadd.f32 v43, v20;
	v21 =	vadd.f32 v44, v21  }
0x20e: {  	v50 =	vld [tilespmem:s23+$0x18EE0];
	v4 =	vadd.f32 v60, v4;
	v6 =	vadd.f32 v7, v6  }
0x20f: {  	v53 =	vld [tilespmem:s23+$0x1AAA0];
	v5 =	vadd.f32 v54, v5;
	v11 =	vadd.f32 v11, v17  }
0x210: {  	v56 =	vld [tilespmem:s23+$0x1AAC0];
	v7 =	vadd.f32 v9, v8;
	v6 =	vadd.f32 v31, v6  }
0x211: {  	v43 =	vld [tilespmem:s23+$0x18AF0];
	v0 =	vadd.f32 v52, v0;
	v15 =	vadd.f32 v55, v15  }
0x212: {  	v52 =	vld [tilespmem:s23+$0x1AA90];
	v7 =	vadd.f32 v32, v7;
	v6 =	vadd.f32 v46, v6  }
0x213: {  	v20 =	vadd.f32 v58, v20;
	v3 =	vadd.f32 v22, v4;
	v4 =	vld [tilespmem:s23+$0x1AAB0]  }
0x214: {  	v55 =	vld [tilespmem:$0x1FF70];
	v7 =	vadd.f32 v47, v7;
	v6 =	vadd.f32 v61, v6  }
0x215: {  	v21 =	vadd.f32 v59, v21;
	v58 =	vld [tilespmem:$0x1FF80];
	v3 =	vadd.f32 v51, v3  }
0x216: {  	v59 =	vld [tilespmem:$0x1FF90];
	v7 =	vadd.f32 v62, v7;
	v6 =	vadd.f32 v23, v6  }
0x217: {  	v2 =	vadd.f32 v26, v2;
	v8 =	vld [tilespmem:s23+$0x16E90];
	v16 =	vadd.f32 v16, v20  }
0x218: {  	v9 =	vld [tilespmem:s23+$0x16EA0];
	v3 =	vmul.f32 $1.428571490e-01, v3;
	v7 =	vadd.f32 v24, v7;
	v6 =	vadd.f32 v52, v6  }
0x219: {  	v44 =	vld [tilespmem:s23+$0x18E80];
	v2 =	vadd.f32 v56, v2;
	v10 =	vadd.f32 v55, v10  }
0x21a: {  	v60 =	vld [tilespmem:s23+$0x1AAE0];
	v0 =	vadd.f32 v58, v0;
	[tilespmem:s23+$0x1CA80] =	vst v3;
	v7 =	vadd.f32 v53, v7;
	v3 =	vmul.f32 $1.428571490e-01, v6  }
0x21b: {  	v12 =	vadd.f32 v59, v12;
	v1 =	vadd.f32 v4, v1;
	v46 =	vld [tilespmem:s23+$0x18EA0]  }
0x21c: {  	v4 =	vadd.f32 v27, v5;
	v47 =	vld [tilespmem:s23+$0x18EB0];
	v8 =	vadd.f32 v8, v14;
	[tilespmem:s23+$0x1CA90] =	vst v3;
	v3 =	vmul.f32 $1.428571490e-01, v7  }
0x21d: {  	v9 =	vadd.f32 v9, v15;
	v0 =	vadd.f32 v43, v0;
	v61 =	vld [tilespmem:s23+$0x1AAF0]  }
0x21e: {  	v14 =	vld [tilespmem:s23+$0x1AE80];
	v1 =	vmul.f32 $1.428571490e-01, v1;
	v62 =	vadd.f32 v19, v21;
	[tilespmem:s23+$0x1CAA0] =	vst v3;
	v3 =	vadd.f32 v28, v10  }
0x21f: {  	v15 =	vld [tilespmem:s23+$0x1AE90];
	v10 =	vadd.f32 v44, v12;
	v12 =	vadd.f32 v57, v4  }
0x220: {  	[tilespmem:s23+$0x1CAB0] =	vst v1;
	v1 =	vmul.f32 $1.428571490e-01, v2;
	v63 =	vadd.f32 v45, v8;
	v2 =	vadd.f32 v49, v16;
	v6 =	vld [tilespmem:s23+$0x1AEA0]  }
0x221: {  	v7 =	vld [tilespmem:s23+$0x1AEB0];
	v4 =	vadd.f32 v47, v11;
	v11 =	vadd.f32 v60, v3;
	v12 =	vmul.f32 $1.428571490e-01, v12  }
0x222: {  	s31 =	simm.s32 $0x100;
	s24 =	simm.s32 $0x80;
	v8 =	vld [tilespmem:s23+$0x1AEC0];
	v5 =	vadd.f32 v46, v9;
	[tilespmem:s23+$0x1CAC0] =	vst v1;
	v0 =	vadd.f32 v61, v0  }
0x223: {  	s25 =	sand.u32 $0x1800, s31;
	s26 =	sand.u32 $0x380, s24;
	v9 =	vld [tilespmem:s23+$0x1AED0];
	v1 =	vadd.f32 v50, v62;
	v11 =	vmul.f32 $1.428571490e-01, v11;
	[tilespmem:s23+$0x1CAD0] =	vst v12;
	v12 =	vadd.f32 v14, v10  }
0x224: {  	s26 =	sor.u32 s26, s25;
	s25 =	simm.s32 $0x200;
	v3 =	vadd.f32 v48, v13;
	v13 =	vadd.f32 v15, v63;
	v14 =	vmul.f32 $1.428571490e-01, v0;
	v10 =	vld [tilespmem:s23+$0x1AEE0]  }
.LBB2_5:
0x225: {  	p1 =	sne.s32 s25, $0x1F00;
	v0 =	vld [tilespmem:s26+$0xEEF0];
	[tilespmem:s23+$0x1CAE0] =	vst v11;
	v11 =	vmul.f32 $1.428571490e-01, v12;
	v5 =	vadd.f32 v6, v5  }
0x226: {  	v6 =	vld [tilespmem:s26+$0x10EF0];
	[tilespmem:s23+$0x1CAF0] =	vst v14;
	v12 =	vmul.f32 $1.428571490e-01, v13;
	v4 =	vadd.f32 v7, v4  }
0x227: {  	v7 =	vld [tilespmem:s26+$0xEA80];
	[tilespmem:s23+$0x1CE80] =	vst v11;
	v5 =	vmul.f32 $1.428571490e-01, v5;
	v3 =	vadd.f32 v8, v3  }
0x228: {  	v8 =	vld [tilespmem:s26+$0x12EF0];
	[tilespmem:s23+$0x1CE90] =	vst v12;
	v4 =	vmul.f32 $1.428571490e-01, v4;
	v2 =	vadd.f32 v9, v2  }
0x229: {  	v9 =	vld [tilespmem:s26+$0x10A80];
	[tilespmem:s23+$0x1CEA0] =	vst v5;
	v3 =	vmul.f32 $1.428571490e-01, v3;
	v1 =	vadd.f32 v10, v1  }
0x22a: {  	v5 =	vld [tilespmem:s26+$0x14EF0];
	[tilespmem:s23+$0x1CEB0] =	vst v4;
	v2 =	vmul.f32 $1.428571490e-01, v2  }
0x22b: {  	v4 =	vld [tilespmem:s26+$0xEA90];
	v0 =	vadd.f32 v6, v0;
	[tilespmem:s23+$0x1CEC0] =	vst v3;
	v1 =	vmul.f32 $1.428571490e-01, v1  }
0x22c: {  	v3 =	vld [tilespmem:s26+$0x16EF0];
	[tilespmem:s23+$0x1CED0] =	vst v2  }
0x22d: {  	v2 =	vld [tilespmem:s26+$0x10A90];
	v0 =	vadd.f32 v8, v0;
	[tilespmem:s23+$0x1CEE0] =	vst v1;
	s23 =	smov.u32 s26  }
0x22e: {  	v1 =	vadd.f32 v9, v7;
	v6 =	vld [tilespmem:s23+$0x18EF0]  }
0x22f: {  	v7 =	vld [tilespmem:s23+$0xEAA0];
	v0 =	vadd.f32 v5, v0  }
0x230: {  	v5 =	vld [tilespmem:s23+$0x1AEF0]  }
0x231: {  	v8 =	vld [tilespmem:s23+$0x10AA0];
	v0 =	vadd.f32 v3, v0  }
0x232: {  	v2 =	vadd.f32 v2, v4;
	v3 =	vld [tilespmem:s23+$0xEAB0]  }
0x233: {  	v4 =	vld [tilespmem:s23+$0x10AB0];
	v0 =	vadd.f32 v6, v0  }
0x234: {  	v6 =	vld [tilespmem:s23+$0xEAC0]  }
0x235: {  	v9 =	vld [tilespmem:s23+$0x10AC0];
	v0 =	vadd.f32 v5, v0  }
0x236: {  	v5 =	vadd.f32 v8, v7;
	v7 =	vld [tilespmem:s23+$0xEAD0]  }
0x237: {  	v8 =	vld [tilespmem:s23+$0x10AD0];
	v0 =	vmul.f32 $1.428571490e-01, v0  }
0x238: {  	v3 =	vadd.f32 v4, v3;
	v4 =	vld [tilespmem:s23+$0xEAE0]  }
0x239: {  	v10 =	vld [tilespmem:s23+$0x10AE0];
	[tilespmem:s23+$0x1CEF0] =	vst v0  }
0x23a: {  	v0 =	vadd.f32 v9, v6;
	v6 =	vld [tilespmem:s23+$0xEAF0]  }
0x23b: {  	v9 =	vld [tilespmem:s23+$0x10AF0]  }
0x23c: {  	v7 =	vadd.f32 v8, v7;
	v8 =	vld [tilespmem:s23+$0xEE80]  }
0x23d: {  	v11 =	vld [tilespmem:s23+$0x10E80]  }
0x23e: {  	v4 =	vadd.f32 v10, v4;
	v10 =	vld [tilespmem:s23+$0xEE90]  }
0x23f: {  	v12 =	vld [tilespmem:s23+$0x10E90]  }
0x240: {  	v6 =	vadd.f32 v9, v6;
	v9 =	vld [tilespmem:s23+$0xEEA0]  }
0x241: {  	v13 =	vld [tilespmem:s23+$0x10EA0]  }
0x242: {  	v8 =	vadd.f32 v11, v8;
	v11 =	vld [tilespmem:s23+$0xEEB0]  }
0x243: {  	v14 =	vld [tilespmem:s23+$0x10EB0]  }
0x244: {  	v10 =	vadd.f32 v12, v10;
	v12 =	vld [tilespmem:s23+$0xEEC0]  }
0x245: {  	v15 =	vld [tilespmem:s23+$0x10EC0]  }
0x246: {  	v9 =	vadd.f32 v13, v9;
	v13 =	vld [tilespmem:s23+$0xEED0]  }
0x247: {  	v16 =	vld [tilespmem:s23+$0x10ED0]  }
0x248: {  	v11 =	vadd.f32 v14, v11;
	v14 =	vld [tilespmem:s23+$0xEEE0]  }
0x249: {  	v17 =	vld [tilespmem:s23+$0x10EE0]  }
0x24a: {  	v18 =	vld [tilespmem:s23+$0x12A80];
	v12 =	vadd.f32 v15, v12  }
0x24b: {  	v15 =	vld [tilespmem:s23+$0x12A90]  }
0x24c: {  	v19 =	vld [tilespmem:s23+$0x12AA0];
	v13 =	vadd.f32 v16, v13  }
0x24d: {  	v16 =	vld [tilespmem:s23+$0x12AB0]  }
0x24e: {  	v20 =	vld [tilespmem:s23+$0x12AC0];
	v14 =	vadd.f32 v17, v14  }
0x24f: {  	v1 =	vadd.f32 v18, v1;
	v17 =	vld [tilespmem:s23+$0x12AD0]  }
0x250: {  	v2 =	vadd.f32 v15, v2;
	v15 =	vld [tilespmem:s23+$0x12AE0]  }
0x251: {  	v5 =	vadd.f32 v19, v5;
	v18 =	vld [tilespmem:s23+$0x12AF0]  }
0x252: {  	v3 =	vadd.f32 v16, v3;
	v16 =	vld [tilespmem:s23+$0x12E80]  }
0x253: {  	v0 =	vadd.f32 v20, v0;
	v19 =	vld [tilespmem:s23+$0x12E90]  }
0x254: {  	v7 =	vadd.f32 v17, v7;
	v17 =	vld [tilespmem:s23+$0x12EA0]  }
0x255: {  	v4 =	vadd.f32 v15, v4;
	v15 =	vld [tilespmem:s23+$0x12EB0]  }
0x256: {  	v6 =	vadd.f32 v18, v6;
	v18 =	vld [tilespmem:s23+$0x12EC0]  }
0x257: {  	v8 =	vadd.f32 v16, v8;
	v16 =	vld [tilespmem:s23+$0x12ED0]  }
0x258: {  	v10 =	vadd.f32 v19, v10;
	v19 =	vld [tilespmem:s23+$0x12EE0]  }
0x259: {  	v20 =	vld [tilespmem:s23+$0x14A80];
	v9 =	vadd.f32 v17, v9  }
0x25a: {  	v17 =	vld [tilespmem:s23+$0x14A90];
	v11 =	vadd.f32 v15, v11  }
0x25b: {  	v15 =	vld [tilespmem:s23+$0x14AA0];
	v12 =	vadd.f32 v18, v12  }
0x25c: {  	v18 =	vld [tilespmem:s23+$0x14AB0];
	v13 =	vadd.f32 v16, v13  }
0x25d: {  	v16 =	vld [tilespmem:s23+$0x14AC0];
	v14 =	vadd.f32 v19, v14  }
0x25e: {  	v1 =	vadd.f32 v20, v1;
	v19 =	vld [tilespmem:s23+$0x14AD0]  }
0x25f: {  	v2 =	vadd.f32 v17, v2;
	v17 =	vld [tilespmem:s23+$0x14AE0]  }
0x260: {  	v5 =	vadd.f32 v15, v5;
	v15 =	vld [tilespmem:s23+$0x14AF0]  }
0x261: {  	v3 =	vadd.f32 v18, v3;
	v18 =	vld [tilespmem:s23+$0x14E80]  }
0x262: {  	v0 =	vadd.f32 v16, v0;
	v16 =	vld [tilespmem:s23+$0x14E90]  }
0x263: {  	v7 =	vadd.f32 v19, v7;
	v19 =	vld [tilespmem:s23+$0x14EA0]  }
0x264: {  	v4 =	vadd.f32 v17, v4;
	v17 =	vld [tilespmem:s23+$0x14EB0]  }
0x265: {  	v6 =	vadd.f32 v15, v6;
	v15 =	vld [tilespmem:s23+$0x14EC0]  }
0x266: {  	v8 =	vadd.f32 v18, v8;
	v18 =	vld [tilespmem:s23+$0x14ED0]  }
0x267: {  	v10 =	vadd.f32 v16, v10;
	v16 =	vld [tilespmem:s23+$0x14EE0]  }
0x268: {  	v20 =	vld [tilespmem:s23+$0x16A80];
	v9 =	vadd.f32 v19, v9  }
0x269: {  	v19 =	vld [tilespmem:s23+$0x16A90];
	v11 =	vadd.f32 v17, v11  }
0x26a: {  	v17 =	vld [tilespmem:s23+$0x16AA0];
	v12 =	vadd.f32 v15, v12  }
0x26b: {  	v15 =	vld [tilespmem:s23+$0x16AB0];
	v13 =	vadd.f32 v18, v13  }
0x26c: {  	v18 =	vld [tilespmem:s23+$0x16AC0];
	v14 =	vadd.f32 v16, v14  }
0x26d: {  	v1 =	vadd.f32 v20, v1;
	v16 =	vld [tilespmem:s23+$0x16AD0]  }
0x26e: {  	v2 =	vadd.f32 v19, v2;
	v19 =	vld [tilespmem:s23+$0x16AE0]  }
0x26f: {  	v5 =	vadd.f32 v17, v5;
	v17 =	vld [tilespmem:s23+$0x16AF0]  }
0x270: {  	v3 =	vadd.f32 v15, v3;
	v15 =	vld [tilespmem:s23+$0x16E80]  }
0x271: {  	v0 =	vadd.f32 v18, v0;
	v18 =	vld [tilespmem:s23+$0x16E90]  }
0x272: {  	v7 =	vadd.f32 v16, v7;
	v16 =	vld [tilespmem:s23+$0x16EA0]  }
0x273: {  	v4 =	vadd.f32 v19, v4;
	v19 =	vld [tilespmem:s23+$0x16EB0]  }
0x274: {  	v6 =	vadd.f32 v17, v6;
	v17 =	vld [tilespmem:s23+$0x16EC0]  }
0x275: {  	v8 =	vadd.f32 v15, v8;
	v15 =	vld [tilespmem:s23+$0x16ED0]  }
0x276: {  	v10 =	vadd.f32 v18, v10;
	v18 =	vld [tilespmem:s23+$0x16EE0]  }
0x277: {  	v20 =	vld [tilespmem:s23+$0x18A80];
	v9 =	vadd.f32 v16, v9  }
0x278: {  	v16 =	vld [tilespmem:s23+$0x18A90];
	v11 =	vadd.f32 v19, v11  }
0x279: {  	v19 =	vld [tilespmem:s23+$0x18AA0];
	v12 =	vadd.f32 v17, v12  }
0x27a: {  	v17 =	vld [tilespmem:s23+$0x18AB0];
	v13 =	vadd.f32 v15, v13  }
0x27b: {  	v15 =	vld [tilespmem:s23+$0x18AC0];
	v14 =	vadd.f32 v18, v14  }
0x27c: {  	v18 =	vadd.f32 v20, v1;
	v1 =	vld [tilespmem:s23+$0x18AD0]  }
0x27d: {  	v16 =	vadd.f32 v16, v2;
	v2 =	vld [tilespmem:s23+$0x18AE0]  }
0x27e: {  	v19 =	vadd.f32 v19, v5;
	v5 =	vld [tilespmem:s23+$0x18AF0]  }
0x27f: {  	v17 =	vadd.f32 v17, v3;
	v3 =	vld [tilespmem:s23+$0x18E80]  }
0x280: {  	v0 =	vadd.f32 v15, v0;
	v15 =	vld [tilespmem:s23+$0x18E90]  }
0x281: {  	v7 =	vadd.f32 v1, v7;
	v1 =	vld [tilespmem:s23+$0x18EA0]  }
0x282: {  	v20 =	vadd.f32 v2, v4;
	v2 =	vld [tilespmem:s23+$0x18EB0]  }
0x283: {  	v21 =	vadd.f32 v5, v6;
	v6 =	vld [tilespmem:s23+$0x18EC0]  }
0x284: {  	v22 =	vadd.f32 v3, v8;
	v8 =	vld [tilespmem:s23+$0x18ED0]  }
0x285: {  	v10 =	vadd.f32 v15, v10;
	v15 =	vld [tilespmem:s23+$0x18EE0]  }
0x286: {  	v23 =	vld [tilespmem:s23+$0x1AA80];
	v5 =	vadd.f32 v1, v9  }
0x287: {  	v9 =	vld [tilespmem:s23+$0x1AA90];
	v4 =	vadd.f32 v2, v11  }
0x288: {  	v11 =	vld [tilespmem:s23+$0x1AAA0];
	v3 =	vadd.f32 v6, v12  }
0x289: {  	v6 =	vld [tilespmem:s23+$0x1AAB0];
	v2 =	vadd.f32 v8, v13  }
0x28a: {  	v8 =	vld [tilespmem:s23+$0x1AAC0];
	v1 =	vadd.f32 v15, v14  }
0x28b: {  	v12 =	vadd.f32 v23, v18;
	v13 =	vld [tilespmem:s23+$0x1AAD0]  }
0x28c: {  	v9 =	vadd.f32 v9, v16;
	v14 =	vld [tilespmem:s23+$0x1AAE0]  }
0x28d: {  	v12 =	vmul.f32 $1.428571490e-01, v12;
	v11 =	vadd.f32 v11, v19;
	v15 =	vld [tilespmem:s23+$0x1AAF0]  }
0x28e: {  	v9 =	vmul.f32 $1.428571490e-01, v9;
	v6 =	vadd.f32 v6, v17;
	v16 =	vld [tilespmem:s23+$0x1AE80]  }
0x28f: {  	[tilespmem:s23+$0x1CA80] =	vst v12;
	v11 =	vmul.f32 $1.428571490e-01, v11;
	v0 =	vadd.f32 v8, v0;
	v17 =	vld [tilespmem:s23+$0x1AE90]  }
.Ltmp3:
0x290: {  	[tilespmem:s23+$0x1CA90] =	vst v9;
	v8 =	vmul.f32 $1.428571490e-01, v6;
	v9 =	vadd.f32 v13, v7;
	v6 =	vld [tilespmem:s23+$0x1AEA0];
	(pc) =	sbr.rel @p1 .LBB2_5-.Ltmp3, $4  }
0x291: {  	[tilespmem:s23+$0x1CAA0] =	vst v11;
	v0 =	vmul.f32 $1.428571490e-01, v0;
	v11 =	vadd.f32 v14, v20;
	v7 =	vld [tilespmem:s23+$0x1AEB0]  }
0x292: {  	s24 =	sadd.s32 $0x80, s24;
	[tilespmem:s23+$0x1CAB0] =	vst v8;
	v13 =	vmul.f32 $1.428571490e-01, v9;
	v14 =	vadd.f32 v15, v21;
	v8 =	vld [tilespmem:s23+$0x1AEC0]  }
0x293: {  	s28 =	sand.u32 $0x380, s24;
	s26 =	sand.u32 $0x1800, s25;
	[tilespmem:s23+$0x1CAC0] =	vst v0;
	v11 =	vmul.f32 $1.428571490e-01, v11;
	v12 =	vadd.f32 v16, v22;
	v9 =	vld [tilespmem:s23+$0x1AED0]  }
0x294: {  	s25 =	sadd.s32 $0x100, s25;
	s26 =	sor.u32 s28, s26;
	[tilespmem:s23+$0x1CAD0] =	vst v13;
	v14 =	vmul.f32 $1.428571490e-01, v14;
	v13 =	vadd.f32 v17, v10;
	v10 =	vld [tilespmem:s23+$0x1AEE0]  }
0x295: {  	v0 =	vld [tilespmem:s26+$0xEEF0];
	[tilespmem:s23+$0x1CAE0] =	vst v11;
	v12 =	vmul.f32 $1.428571490e-01, v12;
	v5 =	vadd.f32 v6, v5  }
0x296: {  	v11 =	vld [tilespmem:s26+$0x10EF0];
	[tilespmem:s23+$0x1CAF0] =	vst v14;
	v51 =	vmul.f32 $1.428571490e-01, v13;
	v4 =	vadd.f32 v7, v4  }
0x297: {  	v14 =	vld [tilespmem:s26+$0xEA80];
	[tilespmem:s23+$0x1CE80] =	vst v12;
	v5 =	vmul.f32 $1.428571490e-01, v5  }
0x298: {  	v12 =	vld [tilespmem:s26+$0x12EF0];
	[tilespmem:s23+$0x1CE90] =	vst v51;
	v4 =	vmul.f32 $1.428571490e-01, v4  }
0x299: {  	v6 =	vld [tilespmem:s26+$0x10A80];
	[tilespmem:s23+$0x1CEA0] =	vst v5  }
0x29a: {  	v3 =	vadd.f32 v8, v3;
	v5 =	vld [tilespmem:s26+$0x14EF0];
	[tilespmem:s23+$0x1CEB0] =	vst v4  }
0x29b: {  	v2 =	vadd.f32 v9, v2;
	v4 =	vld [tilespmem:s26+$0xEA90]  }
0x29c: {  	v3 =	vmul.f32 $1.428571490e-01, v3  }
0x29d: {  	v1 =	vadd.f32 v10, v1;
	v2 =	vmul.f32 $1.428571490e-01, v2  }
0x29e: {  	[tilespmem:s23+$0x1CEC0] =	vst v3  }
0x29f: {  	v1 =	vmul.f32 $1.428571490e-01, v1;
	v3 =	vld [tilespmem:s26+$0x16EF0];
	[tilespmem:s23+$0x1CED0] =	vst v2  }
0x2a0: {  	v0 =	vadd.f32 v11, v0;
	[tilespmem:$0x1FE50] =	vst v4  }
0x2a1: {  	v4 =	vld [tilespmem:s26+$0x10A90];
	[tilespmem:s23+$0x1CEE0] =	vst v1  }
0x2a2: {  	v0 =	vadd.f32 v12, v0;
	v1 =	vld [tilespmem:s26+$0x18EF0]  }
0x2a3: {  	v7 =	vld [tilespmem:s26+$0xEAA0]  }
0x2a4: {  	v0 =	vadd.f32 v5, v0;
	v52 =	vld [tilespmem:s26+$0x1AEF0]  }
0x2a5: {  	v8 =	vld [tilespmem:s26+$0x10AA0]  }
0x2a6: {  	v0 =	vadd.f32 v3, v0;
	v3 =	vld [tilespmem:s26+$0xEAB0]  }
0x2a7: {  	v9 =	vld [tilespmem:s26+$0x10AB0]  }
0x2a8: {  	v2 =	vld [tilespmem:s26+$0xEAC0]  }
0x2a9: {  	v10 =	vld [tilespmem:s26+$0x10AC0]  }
0x2aa: {  	v5 =	vld [tilespmem:s26+$0xEAD0]  }
0x2ab: {  	v11 =	vld [tilespmem:s26+$0x10AD0]  }
0x2ac: {  	v12 =	vld [tilespmem:s26+$0xEAE0]  }
0x2ad: {  	v13 =	vld [tilespmem:s26+$0x10AE0]  }
0x2ae: {  	v15 =	vld [tilespmem:s26+$0x10AF0]  }
0x2af: {  	v16 =	vld [tilespmem:s26+$0xEE80]  }
0x2b0: {  	v17 =	vld [tilespmem:s26+$0x10E80]  }
0x2b1: {  	v18 =	vld [tilespmem:s26+$0xEE90]  }
0x2b2: {  	v19 =	vld [tilespmem:s26+$0x10E90]  }
0x2b3: {  	v20 =	vld [tilespmem:s26+$0xEEA0]  }
0x2b4: {  	v21 =	vld [tilespmem:s26+$0x10EA0]  }
0x2b5: {  	v22 =	vld [tilespmem:s26+$0xEEB0]  }
0x2b6: {  	v23 =	vld [tilespmem:s26+$0x10EB0]  }
0x2b7: {  	v24 =	vld [tilespmem:s26+$0xEEC0]  }
0x2b8: {  	v25 =	vld [tilespmem:s26+$0x10EC0]  }
0x2b9: {  	v26 =	vld [tilespmem:s26+$0xEED0]  }
0x2ba: {  	v27 =	vld [tilespmem:s26+$0x10ED0]  }
0x2bb: {  	v28 =	vld [tilespmem:s26+$0xEEE0]  }
0x2bc: {  	v29 =	vld [tilespmem:s26+$0x10EE0]  }
0x2bd: {  	v30 =	vld [tilespmem:s26+$0x12A80]  }
0x2be: {  	v31 =	vld [tilespmem:s26+$0x12A90]  }
0x2bf: {  	v32 =	vld [tilespmem:s26+$0x12AA0]  }
0x2c0: {  	v33 =	vld [tilespmem:s26+$0x12AB0]  }
0x2c1: {  	v34 =	vld [tilespmem:s26+$0x12AC0]  }
0x2c2: {  	v35 =	vld [tilespmem:s26+$0x12AD0]  }
0x2c3: {  	v36 =	vld [tilespmem:s26+$0x12AE0]  }
0x2c4: {  	v37 =	vld [tilespmem:s26+$0x12AF0]  }
0x2c5: {  	v38 =	vld [tilespmem:s26+$0x12E80]  }
0x2c6: {  	v39 =	vld [tilespmem:s26+$0x12E90]  }
0x2c7: {  	v40 =	vld [tilespmem:s26+$0x12EA0]  }
0x2c8: {  	v41 =	vld [tilespmem:s26+$0x12EB0]  }
0x2c9: {  	v42 =	vld [tilespmem:s26+$0x12EC0]  }
0x2ca: {  	v43 =	vld [tilespmem:s26+$0x12ED0]  }
0x2cb: {  	v44 =	vld [tilespmem:s26+$0x12EE0]  }
0x2cc: {  	v45 =	vld [tilespmem:s26+$0x14A80]  }
0x2cd: {  	v46 =	vld [tilespmem:s26+$0x14A90]  }
0x2ce: {  	v47 =	vld [tilespmem:s26+$0x14AA0]  }
0x2cf: {  	v48 =	vld [tilespmem:s26+$0x14AB0]  }
0x2d0: {  	v49 =	vld [tilespmem:s26+$0x14AC0]  }
0x2d1: {  	v50 =	vld [tilespmem:s26+$0x14AD0]  }
0x2d2: {  	v51 =	vld [tilespmem:s26+$0x14AE0]  }
0x2d3: {  	v53 =	vld [tilespmem:s26+$0x14E80]  }
0x2d4: {  	v54 =	vld [tilespmem:s26+$0x14E90]  }
0x2d5: {  	v55 =	vld [tilespmem:s26+$0x14EA0]  }
0x2d6: {  	v56 =	vld [tilespmem:s26+$0x14EB0]  }
0x2d7: {  	v57 =	vld [tilespmem:s26+$0x14EC0]  }
0x2d8: {  	v58 =	vld [tilespmem:s26+$0x14ED0]  }
0x2d9: {  	v59 =	vld [tilespmem:s26+$0x14EE0]  }
0x2da: {  	v60 =	vld [tilespmem:s26+$0x16A80];
	v0 =	vadd.f32 v1, v0  }
0x2db: {  	v61 =	vld [tilespmem:s26+$0x16A90]  }
0x2dc: {  	v62 =	vld [tilespmem:s26+$0x16AA0];
	v0 =	vadd.f32 v52, v0  }
0x2dd: {  	v63 =	vld [tilespmem:s26+$0x16AB0]  }
0x2de: {  	[tilespmem:$0x1FE40] =	vst v14;
	v14 =	vld [tilespmem:s26+$0x16AC0];
	v0 =	vmul.f32 $1.428571490e-01, v0  }
0x2df: {  	v1 =	vld [tilespmem:s26+$0xEAF0]  }
0x2e0: {  	[tilespmem:s26+$0x1CEF0] =	vst v0;
	v0 =	vld [tilespmem:s26+$0x16AD0]  }
0x2e1: {  	v7 =	vadd.f32 v8, v7;
	v8 =	vld [tilespmem:s26+$0x16EB0]  }
0x2e2: {  	v3 =	vadd.f32 v9, v3;
	v9 =	vld [tilespmem:s26+$0x16EC0]  }
0x2e3: {  	v2 =	vadd.f32 v10, v2;
	v5 =	vadd.f32 v11, v5;
	v11 =	vld [tilespmem:s26+$0x16ED0]  }
0x2e4: {  	v10 =	vadd.f32 v13, v12;
	v13 =	vadd.f32 v19, v18;
	v18 =	vld [tilespmem:s26+$0x18A80]  }
0x2e5: {  	[tilespmem:$0x1FE60] =	vst v0;
	v0 =	vld [tilespmem:s26+$0x16AE0]  }
0x2e6: {  	v12 =	vadd.f32 v17, v16;
	v16 =	vadd.f32 v21, v20;
	v21 =	vld [tilespmem:s26+$0x18A90]  }
0x2e7: {  	v17 =	vadd.f32 v23, v22;
	v23 =	vld [tilespmem:s26+$0x18AA0]  }
0x2e8: {  	v19 =	vadd.f32 v25, v24;
	v24 =	vld [tilespmem:s26+$0x18AB0]  }
0x2e9: {  	v25 =	vld [tilespmem:s26+$0x18AC0]  }
0x2ea: {  	[tilespmem:$0x1FE70] =	vst v0;
	v0 =	vld [tilespmem:s26+$0x16AF0]  }
0x2eb: {  	v20 =	vadd.f32 v27, v26;
	v26 =	vld [tilespmem:s26+$0x18AD0]  }
0x2ec: {  	v27 =	vld [tilespmem:s26+$0x18AE0]  }
0x2ed: {  	v22 =	vadd.f32 v29, v28;
	v28 =	vld [tilespmem:s26+$0x18AF0];
	v7 =	vadd.f32 v32, v7  }
0x2ee: {  	v29 =	vld [tilespmem:s26+$0x18E80];
	v3 =	vadd.f32 v33, v3;
	v2 =	vadd.f32 v34, v2  }
0x2ef: {  	v5 =	vadd.f32 v35, v5;
	v10 =	vadd.f32 v36, v10;
	[tilespmem:$0x1FE80] =	vst v0;
	v0 =	vld [tilespmem:s26+$0x16E80]  }
0x2f0: {  	v52 =	vld [tilespmem:s26+$0x14AF0];
	v12 =	vadd.f32 v38, v12;
	v13 =	vadd.f32 v39, v13  }
0x2f1: {  	v16 =	vadd.f32 v40, v16;
	v17 =	vadd.f32 v41, v17;
	v32 =	vld [tilespmem:s26+$0x18EB0]  }
0x2f2: {  	v19 =	vadd.f32 v42, v19;
	v20 =	vadd.f32 v43, v20;
	v33 =	vld [tilespmem:s26+$0x18EC0]  }
0x2f3: {  	v22 =	vadd.f32 v44, v22;
	v34 =	vld [tilespmem:s26+$0x18ED0];
	v7 =	vadd.f32 v47, v7  }
0x2f4: {  	v3 =	vadd.f32 v48, v3;
	v2 =	vadd.f32 v49, v2;
	[tilespmem:$0x1FE90] =	vst v0;
	v0 =	vld [tilespmem:s26+$0x16E90]  }
0x2f5: {  	v35 =	vld [tilespmem:s26+$0x18EE0];
	v5 =	vadd.f32 v50, v5;
	v10 =	vadd.f32 v51, v10  }
0x2f6: {  	v44 =	vld [tilespmem:s26+$0x1AEA0];
	v12 =	vadd.f32 v53, v12;
	v13 =	vadd.f32 v54, v13  }
0x2f7: {  	v16 =	vadd.f32 v55, v16;
	v17 =	vadd.f32 v56, v17;
	v56 =	vld [tilespmem:s26+$0x1AAB0]  }
0x2f8: {  	v19 =	vadd.f32 v57, v19;
	v20 =	vadd.f32 v58, v20;
	v57 =	vld [tilespmem:s26+$0x1AAC0]  }
0x2f9: {  	v22 =	vadd.f32 v59, v22;
	v1 =	vadd.f32 v15, v1;
	[tilespmem:$0x1FEA0] =	vst v0;
	v0 =	vld [tilespmem:$0x1FE40]  }
0x2fa: {  	v15 =	vld [tilespmem:s26+$0x16EE0];
	v7 =	vadd.f32 v62, v7;
	v3 =	vadd.f32 v63, v3  }
0x2fb: {  	v2 =	vadd.f32 v14, v2;
	v8 =	vadd.f32 v8, v17;
	v59 =	vld [tilespmem:$0x1FE60]  }
0x2fc: {  	v55 =	vld [tilespmem:s26+$0x1AAA0];
	v47 =	vadd.f32 v11, v20;
	v1 =	vadd.f32 v37, v1  }
0x2fd: {  	v53 =	vld [tilespmem:s26+$0x1AA80];
	v3 =	vadd.f32 v24, v3;
	v2 =	vadd.f32 v25, v2  }
0x2fe: {  	v7 =	vadd.f32 v23, v7;
	v0 =	vadd.f32 v6, v0;
	v6 =	vld [tilespmem:$0x1FE50]  }
0x2ff: {  	v3 =	vadd.f32 v56, v3;
	v2 =	vadd.f32 v57, v2;
	v56 =	vld [tilespmem:s26+$0x1AEE0]  }
0x300: {  	v58 =	vld [tilespmem:s26+$0x1AAD0];
	v50 =	vadd.f32 v15, v22;
	v5 =	vadd.f32 v59, v5  }
0x301: {  	v1 =	vadd.f32 v52, v1;
	v7 =	vadd.f32 v55, v7;
	v62 =	vld [tilespmem:$0x1FE70]  }
0x302: {  	v54 =	vld [tilespmem:s26+$0x1AA90];
	v49 =	vmul.f32 $1.428571490e-01, v2;
	v2 =	vadd.f32 v35, v50;
	v5 =	vadd.f32 v26, v5  }
0x303: {  	v0 =	vadd.f32 v30, v0;
	v4 =	vadd.f32 v4, v6;
	v6 =	vld [tilespmem:s26+$0x16EA0]  }
0x304: {  	v48 =	vld [tilespmem:s26+$0x1AEB0];
	v55 =	vadd.f32 v32, v8;
	v2 =	vadd.f32 v56, v2  }
0x305: {  	v5 =	vadd.f32 v58, v5;
	v63 =	vld [tilespmem:$0x1FE80];
	v0 =	vadd.f32 v45, v0  }
0x306: {  	v51 =	vld [tilespmem:s26+$0x1AEC0];
	v10 =	vadd.f32 v62, v10;
	v4 =	vadd.f32 v31, v4  }
0x307: {  	v58 =	vadd.f32 v34, v47;
	v38 =	vld [tilespmem:$0x1FE90];
	v0 =	vadd.f32 v60, v0  }
0x308: {  	v10 =	vadd.f32 v27, v10;
	v60 =	vld [tilespmem:s26+$0x1AAE0];
	v4 =	vadd.f32 v46, v4;
	[tilespmem:$0x1FEB0] =	vst v6  }
0x309: {  	v42 =	vmul.f32 $1.428571490e-01, v7;
	v0 =	vadd.f32 v18, v0;
	v46 =	vadd.f32 v9, v19;
	v43 =	vld [tilespmem:$0x1FEB0]  }
0x30a: {  	v52 =	vmul.f32 $1.428571490e-01, v5;
	v1 =	vadd.f32 v63, v1;
	v40 =	vld [tilespmem:$0x1FEA0];
	v4 =	vadd.f32 v61, v4  }
0x30b: {  	[tilespmem:s26+$0x1CAA0] =	vst v42;
	v45 =	vmul.f32 $1.428571490e-01, v3;
	v31 =	vld [tilespmem:s26+$0x18EA0];
	v0 =	vadd.f32 v53, v0;
	v3 =	vadd.f32 v33, v46  }
0x30c: {  	[tilespmem:s26+$0x1CAC0] =	vst v49;
	v63 =	vmul.f32 $1.428571490e-01, v2;
	v1 =	vadd.f32 v28, v1;
	v61 =	vld [tilespmem:s26+$0x1AAF0];
	v4 =	vadd.f32 v21, v4  }
0x30d: {  	[tilespmem:s26+$0x1CAD0] =	vst v52;
	v30 =	vld [tilespmem:s26+$0x18E90];
	v6 =	vadd.f32 v60, v10;
	v0 =	vmul.f32 $1.428571490e-01, v0;
	v3 =	vadd.f32 v51, v3  }
0x30e: {  	[tilespmem:s26+$0x1CEE0] =	vst v63;
	v4 =	vadd.f32 v54, v4;
	v54 =	vld [tilespmem:s26+$0x1AED0];
	v7 =	vadd.f32 v43, v16  }
0x30f: {  	v36 =	vld [tilespmem:s26+$0x1AE80];
	v6 =	vmul.f32 $1.428571490e-01, v6;
	[tilespmem:s26+$0x1CA80] =	vst v0;
	v0 =	vadd.f32 v48, v55;
	v3 =	vmul.f32 $1.428571490e-01, v3  }
0x310: {  	v41 =	vld [tilespmem:s26+$0x1AE90];
	[tilespmem:s26+$0x1CAB0] =	vst v45;
	v37 =	vmul.f32 $1.428571490e-01, v4;
	v4 =	vadd.f32 v38, v12;
	v7 =	vadd.f32 v31, v7  }
0x311: {  	[tilespmem:s26+$0x1CAE0] =	vst v6;
	v1 =	vadd.f32 v61, v1;
	v0 =	vmul.f32 $1.428571490e-01, v0;
	v12 =	vadd.f32 v40, v13  }
0x312: {  	[tilespmem:s26+$0x1CEC0] =	vst v3;
	v4 =	vadd.f32 v29, v4;
	v57 =	vadd.f32 v44, v7  }
0x313: {  	v1 =	vmul.f32 $1.428571490e-01, v1;
	[tilespmem:s26+$0x1CEB0] =	vst v0;
	v53 =	vadd.f32 v30, v12;
	v61 =	vadd.f32 v54, v58  }
0x314: {  	s21 =	sadd.s32 $0x1, s21;
	[tilespmem:s26+$0x1CA90] =	vst v37;
	v4 =	vadd.f32 v36, v4;
	v60 =	vmul.f32 $1.428571490e-01, v57  }
0x315: {  	p1 =	sne.s32 s21, $0x28;
	[tilespmem:s26+$0x1CAF0] =	vst v1;
	v5 =	vadd.f32 v41, v53;
	v62 =	vmul.f32 $1.428571490e-01, v61  }
.Ltmp4:
0x316: {  	v4 =	vmul.f32 $1.428571490e-01, v4;
	[tilespmem:s26+$0x1CEA0] =	vst v60;
	(pc) =	sbr.rel @p1 .LBB2_2-.Ltmp4, $4  }
0x317: {  	v59 =	vmul.f32 $1.428571490e-01, v5;
	[tilespmem:s26+$0x1CED0] =	vst v62  }
0x318: {  	s22 =	sadd.s32 s22, s4;
	[tilespmem:s26+$0x1CE80] =	vst v4  }
0x319: {  	s22 =	sadd.s32 $0x8000, s22;
	[tilespmem:s26+$0x1CE90] =	vst v59  }
0x31a: {  	[hbm4b:s22+s5] =	stream.linear.scatter [tilespmem:s18], [sflag:$0x2], $0x2000, $0x38;
	[tilespmem:$0x1EA80] =	vst v63  }
.Ltmp5:
0x31b: {  	(pc) =	sbr.rel @p0 .LBB2_11-.Ltmp5, $1  }
0x31c: {  	_ =	sdelay $0x3  }
0x31d: {  	_ =	swait.ge [sflag:s17], $0xE000  }
0x31e: {  	[sflag:s17] =	ssyncset.done $0x0  }
0x31f: {  	[sflag:s17] =	ssyncadd.s32 $0xFFFF2000  }
0x320: {  	s21 =	simm.s32 $0x0;
	_ =	swait.ge [sflag:s19], $0x2000  }
0x321: {  	s22 =	sand.u32 $0x1800, s21;
	s21 =	sand.u32 $0x380, s21;
	[sflag:s19] =	ssyncset.done $0x0  }
0x322: {  	s21 =	sor.u32 s21, s22;
	[sflag:s19] =	ssyncadd.s32 $0xFFFFE000  }
0x323: {  	v0 =	vld [tilespmem:s21+$0xEF0]  }
0x324: {  	v1 =	vld [tilespmem:s21+$0x2EF0]  }
0x325: {  	v6 =	vld [tilespmem:s21+$0xA80]  }
0x326: {  	v3 =	vld [tilespmem:s21+$0x4EF0]  }
0x327: {  	v2 =	vld [tilespmem:s21+$0x2A80]  }
0x328: {  	v5 =	vld [tilespmem:s21+$0x6EF0]  }
0x329: {  	v7 =	vld [tilespmem:s21+$0x2A90]  }
0x32a: {  	v8 =	vld [tilespmem:s21+$0xAA0]  }
0x32b: {  	v9 =	vld [tilespmem:s21+$0x2AA0]  }
0x32c: {  	v10 =	vld [tilespmem:s21+$0x2AB0]  }
0x32d: {  	v11 =	vld [tilespmem:s21+$0x2AC0]  }
0x32e: {  	v12 =	vld [tilespmem:s21+$0x2AD0]  }
0x32f: {  	v13 =	vld [tilespmem:s21+$0xAE0]  }
0x330: {  	v14 =	vld [tilespmem:s21+$0x2AE0]  }
0x331: {  	v15 =	vld [tilespmem:s21+$0x2AF0]  }
0x332: {  	v16 =	vld [tilespmem:s21+$0xE80]  }
0x333: {  	v17 =	vld [tilespmem:s21+$0x2E80]  }
0x334: {  	v18 =	vld [tilespmem:s21+$0xE90]  }
0x335: {  	v19 =	vld [tilespmem:s21+$0x2E90]  }
0x336: {  	v20 =	vld [tilespmem:s21+$0xEA0]  }
0x337: {  	v21 =	vld [tilespmem:s21+$0x2EA0]  }
0x338: {  	v22 =	vld [tilespmem:s21+$0xEB0]  }
0x339: {  	v23 =	vld [tilespmem:s21+$0x2EB0]  }
0x33a: {  	v24 =	vld [tilespmem:s21+$0xEC0]  }
0x33b: {  	v25 =	vld [tilespmem:s21+$0x2EC0]  }
0x33c: {  	v26 =	vld [tilespmem:s21+$0xED0]  }
0x33d: {  	v27 =	vld [tilespmem:s21+$0x2ED0]  }
0x33e: {  	v28 =	vld [tilespmem:s21+$0xEE0]  }
0x33f: {  	v29 =	vld [tilespmem:s21+$0x2EE0]  }
0x340: {  	v30 =	vld [tilespmem:s21+$0x4A80]  }
0x341: {  	v31 =	vld [tilespmem:s21+$0x4A90]  }
0x342: {  	v32 =	vld [tilespmem:s21+$0x4AA0]  }
0x343: {  	v33 =	vld [tilespmem:s21+$0x4AB0]  }
0x344: {  	v34 =	vld [tilespmem:s21+$0x4AC0]  }
0x345: {  	v35 =	vld [tilespmem:s21+$0x4AD0]  }
0x346: {  	v36 =	vld [tilespmem:s21+$0x4AE0]  }
0x347: {  	v37 =	vld [tilespmem:s21+$0x4AF0]  }
0x348: {  	v38 =	vld [tilespmem:s21+$0x4E80]  }
0x349: {  	v39 =	vld [tilespmem:s21+$0x4E90]  }
0x34a: {  	v40 =	vld [tilespmem:s21+$0x4EA0]  }
0x34b: {  	v41 =	vld [tilespmem:s21+$0x4EB0]  }
0x34c: {  	v42 =	vld [tilespmem:s21+$0x4EC0]  }
0x34d: {  	v43 =	vld [tilespmem:s21+$0x4ED0]  }
0x34e: {  	v44 =	vld [tilespmem:s21+$0x4EE0]  }
0x34f: {  	v45 =	vld [tilespmem:s21+$0x6A80]  }
0x350: {  	v46 =	vld [tilespmem:s21+$0x6A90]  }
0x351: {  	v47 =	vld [tilespmem:s21+$0x6AA0]  }
0x352: {  	v48 =	vld [tilespmem:s21+$0x6AB0]  }
0x353: {  	v49 =	vld [tilespmem:s21+$0x6AC0]  }
0x354: {  	v50 =	vld [tilespmem:s21+$0x6AD0]  }
0x355: {  	v51 =	vld [tilespmem:s21+$0x6AE0]  }
0x356: {  	v52 =	vld [tilespmem:s21+$0x6AF0]  }
0x357: {  	v53 =	vld [tilespmem:s21+$0x6E80]  }
0x358: {  	v54 =	vld [tilespmem:s21+$0x6E90]  }
0x359: {  	v55 =	vld [tilespmem:s21+$0x6EA0]  }
0x35a: {  	v56 =	vld [tilespmem:s21+$0x6EB0]  }
0x35b: {  	v57 =	vld [tilespmem:s21+$0x6EC0]  }
0x35c: {  	v58 =	vld [tilespmem:s21+$0x6ED0]  }
0x35d: {  	v59 =	vld [tilespmem:s21+$0x6EE0]  }
0x35e: {  	v4 =	vld [tilespmem:s21+$0x8AD0]  }
0x35f: {  	v60 =	vld [tilespmem:s21+$0x8A80]  }
0x360: {  	v61 =	vld [tilespmem:s21+$0x8A90]  }
0x361: {  	v62 =	vld [tilespmem:s21+$0x8AA0]  }
0x362: {  	v0 =	vadd.f32 v1, v0;
	v1 =	vld [tilespmem:s21+$0x8EF0]  }
0x363: {  	[tilespmem:$0x1FE00] =	vst v4;
	v4 =	vld [tilespmem:s21+$0x8AE0]  }
0x364: {  	[tilespmem:$0x1FDE0] =	vst v2;
	v2 =	vld [tilespmem:s21+$0xA90];
	v0 =	vadd.f32 v3, v0  }
0x365: {  	v3 =	vld [tilespmem:s21+$0xAEF0]  }
0x366: {  	v63 =	vld [tilespmem:s21+$0x8AB0];
	v0 =	vadd.f32 v5, v0  }
0x367: {  	v5 =	vld [tilespmem:s21+$0xCEF0]  }
0x368: {  	[tilespmem:$0x1FE10] =	vst v4;
	v4 =	vld [tilespmem:s21+$0x8AF0];
	v0 =	vadd.f32 v1, v0  }
0x369: {  	v1 =	vld [tilespmem:s21+$0xAB0]  }
0x36a: {  	[tilespmem:$0x1FDF0] =	vst v2;
	v2 =	vld [tilespmem:s21+$0x8AC0];
	v0 =	vadd.f32 v3, v0  }
0x36b: {  	v3 =	vld [tilespmem:s21+$0xAC0]  }
0x36c: {  	v0 =	vadd.f32 v5, v0;
	v5 =	vld [tilespmem:s21+$0xAD0]  }
0x36d: {  	[tilespmem:$0x1FE20] =	vst v4;
	v4 =	vld [tilespmem:$0x1FDE0]  }
0x36e: {  	v1 =	vadd.f32 v10, v1;
	v10 =	vadd.f32 v14, v13;
	v13 =	vld [tilespmem:s21+$0x8EC0]  }
0x36f: {  	v14 =	vadd.f32 v19, v18;
	v19 =	vld [tilespmem:s21+$0x8EE0]  }
0x370: {  	v18 =	vadd.f32 v25, v24;
	v24 =	vld [tilespmem:s21+$0xAAA0];
	v3 =	vadd.f32 v11, v3  }
0x371: {  	v25 =	vld [tilespmem:s21+$0xAAB0];
	v0 =	vmul.f32 $1.428571490e-01, v0;
	v1 =	vadd.f32 v33, v1;
	v10 =	vadd.f32 v36, v10  }
0x372: {  	v11 =	vld [tilespmem:s21+$0x8EB0];
	v14 =	vadd.f32 v39, v14;
	v18 =	vadd.f32 v42, v18  }
0x373: {  	[tilespmem:s21+$0x1CEF0] =	vst v0;
	v0 =	vld [tilespmem:s21+$0xAF0];
	v4 =	vadd.f32 v4, v6;
	v5 =	vadd.f32 v12, v5  }
0x374: {  	v6 =	vld [tilespmem:s21+$0x8E80];
	v12 =	vadd.f32 v17, v16;
	v17 =	vadd.f32 v23, v22  }
0x375: {  	v16 =	vld [tilespmem:s21+$0x8ED0];
	v3 =	vadd.f32 v34, v3;
	v1 =	vadd.f32 v48, v1  }
0x376: {  	v22 =	vld [tilespmem:s21+$0xAA80];
	v10 =	vadd.f32 v51, v10;
	v14 =	vadd.f32 v54, v14  }
0x377: {  	v23 =	vld [tilespmem:s21+$0xAA90];
	v18 =	vadd.f32 v57, v18;
	v4 =	vadd.f32 v30, v4  }
0x378: {  	v48 =	vld [tilespmem:s21+$0xAEC0];
	v5 =	vadd.f32 v35, v5;
	v12 =	vadd.f32 v38, v12  }
0x379: {  	v51 =	vld [tilespmem:s21+$0xCA80];
	v17 =	vadd.f32 v41, v17;
	v3 =	vadd.f32 v49, v3  }
0x37a: {  	v54 =	vld [tilespmem:$0x1FE00];
	v1 =	vadd.f32 v63, v1;
	v13 =	vadd.f32 v13, v18  }
0x37b: {  	v57 =	vld [tilespmem:s21+$0xCAD0];
	v0 =	vadd.f32 v15, v0;
	v15 =	vadd.f32 v21, v20  }
0x37c: {  	v49 =	vld [tilespmem:s21+$0xAED0];
	v20 =	vadd.f32 v27, v26;
	v21 =	vadd.f32 v29, v28  }
0x37d: {  	v4 =	vadd.f32 v45, v4;
	v5 =	vadd.f32 v50, v5;
	[tilespmem:$0x1FE30] =	vst v6;
	v6 =	vld [tilespmem:$0x1FDF0]  }
0x37e: {  	v26 =	vld [tilespmem:s21+$0xAAC0];
	v12 =	vadd.f32 v53, v12;
	v17 =	vadd.f32 v56, v17  }
0x37f: {  	v27 =	vld [tilespmem:s21+$0xAAD0];
	v2 =	vadd.f32 v2, v3;
	v1 =	vadd.f32 v25, v1  }
0x380: {  	v28 =	vld [tilespmem:s21+$0xAAE0];
	v0 =	vadd.f32 v37, v0;
	v15 =	vadd.f32 v40, v15  }
0x381: {  	v45 =	vld [tilespmem:s21+$0xAE90];
	v20 =	vadd.f32 v43, v20;
	v21 =	vadd.f32 v44, v21  }
0x382: {  	v50 =	vld [tilespmem:s21+$0xAEE0];
	v4 =	vadd.f32 v60, v4;
	v6 =	vadd.f32 v7, v6  }
0x383: {  	v53 =	vld [tilespmem:s21+$0xCAA0];
	v5 =	vadd.f32 v54, v5;
	v11 =	vadd.f32 v11, v17  }
0x384: {  	v56 =	vld [tilespmem:s21+$0xCAC0];
	v7 =	vadd.f32 v9, v8;
	v6 =	vadd.f32 v31, v6  }
0x385: {  	v43 =	vld [tilespmem:s21+$0xAAF0];
	v0 =	vadd.f32 v52, v0;
	v15 =	vadd.f32 v55, v15  }
0x386: {  	v52 =	vld [tilespmem:s21+$0xCA90];
	v7 =	vadd.f32 v32, v7;
	v6 =	vadd.f32 v46, v6  }
0x387: {  	v20 =	vadd.f32 v58, v20;
	v3 =	vadd.f32 v22, v4;
	v4 =	vld [tilespmem:s21+$0xCAB0]  }
0x388: {  	v55 =	vld [tilespmem:$0x1FE10];
	v7 =	vadd.f32 v47, v7;
	v6 =	vadd.f32 v61, v6  }
0x389: {  	v21 =	vadd.f32 v59, v21;
	v58 =	vld [tilespmem:$0x1FE20];
	v3 =	vadd.f32 v51, v3  }
0x38a: {  	v59 =	vld [tilespmem:$0x1FE30];
	v7 =	vadd.f32 v62, v7;
	v6 =	vadd.f32 v23, v6  }
0x38b: {  	v2 =	vadd.f32 v26, v2;
	v8 =	vld [tilespmem:s21+$0x8E90];
	v16 =	vadd.f32 v16, v20  }
0x38c: {  	v9 =	vld [tilespmem:s21+$0x8EA0];
	v3 =	vmul.f32 $1.428571490e-01, v3;
	v7 =	vadd.f32 v24, v7;
	v6 =	vadd.f32 v52, v6  }
0x38d: {  	v44 =	vld [tilespmem:s21+$0xAE80];
	v2 =	vadd.f32 v56, v2;
	v10 =	vadd.f32 v55, v10  }
0x38e: {  	v60 =	vld [tilespmem:s21+$0xCAE0];
	v0 =	vadd.f32 v58, v0;
	[tilespmem:s21+$0x1CA80] =	vst v3;
	v7 =	vadd.f32 v53, v7;
	v3 =	vmul.f32 $1.428571490e-01, v6  }
0x38f: {  	v12 =	vadd.f32 v59, v12;
	v1 =	vadd.f32 v4, v1;
	v46 =	vld [tilespmem:s21+$0xAEA0]  }
0x390: {  	v4 =	vadd.f32 v27, v5;
	v47 =	vld [tilespmem:s21+$0xAEB0];
	v8 =	vadd.f32 v8, v14;
	[tilespmem:s21+$0x1CA90] =	vst v3;
	v3 =	vmul.f32 $1.428571490e-01, v7  }
0x391: {  	v9 =	vadd.f32 v9, v15;
	v0 =	vadd.f32 v43, v0;
	v61 =	vld [tilespmem:s21+$0xCAF0]  }
0x392: {  	v14 =	vld [tilespmem:s21+$0xCE80];
	v1 =	vmul.f32 $1.428571490e-01, v1;
	v62 =	vadd.f32 v19, v21;
	[tilespmem:s21+$0x1CAA0] =	vst v3;
	v3 =	vadd.f32 v28, v10  }
0x393: {  	v15 =	vld [tilespmem:s21+$0xCE90];
	v10 =	vadd.f32 v44, v12;
	v12 =	vadd.f32 v57, v4  }
0x394: {  	[tilespmem:s21+$0x1CAB0] =	vst v1;
	v1 =	vmul.f32 $1.428571490e-01, v2;
	v63 =	vadd.f32 v45, v8;
	v2 =	vadd.f32 v49, v16;
	v6 =	vld [tilespmem:s21+$0xCEA0]  }
0x395: {  	v7 =	vld [tilespmem:s21+$0xCEB0];
	v4 =	vadd.f32 v47, v11;
	v11 =	vadd.f32 v60, v3;
	v12 =	vmul.f32 $1.428571490e-01, v12  }
0x396: {  	s23 =	simm.s32 $0x100;
	s22 =	simm.s32 $0x80;
	v8 =	vld [tilespmem:s21+$0xCEC0];
	v5 =	vadd.f32 v46, v9;
	[tilespmem:s21+$0x1CAC0] =	vst v1;
	v0 =	vadd.f32 v61, v0  }
0x397: {  	s23 =	sand.u32 $0x1800, s23;
	s24 =	sand.u32 $0x380, s22;
	v9 =	vld [tilespmem:s21+$0xCED0];
	v1 =	vadd.f32 v50, v62;
	v11 =	vmul.f32 $1.428571490e-01, v11;
	[tilespmem:s21+$0x1CAD0] =	vst v12;
	v12 =	vadd.f32 v14, v10  }
0x398: {  	s24 =	sor.u32 s24, s23;
	s23 =	simm.s32 $0x200;
	v3 =	vadd.f32 v48, v13;
	v13 =	vadd.f32 v15, v63;
	v14 =	vmul.f32 $1.428571490e-01, v0;
	v10 =	vld [tilespmem:s21+$0xCEE0]  }
.LBB2_9:
0x399: {  	p1 =	sne.s32 s23, $0x1F00;
	v0 =	vld [tilespmem:s24+$0xEF0];
	[tilespmem:s21+$0x1CAE0] =	vst v11;
	v11 =	vmul.f32 $1.428571490e-01, v12;
	v5 =	vadd.f32 v6, v5  }
0x39a: {  	v6 =	vld [tilespmem:s24+$0x2EF0];
	[tilespmem:s21+$0x1CAF0] =	vst v14;
	v12 =	vmul.f32 $1.428571490e-01, v13;
	v4 =	vadd.f32 v7, v4  }
0x39b: {  	v7 =	vld [tilespmem:s24+$0xA80];
	[tilespmem:s21+$0x1CE80] =	vst v11;
	v5 =	vmul.f32 $1.428571490e-01, v5;
	v3 =	vadd.f32 v8, v3  }
0x39c: {  	v8 =	vld [tilespmem:s24+$0x4EF0];
	[tilespmem:s21+$0x1CE90] =	vst v12;
	v4 =	vmul.f32 $1.428571490e-01, v4;
	v2 =	vadd.f32 v9, v2  }
0x39d: {  	v9 =	vld [tilespmem:s24+$0x2A80];
	[tilespmem:s21+$0x1CEA0] =	vst v5;
	v3 =	vmul.f32 $1.428571490e-01, v3;
	v1 =	vadd.f32 v10, v1  }
0x39e: {  	v5 =	vld [tilespmem:s24+$0x6EF0];
	[tilespmem:s21+$0x1CEB0] =	vst v4;
	v2 =	vmul.f32 $1.428571490e-01, v2  }
0x39f: {  	v4 =	vld [tilespmem:s24+$0xA90];
	v0 =	vadd.f32 v6, v0;
	[tilespmem:s21+$0x1CEC0] =	vst v3;
	v1 =	vmul.f32 $1.428571490e-01, v1  }
0x3a0: {  	v3 =	vld [tilespmem:s24+$0x8EF0];
	[tilespmem:s21+$0x1CED0] =	vst v2  }
0x3a1: {  	v2 =	vld [tilespmem:s24+$0x2A90];
	v0 =	vadd.f32 v8, v0;
	[tilespmem:s21+$0x1CEE0] =	vst v1;
	s21 =	smov.u32 s24  }
0x3a2: {  	v1 =	vadd.f32 v9, v7;
	v6 =	vld [tilespmem:s21+$0xAEF0]  }
0x3a3: {  	v7 =	vld [tilespmem:s21+$0xAA0];
	v0 =	vadd.f32 v5, v0  }
0x3a4: {  	v5 =	vld [tilespmem:s21+$0xCEF0]  }
0x3a5: {  	v8 =	vld [tilespmem:s21+$0x2AA0];
	v0 =	vadd.f32 v3, v0  }
0x3a6: {  	v2 =	vadd.f32 v2, v4;
	v3 =	vld [tilespmem:s21+$0xAB0]  }
0x3a7: {  	v4 =	vld [tilespmem:s21+$0x2AB0];
	v0 =	vadd.f32 v6, v0  }
0x3a8: {  	v6 =	vld [tilespmem:s21+$0xAC0]  }
0x3a9: {  	v9 =	vld [tilespmem:s21+$0x2AC0];
	v0 =	vadd.f32 v5, v0  }
0x3aa: {  	v5 =	vadd.f32 v8, v7;
	v7 =	vld [tilespmem:s21+$0xAD0]  }
0x3ab: {  	v8 =	vld [tilespmem:s21+$0x2AD0];
	v0 =	vmul.f32 $1.428571490e-01, v0  }
0x3ac: {  	v3 =	vadd.f32 v4, v3;
	v4 =	vld [tilespmem:s21+$0xAE0]  }
0x3ad: {  	v10 =	vld [tilespmem:s21+$0x2AE0];
	[tilespmem:s21+$0x1CEF0] =	vst v0  }
0x3ae: {  	v0 =	vadd.f32 v9, v6;
	v6 =	vld [tilespmem:s21+$0xAF0]  }
0x3af: {  	v9 =	vld [tilespmem:s21+$0x2AF0]  }
0x3b0: {  	v7 =	vadd.f32 v8, v7;
	v8 =	vld [tilespmem:s21+$0xE80]  }
0x3b1: {  	v11 =	vld [tilespmem:s21+$0x2E80]  }
0x3b2: {  	v4 =	vadd.f32 v10, v4;
	v10 =	vld [tilespmem:s21+$0xE90]  }
0x3b3: {  	v12 =	vld [tilespmem:s21+$0x2E90]  }
0x3b4: {  	v6 =	vadd.f32 v9, v6;
	v9 =	vld [tilespmem:s21+$0xEA0]  }
0x3b5: {  	v13 =	vld [tilespmem:s21+$0x2EA0]  }
0x3b6: {  	v8 =	vadd.f32 v11, v8;
	v11 =	vld [tilespmem:s21+$0xEB0]  }
0x3b7: {  	v14 =	vld [tilespmem:s21+$0x2EB0]  }
0x3b8: {  	v10 =	vadd.f32 v12, v10;
	v12 =	vld [tilespmem:s21+$0xEC0]  }
0x3b9: {  	v15 =	vld [tilespmem:s21+$0x2EC0]  }
0x3ba: {  	v9 =	vadd.f32 v13, v9;
	v13 =	vld [tilespmem:s21+$0xED0]  }
0x3bb: {  	v16 =	vld [tilespmem:s21+$0x2ED0]  }
0x3bc: {  	v11 =	vadd.f32 v14, v11;
	v14 =	vld [tilespmem:s21+$0xEE0]  }
0x3bd: {  	v17 =	vld [tilespmem:s21+$0x2EE0]  }
0x3be: {  	v18 =	vld [tilespmem:s21+$0x4A80];
	v12 =	vadd.f32 v15, v12  }
0x3bf: {  	v15 =	vld [tilespmem:s21+$0x4A90]  }
0x3c0: {  	v19 =	vld [tilespmem:s21+$0x4AA0];
	v13 =	vadd.f32 v16, v13  }
0x3c1: {  	v16 =	vld [tilespmem:s21+$0x4AB0]  }
0x3c2: {  	v20 =	vld [tilespmem:s21+$0x4AC0];
	v14 =	vadd.f32 v17, v14  }
0x3c3: {  	v1 =	vadd.f32 v18, v1;
	v17 =	vld [tilespmem:s21+$0x4AD0]  }
0x3c4: {  	v2 =	vadd.f32 v15, v2;
	v15 =	vld [tilespmem:s21+$0x4AE0]  }
0x3c5: {  	v5 =	vadd.f32 v19, v5;
	v18 =	vld [tilespmem:s21+$0x4AF0]  }
0x3c6: {  	v3 =	vadd.f32 v16, v3;
	v16 =	vld [tilespmem:s21+$0x4E80]  }
0x3c7: {  	v0 =	vadd.f32 v20, v0;
	v19 =	vld [tilespmem:s21+$0x4E90]  }
0x3c8: {  	v7 =	vadd.f32 v17, v7;
	v17 =	vld [tilespmem:s21+$0x4EA0]  }
0x3c9: {  	v4 =	vadd.f32 v15, v4;
	v15 =	vld [tilespmem:s21+$0x4EB0]  }
0x3ca: {  	v6 =	vadd.f32 v18, v6;
	v18 =	vld [tilespmem:s21+$0x4EC0]  }
0x3cb: {  	v8 =	vadd.f32 v16, v8;
	v16 =	vld [tilespmem:s21+$0x4ED0]  }
0x3cc: {  	v10 =	vadd.f32 v19, v10;
	v19 =	vld [tilespmem:s21+$0x4EE0]  }
0x3cd: {  	v20 =	vld [tilespmem:s21+$0x6A80];
	v9 =	vadd.f32 v17, v9  }
0x3ce: {  	v17 =	vld [tilespmem:s21+$0x6A90];
	v11 =	vadd.f32 v15, v11  }
0x3cf: {  	v15 =	vld [tilespmem:s21+$0x6AA0];
	v12 =	vadd.f32 v18, v12  }
0x3d0: {  	v18 =	vld [tilespmem:s21+$0x6AB0];
	v13 =	vadd.f32 v16, v13  }
0x3d1: {  	v16 =	vld [tilespmem:s21+$0x6AC0];
	v14 =	vadd.f32 v19, v14  }
0x3d2: {  	v1 =	vadd.f32 v20, v1;
	v19 =	vld [tilespmem:s21+$0x6AD0]  }
0x3d3: {  	v2 =	vadd.f32 v17, v2;
	v17 =	vld [tilespmem:s21+$0x6AE0]  }
0x3d4: {  	v5 =	vadd.f32 v15, v5;
	v15 =	vld [tilespmem:s21+$0x6AF0]  }
0x3d5: {  	v3 =	vadd.f32 v18, v3;
	v18 =	vld [tilespmem:s21+$0x6E80]  }
0x3d6: {  	v0 =	vadd.f32 v16, v0;
	v16 =	vld [tilespmem:s21+$0x6E90]  }
0x3d7: {  	v7 =	vadd.f32 v19, v7;
	v19 =	vld [tilespmem:s21+$0x6EA0]  }
0x3d8: {  	v4 =	vadd.f32 v17, v4;
	v17 =	vld [tilespmem:s21+$0x6EB0]  }
0x3d9: {  	v6 =	vadd.f32 v15, v6;
	v15 =	vld [tilespmem:s21+$0x6EC0]  }
0x3da: {  	v8 =	vadd.f32 v18, v8;
	v18 =	vld [tilespmem:s21+$0x6ED0]  }
0x3db: {  	v10 =	vadd.f32 v16, v10;
	v16 =	vld [tilespmem:s21+$0x6EE0]  }
0x3dc: {  	v20 =	vld [tilespmem:s21+$0x8A80];
	v9 =	vadd.f32 v19, v9  }
0x3dd: {  	v19 =	vld [tilespmem:s21+$0x8A90];
	v11 =	vadd.f32 v17, v11  }
0x3de: {  	v17 =	vld [tilespmem:s21+$0x8AA0];
	v12 =	vadd.f32 v15, v12  }
0x3df: {  	v15 =	vld [tilespmem:s21+$0x8AB0];
	v13 =	vadd.f32 v18, v13  }
0x3e0: {  	v18 =	vld [tilespmem:s21+$0x8AC0];
	v14 =	vadd.f32 v16, v14  }
0x3e1: {  	v1 =	vadd.f32 v20, v1;
	v16 =	vld [tilespmem:s21+$0x8AD0]  }
0x3e2: {  	v2 =	vadd.f32 v19, v2;
	v19 =	vld [tilespmem:s21+$0x8AE0]  }
0x3e3: {  	v5 =	vadd.f32 v17, v5;
	v17 =	vld [tilespmem:s21+$0x8AF0]  }
0x3e4: {  	v3 =	vadd.f32 v15, v3;
	v15 =	vld [tilespmem:s21+$0x8E80]  }
0x3e5: {  	v0 =	vadd.f32 v18, v0;
	v18 =	vld [tilespmem:s21+$0x8E90]  }
0x3e6: {  	v7 =	vadd.f32 v16, v7;
	v16 =	vld [tilespmem:s21+$0x8EA0]  }
0x3e7: {  	v4 =	vadd.f32 v19, v4;
	v19 =	vld [tilespmem:s21+$0x8EB0]  }
0x3e8: {  	v6 =	vadd.f32 v17, v6;
	v17 =	vld [tilespmem:s21+$0x8EC0]  }
0x3e9: {  	v8 =	vadd.f32 v15, v8;
	v15 =	vld [tilespmem:s21+$0x8ED0]  }
0x3ea: {  	v10 =	vadd.f32 v18, v10;
	v18 =	vld [tilespmem:s21+$0x8EE0]  }
0x3eb: {  	v20 =	vld [tilespmem:s21+$0xAA80];
	v9 =	vadd.f32 v16, v9  }
0x3ec: {  	v16 =	vld [tilespmem:s21+$0xAA90];
	v11 =	vadd.f32 v19, v11  }
0x3ed: {  	v19 =	vld [tilespmem:s21+$0xAAA0];
	v12 =	vadd.f32 v17, v12  }
0x3ee: {  	v17 =	vld [tilespmem:s21+$0xAAB0];
	v13 =	vadd.f32 v15, v13  }
0x3ef: {  	v15 =	vld [tilespmem:s21+$0xAAC0];
	v14 =	vadd.f32 v18, v14  }
0x3f0: {  	v18 =	vadd.f32 v20, v1;
	v1 =	vld [tilespmem:s21+$0xAAD0]  }
0x3f1: {  	v16 =	vadd.f32 v16, v2;
	v2 =	vld [tilespmem:s21+$0xAAE0]  }
0x3f2: {  	v19 =	vadd.f32 v19, v5;
	v5 =	vld [tilespmem:s21+$0xAAF0]  }
0x3f3: {  	v17 =	vadd.f32 v17, v3;
	v3 =	vld [tilespmem:s21+$0xAE80]  }
0x3f4: {  	v0 =	vadd.f32 v15, v0;
	v15 =	vld [tilespmem:s21+$0xAE90]  }
0x3f5: {  	v7 =	vadd.f32 v1, v7;
	v1 =	vld [tilespmem:s21+$0xAEA0]  }
0x3f6: {  	v20 =	vadd.f32 v2, v4;
	v2 =	vld [tilespmem:s21+$0xAEB0]  }
0x3f7: {  	v21 =	vadd.f32 v5, v6;
	v6 =	vld [tilespmem:s21+$0xAEC0]  }
0x3f8: {  	v22 =	vadd.f32 v3, v8;
	v8 =	vld [tilespmem:s21+$0xAED0]  }
0x3f9: {  	v10 =	vadd.f32 v15, v10;
	v15 =	vld [tilespmem:s21+$0xAEE0]  }
0x3fa: {  	v23 =	vld [tilespmem:s21+$0xCA80];
	v5 =	vadd.f32 v1, v9  }
0x3fb: {  	v9 =	vld [tilespmem:s21+$0xCA90];
	v4 =	vadd.f32 v2, v11  }
0x3fc: {  	v11 =	vld [tilespmem:s21+$0xCAA0];
	v3 =	vadd.f32 v6, v12  }
0x3fd: {  	v6 =	vld [tilespmem:s21+$0xCAB0];
	v2 =	vadd.f32 v8, v13  }
0x3fe: {  	v8 =	vld [tilespmem:s21+$0xCAC0];
	v1 =	vadd.f32 v15, v14  }
0x3ff: {  	v12 =	vadd.f32 v23, v18;
	v13 =	vld [tilespmem:s21+$0xCAD0]  }
0x400: {  	v9 =	vadd.f32 v9, v16;
	v14 =	vld [tilespmem:s21+$0xCAE0]  }
0x401: {  	v12 =	vmul.f32 $1.428571490e-01, v12;
	v11 =	vadd.f32 v11, v19;
	v15 =	vld [tilespmem:s21+$0xCAF0]  }
0x402: {  	v9 =	vmul.f32 $1.428571490e-01, v9;
	v6 =	vadd.f32 v6, v17;
	v16 =	vld [tilespmem:s21+$0xCE80]  }
0x403: {  	[tilespmem:s21+$0x1CA80] =	vst v12;
	v11 =	vmul.f32 $1.428571490e-01, v11;
	v0 =	vadd.f32 v8, v0;
	v17 =	vld [tilespmem:s21+$0xCE90]  }
.Ltmp6:
0x404: {  	[tilespmem:s21+$0x1CA90] =	vst v9;
	v8 =	vmul.f32 $1.428571490e-01, v6;
	v9 =	vadd.f32 v13, v7;
	v6 =	vld [tilespmem:s21+$0xCEA0];
	(pc) =	sbr.rel @p1 .LBB2_9-.Ltmp6, $4  }
0x405: {  	[tilespmem:s21+$0x1CAA0] =	vst v11;
	v0 =	vmul.f32 $1.428571490e-01, v0;
	v11 =	vadd.f32 v14, v20;
	v7 =	vld [tilespmem:s21+$0xCEB0]  }
0x406: {  	s22 =	sadd.s32 $0x80, s22;
	[tilespmem:s21+$0x1CAB0] =	vst v8;
	v13 =	vmul.f32 $1.428571490e-01, v9;
	v14 =	vadd.f32 v15, v21;
	v8 =	vld [tilespmem:s21+$0xCEC0]  }
0x407: {  	s25 =	sand.u32 $0x380, s22;
	s24 =	sand.u32 $0x1800, s23;
	[tilespmem:s21+$0x1CAC0] =	vst v0;
	v11 =	vmul.f32 $1.428571490e-01, v11;
	v12 =	vadd.f32 v16, v22;
	v9 =	vld [tilespmem:s21+$0xCED0]  }
0x408: {  	s23 =	sadd.s32 $0x100, s23;
	s24 =	sor.u32 s25, s24;
	[tilespmem:s21+$0x1CAD0] =	vst v13;
	v14 =	vmul.f32 $1.428571490e-01, v14;
	v13 =	vadd.f32 v17, v10;
	v10 =	vld [tilespmem:s21+$0xCEE0]  }
0x409: {  	v0 =	vld [tilespmem:s24+$0xEF0];
	[tilespmem:s21+$0x1CAE0] =	vst v11;
	v12 =	vmul.f32 $1.428571490e-01, v12;
	v5 =	vadd.f32 v6, v5  }
0x40a: {  	v11 =	vld [tilespmem:s24+$0x2EF0];
	[tilespmem:s21+$0x1CAF0] =	vst v14;
	v51 =	vmul.f32 $1.428571490e-01, v13;
	v4 =	vadd.f32 v7, v4  }
0x40b: {  	v14 =	vld [tilespmem:s24+$0xA80];
	[tilespmem:s21+$0x1CE80] =	vst v12;
	v5 =	vmul.f32 $1.428571490e-01, v5  }
0x40c: {  	v12 =	vld [tilespmem:s24+$0x4EF0];
	[tilespmem:s21+$0x1CE90] =	vst v51;
	v4 =	vmul.f32 $1.428571490e-01, v4  }
0x40d: {  	v6 =	vld [tilespmem:s24+$0x2A80];
	[tilespmem:s21+$0x1CEA0] =	vst v5  }
0x40e: {  	v3 =	vadd.f32 v8, v3;
	v5 =	vld [tilespmem:s24+$0x6EF0];
	[tilespmem:s21+$0x1CEB0] =	vst v4  }
0x40f: {  	v2 =	vadd.f32 v9, v2;
	v4 =	vld [tilespmem:s24+$0xA90]  }
0x410: {  	v3 =	vmul.f32 $1.428571490e-01, v3  }
0x411: {  	v1 =	vadd.f32 v10, v1;
	v2 =	vmul.f32 $1.428571490e-01, v2  }
0x412: {  	[tilespmem:s21+$0x1CEC0] =	vst v3  }
0x413: {  	v1 =	vmul.f32 $1.428571490e-01, v1;
	v3 =	vld [tilespmem:s24+$0x8EF0];
	[tilespmem:s21+$0x1CED0] =	vst v2  }
0x414: {  	v0 =	vadd.f32 v11, v0;
	[tilespmem:$0x1FD70] =	vst v4  }
0x415: {  	v4 =	vld [tilespmem:s24+$0x2A90];
	[tilespmem:s21+$0x1CEE0] =	vst v1  }
0x416: {  	v0 =	vadd.f32 v12, v0;
	v1 =	vld [tilespmem:s24+$0xAEF0]  }
0x417: {  	v7 =	vld [tilespmem:s24+$0xAA0]  }
0x418: {  	v0 =	vadd.f32 v5, v0;
	v52 =	vld [tilespmem:s24+$0xCEF0]  }
0x419: {  	v8 =	vld [tilespmem:s24+$0x2AA0]  }
0x41a: {  	v0 =	vadd.f32 v3, v0;
	v3 =	vld [tilespmem:s24+$0xAB0]  }
0x41b: {  	v9 =	vld [tilespmem:s24+$0x2AB0]  }
0x41c: {  	v2 =	vld [tilespmem:s24+$0xAC0]  }
0x41d: {  	v10 =	vld [tilespmem:s24+$0x2AC0]  }
0x41e: {  	v5 =	vld [tilespmem:s24+$0xAD0]  }
0x41f: {  	v11 =	vld [tilespmem:s24+$0x2AD0]  }
0x420: {  	v12 =	vld [tilespmem:s24+$0xAE0]  }
0x421: {  	v13 =	vld [tilespmem:s24+$0x2AE0]  }
0x422: {  	v15 =	vld [tilespmem:s24+$0x2AF0]  }
0x423: {  	v16 =	vld [tilespmem:s24+$0xE80]  }
0x424: {  	v17 =	vld [tilespmem:s24+$0x2E80]  }
0x425: {  	v18 =	vld [tilespmem:s24+$0xE90]  }
0x426: {  	v19 =	vld [tilespmem:s24+$0x2E90]  }
0x427: {  	v20 =	vld [tilespmem:s24+$0xEA0]  }
0x428: {  	v21 =	vld [tilespmem:s24+$0x2EA0]  }
0x429: {  	v22 =	vld [tilespmem:s24+$0xEB0]  }
0x42a: {  	v23 =	vld [tilespmem:s24+$0x2EB0]  }
0x42b: {  	v24 =	vld [tilespmem:s24+$0xEC0]  }
0x42c: {  	v25 =	vld [tilespmem:s24+$0x2EC0]  }
0x42d: {  	v26 =	vld [tilespmem:s24+$0xED0]  }
0x42e: {  	v27 =	vld [tilespmem:s24+$0x2ED0]  }
0x42f: {  	v28 =	vld [tilespmem:s24+$0xEE0]  }
0x430: {  	v29 =	vld [tilespmem:s24+$0x2EE0]  }
0x431: {  	v30 =	vld [tilespmem:s24+$0x4A80]  }
0x432: {  	v31 =	vld [tilespmem:s24+$0x4A90]  }
0x433: {  	v32 =	vld [tilespmem:s24+$0x4AA0]  }
0x434: {  	v33 =	vld [tilespmem:s24+$0x4AB0]  }
0x435: {  	v34 =	vld [tilespmem:s24+$0x4AC0]  }
0x436: {  	v35 =	vld [tilespmem:s24+$0x4AD0]  }
0x437: {  	v36 =	vld [tilespmem:s24+$0x4AE0]  }
0x438: {  	v37 =	vld [tilespmem:s24+$0x4AF0]  }
0x439: {  	v38 =	vld [tilespmem:s24+$0x4E80]  }
0x43a: {  	v39 =	vld [tilespmem:s24+$0x4E90]  }
0x43b: {  	v40 =	vld [tilespmem:s24+$0x4EA0]  }
0x43c: {  	v41 =	vld [tilespmem:s24+$0x4EB0]  }
0x43d: {  	v42 =	vld [tilespmem:s24+$0x4EC0]  }
0x43e: {  	v43 =	vld [tilespmem:s24+$0x4ED0]  }
0x43f: {  	v44 =	vld [tilespmem:s24+$0x4EE0]  }
0x440: {  	v45 =	vld [tilespmem:s24+$0x6A80]  }
0x441: {  	v46 =	vld [tilespmem:s24+$0x6A90]  }
0x442: {  	v47 =	vld [tilespmem:s24+$0x6AA0]  }
0x443: {  	v48 =	vld [tilespmem:s24+$0x6AB0]  }
0x444: {  	v49 =	vld [tilespmem:s24+$0x6AC0]  }
0x445: {  	v50 =	vld [tilespmem:s24+$0x6AD0]  }
0x446: {  	v51 =	vld [tilespmem:s24+$0x6AE0]  }
0x447: {  	v53 =	vld [tilespmem:s24+$0x6E80]  }
0x448: {  	v54 =	vld [tilespmem:s24+$0x6E90]  }
0x449: {  	v55 =	vld [tilespmem:s24+$0x6EA0]  }
0x44a: {  	v56 =	vld [tilespmem:s24+$0x6EB0]  }
0x44b: {  	v57 =	vld [tilespmem:s24+$0x6EC0]  }
0x44c: {  	v58 =	vld [tilespmem:s24+$0x6ED0]  }
0x44d: {  	v59 =	vld [tilespmem:s24+$0x6EE0]  }
0x44e: {  	v60 =	vld [tilespmem:s24+$0x8A80];
	v0 =	vadd.f32 v1, v0  }
0x44f: {  	v61 =	vld [tilespmem:s24+$0x8A90]  }
0x450: {  	v62 =	vld [tilespmem:s24+$0x8AA0];
	v0 =	vadd.f32 v52, v0  }
0x451: {  	v63 =	vld [tilespmem:s24+$0x8AB0]  }
0x452: {  	[tilespmem:$0x1FD60] =	vst v14;
	v14 =	vld [tilespmem:s24+$0x8AC0];
	v0 =	vmul.f32 $1.428571490e-01, v0  }
0x453: {  	v1 =	vld [tilespmem:s24+$0xAF0]  }
0x454: {  	[tilespmem:s24+$0x1CEF0] =	vst v0;
	v0 =	vld [tilespmem:s24+$0x8AD0]  }
0x455: {  	v7 =	vadd.f32 v8, v7;
	v8 =	vld [tilespmem:s24+$0x8EB0]  }
0x456: {  	v3 =	vadd.f32 v9, v3;
	v9 =	vld [tilespmem:s24+$0x8EC0]  }
0x457: {  	v2 =	vadd.f32 v10, v2;
	v5 =	vadd.f32 v11, v5;
	v11 =	vld [tilespmem:s24+$0x8ED0]  }
0x458: {  	v10 =	vadd.f32 v13, v12;
	v13 =	vadd.f32 v19, v18;
	v18 =	vld [tilespmem:s24+$0xAA80]  }
0x459: {  	[tilespmem:$0x1FD80] =	vst v0;
	v0 =	vld [tilespmem:s24+$0x8AE0]  }
0x45a: {  	v12 =	vadd.f32 v17, v16;
	v16 =	vadd.f32 v21, v20;
	v21 =	vld [tilespmem:s24+$0xAA90]  }
0x45b: {  	v17 =	vadd.f32 v23, v22;
	v23 =	vld [tilespmem:s24+$0xAAA0]  }
0x45c: {  	v19 =	vadd.f32 v25, v24;
	v24 =	vld [tilespmem:s24+$0xAAB0]  }
0x45d: {  	v25 =	vld [tilespmem:s24+$0xAAC0]  }
0x45e: {  	[tilespmem:$0x1FD90] =	vst v0;
	v0 =	vld [tilespmem:s24+$0x8AF0]  }
0x45f: {  	v20 =	vadd.f32 v27, v26;
	v26 =	vld [tilespmem:s24+$0xAAD0]  }
0x460: {  	v27 =	vld [tilespmem:s24+$0xAAE0]  }
0x461: {  	v22 =	vadd.f32 v29, v28;
	v28 =	vld [tilespmem:s24+$0xAAF0];
	v7 =	vadd.f32 v32, v7  }
0x462: {  	v29 =	vld [tilespmem:s24+$0xAE80];
	v3 =	vadd.f32 v33, v3;
	v2 =	vadd.f32 v34, v2  }
0x463: {  	v5 =	vadd.f32 v35, v5;
	v10 =	vadd.f32 v36, v10;
	[tilespmem:$0x1FDA0] =	vst v0;
	v0 =	vld [tilespmem:s24+$0x8E80]  }
0x464: {  	v52 =	vld [tilespmem:s24+$0x6AF0];
	v12 =	vadd.f32 v38, v12;
	v13 =	vadd.f32 v39, v13  }
0x465: {  	v16 =	vadd.f32 v40, v16;
	v17 =	vadd.f32 v41, v17;
	v32 =	vld [tilespmem:s24+$0xAEB0]  }
0x466: {  	v19 =	vadd.f32 v42, v19;
	v20 =	vadd.f32 v43, v20;
	v33 =	vld [tilespmem:s24+$0xAEC0]  }
0x467: {  	v22 =	vadd.f32 v44, v22;
	v34 =	vld [tilespmem:s24+$0xAED0];
	v7 =	vadd.f32 v47, v7  }
0x468: {  	v3 =	vadd.f32 v48, v3;
	v2 =	vadd.f32 v49, v2;
	[tilespmem:$0x1FDB0] =	vst v0;
	v0 =	vld [tilespmem:s24+$0x8E90]  }
0x469: {  	v35 =	vld [tilespmem:s24+$0xAEE0];
	v5 =	vadd.f32 v50, v5;
	v10 =	vadd.f32 v51, v10  }
0x46a: {  	v44 =	vld [tilespmem:s24+$0xCEA0];
	v12 =	vadd.f32 v53, v12;
	v13 =	vadd.f32 v54, v13  }
0x46b: {  	v16 =	vadd.f32 v55, v16;
	v17 =	vadd.f32 v56, v17;
	v56 =	vld [tilespmem:s24+$0xCAB0]  }
0x46c: {  	v19 =	vadd.f32 v57, v19;
	v20 =	vadd.f32 v58, v20;
	v57 =	vld [tilespmem:s24+$0xCAC0]  }
0x46d: {  	v22 =	vadd.f32 v59, v22;
	v1 =	vadd.f32 v15, v1;
	[tilespmem:$0x1FDC0] =	vst v0;
	v0 =	vld [tilespmem:$0x1FD60]  }
0x46e: {  	v15 =	vld [tilespmem:s24+$0x8EE0];
	v7 =	vadd.f32 v62, v7;
	v3 =	vadd.f32 v63, v3  }
0x46f: {  	v2 =	vadd.f32 v14, v2;
	v8 =	vadd.f32 v8, v17;
	v59 =	vld [tilespmem:$0x1FD80]  }
0x470: {  	v55 =	vld [tilespmem:s24+$0xCAA0];
	v47 =	vadd.f32 v11, v20;
	v1 =	vadd.f32 v37, v1  }
0x471: {  	v53 =	vld [tilespmem:s24+$0xCA80];
	v3 =	vadd.f32 v24, v3;
	v2 =	vadd.f32 v25, v2  }
0x472: {  	v7 =	vadd.f32 v23, v7;
	v0 =	vadd.f32 v6, v0;
	v6 =	vld [tilespmem:$0x1FD70]  }
0x473: {  	v3 =	vadd.f32 v56, v3;
	v2 =	vadd.f32 v57, v2;
	v56 =	vld [tilespmem:s24+$0xCEE0]  }
0x474: {  	v58 =	vld [tilespmem:s24+$0xCAD0];
	v50 =	vadd.f32 v15, v22;
	v5 =	vadd.f32 v59, v5  }
0x475: {  	v1 =	vadd.f32 v52, v1;
	v7 =	vadd.f32 v55, v7;
	v62 =	vld [tilespmem:$0x1FD90]  }
0x476: {  	v54 =	vld [tilespmem:s24+$0xCA90];
	v49 =	vmul.f32 $1.428571490e-01, v2;
	v2 =	vadd.f32 v35, v50;
	v5 =	vadd.f32 v26, v5  }
0x477: {  	v0 =	vadd.f32 v30, v0;
	v4 =	vadd.f32 v4, v6;
	v6 =	vld [tilespmem:s24+$0x8EA0]  }
0x478: {  	v48 =	vld [tilespmem:s24+$0xCEB0];
	v55 =	vadd.f32 v32, v8;
	v2 =	vadd.f32 v56, v2  }
0x479: {  	v5 =	vadd.f32 v58, v5;
	v63 =	vld [tilespmem:$0x1FDA0];
	v0 =	vadd.f32 v45, v0  }
0x47a: {  	v51 =	vld [tilespmem:s24+$0xCEC0];
	v10 =	vadd.f32 v62, v10;
	v4 =	vadd.f32 v31, v4  }
0x47b: {  	v58 =	vadd.f32 v34, v47;
	v38 =	vld [tilespmem:$0x1FDB0];
	v0 =	vadd.f32 v60, v0  }
0x47c: {  	v10 =	vadd.f32 v27, v10;
	v60 =	vld [tilespmem:s24+$0xCAE0];
	v4 =	vadd.f32 v46, v4;
	[tilespmem:$0x1FDD0] =	vst v6  }
0x47d: {  	v42 =	vmul.f32 $1.428571490e-01, v7;
	v0 =	vadd.f32 v18, v0;
	v46 =	vadd.f32 v9, v19;
	v43 =	vld [tilespmem:$0x1FDD0]  }
0x47e: {  	v52 =	vmul.f32 $1.428571490e-01, v5;
	v1 =	vadd.f32 v63, v1;
	v40 =	vld [tilespmem:$0x1FDC0];
	v4 =	vadd.f32 v61, v4  }
0x47f: {  	[tilespmem:s24+$0x1CAA0] =	vst v42;
	v45 =	vmul.f32 $1.428571490e-01, v3;
	v31 =	vld [tilespmem:s24+$0xAEA0];
	v0 =	vadd.f32 v53, v0;
	v3 =	vadd.f32 v33, v46  }
0x480: {  	[tilespmem:s24+$0x1CAC0] =	vst v49;
	v63 =	vmul.f32 $1.428571490e-01, v2;
	v1 =	vadd.f32 v28, v1;
	v61 =	vld [tilespmem:s24+$0xCAF0];
	v4 =	vadd.f32 v21, v4  }
0x481: {  	[tilespmem:s24+$0x1CAD0] =	vst v52;
	v30 =	vld [tilespmem:s24+$0xAE90];
	v6 =	vadd.f32 v60, v10;
	v0 =	vmul.f32 $1.428571490e-01, v0;
	v3 =	vadd.f32 v51, v3  }
0x482: {  	[tilespmem:s24+$0x1CEE0] =	vst v63;
	v4 =	vadd.f32 v54, v4;
	v54 =	vld [tilespmem:s24+$0xCED0];
	v7 =	vadd.f32 v43, v16  }
0x483: {  	v36 =	vld [tilespmem:s24+$0xCE80];
	v6 =	vmul.f32 $1.428571490e-01, v6;
	[tilespmem:s24+$0x1CA80] =	vst v0;
	v0 =	vadd.f32 v48, v55;
	v3 =	vmul.f32 $1.428571490e-01, v3  }
0x484: {  	v41 =	vld [tilespmem:s24+$0xCE90];
	[tilespmem:s24+$0x1CAB0] =	vst v45;
	v37 =	vmul.f32 $1.428571490e-01, v4;
	v4 =	vadd.f32 v38, v12;
	v7 =	vadd.f32 v31, v7  }
0x485: {  	[tilespmem:s24+$0x1CAE0] =	vst v6;
	v1 =	vadd.f32 v61, v1;
	v0 =	vmul.f32 $1.428571490e-01, v0;
	v12 =	vadd.f32 v40, v13  }
0x486: {  	[tilespmem:s24+$0x1CEC0] =	vst v3;
	v4 =	vadd.f32 v29, v4;
	v57 =	vadd.f32 v44, v7  }
0x487: {  	v1 =	vmul.f32 $1.428571490e-01, v1;
	[tilespmem:s24+$0x1CEB0] =	vst v0;
	v53 =	vadd.f32 v30, v12;
	v61 =	vadd.f32 v54, v58  }
0x488: {  	[tilespmem:s24+$0x1CA90] =	vst v37;
	v4 =	vadd.f32 v36, v4;
	v60 =	vmul.f32 $1.428571490e-01, v57  }
0x489: {  	[tilespmem:s24+$0x1CAF0] =	vst v1;
	v5 =	vadd.f32 v41, v53;
	v62 =	vmul.f32 $1.428571490e-01, v61  }
.Ltmp7:
0x48a: {  	v4 =	vmul.f32 $1.428571490e-01, v4;
	[tilespmem:s24+$0x1CEA0] =	vst v60;
	(pc) =	sbr.rel .LBB2_11-.Ltmp7, $4  }
0x48b: {  	v59 =	vmul.f32 $1.428571490e-01, v5;
	[tilespmem:s24+$0x1CED0] =	vst v62  }
0x48c: {  	[tilespmem:s24+$0x1CE80] =	vst v4  }
0x48d: {  	[tilespmem:s24+$0x1CE90] =	vst v59  }
0x48e: {  	[hbm4b:s8+s5] =	stream.linear.scatter [tilespmem:s18], [sflag:$0x2], $0x2000, $0x38;
	[tilespmem:$0x1EA80] =	vst v63  }
.LBB2_12:
0x48f: {  	_ =	sfence.sel $0x180000  }
0x490: {  	[bflag:$0x0] =	sbarrier.arrive $0xFFFF  }
0x491: {  	p0 =	sne.s32 s0, $0x0;
	_ =	strace $0x9000004A  }
0x492: {  	s0 =	sadd.s32 @!p0 $0x100000, s3;
	[bflag:$0x2] =	sbarrier.arrive $0xFFFF  }
0x493: {  	[sflag:s0] =	ssyncadd.tile.s32 @!p0 $0x1;
	_ =	shalt  }
.Lfunc_end2:
_tile_overlayer_lowered:
.L_overlay_start_2:
0x494: {  	(tag) =	ssettag $0x2  }
0x495: {  	s0 =	rddreg [dreg:$0x0];
	s2 =	stileid.u32  }
0x496: {  	s1 =	rddreg [dreg:$0x1];
	p0 =	sne.s32 s2, $0x0  }
0x497: {  	s3 =	rddreg [dreg:$0x2];
	[bflag:$0x3] =	sbarrier.arrive $0xFFFF;
	s2 =	simm.s32 @!p0 $0x1C03  }
0x498: {  	[timem:s3], [sflag:s2] =	dma.local @!p0 [hbm:s0], s1  }
0x499: {  	s0 =	simm.s32 @!p0 $0x3  }
0x49a: {  	_ =	swait.ge @!p0 [sflag:s0], s1  }
0x49b: {  	s1 =	ssub.s32 @!p0 $0x0, s1;
	[sflag:s0] =	ssyncset.done @!p0 $0x0  }
0x49c: {  	[sflag:s0] =	ssyncadd.s32 @!p0 s1  }
0x49d: {  	[bflag:$0x3] =	sbarrier.arrive $0xFFFF  }
0x49e: {  	_ =	shalt  }

</sc_bundles>
